<compile_context>
chip_gen: v7x
topology: tpu7x:2x2x1
jax: 0.10.2.dev20260603
libtpu: 0.0.44.dev20260713+nightly
codegen_flags: <defaults>
</compile_context>

<pallas_src>
import functools

import jax
import jax.numpy as jnp
from jax import lax
from jax.experimental import pallas as pl
from jax.experimental.pallas import tpu as pltpu
from jax.experimental.pallas import tpu_sc as plsc

B = 16384
F = 26
D = 16
VPF = 100000
N = B * F
R = 2600000
RT = (R + 127) // 128
RPAD = RT * 128
LINW = RPAD * D

GT = 12
BLK = GT * 128
NFULL = R // BLK
TAILT = RT - NFULL * GT


def _worker_span(wid, total, workers):
    base = total // workers
    extra = total - base * workers
    start = wid * base + jnp.minimum(wid, extra)
    count = base + jnp.where(wid < extra, 1, 0)
    return start, count


def kernel(x, table):
    info = plsc.get_sparse_core_info()
    NC, NS, L = info.num_cores, info.num_subcores, info.num_lanes
    NW = NC * NS

    mesh = plsc.VectorSubcoreMesh(core_axis_name="c", subcore_axis_name="s")

    @functools.partial(
        pl.kernel,
        mesh=mesh,
        compiler_params=pltpu.CompilerParams(
            use_tc_tiling_on_sc=True, needs_layout_passes=False),
        out_type=jax.ShapeDtypeStruct((LINW,), jnp.float32),
        scratch_types=[
            pltpu.VMEM((D, BLK), jnp.float32),
            pltpu.VMEM((D, BLK), jnp.float32),
            pltpu.VMEM((BLK * D + L,), jnp.float32),
            pltpu.VMEM((BLK * D + L,), jnp.float32),
            pltpu.SemaphoreType.DMA,
            pltpu.SemaphoreType.DMA,
            pltpu.SemaphoreType.DMA,
            pltpu.SemaphoreType.DMA,
        ],
    )
    def detile_kernel(tab_hbm, lin_hbm, b0, b1, r0_, r1_, si0, si1, so0, so1):
        wid = lax.axis_index("s") * NC + lax.axis_index("c")
        lanes = lax.iota(jnp.int32, L)
        stride16 = lanes * D
        bufs = (b0, b1)
        rows = (r0_, r1_)
        sins = (si0, si1)
        souts = (so0, so1)

        start, count = _worker_span(wid, NFULL, NW)

        def stage(k, p):
            return pltpu.async_copy(
                tab_hbm.at[:, pl.ds((start + k) * BLK, BLK)],
                bufs[p], sins[p])

        def interleave(p, q, nrows=BLK):
            idx_dg = [stride16 + dg for dg in range(D)]

            def body(c, carry):
                win = rows[q].at[pl.ds(c * (L * D), L * D)]
                vs = [bufs[p][dg, pl.ds(c * L, L)] for dg in range(D)]
                for dg in range(D):
                    plsc.store_scatter(win, [idx_dg[dg]], vs[dg])
                return carry
            lax.fori_loop(0, nrows // L, body, 0, unroll=2)

        def flush(k, p):
            return pltpu.async_copy(
                rows[p].at[pl.ds(0, BLK * D)],
                lin_hbm.at[pl.ds((start + k) * BLK * D, BLK * D)], souts[p])

        def one_block(k, p):
            @pl.when(k < count)
            def _do():
                @pl.when(k + 1 < count)
                def _pf():
                    stage(k + 1, 1 - p)
                pltpu.make_async_copy(
                    tab_hbm.at[:, pl.ds(0, BLK)], bufs[p], sins[p]).wait()
                interleave(p, p)

                @pl.when(k >= 2)
                def _wo():
                    pltpu.make_async_copy(
                        rows[p].at[pl.ds(0, BLK * D)],
                        lin_hbm.at[pl.ds(0, BLK * D)], souts[p]).wait()
                flush(k, p)

        def pair_body(k2, carry):
            one_block(k2 * 2, 0)
            one_block(k2 * 2 + 1, 1)
            return carry

        stage(0, 0)
        lax.fori_loop(0, (count + 1) // 2, pair_body, 0)
        for q in range(2):
            pltpu.make_async_copy(
                rows[q].at[pl.ds(0, BLK * D)],
                lin_hbm.at[pl.ds(0, BLK * D)], souts[q]).wait()

        @pl.when(wid == NW - 1)
        def _tail():
            r0 = jnp.int32(NFULL * BLK)
            nr = TAILT * 128
            pltpu.async_copy(
                tab_hbm.at[:, pl.ds(r0, nr)],
                bufs[0].at[:, pl.ds(0, nr)], sins[0]).wait()

            def body(c, carry):
                for dg in range(D):
                    v = bufs[0][dg, pl.ds(c * L, L)]
                    idx = stride16 + (c * (L * D) + dg)
                    plsc.store_scatter(rows[0], [idx], v)
                return carry
            lax.fori_loop(0, nr // L, body, 0, unroll=4)
            pltpu.async_copy(
                rows[0].at[pl.ds(0, nr * D)],
                lin_hbm.at[pl.ds(r0 * D, nr * D)], souts[0]).wait()

    rows_w = N // NW
    n_chunks = 4
    C = rows_w // n_chunks
    vec_per_chunk = C // L

    @functools.partial(
        pl.kernel,
        mesh=mesh,
        compiler_params=pltpu.CompilerParams(use_tc_tiling_on_sc=False),
        out_type=jax.ShapeDtypeStruct((N, D), jnp.float32),
        scratch_types=[
            pltpu.VMEM((rows_w,), jnp.int32),
            pltpu.VMEM((2, C, D), jnp.float32),
            pltpu.SemaphoreType.DMA,
            pltpu.SemaphoreType.DMA,
        ],
    )
    def gather_kernel(x_hbm, tab_hbm, out_hbm, idx_v, rows_v, sem0, sem1):
        wid = lax.axis_index("s") * NC + lax.axis_index("c")
        base = wid * rows_w

        pltpu.sync_copy(x_hbm.at[pl.ds(base, rows_w)], idx_v)

        lanes = lax.iota(jnp.int32, L)
        sems = (sem0, sem1)

        def add_offsets(c):
            def body(j, carry):
                s = (c * vec_per_chunk + j) * L
                pos = lanes + s
                idx_v[pl.ds(s, L)] = idx_v[pl.ds(s, L)] + (pos % F) * VPF
                return carry
            lax.fori_loop(0, vec_per_chunk, body, 0)

        def fire(c):
            return pltpu.async_copy(
                tab_hbm.at[idx_v.at[pl.ds(c * C, C)]],
                rows_v.at[c % 2],
                sems[c % 2],
            )

        add_offsets(0)
        copies = [fire(0), None]
        for c in range(n_chunks):
            if c + 1 < n_chunks:
                add_offsets(c + 1)
                copies[(c + 1) % 2] = fire(c + 1)
            copies[c % 2].wait()
            pltpu.sync_copy(rows_v.at[c % 2],
                            out_hbm.at[pl.ds(base + c * C, C)])

    lin = detile_kernel(table.T)
    lin2d = lin.reshape(RPAD, D)
    out = gather_kernel(x.reshape(N), lin2d)
    return out.reshape(B, F * D)

# --- scband reference (transcript-rebuilt; emitter-appended) ---
"""Pipeline reference for scband-categorical-embedding-62500364091501 (READ-ONLY COPY).

The authoritative reference and input builder live on the scoring server;
editing this copy changes nothing except your own understanding.
"""

import jax, jax.numpy as jnp
import numpy as np

N_CATES = [100000] * 26
D_EMBED = 16
BATCH = 16384


def setup_inputs(seed: int = 0) -> dict:
    key = jax.random.key(seed)
    k_x, k_w = jax.random.split(key)
    x = jax.random.randint(k_x, (BATCH, len(N_CATES)), 0, 100000, dtype=jnp.int64 if jax.config.jax_enable_x64 else jnp.int32).astype(jnp.int32)
    table = jax.random.normal(k_w, (sum(N_CATES), D_EMBED), dtype=jnp.float32) * 0.02
    return {"x": x, "table": table}


def reference(x, table):
    # category_offsets = cumsum([0] + n_cates[:-1])
    offsets = jnp.asarray(np.cumsum([0] + N_CATES[:-1]), dtype=x.dtype)
    idx = x + offsets[None, :]                      # [B, F]
    emb = jnp.take(table, idx, axis=0)              # [B, F, D]
    return emb.reshape(emb.shape[0], -1)            # [B, F*D]

if __name__ == "__main__":
    import jax
    _d = setup_inputs()
    print(jax.jit(kernel)(*tuple(_d.values())))

</pallas_src>

<mosaic_0001>
#map = affine_map<(d0, d1) -> (0, 0)>
#map1 = affine_map<(d0, d1) -> (0)>
module attributes {stable_mosaic.version = 14 : i64} {
  func.func @detile_kernel(%arg0: i32, %arg1: i32, %arg2: memref<16x2600000xf32, #tpu.memory_space<hbm>>, %arg3: memref<41601024xf32, #tpu.memory_space<hbm>>, %arg4: memref<16x1536xf32, #tpu.memory_space<vmem>>, %arg5: memref<16x1536xf32, #tpu.memory_space<vmem>>, %arg6: memref<24592xf32, #tpu.memory_space<vmem>>, %arg7: memref<24592xf32, #tpu.memory_space<vmem>>, %arg8: memref<!tpu.dma_semaphore, #tpu.memory_space<semaphore_mem>>, %arg9: memref<!tpu.dma_semaphore, #tpu.memory_space<semaphore_mem>>, %arg10: memref<!tpu.dma_semaphore, #tpu.memory_space<semaphore_mem>>, %arg11: memref<!tpu.dma_semaphore, #tpu.memory_space<semaphore_mem>>) attributes {dimension_semantics = [#tpu.dimension_semantics<core_parallel>, #tpu.dimension_semantics<subcore_parallel>], iteration_bounds = array<i64: 2, 16>, scalar_prefetch = 0 : i64, scratch_operands = 8 : i64, tpu.core_type = #tpu.core_type<sc_vector_subcore>, window_params = [{transform_indices = #map}, {transform_indices = #map1}]} {
    %mul3A = arith.constant 2 : i32
    %mul3A_0 = arith.muli %arg1, %mul3A : i32
    %add3A = arith.addi %mul3A_0, %arg0 : i32
    %iota3A = tpu.iota {dimensions = array<i32: 0>} : vector<16xi32>
    %mul3A_1 = arith.constant 16 : i32
    %mul3A_2 = vector.broadcast %mul3A_1 : i32 to vector<16xi32>
    %mul3A_3 = arith.muli %iota3A, %mul3A_2 : vector<16xi32>
    %mul3A_4 = arith.constant 52 : i32
    %mul3A_5 = arith.muli %add3A, %mul3A_4 : i32
    %min3A = arith.constant 28 : i32
    %min3A_6 = arith.minsi %add3A, %min3A : i32
    %add3A_7 = arith.addi %mul3A_5, %min3A_6 : i32
    %lt3A = arith.constant 28 : i32
    %lt3A_8 = arith.cmpi slt, %add3A, %lt3A : i32
    %jit3A = arith.constant 1 : i32
    %jit3A_9 = arith.constant 0 : i32
    %select_n3A = arith.select %lt3A_8, %jit3A, %jit3A_9 : i32
    %add3A_10 = arith.constant 52 : i32
    %add3A_11 = arith.addi %add3A_10, %select_n3A : i32
    %add3A_12 = arith.constant 0 : i32
    %add3A_13 = arith.addi %add3A_7, %add3A_12 : i32
    %mul3A_14 = arith.constant 1536 : i32
    %mul3A_15 = arith.muli %add3A_13, %mul3A_14 : i32
    %dma_start3A = arith.constant 0 : i32
    %dma_start3A_16 = tpu.memref_slice %arg2[%dma_start3A, %mul3A_15] : memref<16x2600000xf32, #tpu.memory_space<hbm>> -> memref<16x1536xf32, #tpu.memory_space<hbm>>
    %dma_start3A_17 = arith.constant 0 : i32
    %dma_start3A_18 = tpu.memref_slice %arg2[%dma_start3A_17, %mul3A_15] : memref<16x2600000xf32, #tpu.memory_space<hbm>> -> memref<16x1536xf32, #tpu.memory_space<hbm>>
    tpu.enqueue_dma source(%dma_start3A_18 : memref<16x1536xf32, #tpu.memory_space<hbm>>) target(%arg4 : memref<16x1536xf32, #tpu.memory_space<vmem>>) target_semaphore(%arg8 : memref<!tpu.dma_semaphore, #tpu.memory_space<semaphore_mem>>)
    %add3A_19 = arith.constant 1 : i32
    %add3A_20 = arith.addi %add3A_11, %add3A_19 : i32
    %jit3A_21 = arith.constant 2 : i32
    %div3A = arith.divsi %add3A_20, %jit3A_21 : i32
    %sign3A = arith.constant 0 : i32
    %sign3A_22 = arith.cmpi sgt, %add3A_20, %sign3A : i32
    %sign3A_23 = arith.extui %sign3A_22 : i1 to i32
    %sign3A_24 = arith.constant 0 : i32
    %sign3A_25 = arith.cmpi slt, %add3A_20, %sign3A_24 : i32
    %sign3A_26 = arith.extui %sign3A_25 : i1 to i32
    %sign3A_27 = arith.subi %sign3A_23, %sign3A_26 : i32
    %sign3A_28 = arith.constant 0 : i32
    %sign3A_29 = arith.cmpi sgt, %jit3A_21, %sign3A_28 : i32
    %sign3A_30 = arith.extui %sign3A_29 : i1 to i32
    %sign3A_31 = arith.constant 0 : i32
    %sign3A_32 = arith.cmpi slt, %jit3A_21, %sign3A_31 : i32
    %sign3A_33 = arith.extui %sign3A_32 : i1 to i32
    %sign3A_34 = arith.subi %sign3A_30, %sign3A_33 : i32
    %ne3A = arith.cmpi ne, %sign3A_27, %sign3A_34 : i32
    %rem3A = arith.remsi %add3A_20, %jit3A_21 : i32
    %ne3A_35 = arith.constant 0 : i32
    %ne3A_36 = arith.cmpi ne, %rem3A, %ne3A_35 : i32
    %and3A = arith.andi %ne3A, %ne3A_36 : i1
    %sub3A = arith.constant 1 : i32
    %sub3A_37 = arith.subi %div3A, %sub3A : i32
    %select_n3A_38 = arith.select %and3A, %sub3A_37, %div3A : i32
    %while3A = arith.constant 0 : i32
    %while3A_39 = arith.constant 0 : i32
    %while3A_40 = arith.subi %select_n3A_38, %while3A_39 : i32
    %while3A_41 = arith.addi %while3A_39, %while3A_40 : i32
    %while3A_42 = arith.constant 1 : i32
    %while3A_43 = arith.divsi %while3A_40, %while3A_42 : i32
    %while3A_44 = arith.muli %while3A_43, %while3A_42 : i32
    %while3A_45 = arith.addi %while3A_39, %while3A_44 : i32
    %while3A_46 = arith.constant 1 : i32
    scf.for %while3A_65 = %while3A_39 to %while3A_45 step %while3A_46  : i32 {
      %mul3A_66 = arith.constant 2 : i32
      %mul3A_67 = arith.muli %while3A_65, %mul3A_66 : i32
      %lt3A_68 = arith.cmpi slt, %mul3A_67, %add3A_11 : i32
      %convert_element_type3A_69 = arith.extui %lt3A_68 : i1 to i32
      %cond3A_70 = arith.constant 0 : i32
      %cond3A_71 = arith.cmpi ne, %convert_element_type3A_69, %cond3A_70 : i32
      scf.if %cond3A_71 {
        %add3A_80 = arith.constant 1 : i32
        %add3A_81 = arith.addi %mul3A_67, %add3A_80 : i32
        %lt3A_82 = arith.cmpi slt, %add3A_81, %add3A_11 : i32
        %convert_element_type3A_83 = arith.extui %lt3A_82 : i1 to i32
        %cond3A_84 = arith.constant 0 : i32
        %cond3A_85 = arith.cmpi ne, %convert_element_type3A_83, %cond3A_84 : i32
        scf.if %cond3A_85 {
          %add3A_160 = arith.constant 1 : i32
          %add3A_161 = arith.addi %mul3A_67, %add3A_160 : i32
          %add3A_162 = arith.addi %add3A_7, %add3A_161 : i32
          %mul3A_163 = arith.constant 1536 : i32
          %mul3A_164 = arith.muli %add3A_162, %mul3A_163 : i32
          %dma_start3A_165 = arith.constant 0 : i32
          %dma_start3A_166 = tpu.memref_slice %arg2[%dma_start3A_165, %mul3A_164] : memref<16x2600000xf32, #tpu.memory_space<hbm>> -> memref<16x1536xf32, #tpu.memory_space<hbm>>
          %dma_start3A_167 = arith.constant 0 : i32
          %dma_start3A_168 = tpu.memref_slice %arg2[%dma_start3A_167, %mul3A_164] : memref<16x2600000xf32, #tpu.memory_space<hbm>> -> memref<16x1536xf32, #tpu.memory_space<hbm>>
          tpu.enqueue_dma source(%dma_start3A_168 : memref<16x1536xf32, #tpu.memory_space<hbm>>) target(%arg5 : memref<16x1536xf32, #tpu.memory_space<vmem>>) target_semaphore(%arg9 : memref<!tpu.dma_semaphore, #tpu.memory_space<semaphore_mem>>)
        } else {
        }
        %dma_wait3A_86 = arith.constant 0 : i32
        %dma_wait3A_87 = arith.constant 0 : i32
        %dma_wait3A_88 = tpu.memref_slice %arg2[%dma_wait3A_86, %dma_wait3A_87] : memref<16x2600000xf32, #tpu.memory_space<hbm>> -> memref<16x1536xf32, #tpu.memory_space<hbm>>
        %dma_wait3A_89 = arith.constant 0 : i32
        %dma_wait3A_90 = arith.constant 0 : i32
        %dma_wait3A_91 = tpu.memref_slice %arg2[%dma_wait3A_89, %dma_wait3A_90] : memref<16x2600000xf32, #tpu.memory_space<hbm>> -> memref<16x1536xf32, #tpu.memory_space<hbm>>
        tpu.wait_dma2 semaphore(%arg8 : memref<!tpu.dma_semaphore, #tpu.memory_space<semaphore_mem>>) src(%dma_wait3A_91 : memref<16x1536xf32, #tpu.memory_space<hbm>>) dst(%arg4 : memref<16x1536xf32, #tpu.memory_space<vmem>>)
        %add3A_92 = arith.constant 0 : i32
        %add3A_93 = vector.broadcast %add3A_92 : i32 to vector<16xi32>
        %add3A_94 = arith.addi %mul3A_3, %add3A_93 : vector<16xi32>
        %add3A_95 = arith.constant 1 : i32
        %add3A_96 = vector.broadcast %add3A_95 : i32 to vector<16xi32>
        %add3A_97 = arith.addi %mul3A_3, %add3A_96 : vector<16xi32>
        %add3A_98 = arith.constant 2 : i32
        %add3A_99 = vector.broadcast %add3A_98 : i32 to vector<16xi32>
        %add3A_100 = arith.addi %mul3A_3, %add3A_99 : vector<16xi32>
        %add3A_101 = arith.constant 3 : i32
        %add3A_102 = vector.broadcast %add3A_101 : i32 to vector<16xi32>
        %add3A_103 = arith.addi %mul3A_3, %add3A_102 : vector<16xi32>
        %add3A_104 = arith.constant 4 : i32
        %add3A_105 = vector.broadcast %add3A_104 : i32 to vector<16xi32>
        %add3A_106 = arith.addi %mul3A_3, %add3A_105 : vector<16xi32>
        %add3A_107 = arith.constant 5 : i32
        %add3A_108 = vector.broadcast %add3A_107 : i32 to vector<16xi32>
        %add3A_109 = arith.addi %mul3A_3, %add3A_108 : vector<16xi32>
        %add3A_110 = arith.constant 6 : i32
        %add3A_111 = vector.broadcast %add3A_110 : i32 to vector<16xi32>
        %add3A_112 = arith.addi %mul3A_3, %add3A_111 : vector<16xi32>
        %add3A_113 = arith.constant 7 : i32
        %add3A_114 = vector.broadcast %add3A_113 : i32 to vector<16xi32>
        %add3A_115 = arith.addi %mul3A_3, %add3A_114 : vector<16xi32>
        %add3A_116 = arith.constant 8 : i32
        %add3A_117 = vector.broadcast %add3A_116 : i32 to vector<16xi32>
        %add3A_118 = arith.addi %mul3A_3, %add3A_117 : vector<16xi32>
        %add3A_119 = arith.constant 9 : i32
        %add3A_120 = vector.broadcast %add3A_119 : i32 to vector<16xi32>
        %add3A_121 = arith.addi %mul3A_3, %add3A_120 : vector<16xi32>
        %add3A_122 = arith.constant 10 : i32
        %add3A_123 = vector.broadcast %add3A_122 : i32 to vector<16xi32>
        %add3A_124 = arith.addi %mul3A_3, %add3A_123 : vector<16xi32>
        %add3A_125 = arith.constant 11 : i32
        %add3A_126 = vector.broadcast %add3A_125 : i32 to vector<16xi32>
        %add3A_127 = arith.addi %mul3A_3, %add3A_126 : vector<16xi32>
        %add3A_128 = arith.constant 12 : i32
        %add3A_129 = vector.broadcast %add3A_128 : i32 to vector<16xi32>
        %add3A_130 = arith.addi %mul3A_3, %add3A_129 : vector<16xi32>
        %add3A_131 = arith.constant 13 : i32
        %add3A_132 = vector.broadcast %add3A_131 : i32 to vector<16xi32>
        %add3A_133 = arith.addi %mul3A_3, %add3A_132 : vector<16xi32>
        %add3A_134 = arith.constant 14 : i32
        %add3A_135 = vector.broadcast %add3A_134 : i32 to vector<16xi32>
        %add3A_136 = arith.addi %mul3A_3, %add3A_135 : vector<16xi32>
        %add3A_137 = arith.constant 15 : i32
        %add3A_138 = vector.broadcast %add3A_137 : i32 to vector<16xi32>
        %add3A_139 = arith.addi %mul3A_3, %add3A_138 : vector<16xi32>
        %scan3A = arith.constant 0 : i32
        %scan3A_140 = arith.constant 0 : i32
        %scan3A_141 = arith.constant 96 : i32
        %scan3A_142 = arith.addi %scan3A_140, %scan3A_141 : i32
        %scan3A_143 = arith.constant 2 : i32
        scf.for %scan3A_160 = %scan3A_140 to %scan3A_142 step %scan3A_143  : i32 {
          %mul3A_161 = arith.constant 256 : i32
          %mul3A_162 = arith.muli %scan3A_160, %mul3A_161 : i32
          %mul3A_163 = arith.constant 16 : i32
          %mul3A_164 = arith.muli %scan3A_160, %mul3A_163 : i32
          %get3A = arith.constant 0 : i32
          %get3A_165 = arith.index_cast %get3A : i32 to index
          %get3A_166 = arith.index_cast %mul3A_164 : i32 to index
          %get3A_167 = tpu.vector_load %arg4[%get3A_165, %get3A_166] {strides = array<i32>} : memref<16x1536xf32, #tpu.memory_space<vmem>>, vector<16xf32>,
          %mul3A_168 = arith.constant 16 : i32
          %mul3A_169 = arith.muli %scan3A_160, %mul3A_168 : i32
          %get3A_170 = arith.constant 1 : i32
          %get3A_171 = arith.index_cast %get3A_170 : i32 to index
          %get3A_172 = arith.index_cast %mul3A_169 : i32 to index
          %get3A_173 = tpu.vector_load %arg4[%get3A_171, %get3A_172] {strides = array<i32>} : memref<16x1536xf32, #tpu.memory_space<vmem>>, vector<16xf32>,
          %mul3A_174 = arith.constant 16 : i32
          %mul3A_175 = arith.muli %scan3A_160, %mul3A_174 : i32
          %get3A_176 = arith.constant 2 : i32
          %get3A_177 = arith.index_cast %get3A_176 : i32 to index
          %get3A_178 = arith.index_cast %mul3A_175 : i32 to index
          %get3A_179 = tpu.vector_load %arg4[%get3A_177, %get3A_178] {strides = array<i32>} : memref<16x1536xf32, #tpu.memory_space<vmem>>, vector<16xf32>,
          %mul3A_180 = arith.constant 16 : i32
          %mul3A_181 = arith.muli %scan3A_160, %mul3A_180 : i32
          %get3A_182 = arith.constant 3 : i32
          %get3A_183 = arith.index_cast %get3A_182 : i32 to index
          %get3A_184 = arith.index_cast %mul3A_181 : i32 to index
          %get3A_185 = tpu.vector_load %arg4[%get3A_183, %get3A_184] {strides = array<i32>} : memref<16x1536xf32, #tpu.memory_space<vmem>>, vector<16xf32>,
          %mul3A_186 = arith.constant 16 : i32
          %mul3A_187 = arith.muli %scan3A_160, %mul3A_186 : i32
          %get3A_188 = arith.constant 4 : i32
          %get3A_189 = arith.index_cast %get3A_188 : i32 to index
          %get3A_190 = arith.index_cast %mul3A_187 : i32 to index
          %get3A_191 = tpu.vector_load %arg4[%get3A_189, %get3A_190] {strides = array<i32>} : memref<16x1536xf32, #tpu.memory_space<vmem>>, vector<16xf32>,
          %mul3A_192 = arith.constant 16 : i32
          %mul3A_193 = arith.muli %scan3A_160, %mul3A_192 : i32
          %get3A_194 = arith.constant 5 : i32
          %get3A_195 = arith.index_cast %get3A_194 : i32 to index
          %get3A_196 = arith.index_cast %mul3A_193 : i32 to index
          %get3A_197 = tpu.vector_load %arg4[%get3A_195, %get3A_196] {strides = array<i32>} : memref<16x1536xf32, #tpu.memory_space<vmem>>, vector<16xf32>,
          %mul3A_198 = arith.constant 16 : i32
          %mul3A_199 = arith.muli %scan3A_160, %mul3A_198 : i32
          %get3A_200 = arith.constant 6 : i32
          %get3A_201 = arith.index_cast %get3A_200 : i32 to index
          %get3A_202 = arith.index_cast %mul3A_199 : i32 to index
          %get3A_203 = tpu.vector_load %arg4[%get3A_201, %get3A_202] {strides = array<i32>} : memref<16x1536xf32, #tpu.memory_space<vmem>>, vector<16xf32>,
          %mul3A_204 = arith.constant 16 : i32
          %mul3A_205 = arith.muli %scan3A_160, %mul3A_204 : i32
          %get3A_206 = arith.constant 7 : i32
          %get3A_207 = arith.index_cast %get3A_206 : i32 to index
          %get3A_208 = arith.index_cast %mul3A_205 : i32 to index
          %get3A_209 = tpu.vector_load %arg4[%get3A_207, %get3A_208] {strides = array<i32>} : memref<16x1536xf32, #tpu.memory_space<vmem>>, vector<16xf32>,
          %mul3A_210 = arith.constant 16 : i32
          %mul3A_211 = arith.muli %scan3A_160, %mul3A_210 : i32
          %get3A_212 = arith.constant 8 : i32
          %get3A_213 = arith.index_cast %get3A_212 : i32 to index
          %get3A_214 = arith.index_cast %mul3A_211 : i32 to index
          %get3A_215 = tpu.vector_load %arg4[%get3A_213, %get3A_214] {strides = array<i32>} : memref<16x1536xf32, #tpu.memory_space<vmem>>, vector<16xf32>,
          %mul3A_216 = arith.constant 16 : i32
          %mul3A_217 = arith.muli %scan3A_160, %mul3A_216 : i32
          %get3A_218 = arith.constant 9 : i32
          %get3A_219 = arith.index_cast %get3A_218 : i32 to index
          %get3A_220 = arith.index_cast %mul3A_217 : i32 to index
          %get3A_221 = tpu.vector_load %arg4[%get3A_219, %get3A_220] {strides = array<i32>} : memref<16x1536xf32, #tpu.memory_space<vmem>>, vector<16xf32>,
          %mul3A_222 = arith.constant 16 : i32
          %mul3A_223 = arith.muli %scan3A_160, %mul3A_222 : i32
          %get3A_224 = arith.constant 10 : i32
          %get3A_225 = arith.index_cast %get3A_224 : i32 to index
          %get3A_226 = arith.index_cast %mul3A_223 : i32 to index
          %get3A_227 = tpu.vector_load %arg4[%get3A_225, %get3A_226] {strides = array<i32>} : memref<16x1536xf32, #tpu.memory_space<vmem>>, vector<16xf32>,
          %mul3A_228 = arith.constant 16 : i32
          %mul3A_229 = arith.muli %scan3A_160, %mul3A_228 : i32
          %get3A_230 = arith.constant 11 : i32
          %get3A_231 = arith.index_cast %get3A_230 : i32 to index
          %get3A_232 = arith.index_cast %mul3A_229 : i32 to index
          %get3A_233 = tpu.vector_load %arg4[%get3A_231, %get3A_232] {strides = array<i32>} : memref<16x1536xf32, #tpu.memory_space<vmem>>, vector<16xf32>,
          %mul3A_234 = arith.constant 16 : i32
          %mul3A_235 = arith.muli %scan3A_160, %mul3A_234 : i32
          %get3A_236 = arith.constant 12 : i32
          %get3A_237 = arith.index_cast %get3A_236 : i32 to index
          %get3A_238 = arith.index_cast %mul3A_235 : i32 to index
          %get3A_239 = tpu.vector_load %arg4[%get3A_237, %get3A_238] {strides = array<i32>} : memref<16x1536xf32, #tpu.memory_space<vmem>>, vector<16xf32>,
          %mul3A_240 = arith.constant 16 : i32
          %mul3A_241 = arith.muli %scan3A_160, %mul3A_240 : i32
          %get3A_242 = arith.constant 13 : i32
          %get3A_243 = arith.index_cast %get3A_242 : i32 to index
          %get3A_244 = arith.index_cast %mul3A_241 : i32 to index
          %get3A_245 = tpu.vector_load %arg4[%get3A_243, %get3A_244] {strides = array<i32>} : memref<16x1536xf32, #tpu.memory_space<vmem>>, vector<16xf32>,
          %mul3A_246 = arith.constant 16 : i32
          %mul3A_247 = arith.muli %scan3A_160, %mul3A_246 : i32
          %get3A_248 = arith.constant 14 : i32
          %get3A_249 = arith.index_cast %get3A_248 : i32 to index
          %get3A_250 = arith.index_cast %mul3A_247 : i32 to index
          %get3A_251 = tpu.vector_load %arg4[%get3A_249, %get3A_250] {strides = array<i32>} : memref<16x1536xf32, #tpu.memory_space<vmem>>, vector<16xf32>,
          %mul3A_252 = arith.constant 16 : i32
          %mul3A_253 = arith.muli %scan3A_160, %mul3A_252 : i32
          %get3A_254 = arith.constant 15 : i32
          %get3A_255 = arith.index_cast %get3A_254 : i32 to index
          %get3A_256 = arith.index_cast %mul3A_253 : i32 to index
          %get3A_257 = tpu.vector_load %arg4[%get3A_255, %get3A_256] {strides = array<i32>} : memref<16x1536xf32, #tpu.memory_space<vmem>>, vector<16xf32>,
          %scatter3A = tpu.memref_slice %arg6[%mul3A_162] : memref<24592xf32, #tpu.memory_space<vmem>> -> memref<256xf32, #tpu.memory_space<vmem>>
          tpu.vector_store_idx %scatter3A[%add3A_94], %get3A_167 : memref<256xf32, #tpu.memory_space<vmem>>[vector<16xi32>], vector<16xf32>,
          %scatter3A_258 = tpu.memref_slice %arg6[%mul3A_162] : memref<24592xf32, #tpu.memory_space<vmem>> -> memref<256xf32, #tpu.memory_space<vmem>>
          tpu.vector_store_idx %scatter3A_258[%add3A_97], %get3A_173 : memref<256xf32, #tpu.memory_space<vmem>>[vector<16xi32>], vector<16xf32>,
          %scatter3A_259 = tpu.memref_slice %arg6[%mul3A_162] : memref<24592xf32, #tpu.memory_space<vmem>> -> memref<256xf32, #tpu.memory_space<vmem>>
          tpu.vector_store_idx %scatter3A_259[%add3A_100], %get3A_179 : memref<256xf32, #tpu.memory_space<vmem>>[vector<16xi32>], vector<16xf32>,
          %scatter3A_260 = tpu.memref_slice %arg6[%mul3A_162] : memref<24592xf32, #tpu.memory_space<vmem>> -> memref<256xf32, #tpu.memory_space<vmem>>
          tpu.vector_store_idx %scatter3A_260[%add3A_103], %get3A_185 : memref<256xf32, #tpu.memory_space<vmem>>[vector<16xi32>], vector<16xf32>,
          %scatter3A_261 = tpu.memref_slice %arg6[%mul3A_162] : memref<24592xf32, #tpu.memory_space<vmem>> -> memref<256xf32, #tpu.memory_space<vmem>>
          tpu.vector_store_idx %scatter3A_261[%add3A_106], %get3A_191 : memref<256xf32, #tpu.memory_space<vmem>>[vector<16xi32>], vector<16xf32>,
          %scatter3A_262 = tpu.memref_slice %arg6[%mul3A_162] : memref<24592xf32, #tpu.memory_space<vmem>> -> memref<256xf32, #tpu.memory_space<vmem>>
          tpu.vector_store_idx %scatter3A_262[%add3A_109], %get3A_197 : memref<256xf32, #tpu.memory_space<vmem>>[vector<16xi32>], vector<16xf32>,
          %scatter3A_263 = tpu.memref_slice %arg6[%mul3A_162] : memref<24592xf32, #tpu.memory_space<vmem>> -> memref<256xf32, #tpu.memory_space<vmem>>
          tpu.vector_store_idx %scatter3A_263[%add3A_112], %get3A_203 : memref<256xf32, #tpu.memory_space<vmem>>[vector<16xi32>], vector<16xf32>,
          %scatter3A_264 = tpu.memref_slice %arg6[%mul3A_162] : memref<24592xf32, #tpu.memory_space<vmem>> -> memref<256xf32, #tpu.memory_space<vmem>>
          tpu.vector_store_idx %scatter3A_264[%add3A_115], %get3A_209 : memref<256xf32, #tpu.memory_space<vmem>>[vector<16xi32>], vector<16xf32>,
          %scatter3A_265 = tpu.memref_slice %arg6[%mul3A_162] : memref<24592xf32, #tpu.memory_space<vmem>> -> memref<256xf32, #tpu.memory_space<vmem>>
          tpu.vector_store_idx %scatter3A_265[%add3A_118], %get3A_215 : memref<256xf32, #tpu.memory_space<vmem>>[vector<16xi32>], vector<16xf32>,
          %scatter3A_266 = tpu.memref_slice %arg6[%mul3A_162] : memref<24592xf32, #tpu.memory_space<vmem>> -> memref<256xf32, #tpu.memory_space<vmem>>
          tpu.vector_store_idx %scatter3A_266[%add3A_121], %get3A_221 : memref<256xf32, #tpu.memory_space<vmem>>[vector<16xi32>], vector<16xf32>,
          %scatter3A_267 = tpu.memref_slice %arg6[%mul3A_162] : memref<24592xf32, #tpu.memory_space<vmem>> -> memref<256xf32, #tpu.memory_space<vmem>>
          tpu.vector_store_idx %scatter3A_267[%add3A_124], %get3A_227 : memref<256xf32, #tpu.memory_space<vmem>>[vector<16xi32>], vector<16xf32>,
          %scatter3A_268 = tpu.memref_slice %arg6[%mul3A_162] : memref<24592xf32, #tpu.memory_space<vmem>> -> memref<256xf32, #tpu.memory_space<vmem>>
          tpu.vector_store_idx %scatter3A_268[%add3A_127], %get3A_233 : memref<256xf32, #tpu.memory_space<vmem>>[vector<16xi32>], vector<16xf32>,
          %scatter3A_269 = tpu.memref_slice %arg6[%mul3A_162] : memref<24592xf32, #tpu.memory_space<vmem>> -> memref<256xf32, #tpu.memory_space<vmem>>
          tpu.vector_store_idx %scatter3A_269[%add3A_130], %get3A_239 : memref<256xf32, #tpu.memory_space<vmem>>[vector<16xi32>], vector<16xf32>,
          %scatter3A_270 = tpu.memref_slice %arg6[%mul3A_162] : memref<24592xf32, #tpu.memory_space<vmem>> -> memref<256xf32, #tpu.memory_space<vmem>>
          tpu.vector_store_idx %scatter3A_270[%add3A_133], %get3A_245 : memref<256xf32, #tpu.memory_space<vmem>>[vector<16xi32>], vector<16xf32>,
          %scatter3A_271 = tpu.memref_slice %arg6[%mul3A_162] : memref<24592xf32, #tpu.memory_space<vmem>> -> memref<256xf32, #tpu.memory_space<vmem>>
          tpu.vector_store_idx %scatter3A_271[%add3A_136], %get3A_251 : memref<256xf32, #tpu.memory_space<vmem>>[vector<16xi32>], vector<16xf32>,
          %scatter3A_272 = tpu.memref_slice %arg6[%mul3A_162] : memref<24592xf32, #tpu.memory_space<vmem>> -> memref<256xf32, #tpu.memory_space<vmem>>
          tpu.vector_store_idx %scatter3A_272[%add3A_139], %get3A_257 : memref<256xf32, #tpu.memory_space<vmem>>[vector<16xi32>], vector<16xf32>,
          %scan3A_273 = arith.constant 1 : i32
          %scan3A_274 = arith.addi %scan3A_160, %scan3A_273 : i32
          %mul3A_275 = arith.constant 256 : i32
          %mul3A_276 = arith.muli %scan3A_274, %mul3A_275 : i32
          %mul3A_277 = arith.constant 16 : i32
          %mul3A_278 = arith.muli %scan3A_274, %mul3A_277 : i32
          %get3A_279 = arith.constant 0 : i32
          %get3A_280 = arith.index_cast %get3A_279 : i32 to index
          %get3A_281 = arith.index_cast %mul3A_278 : i32 to index
          %get3A_282 = tpu.vector_load %arg4[%get3A_280, %get3A_281] {strides = array<i32>} : memref<16x1536xf32, #tpu.memory_space<vmem>>, vector<16xf32>,
          %mul3A_283 = arith.constant 16 : i32
          %mul3A_284 = arith.muli %scan3A_274, %mul3A_283 : i32
          %get3A_285 = arith.constant 1 : i32
          %get3A_286 = arith.index_cast %get3A_285 : i32 to index
          %get3A_287 = arith.index_cast %mul3A_284 : i32 to index
          %get3A_288 = tpu.vector_load %arg4[%get3A_286, %get3A_287] {strides = array<i32>} : memref<16x1536xf32, #tpu.memory_space<vmem>>, vector<16xf32>,
          %mul3A_289 = arith.constant 16 : i32
          %mul3A_290 = arith.muli %scan3A_274, %mul3A_289 : i32
          %get3A_291 = arith.constant 2 : i32
          %get3A_292 = arith.index_cast %get3A_291 : i32 to index
          %get3A_293 = arith.index_cast %mul3A_290 : i32 to index
          %get3A_294 = tpu.vector_load %arg4[%get3A_292, %get3A_293] {strides = array<i32>} : memref<16x1536xf32, #tpu.memory_space<vmem>>, vector<16xf32>,
          %mul3A_295 = arith.constant 16 : i32
          %mul3A_296 = arith.muli %scan3A_274, %mul3A_295 : i32
          %get3A_297 = arith.constant 3 : i32
          %get3A_298 = arith.index_cast %get3A_297 : i32 to index
          %get3A_299 = arith.index_cast %mul3A_296 : i32 to index
          %get3A_300 = tpu.vector_load %arg4[%get3A_298, %get3A_299] {strides = array<i32>} : memref<16x1536xf32, #tpu.memory_space<vmem>>, vector<16xf32>,
          %mul3A_301 = arith.constant 16 : i32
          %mul3A_302 = arith.muli %scan3A_274, %mul3A_301 : i32
          %get3A_303 = arith.constant 4 : i32
          %get3A_304 = arith.index_cast %get3A_303 : i32 to index
          %get3A_305 = arith.index_cast %mul3A_302 : i32 to index
          %get3A_306 = tpu.vector_load %arg4[%get3A_304, %get3A_305] {strides = array<i32>} : memref<16x1536xf32, #tpu.memory_space<vmem>>, vector<16xf32>,
          %mul3A_307 = arith.constant 16 : i32
          %mul3A_308 = arith.muli %scan3A_274, %mul3A_307 : i32
          %get3A_309 = arith.constant 5 : i32
          %get3A_310 = arith.index_cast %get3A_309 : i32 to index
          %get3A_311 = arith.index_cast %mul3A_308 : i32 to index
          %get3A_312 = tpu.vector_load %arg4[%get3A_310, %get3A_311] {strides = array<i32>} : memref<16x1536xf32, #tpu.memory_space<vmem>>, vector<16xf32>,
          %mul3A_313 = arith.constant 16 : i32
          %mul3A_314 = arith.muli %scan3A_274, %mul3A_313 : i32
          %get3A_315 = arith.constant 6 : i32
          %get3A_316 = arith.index_cast %get3A_315 : i32 to index
          %get3A_317 = arith.index_cast %mul3A_314 : i32 to index
          %get3A_318 = tpu.vector_load %arg4[%get3A_316, %get3A_317] {strides = array<i32>} : memref<16x1536xf32, #tpu.memory_space<vmem>>, vector<16xf32>,
          %mul3A_319 = arith.constant 16 : i32
          %mul3A_320 = arith.muli %scan3A_274, %mul3A_319 : i32
          %get3A_321 = arith.constant 7 : i32
          %get3A_322 = arith.index_cast %get3A_321 : i32 to index
          %get3A_323 = arith.index_cast %mul3A_320 : i32 to index
          %get3A_324 = tpu.vector_load %arg4[%get3A_322, %get3A_323] {strides = array<i32>} : memref<16x1536xf32, #tpu.memory_space<vmem>>, vector<16xf32>,
          %mul3A_325 = arith.constant 16 : i32
          %mul3A_326 = arith.muli %scan3A_274, %mul3A_325 : i32
          %get3A_327 = arith.constant 8 : i32
          %get3A_328 = arith.index_cast %get3A_327 : i32 to index
          %get3A_329 = arith.index_cast %mul3A_326 : i32 to index
          %get3A_330 = tpu.vector_load %arg4[%get3A_328, %get3A_329] {strides = array<i32>} : memref<16x1536xf32, #tpu.memory_space<vmem>>, vector<16xf32>,
          %mul3A_331 = arith.constant 16 : i32
          %mul3A_332 = arith.muli %scan3A_274, %mul3A_331 : i32
          %get3A_333 = arith.constant 9 : i32
          %get3A_334 = arith.index_cast %get3A_333 : i32 to index
          %get3A_335 = arith.index_cast %mul3A_332 : i32 to index
          %get3A_336 = tpu.vector_load %arg4[%get3A_334, %get3A_335] {strides = array<i32>} : memref<16x1536xf32, #tpu.memory_space<vmem>>, vector<16xf32>,
          %mul3A_337 = arith.constant 16 : i32
          %mul3A_338 = arith.muli %scan3A_274, %mul3A_337 : i32
          %get3A_339 = arith.constant 10 : i32
          %get3A_340 = arith.index_cast %get3A_339 : i32 to index
          %get3A_341 = arith.index_cast %mul3A_338 : i32 to index
          %get3A_342 = tpu.vector_load %arg4[%get3A_340, %get3A_341] {strides = array<i32>} : memref<16x1536xf32, #tpu.memory_space<vmem>>, vector<16xf32>,
          %mul3A_343 = arith.constant 16 : i32
          %mul3A_344 = arith.muli %scan3A_274, %mul3A_343 : i32
          %get3A_345 = arith.constant 11 : i32
          %get3A_346 = arith.index_cast %get3A_345 : i32 to index
          %get3A_347 = arith.index_cast %mul3A_344 : i32 to index
          %get3A_348 = tpu.vector_load %arg4[%get3A_346, %get3A_347] {strides = array<i32>} : memref<16x1536xf32, #tpu.memory_space<vmem>>, vector<16xf32>,
          %mul3A_349 = arith.constant 16 : i32
          %mul3A_350 = arith.muli %scan3A_274, %mul3A_349 : i32
          %get3A_351 = arith.constant 12 : i32
          %get3A_352 = arith.index_cast %get3A_351 : i32 to index
          %get3A_353 = arith.index_cast %mul3A_350 : i32 to index
          %get3A_354 = tpu.vector_load %arg4[%get3A_352, %get3A_353] {strides = array<i32>} : memref<16x1536xf32, #tpu.memory_space<vmem>>, vector<16xf32>,
          %mul3A_355 = arith.constant 16 : i32
          %mul3A_356 = arith.muli %scan3A_274, %mul3A_355 : i32
          %get3A_357 = arith.constant 13 : i32
          %get3A_358 = arith.index_cast %get3A_357 : i32 to index
          %get3A_359 = arith.index_cast %mul3A_356 : i32 to index
          %get3A_360 = tpu.vector_load %arg4[%get3A_358, %get3A_359] {strides = array<i32>} : memref<16x1536xf32, #tpu.memory_space<vmem>>, vector<16xf32>,
          %mul3A_361 = arith.constant 16 : i32
          %mul3A_362 = arith.muli %scan3A_274, %mul3A_361 : i32
          %get3A_363 = arith.constant 14 : i32
          %get3A_364 = arith.index_cast %get3A_363 : i32 to index
          %get3A_365 = arith.index_cast %mul3A_362 : i32 to index
          %get3A_366 = tpu.vector_load %arg4[%get3A_364, %get3A_365] {strides = array<i32>} : memref<16x1536xf32, #tpu.memory_space<vmem>>, vector<16xf32>,
          %mul3A_367 = arith.constant 16 : i32
          %mul3A_368 = arith.muli %scan3A_274, %mul3A_367 : i32
          %get3A_369 = arith.constant 15 : i32
          %get3A_370 = arith.index_cast %get3A_369 : i32 to index
          %get3A_371 = arith.index_cast %mul3A_368 : i32 to index
          %get3A_372 = tpu.vector_load %arg4[%get3A_370, %get3A_371] {strides = array<i32>} : memref<16x1536xf32, #tpu.memory_space<vmem>>, vector<16xf32>,
          %scatter3A_373 = tpu.memref_slice %arg6[%mul3A_276] : memref<24592xf32, #tpu.memory_space<vmem>> -> memref<256xf32, #tpu.memory_space<vmem>>
          tpu.vector_store_idx %scatter3A_373[%add3A_94], %get3A_282 : memref<256xf32, #tpu.memory_space<vmem>>[vector<16xi32>], vector<16xf32>,
          %scatter3A_374 = tpu.memref_slice %arg6[%mul3A_276] : memref<24592xf32, #tpu.memory_space<vmem>> -> memref<256xf32, #tpu.memory_space<vmem>>
          tpu.vector_store_idx %scatter3A_374[%add3A_97], %get3A_288 : memref<256xf32, #tpu.memory_space<vmem>>[vector<16xi32>], vector<16xf32>,
          %scatter3A_375 = tpu.memref_slice %arg6[%mul3A_276] : memref<24592xf32, #tpu.memory_space<vmem>> -> memref<256xf32, #tpu.memory_space<vmem>>
          tpu.vector_store_idx %scatter3A_375[%add3A_100], %get3A_294 : memref<256xf32, #tpu.memory_space<vmem>>[vector<16xi32>], vector<16xf32>,
          %scatter3A_376 = tpu.memref_slice %arg6[%mul3A_276] : memref<24592xf32, #tpu.memory_space<vmem>> -> memref<256xf32, #tpu.memory_space<vmem>>
          tpu.vector_store_idx %scatter3A_376[%add3A_103], %get3A_300 : memref<256xf32, #tpu.memory_space<vmem>>[vector<16xi32>], vector<16xf32>,
          %scatter3A_377 = tpu.memref_slice %arg6[%mul3A_276] : memref<24592xf32, #tpu.memory_space<vmem>> -> memref<256xf32, #tpu.memory_space<vmem>>
          tpu.vector_store_idx %scatter3A_377[%add3A_106], %get3A_306 : memref<256xf32, #tpu.memory_space<vmem>>[vector<16xi32>], vector<16xf32>,
          %scatter3A_378 = tpu.memref_slice %arg6[%mul3A_276] : memref<24592xf32, #tpu.memory_space<vmem>> -> memref<256xf32, #tpu.memory_space<vmem>>
          tpu.vector_store_idx %scatter3A_378[%add3A_109], %get3A_312 : memref<256xf32, #tpu.memory_space<vmem>>[vector<16xi32>], vector<16xf32>,
          %scatter3A_379 = tpu.memref_slice %arg6[%mul3A_276] : memref<24592xf32, #tpu.memory_space<vmem>> -> memref<256xf32, #tpu.memory_space<vmem>>
          tpu.vector_store_idx %scatter3A_379[%add3A_112], %get3A_318 : memref<256xf32, #tpu.memory_space<vmem>>[vector<16xi32>], vector<16xf32>,
          %scatter3A_380 = tpu.memref_slice %arg6[%mul3A_276] : memref<24592xf32, #tpu.memory_space<vmem>> -> memref<256xf32, #tpu.memory_space<vmem>>
          tpu.vector_store_idx %scatter3A_380[%add3A_115], %get3A_324 : memref<256xf32, #tpu.memory_space<vmem>>[vector<16xi32>], vector<16xf32>,
          %scatter3A_381 = tpu.memref_slice %arg6[%mul3A_276] : memref<24592xf32, #tpu.memory_space<vmem>> -> memref<256xf32, #tpu.memory_space<vmem>>
          tpu.vector_store_idx %scatter3A_381[%add3A_118], %get3A_330 : memref<256xf32, #tpu.memory_space<vmem>>[vector<16xi32>], vector<16xf32>,
          %scatter3A_382 = tpu.memref_slice %arg6[%mul3A_276] : memref<24592xf32, #tpu.memory_space<vmem>> -> memref<256xf32, #tpu.memory_space<vmem>>
          tpu.vector_store_idx %scatter3A_382[%add3A_121], %get3A_336 : memref<256xf32, #tpu.memory_space<vmem>>[vector<16xi32>], vector<16xf32>,
          %scatter3A_383 = tpu.memref_slice %arg6[%mul3A_276] : memref<24592xf32, #tpu.memory_space<vmem>> -> memref<256xf32, #tpu.memory_space<vmem>>
          tpu.vector_store_idx %scatter3A_383[%add3A_124], %get3A_342 : memref<256xf32, #tpu.memory_space<vmem>>[vector<16xi32>], vector<16xf32>,
          %scatter3A_384 = tpu.memref_slice %arg6[%mul3A_276] : memref<24592xf32, #tpu.memory_space<vmem>> -> memref<256xf32, #tpu.memory_space<vmem>>
          tpu.vector_store_idx %scatter3A_384[%add3A_127], %get3A_348 : memref<256xf32, #tpu.memory_space<vmem>>[vector<16xi32>], vector<16xf32>,
          %scatter3A_385 = tpu.memref_slice %arg6[%mul3A_276] : memref<24592xf32, #tpu.memory_space<vmem>> -> memref<256xf32, #tpu.memory_space<vmem>>
          tpu.vector_store_idx %scatter3A_385[%add3A_130], %get3A_354 : memref<256xf32, #tpu.memory_space<vmem>>[vector<16xi32>], vector<16xf32>,
          %scatter3A_386 = tpu.memref_slice %arg6[%mul3A_276] : memref<24592xf32, #tpu.memory_space<vmem>> -> memref<256xf32, #tpu.memory_space<vmem>>
          tpu.vector_store_idx %scatter3A_386[%add3A_133], %get3A_360 : memref<256xf32, #tpu.memory_space<vmem>>[vector<16xi32>], vector<16xf32>,
          %scatter3A_387 = tpu.memref_slice %arg6[%mul3A_276] : memref<24592xf32, #tpu.memory_space<vmem>> -> memref<256xf32, #tpu.memory_space<vmem>>
          tpu.vector_store_idx %scatter3A_387[%add3A_136], %get3A_366 : memref<256xf32, #tpu.memory_space<vmem>>[vector<16xi32>], vector<16xf32>,
          %scatter3A_388 = tpu.memref_slice %arg6[%mul3A_276] : memref<24592xf32, #tpu.memory_space<vmem>> -> memref<256xf32, #tpu.memory_space<vmem>>
          tpu.vector_store_idx %scatter3A_388[%add3A_139], %get3A_372 : memref<256xf32, #tpu.memory_space<vmem>>[vector<16xi32>], vector<16xf32>,
        }
        %scan3A_144 = arith.constant 96 : i32
        %ge3A = arith.constant 2 : i32
        %ge3A_145 = arith.cmpi sge, %mul3A_67, %ge3A : i32
        %convert_element_type3A_146 = arith.extui %ge3A_145 : i1 to i32
        %cond3A_147 = arith.constant 0 : i32
        %cond3A_148 = arith.cmpi ne, %convert_element_type3A_146, %cond3A_147 : i32
        scf.if %cond3A_148 {
          %dma_wait3A_160 = arith.constant 0 : i32
          %dma_wait3A_161 = tpu.memref_slice %arg6[%dma_wait3A_160] : memref<24592xf32, #tpu.memory_space<vmem>> -> memref<24576xf32, #tpu.memory_space<vmem>>
          %dma_wait3A_162 = arith.constant 0 : i32
          %dma_wait3A_163 = tpu.memref_slice %arg3[%dma_wait3A_162] : memref<41601024xf32, #tpu.memory_space<hbm>> -> memref<24576xf32, #tpu.memory_space<hbm>>
          %dma_wait3A_164 = arith.constant 0 : i32
          %dma_wait3A_165 = tpu.memref_slice %arg3[%dma_wait3A_164] : memref<41601024xf32, #tpu.memory_space<hbm>> -> memref<24576xf32, #tpu.memory_space<hbm>>
          %dma_wait3A_166 = arith.constant 0 : i32
          %dma_wait3A_167 = tpu.memref_slice %arg6[%dma_wait3A_166] : memref<24592xf32, #tpu.memory_space<vmem>> -> memref<24576xf32, #tpu.memory_space<vmem>>
          tpu.wait_dma2 semaphore(%arg10 : memref<!tpu.dma_semaphore, #tpu.memory_space<semaphore_mem>>) src(%dma_wait3A_167 : memref<24576xf32, #tpu.memory_space<vmem>>) dst(%dma_wait3A_165 : memref<24576xf32, #tpu.memory_space<hbm>>)
        } else {
        }
        %add3A_149 = arith.addi %add3A_7, %mul3A_67 : i32
        %mul3A_150 = arith.constant 1536 : i32
        %mul3A_151 = arith.muli %add3A_149, %mul3A_150 : i32
        %mul3A_152 = arith.constant 16 : i32
        %mul3A_153 = arith.muli %mul3A_151, %mul3A_152 : i32
        %dma_start3A_154 = arith.constant 0 : i32
        %dma_start3A_155 = tpu.memref_slice %arg6[%dma_start3A_154] : memref<24592xf32, #tpu.memory_space<vmem>> -> memref<24576xf32, #tpu.memory_space<vmem>>
        %dma_start3A_156 = tpu.memref_slice %arg3[%mul3A_153] : memref<41601024xf32, #tpu.memory_space<hbm>> -> memref<24576xf32, #tpu.memory_space<hbm>>
        %dma_start3A_157 = tpu.memref_slice %arg3[%mul3A_153] : memref<41601024xf32, #tpu.memory_space<hbm>> -> memref<24576xf32, #tpu.memory_space<hbm>>
        %dma_start3A_158 = arith.constant 0 : i32
        %dma_start3A_159 = tpu.memref_slice %arg6[%dma_start3A_158] : memref<24592xf32, #tpu.memory_space<vmem>> -> memref<24576xf32, #tpu.memory_space<vmem>>
        tpu.enqueue_dma source(%dma_start3A_159 : memref<24576xf32, #tpu.memory_space<vmem>>) target(%dma_start3A_157 : memref<24576xf32, #tpu.memory_space<hbm>>) target_semaphore(%arg10 : memref<!tpu.dma_semaphore, #tpu.memory_space<semaphore_mem>>)
      } else {
      }
      %mul3A_72 = arith.constant 2 : i32
      %mul3A_73 = arith.muli %while3A_65, %mul3A_72 : i32
      %add3A_74 = arith.constant 1 : i32
      %add3A_75 = arith.addi %mul3A_73, %add3A_74 : i32
      %lt3A_76 = arith.cmpi slt, %add3A_75, %add3A_11 : i32
      %convert_element_type3A_77 = arith.extui %lt3A_76 : i1 to i32
      %cond3A_78 = arith.constant 0 : i32
      %cond3A_79 = arith.cmpi ne, %convert_element_type3A_77, %cond3A_78 : i32
      scf.if %cond3A_79 {
        %add3A_80 = arith.constant 1 : i32
        %add3A_81 = arith.addi %add3A_75, %add3A_80 : i32
        %lt3A_82 = arith.cmpi slt, %add3A_81, %add3A_11 : i32
        %convert_element_type3A_83 = arith.extui %lt3A_82 : i1 to i32
        %cond3A_84 = arith.constant 0 : i32
        %cond3A_85 = arith.cmpi ne, %convert_element_type3A_83, %cond3A_84 : i32
        scf.if %cond3A_85 {
          %add3A_160 = arith.constant 1 : i32
          %add3A_161 = arith.addi %add3A_75, %add3A_160 : i32
          %add3A_162 = arith.addi %add3A_7, %add3A_161 : i32
          %mul3A_163 = arith.constant 1536 : i32
          %mul3A_164 = arith.muli %add3A_162, %mul3A_163 : i32
          %dma_start3A_165 = arith.constant 0 : i32
          %dma_start3A_166 = tpu.memref_slice %arg2[%dma_start3A_165, %mul3A_164] : memref<16x2600000xf32, #tpu.memory_space<hbm>> -> memref<16x1536xf32, #tpu.memory_space<hbm>>
          %dma_start3A_167 = arith.constant 0 : i32
          %dma_start3A_168 = tpu.memref_slice %arg2[%dma_start3A_167, %mul3A_164] : memref<16x2600000xf32, #tpu.memory_space<hbm>> -> memref<16x1536xf32, #tpu.memory_space<hbm>>
          tpu.enqueue_dma source(%dma_start3A_168 : memref<16x1536xf32, #tpu.memory_space<hbm>>) target(%arg4 : memref<16x1536xf32, #tpu.memory_space<vmem>>) target_semaphore(%arg8 : memref<!tpu.dma_semaphore, #tpu.memory_space<semaphore_mem>>)
        } else {
        }
        %dma_wait3A_86 = arith.constant 0 : i32
        %dma_wait3A_87 = arith.constant 0 : i32
        %dma_wait3A_88 = tpu.memref_slice %arg2[%dma_wait3A_86, %dma_wait3A_87] : memref<16x2600000xf32, #tpu.memory_space<hbm>> -> memref<16x1536xf32, #tpu.memory_space<hbm>>
        %dma_wait3A_89 = arith.constant 0 : i32
        %dma_wait3A_90 = arith.constant 0 : i32
        %dma_wait3A_91 = tpu.memref_slice %arg2[%dma_wait3A_89, %dma_wait3A_90] : memref<16x2600000xf32, #tpu.memory_space<hbm>> -> memref<16x1536xf32, #tpu.memory_space<hbm>>
        tpu.wait_dma2 semaphore(%arg9 : memref<!tpu.dma_semaphore, #tpu.memory_space<semaphore_mem>>) src(%dma_wait3A_91 : memref<16x1536xf32, #tpu.memory_space<hbm>>) dst(%arg5 : memref<16x1536xf32, #tpu.memory_space<vmem>>)
        %add3A_92 = arith.constant 0 : i32
        %add3A_93 = vector.broadcast %add3A_92 : i32 to vector<16xi32>
        %add3A_94 = arith.addi %mul3A_3, %add3A_93 : vector<16xi32>
        %add3A_95 = arith.constant 1 : i32
        %add3A_96 = vector.broadcast %add3A_95 : i32 to vector<16xi32>
        %add3A_97 = arith.addi %mul3A_3, %add3A_96 : vector<16xi32>
        %add3A_98 = arith.constant 2 : i32
        %add3A_99 = vector.broadcast %add3A_98 : i32 to vector<16xi32>
        %add3A_100 = arith.addi %mul3A_3, %add3A_99 : vector<16xi32>
        %add3A_101 = arith.constant 3 : i32
        %add3A_102 = vector.broadcast %add3A_101 : i32 to vector<16xi32>
        %add3A_103 = arith.addi %mul3A_3, %add3A_102 : vector<16xi32>
        %add3A_104 = arith.constant 4 : i32
        %add3A_105 = vector.broadcast %add3A_104 : i32 to vector<16xi32>
        %add3A_106 = arith.addi %mul3A_3, %add3A_105 : vector<16xi32>
        %add3A_107 = arith.constant 5 : i32
        %add3A_108 = vector.broadcast %add3A_107 : i32 to vector<16xi32>
        %add3A_109 = arith.addi %mul3A_3, %add3A_108 : vector<16xi32>
        %add3A_110 = arith.constant 6 : i32
        %add3A_111 = vector.broadcast %add3A_110 : i32 to vector<16xi32>
        %add3A_112 = arith.addi %mul3A_3, %add3A_111 : vector<16xi32>
        %add3A_113 = arith.constant 7 : i32
        %add3A_114 = vector.broadcast %add3A_113 : i32 to vector<16xi32>
        %add3A_115 = arith.addi %mul3A_3, %add3A_114 : vector<16xi32>
        %add3A_116 = arith.constant 8 : i32
        %add3A_117 = vector.broadcast %add3A_116 : i32 to vector<16xi32>
        %add3A_118 = arith.addi %mul3A_3, %add3A_117 : vector<16xi32>
        %add3A_119 = arith.constant 9 : i32
        %add3A_120 = vector.broadcast %add3A_119 : i32 to vector<16xi32>
        %add3A_121 = arith.addi %mul3A_3, %add3A_120 : vector<16xi32>
        %add3A_122 = arith.constant 10 : i32
        %add3A_123 = vector.broadcast %add3A_122 : i32 to vector<16xi32>
        %add3A_124 = arith.addi %mul3A_3, %add3A_123 : vector<16xi32>
        %add3A_125 = arith.constant 11 : i32
        %add3A_126 = vector.broadcast %add3A_125 : i32 to vector<16xi32>
        %add3A_127 = arith.addi %mul3A_3, %add3A_126 : vector<16xi32>
        %add3A_128 = arith.constant 12 : i32
        %add3A_129 = vector.broadcast %add3A_128 : i32 to vector<16xi32>
        %add3A_130 = arith.addi %mul3A_3, %add3A_129 : vector<16xi32>
        %add3A_131 = arith.constant 13 : i32
        %add3A_132 = vector.broadcast %add3A_131 : i32 to vector<16xi32>
        %add3A_133 = arith.addi %mul3A_3, %add3A_132 : vector<16xi32>
        %add3A_134 = arith.constant 14 : i32
        %add3A_135 = vector.broadcast %add3A_134 : i32 to vector<16xi32>
        %add3A_136 = arith.addi %mul3A_3, %add3A_135 : vector<16xi32>
        %add3A_137 = arith.constant 15 : i32
        %add3A_138 = vector.broadcast %add3A_137 : i32 to vector<16xi32>
        %add3A_139 = arith.addi %mul3A_3, %add3A_138 : vector<16xi32>
        %scan3A = arith.constant 0 : i32
        %scan3A_140 = arith.constant 0 : i32
        %scan3A_141 = arith.constant 96 : i32
        %scan3A_142 = arith.addi %scan3A_140, %scan3A_141 : i32
        %scan3A_143 = arith.constant 2 : i32
        scf.for %scan3A_160 = %scan3A_140 to %scan3A_142 step %scan3A_143  : i32 {
          %mul3A_161 = arith.constant 256 : i32
          %mul3A_162 = arith.muli %scan3A_160, %mul3A_161 : i32
          %mul3A_163 = arith.constant 16 : i32
          %mul3A_164 = arith.muli %scan3A_160, %mul3A_163 : i32
          %get3A = arith.constant 0 : i32
          %get3A_165 = arith.index_cast %get3A : i32 to index
          %get3A_166 = arith.index_cast %mul3A_164 : i32 to index
          %get3A_167 = tpu.vector_load %arg5[%get3A_165, %get3A_166] {strides = array<i32>} : memref<16x1536xf32, #tpu.memory_space<vmem>>, vector<16xf32>,
          %mul3A_168 = arith.constant 16 : i32
          %mul3A_169 = arith.muli %scan3A_160, %mul3A_168 : i32
          %get3A_170 = arith.constant 1 : i32
          %get3A_171 = arith.index_cast %get3A_170 : i32 to index
          %get3A_172 = arith.index_cast %mul3A_169 : i32 to index
          %get3A_173 = tpu.vector_load %arg5[%get3A_171, %get3A_172] {strides = array<i32>} : memref<16x1536xf32, #tpu.memory_space<vmem>>, vector<16xf32>,
          %mul3A_174 = arith.constant 16 : i32
          %mul3A_175 = arith.muli %scan3A_160, %mul3A_174 : i32
          %get3A_176 = arith.constant 2 : i32
          %get3A_177 = arith.index_cast %get3A_176 : i32 to index
          %get3A_178 = arith.index_cast %mul3A_175 : i32 to index
          %get3A_179 = tpu.vector_load %arg5[%get3A_177, %get3A_178] {strides = array<i32>} : memref<16x1536xf32, #tpu.memory_space<vmem>>, vector<16xf32>,
          %mul3A_180 = arith.constant 16 : i32
          %mul3A_181 = arith.muli %scan3A_160, %mul3A_180 : i32
          %get3A_182 = arith.constant 3 : i32
          %get3A_183 = arith.index_cast %get3A_182 : i32 to index
          %get3A_184 = arith.index_cast %mul3A_181 : i32 to index
          %get3A_185 = tpu.vector_load %arg5[%get3A_183, %get3A_184] {strides = array<i32>} : memref<16x1536xf32, #tpu.memory_space<vmem>>, vector<16xf32>,
          %mul3A_186 = arith.constant 16 : i32
          %mul3A_187 = arith.muli %scan3A_160, %mul3A_186 : i32
          %get3A_188 = arith.constant 4 : i32
          %get3A_189 = arith.index_cast %get3A_188 : i32 to index
          %get3A_190 = arith.index_cast %mul3A_187 : i32 to index
          %get3A_191 = tpu.vector_load %arg5[%get3A_189, %get3A_190] {strides = array<i32>} : memref<16x1536xf32, #tpu.memory_space<vmem>>, vector<16xf32>,
          %mul3A_192 = arith.constant 16 : i32
          %mul3A_193 = arith.muli %scan3A_160, %mul3A_192 : i32
          %get3A_194 = arith.constant 5 : i32
          %get3A_195 = arith.index_cast %get3A_194 : i32 to index
          %get3A_196 = arith.index_cast %mul3A_193 : i32 to index
          %get3A_197 = tpu.vector_load %arg5[%get3A_195, %get3A_196] {strides = array<i32>} : memref<16x1536xf32, #tpu.memory_space<vmem>>, vector<16xf32>,
          %mul3A_198 = arith.constant 16 : i32
          %mul3A_199 = arith.muli %scan3A_160, %mul3A_198 : i32
          %get3A_200 = arith.constant 6 : i32
          %get3A_201 = arith.index_cast %get3A_200 : i32 to index
          %get3A_202 = arith.index_cast %mul3A_199 : i32 to index
          %get3A_203 = tpu.vector_load %arg5[%get3A_201, %get3A_202] {strides = array<i32>} : memref<16x1536xf32, #tpu.memory_space<vmem>>, vector<16xf32>,
          %mul3A_204 = arith.constant 16 : i32
          %mul3A_205 = arith.muli %scan3A_160, %mul3A_204 : i32
          %get3A_206 = arith.constant 7 : i32
          %get3A_207 = arith.index_cast %get3A_206 : i32 to index
          %get3A_208 = arith.index_cast %mul3A_205 : i32 to index
          %get3A_209 = tpu.vector_load %arg5[%get3A_207, %get3A_208] {strides = array<i32>} : memref<16x1536xf32, #tpu.memory_space<vmem>>, vector<16xf32>,
          %mul3A_210 = arith.constant 16 : i32
          %mul3A_211 = arith.muli %scan3A_160, %mul3A_210 : i32
          %get3A_212 = arith.constant 8 : i32
          %get3A_213 = arith.index_cast %get3A_212 : i32 to index
          %get3A_214 = arith.index_cast %mul3A_211 : i32 to index
          %get3A_215 = tpu.vector_load %arg5[%get3A_213, %get3A_214] {strides = array<i32>} : memref<16x1536xf32, #tpu.memory_space<vmem>>, vector<16xf32>,
          %mul3A_216 = arith.constant 16 : i32
          %mul3A_217 = arith.muli %scan3A_160, %mul3A_216 : i32
          %get3A_218 = arith.constant 9 : i32
          %get3A_219 = arith.index_cast %get3A_218 : i32 to index
          %get3A_220 = arith.index_cast %mul3A_217 : i32 to index
          %get3A_221 = tpu.vector_load %arg5[%get3A_219, %get3A_220] {strides = array<i32>} : memref<16x1536xf32, #tpu.memory_space<vmem>>, vector<16xf32>,
          %mul3A_222 = arith.constant 16 : i32
          %mul3A_223 = arith.muli %scan3A_160, %mul3A_222 : i32
          %get3A_224 = arith.constant 10 : i32
          %get3A_225 = arith.index_cast %get3A_224 : i32 to index
          %get3A_226 = arith.index_cast %mul3A_223 : i32 to index
          %get3A_227 = tpu.vector_load %arg5[%get3A_225, %get3A_226] {strides = array<i32>} : memref<16x1536xf32, #tpu.memory_space<vmem>>, vector<16xf32>,
          %mul3A_228 = arith.constant 16 : i32
          %mul3A_229 = arith.muli %scan3A_160, %mul3A_228 : i32
          %get3A_230 = arith.constant 11 : i32
          %get3A_231 = arith.index_cast %get3A_230 : i32 to index
          %get3A_232 = arith.index_cast %mul3A_229 : i32 to index
          %get3A_233 = tpu.vector_load %arg5[%get3A_231, %get3A_232] {strides = array<i32>} : memref<16x1536xf32, #tpu.memory_space<vmem>>, vector<16xf32>,
          %mul3A_234 = arith.constant 16 : i32
          %mul3A_235 = arith.muli %scan3A_160, %mul3A_234 : i32
          %get3A_236 = arith.constant 12 : i32
          %get3A_237 = arith.index_cast %get3A_236 : i32 to index
          %get3A_238 = arith.index_cast %mul3A_235 : i32 to index
          %get3A_239 = tpu.vector_load %arg5[%get3A_237, %get3A_238] {strides = array<i32>} : memref<16x1536xf32, #tpu.memory_space<vmem>>, vector<16xf32>,
          %mul3A_240 = arith.constant 16 : i32
          %mul3A_241 = arith.muli %scan3A_160, %mul3A_240 : i32
          %get3A_242 = arith.constant 13 : i32
          %get3A_243 = arith.index_cast %get3A_242 : i32 to index
          %get3A_244 = arith.index_cast %mul3A_241 : i32 to index
          %get3A_245 = tpu.vector_load %arg5[%get3A_243, %get3A_244] {strides = array<i32>} : memref<16x1536xf32, #tpu.memory_space<vmem>>, vector<16xf32>,
          %mul3A_246 = arith.constant 16 : i32
          %mul3A_247 = arith.muli %scan3A_160, %mul3A_246 : i32
          %get3A_248 = arith.constant 14 : i32
          %get3A_249 = arith.index_cast %get3A_248 : i32 to index
          %get3A_250 = arith.index_cast %mul3A_247 : i32 to index
          %get3A_251 = tpu.vector_load %arg5[%get3A_249, %get3A_250] {strides = array<i32>} : memref<16x1536xf32, #tpu.memory_space<vmem>>, vector<16xf32>,
          %mul3A_252 = arith.constant 16 : i32
          %mul3A_253 = arith.muli %scan3A_160, %mul3A_252 : i32
          %get3A_254 = arith.constant 15 : i32
          %get3A_255 = arith.index_cast %get3A_254 : i32 to index
          %get3A_256 = arith.index_cast %mul3A_253 : i32 to index
          %get3A_257 = tpu.vector_load %arg5[%get3A_255, %get3A_256] {strides = array<i32>} : memref<16x1536xf32, #tpu.memory_space<vmem>>, vector<16xf32>,
          %scatter3A = tpu.memref_slice %arg7[%mul3A_162] : memref<24592xf32, #tpu.memory_space<vmem>> -> memref<256xf32, #tpu.memory_space<vmem>>
          tpu.vector_store_idx %scatter3A[%add3A_94], %get3A_167 : memref<256xf32, #tpu.memory_space<vmem>>[vector<16xi32>], vector<16xf32>,
          %scatter3A_258 = tpu.memref_slice %arg7[%mul3A_162] : memref<24592xf32, #tpu.memory_space<vmem>> -> memref<256xf32, #tpu.memory_space<vmem>>
          tpu.vector_store_idx %scatter3A_258[%add3A_97], %get3A_173 : memref<256xf32, #tpu.memory_space<vmem>>[vector<16xi32>], vector<16xf32>,
          %scatter3A_259 = tpu.memref_slice %arg7[%mul3A_162] : memref<24592xf32, #tpu.memory_space<vmem>> -> memref<256xf32, #tpu.memory_space<vmem>>
          tpu.vector_store_idx %scatter3A_259[%add3A_100], %get3A_179 : memref<256xf32, #tpu.memory_space<vmem>>[vector<16xi32>], vector<16xf32>,
          %scatter3A_260 = tpu.memref_slice %arg7[%mul3A_162] : memref<24592xf32, #tpu.memory_space<vmem>> -> memref<256xf32, #tpu.memory_space<vmem>>
          tpu.vector_store_idx %scatter3A_260[%add3A_103], %get3A_185 : memref<256xf32, #tpu.memory_space<vmem>>[vector<16xi32>], vector<16xf32>,
          %scatter3A_261 = tpu.memref_slice %arg7[%mul3A_162] : memref<24592xf32, #tpu.memory_space<vmem>> -> memref<256xf32, #tpu.memory_space<vmem>>
          tpu.vector_store_idx %scatter3A_261[%add3A_106], %get3A_191 : memref<256xf32, #tpu.memory_space<vmem>>[vector<16xi32>], vector<16xf32>,
          %scatter3A_262 = tpu.memref_slice %arg7[%mul3A_162] : memref<24592xf32, #tpu.memory_space<vmem>> -> memref<256xf32, #tpu.memory_space<vmem>>
          tpu.vector_store_idx %scatter3A_262[%add3A_109], %get3A_197 : memref<256xf32, #tpu.memory_space<vmem>>[vector<16xi32>], vector<16xf32>,
          %scatter3A_263 = tpu.memref_slice %arg7[%mul3A_162] : memref<24592xf32, #tpu.memory_space<vmem>> -> memref<256xf32, #tpu.memory_space<vmem>>
          tpu.vector_store_idx %scatter3A_263[%add3A_112], %get3A_203 : memref<256xf32, #tpu.memory_space<vmem>>[vector<16xi32>], vector<16xf32>,
          %scatter3A_264 = tpu.memref_slice %arg7[%mul3A_162] : memref<24592xf32, #tpu.memory_space<vmem>> -> memref<256xf32, #tpu.memory_space<vmem>>
          tpu.vector_store_idx %scatter3A_264[%add3A_115], %get3A_209 : memref<256xf32, #tpu.memory_space<vmem>>[vector<16xi32>], vector<16xf32>,
          %scatter3A_265 = tpu.memref_slice %arg7[%mul3A_162] : memref<24592xf32, #tpu.memory_space<vmem>> -> memref<256xf32, #tpu.memory_space<vmem>>
          tpu.vector_store_idx %scatter3A_265[%add3A_118], %get3A_215 : memref<256xf32, #tpu.memory_space<vmem>>[vector<16xi32>], vector<16xf32>,
          %scatter3A_266 = tpu.memref_slice %arg7[%mul3A_162] : memref<24592xf32, #tpu.memory_space<vmem>> -> memref<256xf32, #tpu.memory_space<vmem>>
          tpu.vector_store_idx %scatter3A_266[%add3A_121], %get3A_221 : memref<256xf32, #tpu.memory_space<vmem>>[vector<16xi32>], vector<16xf32>,
          %scatter3A_267 = tpu.memref_slice %arg7[%mul3A_162] : memref<24592xf32, #tpu.memory_space<vmem>> -> memref<256xf32, #tpu.memory_space<vmem>>
          tpu.vector_store_idx %scatter3A_267[%add3A_124], %get3A_227 : memref<256xf32, #tpu.memory_space<vmem>>[vector<16xi32>], vector<16xf32>,
          %scatter3A_268 = tpu.memref_slice %arg7[%mul3A_162] : memref<24592xf32, #tpu.memory_space<vmem>> -> memref<256xf32, #tpu.memory_space<vmem>>
          tpu.vector_store_idx %scatter3A_268[%add3A_127], %get3A_233 : memref<256xf32, #tpu.memory_space<vmem>>[vector<16xi32>], vector<16xf32>,
          %scatter3A_269 = tpu.memref_slice %arg7[%mul3A_162] : memref<24592xf32, #tpu.memory_space<vmem>> -> memref<256xf32, #tpu.memory_space<vmem>>
          tpu.vector_store_idx %scatter3A_269[%add3A_130], %get3A_239 : memref<256xf32, #tpu.memory_space<vmem>>[vector<16xi32>], vector<16xf32>,
          %scatter3A_270 = tpu.memref_slice %arg7[%mul3A_162] : memref<24592xf32, #tpu.memory_space<vmem>> -> memref<256xf32, #tpu.memory_space<vmem>>
          tpu.vector_store_idx %scatter3A_270[%add3A_133], %get3A_245 : memref<256xf32, #tpu.memory_space<vmem>>[vector<16xi32>], vector<16xf32>,
          %scatter3A_271 = tpu.memref_slice %arg7[%mul3A_162] : memref<24592xf32, #tpu.memory_space<vmem>> -> memref<256xf32, #tpu.memory_space<vmem>>
          tpu.vector_store_idx %scatter3A_271[%add3A_136], %get3A_251 : memref<256xf32, #tpu.memory_space<vmem>>[vector<16xi32>], vector<16xf32>,
          %scatter3A_272 = tpu.memref_slice %arg7[%mul3A_162] : memref<24592xf32, #tpu.memory_space<vmem>> -> memref<256xf32, #tpu.memory_space<vmem>>
          tpu.vector_store_idx %scatter3A_272[%add3A_139], %get3A_257 : memref<256xf32, #tpu.memory_space<vmem>>[vector<16xi32>], vector<16xf32>,
          %scan3A_273 = arith.constant 1 : i32
          %scan3A_274 = arith.addi %scan3A_160, %scan3A_273 : i32
          %mul3A_275 = arith.constant 256 : i32
          %mul3A_276 = arith.muli %scan3A_274, %mul3A_275 : i32
          %mul3A_277 = arith.constant 16 : i32
          %mul3A_278 = arith.muli %scan3A_274, %mul3A_277 : i32
          %get3A_279 = arith.constant 0 : i32
          %get3A_280 = arith.index_cast %get3A_279 : i32 to index
          %get3A_281 = arith.index_cast %mul3A_278 : i32 to index
          %get3A_282 = tpu.vector_load %arg5[%get3A_280, %get3A_281] {strides = array<i32>} : memref<16x1536xf32, #tpu.memory_space<vmem>>, vector<16xf32>,
          %mul3A_283 = arith.constant 16 : i32
          %mul3A_284 = arith.muli %scan3A_274, %mul3A_283 : i32
          %get3A_285 = arith.constant 1 : i32
          %get3A_286 = arith.index_cast %get3A_285 : i32 to index
          %get3A_287 = arith.index_cast %mul3A_284 : i32 to index
          %get3A_288 = tpu.vector_load %arg5[%get3A_286, %get3A_287] {strides = array<i32>} : memref<16x1536xf32, #tpu.memory_space<vmem>>, vector<16xf32>,
          %mul3A_289 = arith.constant 16 : i32
          %mul3A_290 = arith.muli %scan3A_274, %mul3A_289 : i32
          %get3A_291 = arith.constant 2 : i32
          %get3A_292 = arith.index_cast %get3A_291 : i32 to index
          %get3A_293 = arith.index_cast %mul3A_290 : i32 to index
          %get3A_294 = tpu.vector_load %arg5[%get3A_292, %get3A_293] {strides = array<i32>} : memref<16x1536xf32, #tpu.memory_space<vmem>>, vector<16xf32>,
          %mul3A_295 = arith.constant 16 : i32
          %mul3A_296 = arith.muli %scan3A_274, %mul3A_295 : i32
          %get3A_297 = arith.constant 3 : i32
          %get3A_298 = arith.index_cast %get3A_297 : i32 to index
          %get3A_299 = arith.index_cast %mul3A_296 : i32 to index
          %get3A_300 = tpu.vector_load %arg5[%get3A_298, %get3A_299] {strides = array<i32>} : memref<16x1536xf32, #tpu.memory_space<vmem>>, vector<16xf32>,
          %mul3A_301 = arith.constant 16 : i32
          %mul3A_302 = arith.muli %scan3A_274, %mul3A_301 : i32
          %get3A_303 = arith.constant 4 : i32
          %get3A_304 = arith.index_cast %get3A_303 : i32 to index
          %get3A_305 = arith.index_cast %mul3A_302 : i32 to index
          %get3A_306 = tpu.vector_load %arg5[%get3A_304, %get3A_305] {strides = array<i32>} : memref<16x1536xf32, #tpu.memory_space<vmem>>, vector<16xf32>,
          %mul3A_307 = arith.constant 16 : i32
          %mul3A_308 = arith.muli %scan3A_274, %mul3A_307 : i32
          %get3A_309 = arith.constant 5 : i32
          %get3A_310 = arith.index_cast %get3A_309 : i32 to index
          %get3A_311 = arith.index_cast %mul3A_308 : i32 to index
          %get3A_312 = tpu.vector_load %arg5[%get3A_310, %get3A_311] {strides = array<i32>} : memref<16x1536xf32, #tpu.memory_space<vmem>>, vector<16xf32>,
          %mul3A_313 = arith.constant 16 : i32
          %mul3A_314 = arith.muli %scan3A_274, %mul3A_313 : i32
          %get3A_315 = arith.constant 6 : i32
          %get3A_316 = arith.index_cast %get3A_315 : i32 to index
          %get3A_317 = arith.index_cast %mul3A_314 : i32 to index
          %get3A_318 = tpu.vector_load %arg5[%get3A_316, %get3A_317] {strides = array<i32>} : memref<16x1536xf32, #tpu.memory_space<vmem>>, vector<16xf32>,
          %mul3A_319 = arith.constant 16 : i32
          %mul3A_320 = arith.muli %scan3A_274, %mul3A_319 : i32
          %get3A_321 = arith.constant 7 : i32
          %get3A_322 = arith.index_cast %get3A_321 : i32 to index
          %get3A_323 = arith.index_cast %mul3A_320 : i32 to index
          %get3A_324 = tpu.vector_load %arg5[%get3A_322, %get3A_323] {strides = array<i32>} : memref<16x1536xf32, #tpu.memory_space<vmem>>, vector<16xf32>,
          %mul3A_325 = arith.constant 16 : i32
          %mul3A_326 = arith.muli %scan3A_274, %mul3A_325 : i32
          %get3A_327 = arith.constant 8 : i32
          %get3A_328 = arith.index_cast %get3A_327 : i32 to index
          %get3A_329 = arith.index_cast %mul3A_326 : i32 to index
          %get3A_330 = tpu.vector_load %arg5[%get3A_328, %get3A_329] {strides = array<i32>} : memref<16x1536xf32, #tpu.memory_space<vmem>>, vector<16xf32>,
          %mul3A_331 = arith.constant 16 : i32
          %mul3A_332 = arith.muli %scan3A_274, %mul3A_331 : i32
          %get3A_333 = arith.constant 9 : i32
          %get3A_334 = arith.index_cast %get3A_333 : i32 to index
          %get3A_335 = arith.index_cast %mul3A_332 : i32 to index
          %get3A_336 = tpu.vector_load %arg5[%get3A_334, %get3A_335] {strides = array<i32>} : memref<16x1536xf32, #tpu.memory_space<vmem>>, vector<16xf32>,
          %mul3A_337 = arith.constant 16 : i32
          %mul3A_338 = arith.muli %scan3A_274, %mul3A_337 : i32
          %get3A_339 = arith.constant 10 : i32
          %get3A_340 = arith.index_cast %get3A_339 : i32 to index
          %get3A_341 = arith.index_cast %mul3A_338 : i32 to index
          %get3A_342 = tpu.vector_load %arg5[%get3A_340, %get3A_341] {strides = array<i32>} : memref<16x1536xf32, #tpu.memory_space<vmem>>, vector<16xf32>,
          %mul3A_343 = arith.constant 16 : i32
          %mul3A_344 = arith.muli %scan3A_274, %mul3A_343 : i32
          %get3A_345 = arith.constant 11 : i32
          %get3A_346 = arith.index_cast %get3A_345 : i32 to index
          %get3A_347 = arith.index_cast %mul3A_344 : i32 to index
          %get3A_348 = tpu.vector_load %arg5[%get3A_346, %get3A_347] {strides = array<i32>} : memref<16x1536xf32, #tpu.memory_space<vmem>>, vector<16xf32>,
          %mul3A_349 = arith.constant 16 : i32
          %mul3A_350 = arith.muli %scan3A_274, %mul3A_349 : i32
          %get3A_351 = arith.constant 12 : i32
          %get3A_352 = arith.index_cast %get3A_351 : i32 to index
          %get3A_353 = arith.index_cast %mul3A_350 : i32 to index
          %get3A_354 = tpu.vector_load %arg5[%get3A_352, %get3A_353] {strides = array<i32>} : memref<16x1536xf32, #tpu.memory_space<vmem>>, vector<16xf32>,
          %mul3A_355 = arith.constant 16 : i32
          %mul3A_356 = arith.muli %scan3A_274, %mul3A_355 : i32
          %get3A_357 = arith.constant 13 : i32
          %get3A_358 = arith.index_cast %get3A_357 : i32 to index
          %get3A_359 = arith.index_cast %mul3A_356 : i32 to index
          %get3A_360 = tpu.vector_load %arg5[%get3A_358, %get3A_359] {strides = array<i32>} : memref<16x1536xf32, #tpu.memory_space<vmem>>, vector<16xf32>,
          %mul3A_361 = arith.constant 16 : i32
          %mul3A_362 = arith.muli %scan3A_274, %mul3A_361 : i32
          %get3A_363 = arith.constant 14 : i32
          %get3A_364 = arith.index_cast %get3A_363 : i32 to index
          %get3A_365 = arith.index_cast %mul3A_362 : i32 to index
          %get3A_366 = tpu.vector_load %arg5[%get3A_364, %get3A_365] {strides = array<i32>} : memref<16x1536xf32, #tpu.memory_space<vmem>>, vector<16xf32>,
          %mul3A_367 = arith.constant 16 : i32
          %mul3A_368 = arith.muli %scan3A_274, %mul3A_367 : i32
          %get3A_369 = arith.constant 15 : i32
          %get3A_370 = arith.index_cast %get3A_369 : i32 to index
          %get3A_371 = arith.index_cast %mul3A_368 : i32 to index
          %get3A_372 = tpu.vector_load %arg5[%get3A_370, %get3A_371] {strides = array<i32>} : memref<16x1536xf32, #tpu.memory_space<vmem>>, vector<16xf32>,
          %scatter3A_373 = tpu.memref_slice %arg7[%mul3A_276] : memref<24592xf32, #tpu.memory_space<vmem>> -> memref<256xf32, #tpu.memory_space<vmem>>
          tpu.vector_store_idx %scatter3A_373[%add3A_94], %get3A_282 : memref<256xf32, #tpu.memory_space<vmem>>[vector<16xi32>], vector<16xf32>,
          %scatter3A_374 = tpu.memref_slice %arg7[%mul3A_276] : memref<24592xf32, #tpu.memory_space<vmem>> -> memref<256xf32, #tpu.memory_space<vmem>>
          tpu.vector_store_idx %scatter3A_374[%add3A_97], %get3A_288 : memref<256xf32, #tpu.memory_space<vmem>>[vector<16xi32>], vector<16xf32>,
          %scatter3A_375 = tpu.memref_slice %arg7[%mul3A_276] : memref<24592xf32, #tpu.memory_space<vmem>> -> memref<256xf32, #tpu.memory_space<vmem>>
          tpu.vector_store_idx %scatter3A_375[%add3A_100], %get3A_294 : memref<256xf32, #tpu.memory_space<vmem>>[vector<16xi32>], vector<16xf32>,
          %scatter3A_376 = tpu.memref_slice %arg7[%mul3A_276] : memref<24592xf32, #tpu.memory_space<vmem>> -> memref<256xf32, #tpu.memory_space<vmem>>
          tpu.vector_store_idx %scatter3A_376[%add3A_103], %get3A_300 : memref<256xf32, #tpu.memory_space<vmem>>[vector<16xi32>], vector<16xf32>,
          %scatter3A_377 = tpu.memref_slice %arg7[%mul3A_276] : memref<24592xf32, #tpu.memory_space<vmem>> -> memref<256xf32, #tpu.memory_space<vmem>>
          tpu.vector_store_idx %scatter3A_377[%add3A_106], %get3A_306 : memref<256xf32, #tpu.memory_space<vmem>>[vector<16xi32>], vector<16xf32>,
          %scatter3A_378 = tpu.memref_slice %arg7[%mul3A_276] : memref<24592xf32, #tpu.memory_space<vmem>> -> memref<256xf32, #tpu.memory_space<vmem>>
          tpu.vector_store_idx %scatter3A_378[%add3A_109], %get3A_312 : memref<256xf32, #tpu.memory_space<vmem>>[vector<16xi32>], vector<16xf32>,
          %scatter3A_379 = tpu.memref_slice %arg7[%mul3A_276] : memref<24592xf32, #tpu.memory_space<vmem>> -> memref<256xf32, #tpu.memory_space<vmem>>
          tpu.vector_store_idx %scatter3A_379[%add3A_112], %get3A_318 : memref<256xf32, #tpu.memory_space<vmem>>[vector<16xi32>], vector<16xf32>,
          %scatter3A_380 = tpu.memref_slice %arg7[%mul3A_276] : memref<24592xf32, #tpu.memory_space<vmem>> -> memref<256xf32, #tpu.memory_space<vmem>>
          tpu.vector_store_idx %scatter3A_380[%add3A_115], %get3A_324 : memref<256xf32, #tpu.memory_space<vmem>>[vector<16xi32>], vector<16xf32>,
          %scatter3A_381 = tpu.memref_slice %arg7[%mul3A_276] : memref<24592xf32, #tpu.memory_space<vmem>> -> memref<256xf32, #tpu.memory_space<vmem>>
          tpu.vector_store_idx %scatter3A_381[%add3A_118], %get3A_330 : memref<256xf32, #tpu.memory_space<vmem>>[vector<16xi32>], vector<16xf32>,
          %scatter3A_382 = tpu.memref_slice %arg7[%mul3A_276] : memref<24592xf32, #tpu.memory_space<vmem>> -> memref<256xf32, #tpu.memory_space<vmem>>
          tpu.vector_store_idx %scatter3A_382[%add3A_121], %get3A_336 : memref<256xf32, #tpu.memory_space<vmem>>[vector<16xi32>], vector<16xf32>,
          %scatter3A_383 = tpu.memref_slice %arg7[%mul3A_276] : memref<24592xf32, #tpu.memory_space<vmem>> -> memref<256xf32, #tpu.memory_space<vmem>>
          tpu.vector_store_idx %scatter3A_383[%add3A_124], %get3A_342 : memref<256xf32, #tpu.memory_space<vmem>>[vector<16xi32>], vector<16xf32>,
          %scatter3A_384 = tpu.memref_slice %arg7[%mul3A_276] : memref<24592xf32, #tpu.memory_space<vmem>> -> memref<256xf32, #tpu.memory_space<vmem>>
          tpu.vector_store_idx %scatter3A_384[%add3A_127], %get3A_348 : memref<256xf32, #tpu.memory_space<vmem>>[vector<16xi32>], vector<16xf32>,
          %scatter3A_385 = tpu.memref_slice %arg7[%mul3A_276] : memref<24592xf32, #tpu.memory_space<vmem>> -> memref<256xf32, #tpu.memory_space<vmem>>
          tpu.vector_store_idx %scatter3A_385[%add3A_130], %get3A_354 : memref<256xf32, #tpu.memory_space<vmem>>[vector<16xi32>], vector<16xf32>,
          %scatter3A_386 = tpu.memref_slice %arg7[%mul3A_276] : memref<24592xf32, #tpu.memory_space<vmem>> -> memref<256xf32, #tpu.memory_space<vmem>>
          tpu.vector_store_idx %scatter3A_386[%add3A_133], %get3A_360 : memref<256xf32, #tpu.memory_space<vmem>>[vector<16xi32>], vector<16xf32>,
          %scatter3A_387 = tpu.memref_slice %arg7[%mul3A_276] : memref<24592xf32, #tpu.memory_space<vmem>> -> memref<256xf32, #tpu.memory_space<vmem>>
          tpu.vector_store_idx %scatter3A_387[%add3A_136], %get3A_366 : memref<256xf32, #tpu.memory_space<vmem>>[vector<16xi32>], vector<16xf32>,
          %scatter3A_388 = tpu.memref_slice %arg7[%mul3A_276] : memref<24592xf32, #tpu.memory_space<vmem>> -> memref<256xf32, #tpu.memory_space<vmem>>
          tpu.vector_store_idx %scatter3A_388[%add3A_139], %get3A_372 : memref<256xf32, #tpu.memory_space<vmem>>[vector<16xi32>], vector<16xf32>,
        }
        %scan3A_144 = arith.constant 96 : i32
        %ge3A = arith.constant 2 : i32
        %ge3A_145 = arith.cmpi sge, %add3A_75, %ge3A : i32
        %convert_element_type3A_146 = arith.extui %ge3A_145 : i1 to i32
        %cond3A_147 = arith.constant 0 : i32
        %cond3A_148 = arith.cmpi ne, %convert_element_type3A_146, %cond3A_147 : i32
        scf.if %cond3A_148 {
          %dma_wait3A_160 = arith.constant 0 : i32
          %dma_wait3A_161 = tpu.memref_slice %arg7[%dma_wait3A_160] : memref<24592xf32, #tpu.memory_space<vmem>> -> memref<24576xf32, #tpu.memory_space<vmem>>
          %dma_wait3A_162 = arith.constant 0 : i32
          %dma_wait3A_163 = tpu.memref_slice %arg3[%dma_wait3A_162] : memref<41601024xf32, #tpu.memory_space<hbm>> -> memref<24576xf32, #tpu.memory_space<hbm>>
          %dma_wait3A_164 = arith.constant 0 : i32
          %dma_wait3A_165 = tpu.memref_slice %arg3[%dma_wait3A_164] : memref<41601024xf32, #tpu.memory_space<hbm>> -> memref<24576xf32, #tpu.memory_space<hbm>>
          %dma_wait3A_166 = arith.constant 0 : i32
          %dma_wait3A_167 = tpu.memref_slice %arg7[%dma_wait3A_166] : memref<24592xf32, #tpu.memory_space<vmem>> -> memref<24576xf32, #tpu.memory_space<vmem>>
          tpu.wait_dma2 semaphore(%arg11 : memref<!tpu.dma_semaphore, #tpu.memory_space<semaphore_mem>>) src(%dma_wait3A_167 : memref<24576xf32, #tpu.memory_space<vmem>>) dst(%dma_wait3A_165 : memref<24576xf32, #tpu.memory_space<hbm>>)
        } else {
        }
        %add3A_149 = arith.addi %add3A_7, %add3A_75 : i32
        %mul3A_150 = arith.constant 1536 : i32
        %mul3A_151 = arith.muli %add3A_149, %mul3A_150 : i32
        %mul3A_152 = arith.constant 16 : i32
        %mul3A_153 = arith.muli %mul3A_151, %mul3A_152 : i32
        %dma_start3A_154 = arith.constant 0 : i32
        %dma_start3A_155 = tpu.memref_slice %arg7[%dma_start3A_154] : memref<24592xf32, #tpu.memory_space<vmem>> -> memref<24576xf32, #tpu.memory_space<vmem>>
        %dma_start3A_156 = tpu.memref_slice %arg3[%mul3A_153] : memref<41601024xf32, #tpu.memory_space<hbm>> -> memref<24576xf32, #tpu.memory_space<hbm>>
        %dma_start3A_157 = tpu.memref_slice %arg3[%mul3A_153] : memref<41601024xf32, #tpu.memory_space<hbm>> -> memref<24576xf32, #tpu.memory_space<hbm>>
        %dma_start3A_158 = arith.constant 0 : i32
        %dma_start3A_159 = tpu.memref_slice %arg7[%dma_start3A_158] : memref<24592xf32, #tpu.memory_space<vmem>> -> memref<24576xf32, #tpu.memory_space<vmem>>
        tpu.enqueue_dma source(%dma_start3A_159 : memref<24576xf32, #tpu.memory_space<vmem>>) target(%dma_start3A_157 : memref<24576xf32, #tpu.memory_space<hbm>>) target_semaphore(%arg11 : memref<!tpu.dma_semaphore, #tpu.memory_space<semaphore_mem>>)
      } else {
      }
    }
    %while3A_47 = arith.constant 1 : i32
    scf.for %while3A_65 = %while3A_45 to %while3A_41 step %while3A_47  : i32 {
      %mul3A_66 = arith.constant 2 : i32
      %mul3A_67 = arith.muli %while3A_65, %mul3A_66 : i32
      %lt3A_68 = arith.cmpi slt, %mul3A_67, %add3A_11 : i32
      %convert_element_type3A_69 = arith.extui %lt3A_68 : i1 to i32
      %cond3A_70 = arith.constant 0 : i32
      %cond3A_71 = arith.cmpi ne, %convert_element_type3A_69, %cond3A_70 : i32
      scf.if %cond3A_71 {
        %add3A_80 = arith.constant 1 : i32
        %add3A_81 = arith.addi %mul3A_67, %add3A_80 : i32
        %lt3A_82 = arith.cmpi slt, %add3A_81, %add3A_11 : i32
        %convert_element_type3A_83 = arith.extui %lt3A_82 : i1 to i32
        %cond3A_84 = arith.constant 0 : i32
        %cond3A_85 = arith.cmpi ne, %convert_element_type3A_83, %cond3A_84 : i32
        scf.if %cond3A_85 {
          %add3A_160 = arith.constant 1 : i32
          %add3A_161 = arith.addi %mul3A_67, %add3A_160 : i32
          %add3A_162 = arith.addi %add3A_7, %add3A_161 : i32
          %mul3A_163 = arith.constant 1536 : i32
          %mul3A_164 = arith.muli %add3A_162, %mul3A_163 : i32
          %dma_start3A_165 = arith.constant 0 : i32
          %dma_start3A_166 = tpu.memref_slice %arg2[%dma_start3A_165, %mul3A_164] : memref<16x2600000xf32, #tpu.memory_space<hbm>> -> memref<16x1536xf32, #tpu.memory_space<hbm>>
          %dma_start3A_167 = arith.constant 0 : i32
          %dma_start3A_168 = tpu.memref_slice %arg2[%dma_start3A_167, %mul3A_164] : memref<16x2600000xf32, #tpu.memory_space<hbm>> -> memref<16x1536xf32, #tpu.memory_space<hbm>>
          tpu.enqueue_dma source(%dma_start3A_168 : memref<16x1536xf32, #tpu.memory_space<hbm>>) target(%arg5 : memref<16x1536xf32, #tpu.memory_space<vmem>>) target_semaphore(%arg9 : memref<!tpu.dma_semaphore, #tpu.memory_space<semaphore_mem>>)
        } else {
        }
        %dma_wait3A_86 = arith.constant 0 : i32
        %dma_wait3A_87 = arith.constant 0 : i32
        %dma_wait3A_88 = tpu.memref_slice %arg2[%dma_wait3A_86, %dma_wait3A_87] : memref<16x2600000xf32, #tpu.memory_space<hbm>> -> memref<16x1536xf32, #tpu.memory_space<hbm>>
        %dma_wait3A_89 = arith.constant 0 : i32
        %dma_wait3A_90 = arith.constant 0 : i32
        %dma_wait3A_91 = tpu.memref_slice %arg2[%dma_wait3A_89, %dma_wait3A_90] : memref<16x2600000xf32, #tpu.memory_space<hbm>> -> memref<16x1536xf32, #tpu.memory_space<hbm>>
        tpu.wait_dma2 semaphore(%arg8 : memref<!tpu.dma_semaphore, #tpu.memory_space<semaphore_mem>>) src(%dma_wait3A_91 : memref<16x1536xf32, #tpu.memory_space<hbm>>) dst(%arg4 : memref<16x1536xf32, #tpu.memory_space<vmem>>)
        %add3A_92 = arith.constant 0 : i32
        %add3A_93 = vector.broadcast %add3A_92 : i32 to vector<16xi32>
        %add3A_94 = arith.addi %mul3A_3, %add3A_93 : vector<16xi32>
        %add3A_95 = arith.constant 1 : i32
        %add3A_96 = vector.broadcast %add3A_95 : i32 to vector<16xi32>
        %add3A_97 = arith.addi %mul3A_3, %add3A_96 : vector<16xi32>
        %add3A_98 = arith.constant 2 : i32
        %add3A_99 = vector.broadcast %add3A_98 : i32 to vector<16xi32>
        %add3A_100 = arith.addi %mul3A_3, %add3A_99 : vector<16xi32>
        %add3A_101 = arith.constant 3 : i32
        %add3A_102 = vector.broadcast %add3A_101 : i32 to vector<16xi32>
        %add3A_103 = arith.addi %mul3A_3, %add3A_102 : vector<16xi32>
        %add3A_104 = arith.constant 4 : i32
        %add3A_105 = vector.broadcast %add3A_104 : i32 to vector<16xi32>
        %add3A_106 = arith.addi %mul3A_3, %add3A_105 : vector<16xi32>
        %add3A_107 = arith.constant 5 : i32
        %add3A_108 = vector.broadcast %add3A_107 : i32 to vector<16xi32>
        %add3A_109 = arith.addi %mul3A_3, %add3A_108 : vector<16xi32>
        %add3A_110 = arith.constant 6 : i32
        %add3A_111 = vector.broadcast %add3A_110 : i32 to vector<16xi32>
        %add3A_112 = arith.addi %mul3A_3, %add3A_111 : vector<16xi32>
        %add3A_113 = arith.constant 7 : i32
        %add3A_114 = vector.broadcast %add3A_113 : i32 to vector<16xi32>
        %add3A_115 = arith.addi %mul3A_3, %add3A_114 : vector<16xi32>
        %add3A_116 = arith.constant 8 : i32
        %add3A_117 = vector.broadcast %add3A_116 : i32 to vector<16xi32>
        %add3A_118 = arith.addi %mul3A_3, %add3A_117 : vector<16xi32>
        %add3A_119 = arith.constant 9 : i32
        %add3A_120 = vector.broadcast %add3A_119 : i32 to vector<16xi32>
        %add3A_121 = arith.addi %mul3A_3, %add3A_120 : vector<16xi32>
        %add3A_122 = arith.constant 10 : i32
        %add3A_123 = vector.broadcast %add3A_122 : i32 to vector<16xi32>
        %add3A_124 = arith.addi %mul3A_3, %add3A_123 : vector<16xi32>
        %add3A_125 = arith.constant 11 : i32
        %add3A_126 = vector.broadcast %add3A_125 : i32 to vector<16xi32>
        %add3A_127 = arith.addi %mul3A_3, %add3A_126 : vector<16xi32>
        %add3A_128 = arith.constant 12 : i32
        %add3A_129 = vector.broadcast %add3A_128 : i32 to vector<16xi32>
        %add3A_130 = arith.addi %mul3A_3, %add3A_129 : vector<16xi32>
        %add3A_131 = arith.constant 13 : i32
        %add3A_132 = vector.broadcast %add3A_131 : i32 to vector<16xi32>
        %add3A_133 = arith.addi %mul3A_3, %add3A_132 : vector<16xi32>
        %add3A_134 = arith.constant 14 : i32
        %add3A_135 = vector.broadcast %add3A_134 : i32 to vector<16xi32>
        %add3A_136 = arith.addi %mul3A_3, %add3A_135 : vector<16xi32>
        %add3A_137 = arith.constant 15 : i32
        %add3A_138 = vector.broadcast %add3A_137 : i32 to vector<16xi32>
        %add3A_139 = arith.addi %mul3A_3, %add3A_138 : vector<16xi32>
        %scan3A = arith.constant 0 : i32
        %scan3A_140 = arith.constant 0 : i32
        %scan3A_141 = arith.constant 96 : i32
        %scan3A_142 = arith.addi %scan3A_140, %scan3A_141 : i32
        %scan3A_143 = arith.constant 2 : i32
        scf.for %scan3A_160 = %scan3A_140 to %scan3A_142 step %scan3A_143  : i32 {
          %mul3A_161 = arith.constant 256 : i32
          %mul3A_162 = arith.muli %scan3A_160, %mul3A_161 : i32
          %mul3A_163 = arith.constant 16 : i32
          %mul3A_164 = arith.muli %scan3A_160, %mul3A_163 : i32
          %get3A = arith.constant 0 : i32
          %get3A_165 = arith.index_cast %get3A : i32 to index
          %get3A_166 = arith.index_cast %mul3A_164 : i32 to index
          %get3A_167 = tpu.vector_load %arg4[%get3A_165, %get3A_166] {strides = array<i32>} : memref<16x1536xf32, #tpu.memory_space<vmem>>, vector<16xf32>,
          %mul3A_168 = arith.constant 16 : i32
          %mul3A_169 = arith.muli %scan3A_160, %mul3A_168 : i32
          %get3A_170 = arith.constant 1 : i32
          %get3A_171 = arith.index_cast %get3A_170 : i32 to index
          %get3A_172 = arith.index_cast %mul3A_169 : i32 to index
          %get3A_173 = tpu.vector_load %arg4[%get3A_171, %get3A_172] {strides = array<i32>} : memref<16x1536xf32, #tpu.memory_space<vmem>>, vector<16xf32>,
          %mul3A_174 = arith.constant 16 : i32
          %mul3A_175 = arith.muli %scan3A_160, %mul3A_174 : i32
          %get3A_176 = arith.constant 2 : i32
          %get3A_177 = arith.index_cast %get3A_176 : i32 to index
          %get3A_178 = arith.index_cast %mul3A_175 : i32 to index
          %get3A_179 = tpu.vector_load %arg4[%get3A_177, %get3A_178] {strides = array<i32>} : memref<16x1536xf32, #tpu.memory_space<vmem>>, vector<16xf32>,
          %mul3A_180 = arith.constant 16 : i32
          %mul3A_181 = arith.muli %scan3A_160, %mul3A_180 : i32
          %get3A_182 = arith.constant 3 : i32
          %get3A_183 = arith.index_cast %get3A_182 : i32 to index
          %get3A_184 = arith.index_cast %mul3A_181 : i32 to index
          %get3A_185 = tpu.vector_load %arg4[%get3A_183, %get3A_184] {strides = array<i32>} : memref<16x1536xf32, #tpu.memory_space<vmem>>, vector<16xf32>,
          %mul3A_186 = arith.constant 16 : i32
          %mul3A_187 = arith.muli %scan3A_160, %mul3A_186 : i32
          %get3A_188 = arith.constant 4 : i32
          %get3A_189 = arith.index_cast %get3A_188 : i32 to index
          %get3A_190 = arith.index_cast %mul3A_187 : i32 to index
          %get3A_191 = tpu.vector_load %arg4[%get3A_189, %get3A_190] {strides = array<i32>} : memref<16x1536xf32, #tpu.memory_space<vmem>>, vector<16xf32>,
          %mul3A_192 = arith.constant 16 : i32
          %mul3A_193 = arith.muli %scan3A_160, %mul3A_192 : i32
          %get3A_194 = arith.constant 5 : i32
          %get3A_195 = arith.index_cast %get3A_194 : i32 to index
          %get3A_196 = arith.index_cast %mul3A_193 : i32 to index
          %get3A_197 = tpu.vector_load %arg4[%get3A_195, %get3A_196] {strides = array<i32>} : memref<16x1536xf32, #tpu.memory_space<vmem>>, vector<16xf32>,
          %mul3A_198 = arith.constant 16 : i32
          %mul3A_199 = arith.muli %scan3A_160, %mul3A_198 : i32
          %get3A_200 = arith.constant 6 : i32
          %get3A_201 = arith.index_cast %get3A_200 : i32 to index
          %get3A_202 = arith.index_cast %mul3A_199 : i32 to index
          %get3A_203 = tpu.vector_load %arg4[%get3A_201, %get3A_202] {strides = array<i32>} : memref<16x1536xf32, #tpu.memory_space<vmem>>, vector<16xf32>,
          %mul3A_204 = arith.constant 16 : i32
          %mul3A_205 = arith.muli %scan3A_160, %mul3A_204 : i32
          %get3A_206 = arith.constant 7 : i32
          %get3A_207 = arith.index_cast %get3A_206 : i32 to index
          %get3A_208 = arith.index_cast %mul3A_205 : i32 to index
          %get3A_209 = tpu.vector_load %arg4[%get3A_207, %get3A_208] {strides = array<i32>} : memref<16x1536xf32, #tpu.memory_space<vmem>>, vector<16xf32>,
          %mul3A_210 = arith.constant 16 : i32
          %mul3A_211 = arith.muli %scan3A_160, %mul3A_210 : i32
          %get3A_212 = arith.constant 8 : i32
          %get3A_213 = arith.index_cast %get3A_212 : i32 to index
          %get3A_214 = arith.index_cast %mul3A_211 : i32 to index
          %get3A_215 = tpu.vector_load %arg4[%get3A_213, %get3A_214] {strides = array<i32>} : memref<16x1536xf32, #tpu.memory_space<vmem>>, vector<16xf32>,
          %mul3A_216 = arith.constant 16 : i32
          %mul3A_217 = arith.muli %scan3A_160, %mul3A_216 : i32
          %get3A_218 = arith.constant 9 : i32
          %get3A_219 = arith.index_cast %get3A_218 : i32 to index
          %get3A_220 = arith.index_cast %mul3A_217 : i32 to index
          %get3A_221 = tpu.vector_load %arg4[%get3A_219, %get3A_220] {strides = array<i32>} : memref<16x1536xf32, #tpu.memory_space<vmem>>, vector<16xf32>,
          %mul3A_222 = arith.constant 16 : i32
          %mul3A_223 = arith.muli %scan3A_160, %mul3A_222 : i32
          %get3A_224 = arith.constant 10 : i32
          %get3A_225 = arith.index_cast %get3A_224 : i32 to index
          %get3A_226 = arith.index_cast %mul3A_223 : i32 to index
          %get3A_227 = tpu.vector_load %arg4[%get3A_225, %get3A_226] {strides = array<i32>} : memref<16x1536xf32, #tpu.memory_space<vmem>>, vector<16xf32>,
          %mul3A_228 = arith.constant 16 : i32
          %mul3A_229 = arith.muli %scan3A_160, %mul3A_228 : i32
          %get3A_230 = arith.constant 11 : i32
          %get3A_231 = arith.index_cast %get3A_230 : i32 to index
          %get3A_232 = arith.index_cast %mul3A_229 : i32 to index
          %get3A_233 = tpu.vector_load %arg4[%get3A_231, %get3A_232] {strides = array<i32>} : memref<16x1536xf32, #tpu.memory_space<vmem>>, vector<16xf32>,
          %mul3A_234 = arith.constant 16 : i32
          %mul3A_235 = arith.muli %scan3A_160, %mul3A_234 : i32
          %get3A_236 = arith.constant 12 : i32
          %get3A_237 = arith.index_cast %get3A_236 : i32 to index
          %get3A_238 = arith.index_cast %mul3A_235 : i32 to index
          %get3A_239 = tpu.vector_load %arg4[%get3A_237, %get3A_238] {strides = array<i32>} : memref<16x1536xf32, #tpu.memory_space<vmem>>, vector<16xf32>,
          %mul3A_240 = arith.constant 16 : i32
          %mul3A_241 = arith.muli %scan3A_160, %mul3A_240 : i32
          %get3A_242 = arith.constant 13 : i32
          %get3A_243 = arith.index_cast %get3A_242 : i32 to index
          %get3A_244 = arith.index_cast %mul3A_241 : i32 to index
          %get3A_245 = tpu.vector_load %arg4[%get3A_243, %get3A_244] {strides = array<i32>} : memref<16x1536xf32, #tpu.memory_space<vmem>>, vector<16xf32>,
          %mul3A_246 = arith.constant 16 : i32
          %mul3A_247 = arith.muli %scan3A_160, %mul3A_246 : i32
          %get3A_248 = arith.constant 14 : i32
          %get3A_249 = arith.index_cast %get3A_248 : i32 to index
          %get3A_250 = arith.index_cast %mul3A_247 : i32 to index
          %get3A_251 = tpu.vector_load %arg4[%get3A_249, %get3A_250] {strides = array<i32>} : memref<16x1536xf32, #tpu.memory_space<vmem>>, vector<16xf32>,
          %mul3A_252 = arith.constant 16 : i32
          %mul3A_253 = arith.muli %scan3A_160, %mul3A_252 : i32
          %get3A_254 = arith.constant 15 : i32
          %get3A_255 = arith.index_cast %get3A_254 : i32 to index
          %get3A_256 = arith.index_cast %mul3A_253 : i32 to index
          %get3A_257 = tpu.vector_load %arg4[%get3A_255, %get3A_256] {strides = array<i32>} : memref<16x1536xf32, #tpu.memory_space<vmem>>, vector<16xf32>,
          %scatter3A = tpu.memref_slice %arg6[%mul3A_162] : memref<24592xf32, #tpu.memory_space<vmem>> -> memref<256xf32, #tpu.memory_space<vmem>>
          tpu.vector_store_idx %scatter3A[%add3A_94], %get3A_167 : memref<256xf32, #tpu.memory_space<vmem>>[vector<16xi32>], vector<16xf32>,
          %scatter3A_258 = tpu.memref_slice %arg6[%mul3A_162] : memref<24592xf32, #tpu.memory_space<vmem>> -> memref<256xf32, #tpu.memory_space<vmem>>
          tpu.vector_store_idx %scatter3A_258[%add3A_97], %get3A_173 : memref<256xf32, #tpu.memory_space<vmem>>[vector<16xi32>], vector<16xf32>,
          %scatter3A_259 = tpu.memref_slice %arg6[%mul3A_162] : memref<24592xf32, #tpu.memory_space<vmem>> -> memref<256xf32, #tpu.memory_space<vmem>>
          tpu.vector_store_idx %scatter3A_259[%add3A_100], %get3A_179 : memref<256xf32, #tpu.memory_space<vmem>>[vector<16xi32>], vector<16xf32>,
          %scatter3A_260 = tpu.memref_slice %arg6[%mul3A_162] : memref<24592xf32, #tpu.memory_space<vmem>> -> memref<256xf32, #tpu.memory_space<vmem>>
          tpu.vector_store_idx %scatter3A_260[%add3A_103], %get3A_185 : memref<256xf32, #tpu.memory_space<vmem>>[vector<16xi32>], vector<16xf32>,
          %scatter3A_261 = tpu.memref_slice %arg6[%mul3A_162] : memref<24592xf32, #tpu.memory_space<vmem>> -> memref<256xf32, #tpu.memory_space<vmem>>
          tpu.vector_store_idx %scatter3A_261[%add3A_106], %get3A_191 : memref<256xf32, #tpu.memory_space<vmem>>[vector<16xi32>], vector<16xf32>,
          %scatter3A_262 = tpu.memref_slice %arg6[%mul3A_162] : memref<24592xf32, #tpu.memory_space<vmem>> -> memref<256xf32, #tpu.memory_space<vmem>>
          tpu.vector_store_idx %scatter3A_262[%add3A_109], %get3A_197 : memref<256xf32, #tpu.memory_space<vmem>>[vector<16xi32>], vector<16xf32>,
          %scatter3A_263 = tpu.memref_slice %arg6[%mul3A_162] : memref<24592xf32, #tpu.memory_space<vmem>> -> memref<256xf32, #tpu.memory_space<vmem>>
          tpu.vector_store_idx %scatter3A_263[%add3A_112], %get3A_203 : memref<256xf32, #tpu.memory_space<vmem>>[vector<16xi32>], vector<16xf32>,
          %scatter3A_264 = tpu.memref_slice %arg6[%mul3A_162] : memref<24592xf32, #tpu.memory_space<vmem>> -> memref<256xf32, #tpu.memory_space<vmem>>
          tpu.vector_store_idx %scatter3A_264[%add3A_115], %get3A_209 : memref<256xf32, #tpu.memory_space<vmem>>[vector<16xi32>], vector<16xf32>,
          %scatter3A_265 = tpu.memref_slice %arg6[%mul3A_162] : memref<24592xf32, #tpu.memory_space<vmem>> -> memref<256xf32, #tpu.memory_space<vmem>>
          tpu.vector_store_idx %scatter3A_265[%add3A_118], %get3A_215 : memref<256xf32, #tpu.memory_space<vmem>>[vector<16xi32>], vector<16xf32>,
          %scatter3A_266 = tpu.memref_slice %arg6[%mul3A_162] : memref<24592xf32, #tpu.memory_space<vmem>> -> memref<256xf32, #tpu.memory_space<vmem>>
          tpu.vector_store_idx %scatter3A_266[%add3A_121], %get3A_221 : memref<256xf32, #tpu.memory_space<vmem>>[vector<16xi32>], vector<16xf32>,
          %scatter3A_267 = tpu.memref_slice %arg6[%mul3A_162] : memref<24592xf32, #tpu.memory_space<vmem>> -> memref<256xf32, #tpu.memory_space<vmem>>
          tpu.vector_store_idx %scatter3A_267[%add3A_124], %get3A_227 : memref<256xf32, #tpu.memory_space<vmem>>[vector<16xi32>], vector<16xf32>,
          %scatter3A_268 = tpu.memref_slice %arg6[%mul3A_162] : memref<24592xf32, #tpu.memory_space<vmem>> -> memref<256xf32, #tpu.memory_space<vmem>>
          tpu.vector_store_idx %scatter3A_268[%add3A_127], %get3A_233 : memref<256xf32, #tpu.memory_space<vmem>>[vector<16xi32>], vector<16xf32>,
          %scatter3A_269 = tpu.memref_slice %arg6[%mul3A_162] : memref<24592xf32, #tpu.memory_space<vmem>> -> memref<256xf32, #tpu.memory_space<vmem>>
          tpu.vector_store_idx %scatter3A_269[%add3A_130], %get3A_239 : memref<256xf32, #tpu.memory_space<vmem>>[vector<16xi32>], vector<16xf32>,
          %scatter3A_270 = tpu.memref_slice %arg6[%mul3A_162] : memref<24592xf32, #tpu.memory_space<vmem>> -> memref<256xf32, #tpu.memory_space<vmem>>
          tpu.vector_store_idx %scatter3A_270[%add3A_133], %get3A_245 : memref<256xf32, #tpu.memory_space<vmem>>[vector<16xi32>], vector<16xf32>,
          %scatter3A_271 = tpu.memref_slice %arg6[%mul3A_162] : memref<24592xf32, #tpu.memory_space<vmem>> -> memref<256xf32, #tpu.memory_space<vmem>>
          tpu.vector_store_idx %scatter3A_271[%add3A_136], %get3A_251 : memref<256xf32, #tpu.memory_space<vmem>>[vector<16xi32>], vector<16xf32>,
          %scatter3A_272 = tpu.memref_slice %arg6[%mul3A_162] : memref<24592xf32, #tpu.memory_space<vmem>> -> memref<256xf32, #tpu.memory_space<vmem>>
          tpu.vector_store_idx %scatter3A_272[%add3A_139], %get3A_257 : memref<256xf32, #tpu.memory_space<vmem>>[vector<16xi32>], vector<16xf32>,
          %scan3A_273 = arith.constant 1 : i32
          %scan3A_274 = arith.addi %scan3A_160, %scan3A_273 : i32
          %mul3A_275 = arith.constant 256 : i32
          %mul3A_276 = arith.muli %scan3A_274, %mul3A_275 : i32
          %mul3A_277 = arith.constant 16 : i32
          %mul3A_278 = arith.muli %scan3A_274, %mul3A_277 : i32
          %get3A_279 = arith.constant 0 : i32
          %get3A_280 = arith.index_cast %get3A_279 : i32 to index
          %get3A_281 = arith.index_cast %mul3A_278 : i32 to index
          %get3A_282 = tpu.vector_load %arg4[%get3A_280, %get3A_281] {strides = array<i32>} : memref<16x1536xf32, #tpu.memory_space<vmem>>, vector<16xf32>,
          %mul3A_283 = arith.constant 16 : i32
          %mul3A_284 = arith.muli %scan3A_274, %mul3A_283 : i32
          %get3A_285 = arith.constant 1 : i32
          %get3A_286 = arith.index_cast %get3A_285 : i32 to index
          %get3A_287 = arith.index_cast %mul3A_284 : i32 to index
          %get3A_288 = tpu.vector_load %arg4[%get3A_286, %get3A_287] {strides = array<i32>} : memref<16x1536xf32, #tpu.memory_space<vmem>>, vector<16xf32>,
          %mul3A_289 = arith.constant 16 : i32
          %mul3A_290 = arith.muli %scan3A_274, %mul3A_289 : i32
          %get3A_291 = arith.constant 2 : i32
          %get3A_292 = arith.index_cast %get3A_291 : i32 to index
          %get3A_293 = arith.index_cast %mul3A_290 : i32 to index
          %get3A_294 = tpu.vector_load %arg4[%get3A_292, %get3A_293] {strides = array<i32>} : memref<16x1536xf32, #tpu.memory_space<vmem>>, vector<16xf32>,
          %mul3A_295 = arith.constant 16 : i32
          %mul3A_296 = arith.muli %scan3A_274, %mul3A_295 : i32
          %get3A_297 = arith.constant 3 : i32
          %get3A_298 = arith.index_cast %get3A_297 : i32 to index
          %get3A_299 = arith.index_cast %mul3A_296 : i32 to index
          %get3A_300 = tpu.vector_load %arg4[%get3A_298, %get3A_299] {strides = array<i32>} : memref<16x1536xf32, #tpu.memory_space<vmem>>, vector<16xf32>,
          %mul3A_301 = arith.constant 16 : i32
          %mul3A_302 = arith.muli %scan3A_274, %mul3A_301 : i32
          %get3A_303 = arith.constant 4 : i32
          %get3A_304 = arith.index_cast %get3A_303 : i32 to index
          %get3A_305 = arith.index_cast %mul3A_302 : i32 to index
          %get3A_306 = tpu.vector_load %arg4[%get3A_304, %get3A_305] {strides = array<i32>} : memref<16x1536xf32, #tpu.memory_space<vmem>>, vector<16xf32>,
          %mul3A_307 = arith.constant 16 : i32
          %mul3A_308 = arith.muli %scan3A_274, %mul3A_307 : i32
          %get3A_309 = arith.constant 5 : i32
          %get3A_310 = arith.index_cast %get3A_309 : i32 to index
          %get3A_311 = arith.index_cast %mul3A_308 : i32 to index
          %get3A_312 = tpu.vector_load %arg4[%get3A_310, %get3A_311] {strides = array<i32>} : memref<16x1536xf32, #tpu.memory_space<vmem>>, vector<16xf32>,
          %mul3A_313 = arith.constant 16 : i32
          %mul3A_314 = arith.muli %scan3A_274, %mul3A_313 : i32
          %get3A_315 = arith.constant 6 : i32
          %get3A_316 = arith.index_cast %get3A_315 : i32 to index
          %get3A_317 = arith.index_cast %mul3A_314 : i32 to index
          %get3A_318 = tpu.vector_load %arg4[%get3A_316, %get3A_317] {strides = array<i32>} : memref<16x1536xf32, #tpu.memory_space<vmem>>, vector<16xf32>,
          %mul3A_319 = arith.constant 16 : i32
          %mul3A_320 = arith.muli %scan3A_274, %mul3A_319 : i32
          %get3A_321 = arith.constant 7 : i32
          %get3A_322 = arith.index_cast %get3A_321 : i32 to index
          %get3A_323 = arith.index_cast %mul3A_320 : i32 to index
          %get3A_324 = tpu.vector_load %arg4[%get3A_322, %get3A_323] {strides = array<i32>} : memref<16x1536xf32, #tpu.memory_space<vmem>>, vector<16xf32>,
          %mul3A_325 = arith.constant 16 : i32
          %mul3A_326 = arith.muli %scan3A_274, %mul3A_325 : i32
          %get3A_327 = arith.constant 8 : i32
          %get3A_328 = arith.index_cast %get3A_327 : i32 to index
          %get3A_329 = arith.index_cast %mul3A_326 : i32 to index
          %get3A_330 = tpu.vector_load %arg4[%get3A_328, %get3A_329] {strides = array<i32>} : memref<16x1536xf32, #tpu.memory_space<vmem>>, vector<16xf32>,
          %mul3A_331 = arith.constant 16 : i32
          %mul3A_332 = arith.muli %scan3A_274, %mul3A_331 : i32
          %get3A_333 = arith.constant 9 : i32
          %get3A_334 = arith.index_cast %get3A_333 : i32 to index
          %get3A_335 = arith.index_cast %mul3A_332 : i32 to index
          %get3A_336 = tpu.vector_load %arg4[%get3A_334, %get3A_335] {strides = array<i32>} : memref<16x1536xf32, #tpu.memory_space<vmem>>, vector<16xf32>,
          %mul3A_337 = arith.constant 16 : i32
          %mul3A_338 = arith.muli %scan3A_274, %mul3A_337 : i32
          %get3A_339 = arith.constant 10 : i32
          %get3A_340 = arith.index_cast %get3A_339 : i32 to index
          %get3A_341 = arith.index_cast %mul3A_338 : i32 to index
          %get3A_342 = tpu.vector_load %arg4[%get3A_340, %get3A_341] {strides = array<i32>} : memref<16x1536xf32, #tpu.memory_space<vmem>>, vector<16xf32>,
          %mul3A_343 = arith.constant 16 : i32
          %mul3A_344 = arith.muli %scan3A_274, %mul3A_343 : i32
          %get3A_345 = arith.constant 11 : i32
          %get3A_346 = arith.index_cast %get3A_345 : i32 to index
          %get3A_347 = arith.index_cast %mul3A_344 : i32 to index
          %get3A_348 = tpu.vector_load %arg4[%get3A_346, %get3A_347] {strides = array<i32>} : memref<16x1536xf32, #tpu.memory_space<vmem>>, vector<16xf32>,
          %mul3A_349 = arith.constant 16 : i32
          %mul3A_350 = arith.muli %scan3A_274, %mul3A_349 : i32
          %get3A_351 = arith.constant 12 : i32
          %get3A_352 = arith.index_cast %get3A_351 : i32 to index
          %get3A_353 = arith.index_cast %mul3A_350 : i32 to index
          %get3A_354 = tpu.vector_load %arg4[%get3A_352, %get3A_353] {strides = array<i32>} : memref<16x1536xf32, #tpu.memory_space<vmem>>, vector<16xf32>,
          %mul3A_355 = arith.constant 16 : i32
          %mul3A_356 = arith.muli %scan3A_274, %mul3A_355 : i32
          %get3A_357 = arith.constant 13 : i32
          %get3A_358 = arith.index_cast %get3A_357 : i32 to index
          %get3A_359 = arith.index_cast %mul3A_356 : i32 to index
          %get3A_360 = tpu.vector_load %arg4[%get3A_358, %get3A_359] {strides = array<i32>} : memref<16x1536xf32, #tpu.memory_space<vmem>>, vector<16xf32>,
          %mul3A_361 = arith.constant 16 : i32
          %mul3A_362 = arith.muli %scan3A_274, %mul3A_361 : i32
          %get3A_363 = arith.constant 14 : i32
          %get3A_364 = arith.index_cast %get3A_363 : i32 to index
          %get3A_365 = arith.index_cast %mul3A_362 : i32 to index
          %get3A_366 = tpu.vector_load %arg4[%get3A_364, %get3A_365] {strides = array<i32>} : memref<16x1536xf32, #tpu.memory_space<vmem>>, vector<16xf32>,
          %mul3A_367 = arith.constant 16 : i32
          %mul3A_368 = arith.muli %scan3A_274, %mul3A_367 : i32
          %get3A_369 = arith.constant 15 : i32
          %get3A_370 = arith.index_cast %get3A_369 : i32 to index
          %get3A_371 = arith.index_cast %mul3A_368 : i32 to index
          %get3A_372 = tpu.vector_load %arg4[%get3A_370, %get3A_371] {strides = array<i32>} : memref<16x1536xf32, #tpu.memory_space<vmem>>, vector<16xf32>,
          %scatter3A_373 = tpu.memref_slice %arg6[%mul3A_276] : memref<24592xf32, #tpu.memory_space<vmem>> -> memref<256xf32, #tpu.memory_space<vmem>>
          tpu.vector_store_idx %scatter3A_373[%add3A_94], %get3A_282 : memref<256xf32, #tpu.memory_space<vmem>>[vector<16xi32>], vector<16xf32>,
          %scatter3A_374 = tpu.memref_slice %arg6[%mul3A_276] : memref<24592xf32, #tpu.memory_space<vmem>> -> memref<256xf32, #tpu.memory_space<vmem>>
          tpu.vector_store_idx %scatter3A_374[%add3A_97], %get3A_288 : memref<256xf32, #tpu.memory_space<vmem>>[vector<16xi32>], vector<16xf32>,
          %scatter3A_375 = tpu.memref_slice %arg6[%mul3A_276] : memref<24592xf32, #tpu.memory_space<vmem>> -> memref<256xf32, #tpu.memory_space<vmem>>
          tpu.vector_store_idx %scatter3A_375[%add3A_100], %get3A_294 : memref<256xf32, #tpu.memory_space<vmem>>[vector<16xi32>], vector<16xf32>,
          %scatter3A_376 = tpu.memref_slice %arg6[%mul3A_276] : memref<24592xf32, #tpu.memory_space<vmem>> -> memref<256xf32, #tpu.memory_space<vmem>>
          tpu.vector_store_idx %scatter3A_376[%add3A_103], %get3A_300 : memref<256xf32, #tpu.memory_space<vmem>>[vector<16xi32>], vector<16xf32>,
          %scatter3A_377 = tpu.memref_slice %arg6[%mul3A_276] : memref<24592xf32, #tpu.memory_space<vmem>> -> memref<256xf32, #tpu.memory_space<vmem>>
          tpu.vector_store_idx %scatter3A_377[%add3A_106], %get3A_306 : memref<256xf32, #tpu.memory_space<vmem>>[vector<16xi32>], vector<16xf32>,
          %scatter3A_378 = tpu.memref_slice %arg6[%mul3A_276] : memref<24592xf32, #tpu.memory_space<vmem>> -> memref<256xf32, #tpu.memory_space<vmem>>
          tpu.vector_store_idx %scatter3A_378[%add3A_109], %get3A_312 : memref<256xf32, #tpu.memory_space<vmem>>[vector<16xi32>], vector<16xf32>,
          %scatter3A_379 = tpu.memref_slice %arg6[%mul3A_276] : memref<24592xf32, #tpu.memory_space<vmem>> -> memref<256xf32, #tpu.memory_space<vmem>>
          tpu.vector_store_idx %scatter3A_379[%add3A_112], %get3A_318 : memref<256xf32, #tpu.memory_space<vmem>>[vector<16xi32>], vector<16xf32>,
          %scatter3A_380 = tpu.memref_slice %arg6[%mul3A_276] : memref<24592xf32, #tpu.memory_space<vmem>> -> memref<256xf32, #tpu.memory_space<vmem>>
          tpu.vector_store_idx %scatter3A_380[%add3A_115], %get3A_324 : memref<256xf32, #tpu.memory_space<vmem>>[vector<16xi32>], vector<16xf32>,
          %scatter3A_381 = tpu.memref_slice %arg6[%mul3A_276] : memref<24592xf32, #tpu.memory_space<vmem>> -> memref<256xf32, #tpu.memory_space<vmem>>
          tpu.vector_store_idx %scatter3A_381[%add3A_118], %get3A_330 : memref<256xf32, #tpu.memory_space<vmem>>[vector<16xi32>], vector<16xf32>,
          %scatter3A_382 = tpu.memref_slice %arg6[%mul3A_276] : memref<24592xf32, #tpu.memory_space<vmem>> -> memref<256xf32, #tpu.memory_space<vmem>>
          tpu.vector_store_idx %scatter3A_382[%add3A_121], %get3A_336 : memref<256xf32, #tpu.memory_space<vmem>>[vector<16xi32>], vector<16xf32>,
          %scatter3A_383 = tpu.memref_slice %arg6[%mul3A_276] : memref<24592xf32, #tpu.memory_space<vmem>> -> memref<256xf32, #tpu.memory_space<vmem>>
          tpu.vector_store_idx %scatter3A_383[%add3A_124], %get3A_342 : memref<256xf32, #tpu.memory_space<vmem>>[vector<16xi32>], vector<16xf32>,
          %scatter3A_384 = tpu.memref_slice %arg6[%mul3A_276] : memref<24592xf32, #tpu.memory_space<vmem>> -> memref<256xf32, #tpu.memory_space<vmem>>
          tpu.vector_store_idx %scatter3A_384[%add3A_127], %get3A_348 : memref<256xf32, #tpu.memory_space<vmem>>[vector<16xi32>], vector<16xf32>,
          %scatter3A_385 = tpu.memref_slice %arg6[%mul3A_276] : memref<24592xf32, #tpu.memory_space<vmem>> -> memref<256xf32, #tpu.memory_space<vmem>>
          tpu.vector_store_idx %scatter3A_385[%add3A_130], %get3A_354 : memref<256xf32, #tpu.memory_space<vmem>>[vector<16xi32>], vector<16xf32>,
          %scatter3A_386 = tpu.memref_slice %arg6[%mul3A_276] : memref<24592xf32, #tpu.memory_space<vmem>> -> memref<256xf32, #tpu.memory_space<vmem>>
          tpu.vector_store_idx %scatter3A_386[%add3A_133], %get3A_360 : memref<256xf32, #tpu.memory_space<vmem>>[vector<16xi32>], vector<16xf32>,
          %scatter3A_387 = tpu.memref_slice %arg6[%mul3A_276] : memref<24592xf32, #tpu.memory_space<vmem>> -> memref<256xf32, #tpu.memory_space<vmem>>
          tpu.vector_store_idx %scatter3A_387[%add3A_136], %get3A_366 : memref<256xf32, #tpu.memory_space<vmem>>[vector<16xi32>], vector<16xf32>,
          %scatter3A_388 = tpu.memref_slice %arg6[%mul3A_276] : memref<24592xf32, #tpu.memory_space<vmem>> -> memref<256xf32, #tpu.memory_space<vmem>>
          tpu.vector_store_idx %scatter3A_388[%add3A_139], %get3A_372 : memref<256xf32, #tpu.memory_space<vmem>>[vector<16xi32>], vector<16xf32>,
        }
        %scan3A_144 = arith.constant 96 : i32
        %ge3A = arith.constant 2 : i32
        %ge3A_145 = arith.cmpi sge, %mul3A_67, %ge3A : i32
        %convert_element_type3A_146 = arith.extui %ge3A_145 : i1 to i32
        %cond3A_147 = arith.constant 0 : i32
        %cond3A_148 = arith.cmpi ne, %convert_element_type3A_146, %cond3A_147 : i32
        scf.if %cond3A_148 {
          %dma_wait3A_160 = arith.constant 0 : i32
          %dma_wait3A_161 = tpu.memref_slice %arg6[%dma_wait3A_160] : memref<24592xf32, #tpu.memory_space<vmem>> -> memref<24576xf32, #tpu.memory_space<vmem>>
          %dma_wait3A_162 = arith.constant 0 : i32
          %dma_wait3A_163 = tpu.memref_slice %arg3[%dma_wait3A_162] : memref<41601024xf32, #tpu.memory_space<hbm>> -> memref<24576xf32, #tpu.memory_space<hbm>>
          %dma_wait3A_164 = arith.constant 0 : i32
          %dma_wait3A_165 = tpu.memref_slice %arg3[%dma_wait3A_164] : memref<41601024xf32, #tpu.memory_space<hbm>> -> memref<24576xf32, #tpu.memory_space<hbm>>
          %dma_wait3A_166 = arith.constant 0 : i32
          %dma_wait3A_167 = tpu.memref_slice %arg6[%dma_wait3A_166] : memref<24592xf32, #tpu.memory_space<vmem>> -> memref<24576xf32, #tpu.memory_space<vmem>>
          tpu.wait_dma2 semaphore(%arg10 : memref<!tpu.dma_semaphore, #tpu.memory_space<semaphore_mem>>) src(%dma_wait3A_167 : memref<24576xf32, #tpu.memory_space<vmem>>) dst(%dma_wait3A_165 : memref<24576xf32, #tpu.memory_space<hbm>>)
        } else {
        }
        %add3A_149 = arith.addi %add3A_7, %mul3A_67 : i32
        %mul3A_150 = arith.constant 1536 : i32
        %mul3A_151 = arith.muli %add3A_149, %mul3A_150 : i32
        %mul3A_152 = arith.constant 16 : i32
        %mul3A_153 = arith.muli %mul3A_151, %mul3A_152 : i32
        %dma_start3A_154 = arith.constant 0 : i32
        %dma_start3A_155 = tpu.memref_slice %arg6[%dma_start3A_154] : memref<24592xf32, #tpu.memory_space<vmem>> -> memref<24576xf32, #tpu.memory_space<vmem>>
        %dma_start3A_156 = tpu.memref_slice %arg3[%mul3A_153] : memref<41601024xf32, #tpu.memory_space<hbm>> -> memref<24576xf32, #tpu.memory_space<hbm>>
        %dma_start3A_157 = tpu.memref_slice %arg3[%mul3A_153] : memref<41601024xf32, #tpu.memory_space<hbm>> -> memref<24576xf32, #tpu.memory_space<hbm>>
        %dma_start3A_158 = arith.constant 0 : i32
        %dma_start3A_159 = tpu.memref_slice %arg6[%dma_start3A_158] : memref<24592xf32, #tpu.memory_space<vmem>> -> memref<24576xf32, #tpu.memory_space<vmem>>
        tpu.enqueue_dma source(%dma_start3A_159 : memref<24576xf32, #tpu.memory_space<vmem>>) target(%dma_start3A_157 : memref<24576xf32, #tpu.memory_space<hbm>>) target_semaphore(%arg10 : memref<!tpu.dma_semaphore, #tpu.memory_space<semaphore_mem>>)
      } else {
      }
      %mul3A_72 = arith.constant 2 : i32
      %mul3A_73 = arith.muli %while3A_65, %mul3A_72 : i32
      %add3A_74 = arith.constant 1 : i32
      %add3A_75 = arith.addi %mul3A_73, %add3A_74 : i32
      %lt3A_76 = arith.cmpi slt, %add3A_75, %add3A_11 : i32
      %convert_element_type3A_77 = arith.extui %lt3A_76 : i1 to i32
      %cond3A_78 = arith.constant 0 : i32
      %cond3A_79 = arith.cmpi ne, %convert_element_type3A_77, %cond3A_78 : i32
      scf.if %cond3A_79 {
        %add3A_80 = arith.constant 1 : i32
        %add3A_81 = arith.addi %add3A_75, %add3A_80 : i32
        %lt3A_82 = arith.cmpi slt, %add3A_81, %add3A_11 : i32
        %convert_element_type3A_83 = arith.extui %lt3A_82 : i1 to i32
        %cond3A_84 = arith.constant 0 : i32
        %cond3A_85 = arith.cmpi ne, %convert_element_type3A_83, %cond3A_84 : i32
        scf.if %cond3A_85 {
          %add3A_160 = arith.constant 1 : i32
          %add3A_161 = arith.addi %add3A_75, %add3A_160 : i32
          %add3A_162 = arith.addi %add3A_7, %add3A_161 : i32
          %mul3A_163 = arith.constant 1536 : i32
          %mul3A_164 = arith.muli %add3A_162, %mul3A_163 : i32
          %dma_start3A_165 = arith.constant 0 : i32
          %dma_start3A_166 = tpu.memref_slice %arg2[%dma_start3A_165, %mul3A_164] : memref<16x2600000xf32, #tpu.memory_space<hbm>> -> memref<16x1536xf32, #tpu.memory_space<hbm>>
          %dma_start3A_167 = arith.constant 0 : i32
          %dma_start3A_168 = tpu.memref_slice %arg2[%dma_start3A_167, %mul3A_164] : memref<16x2600000xf32, #tpu.memory_space<hbm>> -> memref<16x1536xf32, #tpu.memory_space<hbm>>
          tpu.enqueue_dma source(%dma_start3A_168 : memref<16x1536xf32, #tpu.memory_space<hbm>>) target(%arg4 : memref<16x1536xf32, #tpu.memory_space<vmem>>) target_semaphore(%arg8 : memref<!tpu.dma_semaphore, #tpu.memory_space<semaphore_mem>>)
        } else {
        }
        %dma_wait3A_86 = arith.constant 0 : i32
        %dma_wait3A_87 = arith.constant 0 : i32
        %dma_wait3A_88 = tpu.memref_slice %arg2[%dma_wait3A_86, %dma_wait3A_87] : memref<16x2600000xf32, #tpu.memory_space<hbm>> -> memref<16x1536xf32, #tpu.memory_space<hbm>>
        %dma_wait3A_89 = arith.constant 0 : i32
        %dma_wait3A_90 = arith.constant 0 : i32
        %dma_wait3A_91 = tpu.memref_slice %arg2[%dma_wait3A_89, %dma_wait3A_90] : memref<16x2600000xf32, #tpu.memory_space<hbm>> -> memref<16x1536xf32, #tpu.memory_space<hbm>>
        tpu.wait_dma2 semaphore(%arg9 : memref<!tpu.dma_semaphore, #tpu.memory_space<semaphore_mem>>) src(%dma_wait3A_91 : memref<16x1536xf32, #tpu.memory_space<hbm>>) dst(%arg5 : memref<16x1536xf32, #tpu.memory_space<vmem>>)
        %add3A_92 = arith.constant 0 : i32
        %add3A_93 = vector.broadcast %add3A_92 : i32 to vector<16xi32>
        %add3A_94 = arith.addi %mul3A_3, %add3A_93 : vector<16xi32>
        %add3A_95 = arith.constant 1 : i32
        %add3A_96 = vector.broadcast %add3A_95 : i32 to vector<16xi32>
        %add3A_97 = arith.addi %mul3A_3, %add3A_96 : vector<16xi32>
        %add3A_98 = arith.constant 2 : i32
        %add3A_99 = vector.broadcast %add3A_98 : i32 to vector<16xi32>
        %add3A_100 = arith.addi %mul3A_3, %add3A_99 : vector<16xi32>
        %add3A_101 = arith.constant 3 : i32
        %add3A_102 = vector.broadcast %add3A_101 : i32 to vector<16xi32>
        %add3A_103 = arith.addi %mul3A_3, %add3A_102 : vector<16xi32>
        %add3A_104 = arith.constant 4 : i32
        %add3A_105 = vector.broadcast %add3A_104 : i32 to vector<16xi32>
        %add3A_106 = arith.addi %mul3A_3, %add3A_105 : vector<16xi32>
        %add3A_107 = arith.constant 5 : i32
        %add3A_108 = vector.broadcast %add3A_107 : i32 to vector<16xi32>
        %add3A_109 = arith.addi %mul3A_3, %add3A_108 : vector<16xi32>
        %add3A_110 = arith.constant 6 : i32
        %add3A_111 = vector.broadcast %add3A_110 : i32 to vector<16xi32>
        %add3A_112 = arith.addi %mul3A_3, %add3A_111 : vector<16xi32>
        %add3A_113 = arith.constant 7 : i32
        %add3A_114 = vector.broadcast %add3A_113 : i32 to vector<16xi32>
        %add3A_115 = arith.addi %mul3A_3, %add3A_114 : vector<16xi32>
        %add3A_116 = arith.constant 8 : i32
        %add3A_117 = vector.broadcast %add3A_116 : i32 to vector<16xi32>
        %add3A_118 = arith.addi %mul3A_3, %add3A_117 : vector<16xi32>
        %add3A_119 = arith.constant 9 : i32
        %add3A_120 = vector.broadcast %add3A_119 : i32 to vector<16xi32>
        %add3A_121 = arith.addi %mul3A_3, %add3A_120 : vector<16xi32>
        %add3A_122 = arith.constant 10 : i32
        %add3A_123 = vector.broadcast %add3A_122 : i32 to vector<16xi32>
        %add3A_124 = arith.addi %mul3A_3, %add3A_123 : vector<16xi32>
        %add3A_125 = arith.constant 11 : i32
        %add3A_126 = vector.broadcast %add3A_125 : i32 to vector<16xi32>
        %add3A_127 = arith.addi %mul3A_3, %add3A_126 : vector<16xi32>
        %add3A_128 = arith.constant 12 : i32
        %add3A_129 = vector.broadcast %add3A_128 : i32 to vector<16xi32>
        %add3A_130 = arith.addi %mul3A_3, %add3A_129 : vector<16xi32>
        %add3A_131 = arith.constant 13 : i32
        %add3A_132 = vector.broadcast %add3A_131 : i32 to vector<16xi32>
        %add3A_133 = arith.addi %mul3A_3, %add3A_132 : vector<16xi32>
        %add3A_134 = arith.constant 14 : i32
        %add3A_135 = vector.broadcast %add3A_134 : i32 to vector<16xi32>
        %add3A_136 = arith.addi %mul3A_3, %add3A_135 : vector<16xi32>
        %add3A_137 = arith.constant 15 : i32
        %add3A_138 = vector.broadcast %add3A_137 : i32 to vector<16xi32>
        %add3A_139 = arith.addi %mul3A_3, %add3A_138 : vector<16xi32>
        %scan3A = arith.constant 0 : i32
        %scan3A_140 = arith.constant 0 : i32
        %scan3A_141 = arith.constant 96 : i32
        %scan3A_142 = arith.addi %scan3A_140, %scan3A_141 : i32
        %scan3A_143 = arith.constant 2 : i32
        scf.for %scan3A_160 = %scan3A_140 to %scan3A_142 step %scan3A_143  : i32 {
          %mul3A_161 = arith.constant 256 : i32
          %mul3A_162 = arith.muli %scan3A_160, %mul3A_161 : i32
          %mul3A_163 = arith.constant 16 : i32
          %mul3A_164 = arith.muli %scan3A_160, %mul3A_163 : i32
          %get3A = arith.constant 0 : i32
          %get3A_165 = arith.index_cast %get3A : i32 to index
          %get3A_166 = arith.index_cast %mul3A_164 : i32 to index
          %get3A_167 = tpu.vector_load %arg5[%get3A_165, %get3A_166] {strides = array<i32>} : memref<16x1536xf32, #tpu.memory_space<vmem>>, vector<16xf32>,
          %mul3A_168 = arith.constant 16 : i32
          %mul3A_169 = arith.muli %scan3A_160, %mul3A_168 : i32
          %get3A_170 = arith.constant 1 : i32
          %get3A_171 = arith.index_cast %get3A_170 : i32 to index
          %get3A_172 = arith.index_cast %mul3A_169 : i32 to index
          %get3A_173 = tpu.vector_load %arg5[%get3A_171, %get3A_172] {strides = array<i32>} : memref<16x1536xf32, #tpu.memory_space<vmem>>, vector<16xf32>,
          %mul3A_174 = arith.constant 16 : i32
          %mul3A_175 = arith.muli %scan3A_160, %mul3A_174 : i32
          %get3A_176 = arith.constant 2 : i32
          %get3A_177 = arith.index_cast %get3A_176 : i32 to index
          %get3A_178 = arith.index_cast %mul3A_175 : i32 to index
          %get3A_179 = tpu.vector_load %arg5[%get3A_177, %get3A_178] {strides = array<i32>} : memref<16x1536xf32, #tpu.memory_space<vmem>>, vector<16xf32>,
          %mul3A_180 = arith.constant 16 : i32
          %mul3A_181 = arith.muli %scan3A_160, %mul3A_180 : i32
          %get3A_182 = arith.constant 3 : i32
          %get3A_183 = arith.index_cast %get3A_182 : i32 to index
          %get3A_184 = arith.index_cast %mul3A_181 : i32 to index
          %get3A_185 = tpu.vector_load %arg5[%get3A_183, %get3A_184] {strides = array<i32>} : memref<16x1536xf32, #tpu.memory_space<vmem>>, vector<16xf32>,
          %mul3A_186 = arith.constant 16 : i32
          %mul3A_187 = arith.muli %scan3A_160, %mul3A_186 : i32
          %get3A_188 = arith.constant 4 : i32
          %get3A_189 = arith.index_cast %get3A_188 : i32 to index
          %get3A_190 = arith.index_cast %mul3A_187 : i32 to index
          %get3A_191 = tpu.vector_load %arg5[%get3A_189, %get3A_190] {strides = array<i32>} : memref<16x1536xf32, #tpu.memory_space<vmem>>, vector<16xf32>,
          %mul3A_192 = arith.constant 16 : i32
          %mul3A_193 = arith.muli %scan3A_160, %mul3A_192 : i32
          %get3A_194 = arith.constant 5 : i32
          %get3A_195 = arith.index_cast %get3A_194 : i32 to index
          %get3A_196 = arith.index_cast %mul3A_193 : i32 to index
          %get3A_197 = tpu.vector_load %arg5[%get3A_195, %get3A_196] {strides = array<i32>} : memref<16x1536xf32, #tpu.memory_space<vmem>>, vector<16xf32>,
          %mul3A_198 = arith.constant 16 : i32
          %mul3A_199 = arith.muli %scan3A_160, %mul3A_198 : i32
          %get3A_200 = arith.constant 6 : i32
          %get3A_201 = arith.index_cast %get3A_200 : i32 to index
          %get3A_202 = arith.index_cast %mul3A_199 : i32 to index
          %get3A_203 = tpu.vector_load %arg5[%get3A_201, %get3A_202] {strides = array<i32>} : memref<16x1536xf32, #tpu.memory_space<vmem>>, vector<16xf32>,
          %mul3A_204 = arith.constant 16 : i32
          %mul3A_205 = arith.muli %scan3A_160, %mul3A_204 : i32
          %get3A_206 = arith.constant 7 : i32
          %get3A_207 = arith.index_cast %get3A_206 : i32 to index
          %get3A_208 = arith.index_cast %mul3A_205 : i32 to index
          %get3A_209 = tpu.vector_load %arg5[%get3A_207, %get3A_208] {strides = array<i32>} : memref<16x1536xf32, #tpu.memory_space<vmem>>, vector<16xf32>,
          %mul3A_210 = arith.constant 16 : i32
          %mul3A_211 = arith.muli %scan3A_160, %mul3A_210 : i32
          %get3A_212 = arith.constant 8 : i32
          %get3A_213 = arith.index_cast %get3A_212 : i32 to index
          %get3A_214 = arith.index_cast %mul3A_211 : i32 to index
          %get3A_215 = tpu.vector_load %arg5[%get3A_213, %get3A_214] {strides = array<i32>} : memref<16x1536xf32, #tpu.memory_space<vmem>>, vector<16xf32>,
          %mul3A_216 = arith.constant 16 : i32
          %mul3A_217 = arith.muli %scan3A_160, %mul3A_216 : i32
          %get3A_218 = arith.constant 9 : i32
          %get3A_219 = arith.index_cast %get3A_218 : i32 to index
          %get3A_220 = arith.index_cast %mul3A_217 : i32 to index
          %get3A_221 = tpu.vector_load %arg5[%get3A_219, %get3A_220] {strides = array<i32>} : memref<16x1536xf32, #tpu.memory_space<vmem>>, vector<16xf32>,
          %mul3A_222 = arith.constant 16 : i32
          %mul3A_223 = arith.muli %scan3A_160, %mul3A_222 : i32
          %get3A_224 = arith.constant 10 : i32
          %get3A_225 = arith.index_cast %get3A_224 : i32 to index
          %get3A_226 = arith.index_cast %mul3A_223 : i32 to index
          %get3A_227 = tpu.vector_load %arg5[%get3A_225, %get3A_226] {strides = array<i32>} : memref<16x1536xf32, #tpu.memory_space<vmem>>, vector<16xf32>,
          %mul3A_228 = arith.constant 16 : i32
          %mul3A_229 = arith.muli %scan3A_160, %mul3A_228 : i32
          %get3A_230 = arith.constant 11 : i32
          %get3A_231 = arith.index_cast %get3A_230 : i32 to index
          %get3A_232 = arith.index_cast %mul3A_229 : i32 to index
          %get3A_233 = tpu.vector_load %arg5[%get3A_231, %get3A_232] {strides = array<i32>} : memref<16x1536xf32, #tpu.memory_space<vmem>>, vector<16xf32>,
          %mul3A_234 = arith.constant 16 : i32
          %mul3A_235 = arith.muli %scan3A_160, %mul3A_234 : i32
          %get3A_236 = arith.constant 12 : i32
          %get3A_237 = arith.index_cast %get3A_236 : i32 to index
          %get3A_238 = arith.index_cast %mul3A_235 : i32 to index
          %get3A_239 = tpu.vector_load %arg5[%get3A_237, %get3A_238] {strides = array<i32>} : memref<16x1536xf32, #tpu.memory_space<vmem>>, vector<16xf32>,
          %mul3A_240 = arith.constant 16 : i32
          %mul3A_241 = arith.muli %scan3A_160, %mul3A_240 : i32
          %get3A_242 = arith.constant 13 : i32
          %get3A_243 = arith.index_cast %get3A_242 : i32 to index
          %get3A_244 = arith.index_cast %mul3A_241 : i32 to index
          %get3A_245 = tpu.vector_load %arg5[%get3A_243, %get3A_244] {strides = array<i32>} : memref<16x1536xf32, #tpu.memory_space<vmem>>, vector<16xf32>,
          %mul3A_246 = arith.constant 16 : i32
          %mul3A_247 = arith.muli %scan3A_160, %mul3A_246 : i32
          %get3A_248 = arith.constant 14 : i32
          %get3A_249 = arith.index_cast %get3A_248 : i32 to index
          %get3A_250 = arith.index_cast %mul3A_247 : i32 to index
          %get3A_251 = tpu.vector_load %arg5[%get3A_249, %get3A_250] {strides = array<i32>} : memref<16x1536xf32, #tpu.memory_space<vmem>>, vector<16xf32>,
          %mul3A_252 = arith.constant 16 : i32
          %mul3A_253 = arith.muli %scan3A_160, %mul3A_252 : i32
          %get3A_254 = arith.constant 15 : i32
          %get3A_255 = arith.index_cast %get3A_254 : i32 to index
          %get3A_256 = arith.index_cast %mul3A_253 : i32 to index
          %get3A_257 = tpu.vector_load %arg5[%get3A_255, %get3A_256] {strides = array<i32>} : memref<16x1536xf32, #tpu.memory_space<vmem>>, vector<16xf32>,
          %scatter3A = tpu.memref_slice %arg7[%mul3A_162] : memref<24592xf32, #tpu.memory_space<vmem>> -> memref<256xf32, #tpu.memory_space<vmem>>
          tpu.vector_store_idx %scatter3A[%add3A_94], %get3A_167 : memref<256xf32, #tpu.memory_space<vmem>>[vector<16xi32>], vector<16xf32>,
          %scatter3A_258 = tpu.memref_slice %arg7[%mul3A_162] : memref<24592xf32, #tpu.memory_space<vmem>> -> memref<256xf32, #tpu.memory_space<vmem>>
          tpu.vector_store_idx %scatter3A_258[%add3A_97], %get3A_173 : memref<256xf32, #tpu.memory_space<vmem>>[vector<16xi32>], vector<16xf32>,
          %scatter3A_259 = tpu.memref_slice %arg7[%mul3A_162] : memref<24592xf32, #tpu.memory_space<vmem>> -> memref<256xf32, #tpu.memory_space<vmem>>
          tpu.vector_store_idx %scatter3A_259[%add3A_100], %get3A_179 : memref<256xf32, #tpu.memory_space<vmem>>[vector<16xi32>], vector<16xf32>,
          %scatter3A_260 = tpu.memref_slice %arg7[%mul3A_162] : memref<24592xf32, #tpu.memory_space<vmem>> -> memref<256xf32, #tpu.memory_space<vmem>>
          tpu.vector_store_idx %scatter3A_260[%add3A_103], %get3A_185 : memref<256xf32, #tpu.memory_space<vmem>>[vector<16xi32>], vector<16xf32>,
          %scatter3A_261 = tpu.memref_slice %arg7[%mul3A_162] : memref<24592xf32, #tpu.memory_space<vmem>> -> memref<256xf32, #tpu.memory_space<vmem>>
          tpu.vector_store_idx %scatter3A_261[%add3A_106], %get3A_191 : memref<256xf32, #tpu.memory_space<vmem>>[vector<16xi32>], vector<16xf32>,
          %scatter3A_262 = tpu.memref_slice %arg7[%mul3A_162] : memref<24592xf32, #tpu.memory_space<vmem>> -> memref<256xf32, #tpu.memory_space<vmem>>
          tpu.vector_store_idx %scatter3A_262[%add3A_109], %get3A_197 : memref<256xf32, #tpu.memory_space<vmem>>[vector<16xi32>], vector<16xf32>,
          %scatter3A_263 = tpu.memref_slice %arg7[%mul3A_162] : memref<24592xf32, #tpu.memory_space<vmem>> -> memref<256xf32, #tpu.memory_space<vmem>>
          tpu.vector_store_idx %scatter3A_263[%add3A_112], %get3A_203 : memref<256xf32, #tpu.memory_space<vmem>>[vector<16xi32>], vector<16xf32>,
          %scatter3A_264 = tpu.memref_slice %arg7[%mul3A_162] : memref<24592xf32, #tpu.memory_space<vmem>> -> memref<256xf32, #tpu.memory_space<vmem>>
          tpu.vector_store_idx %scatter3A_264[%add3A_115], %get3A_209 : memref<256xf32, #tpu.memory_space<vmem>>[vector<16xi32>], vector<16xf32>,
          %scatter3A_265 = tpu.memref_slice %arg7[%mul3A_162] : memref<24592xf32, #tpu.memory_space<vmem>> -> memref<256xf32, #tpu.memory_space<vmem>>
          tpu.vector_store_idx %scatter3A_265[%add3A_118], %get3A_215 : memref<256xf32, #tpu.memory_space<vmem>>[vector<16xi32>], vector<16xf32>,
          %scatter3A_266 = tpu.memref_slice %arg7[%mul3A_162] : memref<24592xf32, #tpu.memory_space<vmem>> -> memref<256xf32, #tpu.memory_space<vmem>>
          tpu.vector_store_idx %scatter3A_266[%add3A_121], %get3A_221 : memref<256xf32, #tpu.memory_space<vmem>>[vector<16xi32>], vector<16xf32>,
          %scatter3A_267 = tpu.memref_slice %arg7[%mul3A_162] : memref<24592xf32, #tpu.memory_space<vmem>> -> memref<256xf32, #tpu.memory_space<vmem>>
          tpu.vector_store_idx %scatter3A_267[%add3A_124], %get3A_227 : memref<256xf32, #tpu.memory_space<vmem>>[vector<16xi32>], vector<16xf32>,
          %scatter3A_268 = tpu.memref_slice %arg7[%mul3A_162] : memref<24592xf32, #tpu.memory_space<vmem>> -> memref<256xf32, #tpu.memory_space<vmem>>
          tpu.vector_store_idx %scatter3A_268[%add3A_127], %get3A_233 : memref<256xf32, #tpu.memory_space<vmem>>[vector<16xi32>], vector<16xf32>,
          %scatter3A_269 = tpu.memref_slice %arg7[%mul3A_162] : memref<24592xf32, #tpu.memory_space<vmem>> -> memref<256xf32, #tpu.memory_space<vmem>>
          tpu.vector_store_idx %scatter3A_269[%add3A_130], %get3A_239 : memref<256xf32, #tpu.memory_space<vmem>>[vector<16xi32>], vector<16xf32>,
          %scatter3A_270 = tpu.memref_slice %arg7[%mul3A_162] : memref<24592xf32, #tpu.memory_space<vmem>> -> memref<256xf32, #tpu.memory_space<vmem>>
          tpu.vector_store_idx %scatter3A_270[%add3A_133], %get3A_245 : memref<256xf32, #tpu.memory_space<vmem>>[vector<16xi32>], vector<16xf32>,
          %scatter3A_271 = tpu.memref_slice %arg7[%mul3A_162] : memref<24592xf32, #tpu.memory_space<vmem>> -> memref<256xf32, #tpu.memory_space<vmem>>
          tpu.vector_store_idx %scatter3A_271[%add3A_136], %get3A_251 : memref<256xf32, #tpu.memory_space<vmem>>[vector<16xi32>], vector<16xf32>,
          %scatter3A_272 = tpu.memref_slice %arg7[%mul3A_162] : memref<24592xf32, #tpu.memory_space<vmem>> -> memref<256xf32, #tpu.memory_space<vmem>>
          tpu.vector_store_idx %scatter3A_272[%add3A_139], %get3A_257 : memref<256xf32, #tpu.memory_space<vmem>>[vector<16xi32>], vector<16xf32>,
          %scan3A_273 = arith.constant 1 : i32
          %scan3A_274 = arith.addi %scan3A_160, %scan3A_273 : i32
          %mul3A_275 = arith.constant 256 : i32
          %mul3A_276 = arith.muli %scan3A_274, %mul3A_275 : i32
          %mul3A_277 = arith.constant 16 : i32
          %mul3A_278 = arith.muli %scan3A_274, %mul3A_277 : i32
          %get3A_279 = arith.constant 0 : i32
          %get3A_280 = arith.index_cast %get3A_279 : i32 to index
          %get3A_281 = arith.index_cast %mul3A_278 : i32 to index
          %get3A_282 = tpu.vector_load %arg5[%get3A_280, %get3A_281] {strides = array<i32>} : memref<16x1536xf32, #tpu.memory_space<vmem>>, vector<16xf32>,
          %mul3A_283 = arith.constant 16 : i32
          %mul3A_284 = arith.muli %scan3A_274, %mul3A_283 : i32
          %get3A_285 = arith.constant 1 : i32
          %get3A_286 = arith.index_cast %get3A_285 : i32 to index
          %get3A_287 = arith.index_cast %mul3A_284 : i32 to index
          %get3A_288 = tpu.vector_load %arg5[%get3A_286, %get3A_287] {strides = array<i32>} : memref<16x1536xf32, #tpu.memory_space<vmem>>, vector<16xf32>,
          %mul3A_289 = arith.constant 16 : i32
          %mul3A_290 = arith.muli %scan3A_274, %mul3A_289 : i32
          %get3A_291 = arith.constant 2 : i32
          %get3A_292 = arith.index_cast %get3A_291 : i32 to index
          %get3A_293 = arith.index_cast %mul3A_290 : i32 to index
          %get3A_294 = tpu.vector_load %arg5[%get3A_292, %get3A_293] {strides = array<i32>} : memref<16x1536xf32, #tpu.memory_space<vmem>>, vector<16xf32>,
          %mul3A_295 = arith.constant 16 : i32
          %mul3A_296 = arith.muli %scan3A_274, %mul3A_295 : i32
          %get3A_297 = arith.constant 3 : i32
          %get3A_298 = arith.index_cast %get3A_297 : i32 to index
          %get3A_299 = arith.index_cast %mul3A_296 : i32 to index
          %get3A_300 = tpu.vector_load %arg5[%get3A_298, %get3A_299] {strides = array<i32>} : memref<16x1536xf32, #tpu.memory_space<vmem>>, vector<16xf32>,
          %mul3A_301 = arith.constant 16 : i32
          %mul3A_302 = arith.muli %scan3A_274, %mul3A_301 : i32
          %get3A_303 = arith.constant 4 : i32
          %get3A_304 = arith.index_cast %get3A_303 : i32 to index
          %get3A_305 = arith.index_cast %mul3A_302 : i32 to index
          %get3A_306 = tpu.vector_load %arg5[%get3A_304, %get3A_305] {strides = array<i32>} : memref<16x1536xf32, #tpu.memory_space<vmem>>, vector<16xf32>,
          %mul3A_307 = arith.constant 16 : i32
          %mul3A_308 = arith.muli %scan3A_274, %mul3A_307 : i32
          %get3A_309 = arith.constant 5 : i32
          %get3A_310 = arith.index_cast %get3A_309 : i32 to index
          %get3A_311 = arith.index_cast %mul3A_308 : i32 to index
          %get3A_312 = tpu.vector_load %arg5[%get3A_310, %get3A_311] {strides = array<i32>} : memref<16x1536xf32, #tpu.memory_space<vmem>>, vector<16xf32>,
          %mul3A_313 = arith.constant 16 : i32
          %mul3A_314 = arith.muli %scan3A_274, %mul3A_313 : i32
          %get3A_315 = arith.constant 6 : i32
          %get3A_316 = arith.index_cast %get3A_315 : i32 to index
          %get3A_317 = arith.index_cast %mul3A_314 : i32 to index
          %get3A_318 = tpu.vector_load %arg5[%get3A_316, %get3A_317] {strides = array<i32>} : memref<16x1536xf32, #tpu.memory_space<vmem>>, vector<16xf32>,
          %mul3A_319 = arith.constant 16 : i32
          %mul3A_320 = arith.muli %scan3A_274, %mul3A_319 : i32
          %get3A_321 = arith.constant 7 : i32
          %get3A_322 = arith.index_cast %get3A_321 : i32 to index
          %get3A_323 = arith.index_cast %mul3A_320 : i32 to index
          %get3A_324 = tpu.vector_load %arg5[%get3A_322, %get3A_323] {strides = array<i32>} : memref<16x1536xf32, #tpu.memory_space<vmem>>, vector<16xf32>,
          %mul3A_325 = arith.constant 16 : i32
          %mul3A_326 = arith.muli %scan3A_274, %mul3A_325 : i32
          %get3A_327 = arith.constant 8 : i32
          %get3A_328 = arith.index_cast %get3A_327 : i32 to index
          %get3A_329 = arith.index_cast %mul3A_326 : i32 to index
          %get3A_330 = tpu.vector_load %arg5[%get3A_328, %get3A_329] {strides = array<i32>} : memref<16x1536xf32, #tpu.memory_space<vmem>>, vector<16xf32>,
          %mul3A_331 = arith.constant 16 : i32
          %mul3A_332 = arith.muli %scan3A_274, %mul3A_331 : i32
          %get3A_333 = arith.constant 9 : i32
          %get3A_334 = arith.index_cast %get3A_333 : i32 to index
          %get3A_335 = arith.index_cast %mul3A_332 : i32 to index
          %get3A_336 = tpu.vector_load %arg5[%get3A_334, %get3A_335] {strides = array<i32>} : memref<16x1536xf32, #tpu.memory_space<vmem>>, vector<16xf32>,
          %mul3A_337 = arith.constant 16 : i32
          %mul3A_338 = arith.muli %scan3A_274, %mul3A_337 : i32
          %get3A_339 = arith.constant 10 : i32
          %get3A_340 = arith.index_cast %get3A_339 : i32 to index
          %get3A_341 = arith.index_cast %mul3A_338 : i32 to index
          %get3A_342 = tpu.vector_load %arg5[%get3A_340, %get3A_341] {strides = array<i32>} : memref<16x1536xf32, #tpu.memory_space<vmem>>, vector<16xf32>,
          %mul3A_343 = arith.constant 16 : i32
          %mul3A_344 = arith.muli %scan3A_274, %mul3A_343 : i32
          %get3A_345 = arith.constant 11 : i32
          %get3A_346 = arith.index_cast %get3A_345 : i32 to index
          %get3A_347 = arith.index_cast %mul3A_344 : i32 to index
          %get3A_348 = tpu.vector_load %arg5[%get3A_346, %get3A_347] {strides = array<i32>} : memref<16x1536xf32, #tpu.memory_space<vmem>>, vector<16xf32>,
          %mul3A_349 = arith.constant 16 : i32
          %mul3A_350 = arith.muli %scan3A_274, %mul3A_349 : i32
          %get3A_351 = arith.constant 12 : i32
          %get3A_352 = arith.index_cast %get3A_351 : i32 to index
          %get3A_353 = arith.index_cast %mul3A_350 : i32 to index
          %get3A_354 = tpu.vector_load %arg5[%get3A_352, %get3A_353] {strides = array<i32>} : memref<16x1536xf32, #tpu.memory_space<vmem>>, vector<16xf32>,
          %mul3A_355 = arith.constant 16 : i32
          %mul3A_356 = arith.muli %scan3A_274, %mul3A_355 : i32
          %get3A_357 = arith.constant 13 : i32
          %get3A_358 = arith.index_cast %get3A_357 : i32 to index
          %get3A_359 = arith.index_cast %mul3A_356 : i32 to index
          %get3A_360 = tpu.vector_load %arg5[%get3A_358, %get3A_359] {strides = array<i32>} : memref<16x1536xf32, #tpu.memory_space<vmem>>, vector<16xf32>,
          %mul3A_361 = arith.constant 16 : i32
          %mul3A_362 = arith.muli %scan3A_274, %mul3A_361 : i32
          %get3A_363 = arith.constant 14 : i32
          %get3A_364 = arith.index_cast %get3A_363 : i32 to index
          %get3A_365 = arith.index_cast %mul3A_362 : i32 to index
          %get3A_366 = tpu.vector_load %arg5[%get3A_364, %get3A_365] {strides = array<i32>} : memref<16x1536xf32, #tpu.memory_space<vmem>>, vector<16xf32>,
          %mul3A_367 = arith.constant 16 : i32
          %mul3A_368 = arith.muli %scan3A_274, %mul3A_367 : i32
          %get3A_369 = arith.constant 15 : i32
          %get3A_370 = arith.index_cast %get3A_369 : i32 to index
          %get3A_371 = arith.index_cast %mul3A_368 : i32 to index
          %get3A_372 = tpu.vector_load %arg5[%get3A_370, %get3A_371] {strides = array<i32>} : memref<16x1536xf32, #tpu.memory_space<vmem>>, vector<16xf32>,
          %scatter3A_373 = tpu.memref_slice %arg7[%mul3A_276] : memref<24592xf32, #tpu.memory_space<vmem>> -> memref<256xf32, #tpu.memory_space<vmem>>
          tpu.vector_store_idx %scatter3A_373[%add3A_94], %get3A_282 : memref<256xf32, #tpu.memory_space<vmem>>[vector<16xi32>], vector<16xf32>,
          %scatter3A_374 = tpu.memref_slice %arg7[%mul3A_276] : memref<24592xf32, #tpu.memory_space<vmem>> -> memref<256xf32, #tpu.memory_space<vmem>>
          tpu.vector_store_idx %scatter3A_374[%add3A_97], %get3A_288 : memref<256xf32, #tpu.memory_space<vmem>>[vector<16xi32>], vector<16xf32>,
          %scatter3A_375 = tpu.memref_slice %arg7[%mul3A_276] : memref<24592xf32, #tpu.memory_space<vmem>> -> memref<256xf32, #tpu.memory_space<vmem>>
          tpu.vector_store_idx %scatter3A_375[%add3A_100], %get3A_294 : memref<256xf32, #tpu.memory_space<vmem>>[vector<16xi32>], vector<16xf32>,
          %scatter3A_376 = tpu.memref_slice %arg7[%mul3A_276] : memref<24592xf32, #tpu.memory_space<vmem>> -> memref<256xf32, #tpu.memory_space<vmem>>
          tpu.vector_store_idx %scatter3A_376[%add3A_103], %get3A_300 : memref<256xf32, #tpu.memory_space<vmem>>[vector<16xi32>], vector<16xf32>,
          %scatter3A_377 = tpu.memref_slice %arg7[%mul3A_276] : memref<24592xf32, #tpu.memory_space<vmem>> -> memref<256xf32, #tpu.memory_space<vmem>>
          tpu.vector_store_idx %scatter3A_377[%add3A_106], %get3A_306 : memref<256xf32, #tpu.memory_space<vmem>>[vector<16xi32>], vector<16xf32>,
          %scatter3A_378 = tpu.memref_slice %arg7[%mul3A_276] : memref<24592xf32, #tpu.memory_space<vmem>> -> memref<256xf32, #tpu.memory_space<vmem>>
          tpu.vector_store_idx %scatter3A_378[%add3A_109], %get3A_312 : memref<256xf32, #tpu.memory_space<vmem>>[vector<16xi32>], vector<16xf32>,
          %scatter3A_379 = tpu.memref_slice %arg7[%mul3A_276] : memref<24592xf32, #tpu.memory_space<vmem>> -> memref<256xf32, #tpu.memory_space<vmem>>
          tpu.vector_store_idx %scatter3A_379[%add3A_112], %get3A_318 : memref<256xf32, #tpu.memory_space<vmem>>[vector<16xi32>], vector<16xf32>,
          %scatter3A_380 = tpu.memref_slice %arg7[%mul3A_276] : memref<24592xf32, #tpu.memory_space<vmem>> -> memref<256xf32, #tpu.memory_space<vmem>>
          tpu.vector_store_idx %scatter3A_380[%add3A_115], %get3A_324 : memref<256xf32, #tpu.memory_space<vmem>>[vector<16xi32>], vector<16xf32>,
          %scatter3A_381 = tpu.memref_slice %arg7[%mul3A_276] : memref<24592xf32, #tpu.memory_space<vmem>> -> memref<256xf32, #tpu.memory_space<vmem>>
          tpu.vector_store_idx %scatter3A_381[%add3A_118], %get3A_330 : memref<256xf32, #tpu.memory_space<vmem>>[vector<16xi32>], vector<16xf32>,
          %scatter3A_382 = tpu.memref_slice %arg7[%mul3A_276] : memref<24592xf32, #tpu.memory_space<vmem>> -> memref<256xf32, #tpu.memory_space<vmem>>
          tpu.vector_store_idx %scatter3A_382[%add3A_121], %get3A_336 : memref<256xf32, #tpu.memory_space<vmem>>[vector<16xi32>], vector<16xf32>,
          %scatter3A_383 = tpu.memref_slice %arg7[%mul3A_276] : memref<24592xf32, #tpu.memory_space<vmem>> -> memref<256xf32, #tpu.memory_space<vmem>>
          tpu.vector_store_idx %scatter3A_383[%add3A_124], %get3A_342 : memref<256xf32, #tpu.memory_space<vmem>>[vector<16xi32>], vector<16xf32>,
          %scatter3A_384 = tpu.memref_slice %arg7[%mul3A_276] : memref<24592xf32, #tpu.memory_space<vmem>> -> memref<256xf32, #tpu.memory_space<vmem>>
          tpu.vector_store_idx %scatter3A_384[%add3A_127], %get3A_348 : memref<256xf32, #tpu.memory_space<vmem>>[vector<16xi32>], vector<16xf32>,
          %scatter3A_385 = tpu.memref_slice %arg7[%mul3A_276] : memref<24592xf32, #tpu.memory_space<vmem>> -> memref<256xf32, #tpu.memory_space<vmem>>
          tpu.vector_store_idx %scatter3A_385[%add3A_130], %get3A_354 : memref<256xf32, #tpu.memory_space<vmem>>[vector<16xi32>], vector<16xf32>,
          %scatter3A_386 = tpu.memref_slice %arg7[%mul3A_276] : memref<24592xf32, #tpu.memory_space<vmem>> -> memref<256xf32, #tpu.memory_space<vmem>>
          tpu.vector_store_idx %scatter3A_386[%add3A_133], %get3A_360 : memref<256xf32, #tpu.memory_space<vmem>>[vector<16xi32>], vector<16xf32>,
          %scatter3A_387 = tpu.memref_slice %arg7[%mul3A_276] : memref<24592xf32, #tpu.memory_space<vmem>> -> memref<256xf32, #tpu.memory_space<vmem>>
          tpu.vector_store_idx %scatter3A_387[%add3A_136], %get3A_366 : memref<256xf32, #tpu.memory_space<vmem>>[vector<16xi32>], vector<16xf32>,
          %scatter3A_388 = tpu.memref_slice %arg7[%mul3A_276] : memref<24592xf32, #tpu.memory_space<vmem>> -> memref<256xf32, #tpu.memory_space<vmem>>
          tpu.vector_store_idx %scatter3A_388[%add3A_139], %get3A_372 : memref<256xf32, #tpu.memory_space<vmem>>[vector<16xi32>], vector<16xf32>,
        }
        %scan3A_144 = arith.constant 96 : i32
        %ge3A = arith.constant 2 : i32
        %ge3A_145 = arith.cmpi sge, %add3A_75, %ge3A : i32
        %convert_element_type3A_146 = arith.extui %ge3A_145 : i1 to i32
        %cond3A_147 = arith.constant 0 : i32
        %cond3A_148 = arith.cmpi ne, %convert_element_type3A_146, %cond3A_147 : i32
        scf.if %cond3A_148 {
          %dma_wait3A_160 = arith.constant 0 : i32
          %dma_wait3A_161 = tpu.memref_slice %arg7[%dma_wait3A_160] : memref<24592xf32, #tpu.memory_space<vmem>> -> memref<24576xf32, #tpu.memory_space<vmem>>
          %dma_wait3A_162 = arith.constant 0 : i32
          %dma_wait3A_163 = tpu.memref_slice %arg3[%dma_wait3A_162] : memref<41601024xf32, #tpu.memory_space<hbm>> -> memref<24576xf32, #tpu.memory_space<hbm>>
          %dma_wait3A_164 = arith.constant 0 : i32
          %dma_wait3A_165 = tpu.memref_slice %arg3[%dma_wait3A_164] : memref<41601024xf32, #tpu.memory_space<hbm>> -> memref<24576xf32, #tpu.memory_space<hbm>>
          %dma_wait3A_166 = arith.constant 0 : i32
          %dma_wait3A_167 = tpu.memref_slice %arg7[%dma_wait3A_166] : memref<24592xf32, #tpu.memory_space<vmem>> -> memref<24576xf32, #tpu.memory_space<vmem>>
          tpu.wait_dma2 semaphore(%arg11 : memref<!tpu.dma_semaphore, #tpu.memory_space<semaphore_mem>>) src(%dma_wait3A_167 : memref<24576xf32, #tpu.memory_space<vmem>>) dst(%dma_wait3A_165 : memref<24576xf32, #tpu.memory_space<hbm>>)
        } else {
        }
        %add3A_149 = arith.addi %add3A_7, %add3A_75 : i32
        %mul3A_150 = arith.constant 1536 : i32
        %mul3A_151 = arith.muli %add3A_149, %mul3A_150 : i32
        %mul3A_152 = arith.constant 16 : i32
        %mul3A_153 = arith.muli %mul3A_151, %mul3A_152 : i32
        %dma_start3A_154 = arith.constant 0 : i32
        %dma_start3A_155 = tpu.memref_slice %arg7[%dma_start3A_154] : memref<24592xf32, #tpu.memory_space<vmem>> -> memref<24576xf32, #tpu.memory_space<vmem>>
        %dma_start3A_156 = tpu.memref_slice %arg3[%mul3A_153] : memref<41601024xf32, #tpu.memory_space<hbm>> -> memref<24576xf32, #tpu.memory_space<hbm>>
        %dma_start3A_157 = tpu.memref_slice %arg3[%mul3A_153] : memref<41601024xf32, #tpu.memory_space<hbm>> -> memref<24576xf32, #tpu.memory_space<hbm>>
        %dma_start3A_158 = arith.constant 0 : i32
        %dma_start3A_159 = tpu.memref_slice %arg7[%dma_start3A_158] : memref<24592xf32, #tpu.memory_space<vmem>> -> memref<24576xf32, #tpu.memory_space<vmem>>
        tpu.enqueue_dma source(%dma_start3A_159 : memref<24576xf32, #tpu.memory_space<vmem>>) target(%dma_start3A_157 : memref<24576xf32, #tpu.memory_space<hbm>>) target_semaphore(%arg11 : memref<!tpu.dma_semaphore, #tpu.memory_space<semaphore_mem>>)
      } else {
      }
    }
    %dma_wait3A = arith.constant 0 : i32
    %dma_wait3A_48 = tpu.memref_slice %arg6[%dma_wait3A] : memref<24592xf32, #tpu.memory_space<vmem>> -> memref<24576xf32, #tpu.memory_space<vmem>>
    %dma_wait3A_49 = arith.constant 0 : i32
    %dma_wait3A_50 = tpu.memref_slice %arg3[%dma_wait3A_49] : memref<41601024xf32, #tpu.memory_space<hbm>> -> memref<24576xf32, #tpu.memory_space<hbm>>
    %dma_wait3A_51 = arith.constant 0 : i32
    %dma_wait3A_52 = tpu.memref_slice %arg3[%dma_wait3A_51] : memref<41601024xf32, #tpu.memory_space<hbm>> -> memref<24576xf32, #tpu.memory_space<hbm>>
    %dma_wait3A_53 = arith.constant 0 : i32
    %dma_wait3A_54 = tpu.memref_slice %arg6[%dma_wait3A_53] : memref<24592xf32, #tpu.memory_space<vmem>> -> memref<24576xf32, #tpu.memory_space<vmem>>
    tpu.wait_dma2 semaphore(%arg10 : memref<!tpu.dma_semaphore, #tpu.memory_space<semaphore_mem>>) src(%dma_wait3A_54 : memref<24576xf32, #tpu.memory_space<vmem>>) dst(%dma_wait3A_52 : memref<24576xf32, #tpu.memory_space<hbm>>)
    %dma_wait3A_55 = arith.constant 0 : i32
    %dma_wait3A_56 = tpu.memref_slice %arg7[%dma_wait3A_55] : memref<24592xf32, #tpu.memory_space<vmem>> -> memref<24576xf32, #tpu.memory_space<vmem>>
    %dma_wait3A_57 = arith.constant 0 : i32
    %dma_wait3A_58 = tpu.memref_slice %arg3[%dma_wait3A_57] : memref<41601024xf32, #tpu.memory_space<hbm>> -> memref<24576xf32, #tpu.memory_space<hbm>>
    %dma_wait3A_59 = arith.constant 0 : i32
    %dma_wait3A_60 = tpu.memref_slice %arg3[%dma_wait3A_59] : memref<41601024xf32, #tpu.memory_space<hbm>> -> memref<24576xf32, #tpu.memory_space<hbm>>
    %dma_wait3A_61 = arith.constant 0 : i32
    %dma_wait3A_62 = tpu.memref_slice %arg7[%dma_wait3A_61] : memref<24592xf32, #tpu.memory_space<vmem>> -> memref<24576xf32, #tpu.memory_space<vmem>>
    tpu.wait_dma2 semaphore(%arg11 : memref<!tpu.dma_semaphore, #tpu.memory_space<semaphore_mem>>) src(%dma_wait3A_62 : memref<24576xf32, #tpu.memory_space<vmem>>) dst(%dma_wait3A_60 : memref<24576xf32, #tpu.memory_space<hbm>>)
    %eq3A = arith.constant 31 : i32
    %eq3A_63 = arith.cmpi eq, %add3A, %eq3A : i32
    %convert_element_type3A = arith.extui %eq3A_63 : i1 to i32
    %cond3A = arith.constant 0 : i32
    %cond3A_64 = arith.cmpi ne, %convert_element_type3A, %cond3A : i32
    scf.if %cond3A_64 {
      %dma_start3A_65 = arith.constant 2598912 : i32
      %dma_start3A_66 = arith.constant 0 : i32
      %dma_start3A_67 = arith.constant 0 : i32
      %dma_start3A_68 = tpu.memref_slice %arg4[%dma_start3A_66, %dma_start3A_67] : memref<16x1536xf32, #tpu.memory_space<vmem>> -> memref<16x1152xf32, #tpu.memory_space<vmem>>
      %dma_start3A_69 = arith.constant 0 : i32
      %dma_start3A_70 = tpu.memref_slice %arg2[%dma_start3A_69, %dma_start3A_65] : memref<16x2600000xf32, #tpu.memory_space<hbm>> -> memref<16x1152xf32, #tpu.memory_space<hbm>>
      %dma_start3A_71 = arith.constant 0 : i32
      %dma_start3A_72 = arith.constant 0 : i32
      %dma_start3A_73 = tpu.memref_slice %arg4[%dma_start3A_71, %dma_start3A_72] : memref<16x1536xf32, #tpu.memory_space<vmem>> -> memref<16x1152xf32, #tpu.memory_space<vmem>>
      %dma_start3A_74 = arith.constant 0 : i32
      %dma_start3A_75 = tpu.memref_slice %arg2[%dma_start3A_74, %dma_start3A_65] : memref<16x2600000xf32, #tpu.memory_space<hbm>> -> memref<16x1152xf32, #tpu.memory_space<hbm>>
      tpu.enqueue_dma source(%dma_start3A_75 : memref<16x1152xf32, #tpu.memory_space<hbm>>) target(%dma_start3A_73 : memref<16x1152xf32, #tpu.memory_space<vmem>>) target_semaphore(%arg8 : memref<!tpu.dma_semaphore, #tpu.memory_space<semaphore_mem>>)
      %dma_wait3A_76 = arith.constant 2598912 : i32
      %dma_wait3A_77 = arith.constant 0 : i32
      %dma_wait3A_78 = arith.constant 0 : i32
      %dma_wait3A_79 = tpu.memref_slice %arg4[%dma_wait3A_77, %dma_wait3A_78] : memref<16x1536xf32, #tpu.memory_space<vmem>> -> memref<16x1152xf32, #tpu.memory_space<vmem>>
      %dma_wait3A_80 = arith.constant 0 : i32
      %dma_wait3A_81 = tpu.memref_slice %arg2[%dma_wait3A_80, %dma_wait3A_76] : memref<16x2600000xf32, #tpu.memory_space<hbm>> -> memref<16x1152xf32, #tpu.memory_space<hbm>>
      %dma_wait3A_82 = arith.constant 0 : i32
      %dma_wait3A_83 = arith.constant 0 : i32
      %dma_wait3A_84 = tpu.memref_slice %arg4[%dma_wait3A_82, %dma_wait3A_83] : memref<16x1536xf32, #tpu.memory_space<vmem>> -> memref<16x1152xf32, #tpu.memory_space<vmem>>
      %dma_wait3A_85 = arith.constant 0 : i32
      %dma_wait3A_86 = tpu.memref_slice %arg2[%dma_wait3A_85, %dma_wait3A_76] : memref<16x2600000xf32, #tpu.memory_space<hbm>> -> memref<16x1152xf32, #tpu.memory_space<hbm>>
      tpu.wait_dma2 semaphore(%arg8 : memref<!tpu.dma_semaphore, #tpu.memory_space<semaphore_mem>>) src(%dma_wait3A_86 : memref<16x1152xf32, #tpu.memory_space<hbm>>) dst(%dma_wait3A_84 : memref<16x1152xf32, #tpu.memory_space<vmem>>)
      %scan3A = arith.constant 0 : i32
      %scan3A_87 = arith.constant 0 : i32
      %scan3A_88 = arith.constant 72 : i32
      %scan3A_89 = arith.addi %scan3A_87, %scan3A_88 : i32
      %scan3A_90 = arith.constant 4 : i32
      scf.for %scan3A_107 = %scan3A_87 to %scan3A_89 step %scan3A_90  : i32 {
        %mul3A_108 = arith.constant 16 : i32
        %mul3A_109 = arith.muli %scan3A_107, %mul3A_108 : i32
        %get3A = arith.constant 0 : i32
        %get3A_110 = arith.index_cast %get3A : i32 to index
        %get3A_111 = arith.index_cast %mul3A_109 : i32 to index
        %get3A_112 = tpu.vector_load %arg4[%get3A_110, %get3A_111] {strides = array<i32>} : memref<16x1536xf32, #tpu.memory_space<vmem>>, vector<16xf32>,
        %mul3A_113 = arith.constant 256 : i32
        %mul3A_114 = arith.muli %scan3A_107, %mul3A_113 : i32
        %add3A_115 = arith.constant 0 : i32
        %add3A_116 = arith.addi %mul3A_114, %add3A_115 : i32
        %add3A_117 = vector.broadcast %add3A_116 : i32 to vector<16xi32>
        %add3A_118 = arith.addi %mul3A_3, %add3A_117 : vector<16xi32>
        tpu.vector_store_idx %arg6[%add3A_118], %get3A_112 : memref<24592xf32, #tpu.memory_space<vmem>>[vector<16xi32>], vector<16xf32>,
        %mul3A_119 = arith.constant 16 : i32
        %mul3A_120 = arith.muli %scan3A_107, %mul3A_119 : i32
        %get3A_121 = arith.constant 1 : i32
        %get3A_122 = arith.index_cast %get3A_121 : i32 to index
        %get3A_123 = arith.index_cast %mul3A_120 : i32 to index
        %get3A_124 = tpu.vector_load %arg4[%get3A_122, %get3A_123] {strides = array<i32>} : memref<16x1536xf32, #tpu.memory_space<vmem>>, vector<16xf32>,
        %mul3A_125 = arith.constant 256 : i32
        %mul3A_126 = arith.muli %scan3A_107, %mul3A_125 : i32
        %add3A_127 = arith.constant 1 : i32
        %add3A_128 = arith.addi %mul3A_126, %add3A_127 : i32
        %add3A_129 = vector.broadcast %add3A_128 : i32 to vector<16xi32>
        %add3A_130 = arith.addi %mul3A_3, %add3A_129 : vector<16xi32>
        tpu.vector_store_idx %arg6[%add3A_130], %get3A_124 : memref<24592xf32, #tpu.memory_space<vmem>>[vector<16xi32>], vector<16xf32>,
        %mul3A_131 = arith.constant 16 : i32
        %mul3A_132 = arith.muli %scan3A_107, %mul3A_131 : i32
        %get3A_133 = arith.constant 2 : i32
        %get3A_134 = arith.index_cast %get3A_133 : i32 to index
        %get3A_135 = arith.index_cast %mul3A_132 : i32 to index
        %get3A_136 = tpu.vector_load %arg4[%get3A_134, %get3A_135] {strides = array<i32>} : memref<16x1536xf32, #tpu.memory_space<vmem>>, vector<16xf32>,
        %mul3A_137 = arith.constant 256 : i32
        %mul3A_138 = arith.muli %scan3A_107, %mul3A_137 : i32
        %add3A_139 = arith.constant 2 : i32
        %add3A_140 = arith.addi %mul3A_138, %add3A_139 : i32
        %add3A_141 = vector.broadcast %add3A_140 : i32 to vector<16xi32>
        %add3A_142 = arith.addi %mul3A_3, %add3A_141 : vector<16xi32>
        tpu.vector_store_idx %arg6[%add3A_142], %get3A_136 : memref<24592xf32, #tpu.memory_space<vmem>>[vector<16xi32>], vector<16xf32>,
        %mul3A_143 = arith.constant 16 : i32
        %mul3A_144 = arith.muli %scan3A_107, %mul3A_143 : i32
        %get3A_145 = arith.constant 3 : i32
        %get3A_146 = arith.index_cast %get3A_145 : i32 to index
        %get3A_147 = arith.index_cast %mul3A_144 : i32 to index
        %get3A_148 = tpu.vector_load %arg4[%get3A_146, %get3A_147] {strides = array<i32>} : memref<16x1536xf32, #tpu.memory_space<vmem>>, vector<16xf32>,
        %mul3A_149 = arith.constant 256 : i32
        %mul3A_150 = arith.muli %scan3A_107, %mul3A_149 : i32
        %add3A_151 = arith.constant 3 : i32
        %add3A_152 = arith.addi %mul3A_150, %add3A_151 : i32
        %add3A_153 = vector.broadcast %add3A_152 : i32 to vector<16xi32>
        %add3A_154 = arith.addi %mul3A_3, %add3A_153 : vector<16xi32>
        tpu.vector_store_idx %arg6[%add3A_154], %get3A_148 : memref<24592xf32, #tpu.memory_space<vmem>>[vector<16xi32>], vector<16xf32>,
        %mul3A_155 = arith.constant 16 : i32
        %mul3A_156 = arith.muli %scan3A_107, %mul3A_155 : i32
        %get3A_157 = arith.constant 4 : i32
        %get3A_158 = arith.index_cast %get3A_157 : i32 to index
        %get3A_159 = arith.index_cast %mul3A_156 : i32 to index
        %get3A_160 = tpu.vector_load %arg4[%get3A_158, %get3A_159] {strides = array<i32>} : memref<16x1536xf32, #tpu.memory_space<vmem>>, vector<16xf32>,
        %mul3A_161 = arith.constant 256 : i32
        %mul3A_162 = arith.muli %scan3A_107, %mul3A_161 : i32
        %add3A_163 = arith.constant 4 : i32
        %add3A_164 = arith.addi %mul3A_162, %add3A_163 : i32
        %add3A_165 = vector.broadcast %add3A_164 : i32 to vector<16xi32>
        %add3A_166 = arith.addi %mul3A_3, %add3A_165 : vector<16xi32>
        tpu.vector_store_idx %arg6[%add3A_166], %get3A_160 : memref<24592xf32, #tpu.memory_space<vmem>>[vector<16xi32>], vector<16xf32>,
        %mul3A_167 = arith.constant 16 : i32
        %mul3A_168 = arith.muli %scan3A_107, %mul3A_167 : i32
        %get3A_169 = arith.constant 5 : i32
        %get3A_170 = arith.index_cast %get3A_169 : i32 to index
        %get3A_171 = arith.index_cast %mul3A_168 : i32 to index
        %get3A_172 = tpu.vector_load %arg4[%get3A_170, %get3A_171] {strides = array<i32>} : memref<16x1536xf32, #tpu.memory_space<vmem>>, vector<16xf32>,
        %mul3A_173 = arith.constant 256 : i32
        %mul3A_174 = arith.muli %scan3A_107, %mul3A_173 : i32
        %add3A_175 = arith.constant 5 : i32
        %add3A_176 = arith.addi %mul3A_174, %add3A_175 : i32
        %add3A_177 = vector.broadcast %add3A_176 : i32 to vector<16xi32>
        %add3A_178 = arith.addi %mul3A_3, %add3A_177 : vector<16xi32>
        tpu.vector_store_idx %arg6[%add3A_178], %get3A_172 : memref<24592xf32, #tpu.memory_space<vmem>>[vector<16xi32>], vector<16xf32>,
        %mul3A_179 = arith.constant 16 : i32
        %mul3A_180 = arith.muli %scan3A_107, %mul3A_179 : i32
        %get3A_181 = arith.constant 6 : i32
        %get3A_182 = arith.index_cast %get3A_181 : i32 to index
        %get3A_183 = arith.index_cast %mul3A_180 : i32 to index
        %get3A_184 = tpu.vector_load %arg4[%get3A_182, %get3A_183] {strides = array<i32>} : memref<16x1536xf32, #tpu.memory_space<vmem>>, vector<16xf32>,
        %mul3A_185 = arith.constant 256 : i32
        %mul3A_186 = arith.muli %scan3A_107, %mul3A_185 : i32
        %add3A_187 = arith.constant 6 : i32
        %add3A_188 = arith.addi %mul3A_186, %add3A_187 : i32
        %add3A_189 = vector.broadcast %add3A_188 : i32 to vector<16xi32>
        %add3A_190 = arith.addi %mul3A_3, %add3A_189 : vector<16xi32>
        tpu.vector_store_idx %arg6[%add3A_190], %get3A_184 : memref<24592xf32, #tpu.memory_space<vmem>>[vector<16xi32>], vector<16xf32>,
        %mul3A_191 = arith.constant 16 : i32
        %mul3A_192 = arith.muli %scan3A_107, %mul3A_191 : i32
        %get3A_193 = arith.constant 7 : i32
        %get3A_194 = arith.index_cast %get3A_193 : i32 to index
        %get3A_195 = arith.index_cast %mul3A_192 : i32 to index
        %get3A_196 = tpu.vector_load %arg4[%get3A_194, %get3A_195] {strides = array<i32>} : memref<16x1536xf32, #tpu.memory_space<vmem>>, vector<16xf32>,
        %mul3A_197 = arith.constant 256 : i32
        %mul3A_198 = arith.muli %scan3A_107, %mul3A_197 : i32
        %add3A_199 = arith.constant 7 : i32
        %add3A_200 = arith.addi %mul3A_198, %add3A_199 : i32
        %add3A_201 = vector.broadcast %add3A_200 : i32 to vector<16xi32>
        %add3A_202 = arith.addi %mul3A_3, %add3A_201 : vector<16xi32>
        tpu.vector_store_idx %arg6[%add3A_202], %get3A_196 : memref<24592xf32, #tpu.memory_space<vmem>>[vector<16xi32>], vector<16xf32>,
        %mul3A_203 = arith.constant 16 : i32
        %mul3A_204 = arith.muli %scan3A_107, %mul3A_203 : i32
        %get3A_205 = arith.constant 8 : i32
        %get3A_206 = arith.index_cast %get3A_205 : i32 to index
        %get3A_207 = arith.index_cast %mul3A_204 : i32 to index
        %get3A_208 = tpu.vector_load %arg4[%get3A_206, %get3A_207] {strides = array<i32>} : memref<16x1536xf32, #tpu.memory_space<vmem>>, vector<16xf32>,
        %mul3A_209 = arith.constant 256 : i32
        %mul3A_210 = arith.muli %scan3A_107, %mul3A_209 : i32
        %add3A_211 = arith.constant 8 : i32
        %add3A_212 = arith.addi %mul3A_210, %add3A_211 : i32
        %add3A_213 = vector.broadcast %add3A_212 : i32 to vector<16xi32>
        %add3A_214 = arith.addi %mul3A_3, %add3A_213 : vector<16xi32>
        tpu.vector_store_idx %arg6[%add3A_214], %get3A_208 : memref<24592xf32, #tpu.memory_space<vmem>>[vector<16xi32>], vector<16xf32>,
        %mul3A_215 = arith.constant 16 : i32
        %mul3A_216 = arith.muli %scan3A_107, %mul3A_215 : i32
        %get3A_217 = arith.constant 9 : i32
        %get3A_218 = arith.index_cast %get3A_217 : i32 to index
        %get3A_219 = arith.index_cast %mul3A_216 : i32 to index
        %get3A_220 = tpu.vector_load %arg4[%get3A_218, %get3A_219] {strides = array<i32>} : memref<16x1536xf32, #tpu.memory_space<vmem>>, vector<16xf32>,
        %mul3A_221 = arith.constant 256 : i32
        %mul3A_222 = arith.muli %scan3A_107, %mul3A_221 : i32
        %add3A_223 = arith.constant 9 : i32
        %add3A_224 = arith.addi %mul3A_222, %add3A_223 : i32
        %add3A_225 = vector.broadcast %add3A_224 : i32 to vector<16xi32>
        %add3A_226 = arith.addi %mul3A_3, %add3A_225 : vector<16xi32>
        tpu.vector_store_idx %arg6[%add3A_226], %get3A_220 : memref<24592xf32, #tpu.memory_space<vmem>>[vector<16xi32>], vector<16xf32>,
        %mul3A_227 = arith.constant 16 : i32
        %mul3A_228 = arith.muli %scan3A_107, %mul3A_227 : i32
        %get3A_229 = arith.constant 10 : i32
        %get3A_230 = arith.index_cast %get3A_229 : i32 to index
        %get3A_231 = arith.index_cast %mul3A_228 : i32 to index
        %get3A_232 = tpu.vector_load %arg4[%get3A_230, %get3A_231] {strides = array<i32>} : memref<16x1536xf32, #tpu.memory_space<vmem>>, vector<16xf32>,
        %mul3A_233 = arith.constant 256 : i32
        %mul3A_234 = arith.muli %scan3A_107, %mul3A_233 : i32
        %add3A_235 = arith.constant 10 : i32
        %add3A_236 = arith.addi %mul3A_234, %add3A_235 : i32
        %add3A_237 = vector.broadcast %add3A_236 : i32 to vector<16xi32>
        %add3A_238 = arith.addi %mul3A_3, %add3A_237 : vector<16xi32>
        tpu.vector_store_idx %arg6[%add3A_238], %get3A_232 : memref<24592xf32, #tpu.memory_space<vmem>>[vector<16xi32>], vector<16xf32>,
        %mul3A_239 = arith.constant 16 : i32
        %mul3A_240 = arith.muli %scan3A_107, %mul3A_239 : i32
        %get3A_241 = arith.constant 11 : i32
        %get3A_242 = arith.index_cast %get3A_241 : i32 to index
        %get3A_243 = arith.index_cast %mul3A_240 : i32 to index
        %get3A_244 = tpu.vector_load %arg4[%get3A_242, %get3A_243] {strides = array<i32>} : memref<16x1536xf32, #tpu.memory_space<vmem>>, vector<16xf32>,
        %mul3A_245 = arith.constant 256 : i32
        %mul3A_246 = arith.muli %scan3A_107, %mul3A_245 : i32
        %add3A_247 = arith.constant 11 : i32
        %add3A_248 = arith.addi %mul3A_246, %add3A_247 : i32
        %add3A_249 = vector.broadcast %add3A_248 : i32 to vector<16xi32>
        %add3A_250 = arith.addi %mul3A_3, %add3A_249 : vector<16xi32>
        tpu.vector_store_idx %arg6[%add3A_250], %get3A_244 : memref<24592xf32, #tpu.memory_space<vmem>>[vector<16xi32>], vector<16xf32>,
        %mul3A_251 = arith.constant 16 : i32
        %mul3A_252 = arith.muli %scan3A_107, %mul3A_251 : i32
        %get3A_253 = arith.constant 12 : i32
        %get3A_254 = arith.index_cast %get3A_253 : i32 to index
        %get3A_255 = arith.index_cast %mul3A_252 : i32 to index
        %get3A_256 = tpu.vector_load %arg4[%get3A_254, %get3A_255] {strides = array<i32>} : memref<16x1536xf32, #tpu.memory_space<vmem>>, vector<16xf32>,
        %mul3A_257 = arith.constant 256 : i32
        %mul3A_258 = arith.muli %scan3A_107, %mul3A_257 : i32
        %add3A_259 = arith.constant 12 : i32
        %add3A_260 = arith.addi %mul3A_258, %add3A_259 : i32
        %add3A_261 = vector.broadcast %add3A_260 : i32 to vector<16xi32>
        %add3A_262 = arith.addi %mul3A_3, %add3A_261 : vector<16xi32>
        tpu.vector_store_idx %arg6[%add3A_262], %get3A_256 : memref<24592xf32, #tpu.memory_space<vmem>>[vector<16xi32>], vector<16xf32>,
        %mul3A_263 = arith.constant 16 : i32
        %mul3A_264 = arith.muli %scan3A_107, %mul3A_263 : i32
        %get3A_265 = arith.constant 13 : i32
        %get3A_266 = arith.index_cast %get3A_265 : i32 to index
        %get3A_267 = arith.index_cast %mul3A_264 : i32 to index
        %get3A_268 = tpu.vector_load %arg4[%get3A_266, %get3A_267] {strides = array<i32>} : memref<16x1536xf32, #tpu.memory_space<vmem>>, vector<16xf32>,
        %mul3A_269 = arith.constant 256 : i32
        %mul3A_270 = arith.muli %scan3A_107, %mul3A_269 : i32
        %add3A_271 = arith.constant 13 : i32
        %add3A_272 = arith.addi %mul3A_270, %add3A_271 : i32
        %add3A_273 = vector.broadcast %add3A_272 : i32 to vector<16xi32>
        %add3A_274 = arith.addi %mul3A_3, %add3A_273 : vector<16xi32>
        tpu.vector_store_idx %arg6[%add3A_274], %get3A_268 : memref<24592xf32, #tpu.memory_space<vmem>>[vector<16xi32>], vector<16xf32>,
        %mul3A_275 = arith.constant 16 : i32
        %mul3A_276 = arith.muli %scan3A_107, %mul3A_275 : i32
        %get3A_277 = arith.constant 14 : i32
        %get3A_278 = arith.index_cast %get3A_277 : i32 to index
        %get3A_279 = arith.index_cast %mul3A_276 : i32 to index
        %get3A_280 = tpu.vector_load %arg4[%get3A_278, %get3A_279] {strides = array<i32>} : memref<16x1536xf32, #tpu.memory_space<vmem>>, vector<16xf32>,
        %mul3A_281 = arith.constant 256 : i32
        %mul3A_282 = arith.muli %scan3A_107, %mul3A_281 : i32
        %add3A_283 = arith.constant 14 : i32
        %add3A_284 = arith.addi %mul3A_282, %add3A_283 : i32
        %add3A_285 = vector.broadcast %add3A_284 : i32 to vector<16xi32>
        %add3A_286 = arith.addi %mul3A_3, %add3A_285 : vector<16xi32>
        tpu.vector_store_idx %arg6[%add3A_286], %get3A_280 : memref<24592xf32, #tpu.memory_space<vmem>>[vector<16xi32>], vector<16xf32>,
        %mul3A_287 = arith.constant 16 : i32
        %mul3A_288 = arith.muli %scan3A_107, %mul3A_287 : i32
        %get3A_289 = arith.constant 15 : i32
        %get3A_290 = arith.index_cast %get3A_289 : i32 to index
        %get3A_291 = arith.index_cast %mul3A_288 : i32 to index
        %get3A_292 = tpu.vector_load %arg4[%get3A_290, %get3A_291] {strides = array<i32>} : memref<16x1536xf32, #tpu.memory_space<vmem>>, vector<16xf32>,
        %mul3A_293 = arith.constant 256 : i32
        %mul3A_294 = arith.muli %scan3A_107, %mul3A_293 : i32
        %add3A_295 = arith.constant 15 : i32
        %add3A_296 = arith.addi %mul3A_294, %add3A_295 : i32
        %add3A_297 = vector.broadcast %add3A_296 : i32 to vector<16xi32>
        %add3A_298 = arith.addi %mul3A_3, %add3A_297 : vector<16xi32>
        tpu.vector_store_idx %arg6[%add3A_298], %get3A_292 : memref<24592xf32, #tpu.memory_space<vmem>>[vector<16xi32>], vector<16xf32>,
        %scan3A_299 = arith.constant 1 : i32
        %scan3A_300 = arith.addi %scan3A_107, %scan3A_299 : i32
        %mul3A_301 = arith.constant 16 : i32
        %mul3A_302 = arith.muli %scan3A_300, %mul3A_301 : i32
        %get3A_303 = arith.constant 0 : i32
        %get3A_304 = arith.index_cast %get3A_303 : i32 to index
        %get3A_305 = arith.index_cast %mul3A_302 : i32 to index
        %get3A_306 = tpu.vector_load %arg4[%get3A_304, %get3A_305] {strides = array<i32>} : memref<16x1536xf32, #tpu.memory_space<vmem>>, vector<16xf32>,
        %mul3A_307 = arith.constant 256 : i32
        %mul3A_308 = arith.muli %scan3A_300, %mul3A_307 : i32
        %add3A_309 = arith.constant 0 : i32
        %add3A_310 = arith.addi %mul3A_308, %add3A_309 : i32
        %add3A_311 = vector.broadcast %add3A_310 : i32 to vector<16xi32>
        %add3A_312 = arith.addi %mul3A_3, %add3A_311 : vector<16xi32>
        tpu.vector_store_idx %arg6[%add3A_312], %get3A_306 : memref<24592xf32, #tpu.memory_space<vmem>>[vector<16xi32>], vector<16xf32>,
        %mul3A_313 = arith.constant 16 : i32
        %mul3A_314 = arith.muli %scan3A_300, %mul3A_313 : i32
        %get3A_315 = arith.constant 1 : i32
        %get3A_316 = arith.index_cast %get3A_315 : i32 to index
        %get3A_317 = arith.index_cast %mul3A_314 : i32 to index
        %get3A_318 = tpu.vector_load %arg4[%get3A_316, %get3A_317] {strides = array<i32>} : memref<16x1536xf32, #tpu.memory_space<vmem>>, vector<16xf32>,
        %mul3A_319 = arith.constant 256 : i32
        %mul3A_320 = arith.muli %scan3A_300, %mul3A_319 : i32
        %add3A_321 = arith.constant 1 : i32
        %add3A_322 = arith.addi %mul3A_320, %add3A_321 : i32
        %add3A_323 = vector.broadcast %add3A_322 : i32 to vector<16xi32>
        %add3A_324 = arith.addi %mul3A_3, %add3A_323 : vector<16xi32>
        tpu.vector_store_idx %arg6[%add3A_324], %get3A_318 : memref<24592xf32, #tpu.memory_space<vmem>>[vector<16xi32>], vector<16xf32>,
        %mul3A_325 = arith.constant 16 : i32
        %mul3A_326 = arith.muli %scan3A_300, %mul3A_325 : i32
        %get3A_327 = arith.constant 2 : i32
        %get3A_328 = arith.index_cast %get3A_327 : i32 to index
        %get3A_329 = arith.index_cast %mul3A_326 : i32 to index
        %get3A_330 = tpu.vector_load %arg4[%get3A_328, %get3A_329] {strides = array<i32>} : memref<16x1536xf32, #tpu.memory_space<vmem>>, vector<16xf32>,
        %mul3A_331 = arith.constant 256 : i32
        %mul3A_332 = arith.muli %scan3A_300, %mul3A_331 : i32
        %add3A_333 = arith.constant 2 : i32
        %add3A_334 = arith.addi %mul3A_332, %add3A_333 : i32
        %add3A_335 = vector.broadcast %add3A_334 : i32 to vector<16xi32>
        %add3A_336 = arith.addi %mul3A_3, %add3A_335 : vector<16xi32>
        tpu.vector_store_idx %arg6[%add3A_336], %get3A_330 : memref<24592xf32, #tpu.memory_space<vmem>>[vector<16xi32>], vector<16xf32>,
        %mul3A_337 = arith.constant 16 : i32
        %mul3A_338 = arith.muli %scan3A_300, %mul3A_337 : i32
        %get3A_339 = arith.constant 3 : i32
        %get3A_340 = arith.index_cast %get3A_339 : i32 to index
        %get3A_341 = arith.index_cast %mul3A_338 : i32 to index
        %get3A_342 = tpu.vector_load %arg4[%get3A_340, %get3A_341] {strides = array<i32>} : memref<16x1536xf32, #tpu.memory_space<vmem>>, vector<16xf32>,
        %mul3A_343 = arith.constant 256 : i32
        %mul3A_344 = arith.muli %scan3A_300, %mul3A_343 : i32
        %add3A_345 = arith.constant 3 : i32
        %add3A_346 = arith.addi %mul3A_344, %add3A_345 : i32
        %add3A_347 = vector.broadcast %add3A_346 : i32 to vector<16xi32>
        %add3A_348 = arith.addi %mul3A_3, %add3A_347 : vector<16xi32>
        tpu.vector_store_idx %arg6[%add3A_348], %get3A_342 : memref<24592xf32, #tpu.memory_space<vmem>>[vector<16xi32>], vector<16xf32>,
        %mul3A_349 = arith.constant 16 : i32
        %mul3A_350 = arith.muli %scan3A_300, %mul3A_349 : i32
        %get3A_351 = arith.constant 4 : i32
        %get3A_352 = arith.index_cast %get3A_351 : i32 to index
        %get3A_353 = arith.index_cast %mul3A_350 : i32 to index
        %get3A_354 = tpu.vector_load %arg4[%get3A_352, %get3A_353] {strides = array<i32>} : memref<16x1536xf32, #tpu.memory_space<vmem>>, vector<16xf32>,
        %mul3A_355 = arith.constant 256 : i32
        %mul3A_356 = arith.muli %scan3A_300, %mul3A_355 : i32
        %add3A_357 = arith.constant 4 : i32
        %add3A_358 = arith.addi %mul3A_356, %add3A_357 : i32
        %add3A_359 = vector.broadcast %add3A_358 : i32 to vector<16xi32>
        %add3A_360 = arith.addi %mul3A_3, %add3A_359 : vector<16xi32>
        tpu.vector_store_idx %arg6[%add3A_360], %get3A_354 : memref<24592xf32, #tpu.memory_space<vmem>>[vector<16xi32>], vector<16xf32>,
        %mul3A_361 = arith.constant 16 : i32
        %mul3A_362 = arith.muli %scan3A_300, %mul3A_361 : i32
        %get3A_363 = arith.constant 5 : i32
        %get3A_364 = arith.index_cast %get3A_363 : i32 to index
        %get3A_365 = arith.index_cast %mul3A_362 : i32 to index
        %get3A_366 = tpu.vector_load %arg4[%get3A_364, %get3A_365] {strides = array<i32>} : memref<16x1536xf32, #tpu.memory_space<vmem>>, vector<16xf32>,
        %mul3A_367 = arith.constant 256 : i32
        %mul3A_368 = arith.muli %scan3A_300, %mul3A_367 : i32
        %add3A_369 = arith.constant 5 : i32
        %add3A_370 = arith.addi %mul3A_368, %add3A_369 : i32
        %add3A_371 = vector.broadcast %add3A_370 : i32 to vector<16xi32>
        %add3A_372 = arith.addi %mul3A_3, %add3A_371 : vector<16xi32>
        tpu.vector_store_idx %arg6[%add3A_372], %get3A_366 : memref<24592xf32, #tpu.memory_space<vmem>>[vector<16xi32>], vector<16xf32>,
        %mul3A_373 = arith.constant 16 : i32
        %mul3A_374 = arith.muli %scan3A_300, %mul3A_373 : i32
        %get3A_375 = arith.constant 6 : i32
        %get3A_376 = arith.index_cast %get3A_375 : i32 to index
        %get3A_377 = arith.index_cast %mul3A_374 : i32 to index
        %get3A_378 = tpu.vector_load %arg4[%get3A_376, %get3A_377] {strides = array<i32>} : memref<16x1536xf32, #tpu.memory_space<vmem>>, vector<16xf32>,
        %mul3A_379 = arith.constant 256 : i32
        %mul3A_380 = arith.muli %scan3A_300, %mul3A_379 : i32
        %add3A_381 = arith.constant 6 : i32
        %add3A_382 = arith.addi %mul3A_380, %add3A_381 : i32
        %add3A_383 = vector.broadcast %add3A_382 : i32 to vector<16xi32>
        %add3A_384 = arith.addi %mul3A_3, %add3A_383 : vector<16xi32>
        tpu.vector_store_idx %arg6[%add3A_384], %get3A_378 : memref<24592xf32, #tpu.memory_space<vmem>>[vector<16xi32>], vector<16xf32>,
        %mul3A_385 = arith.constant 16 : i32
        %mul3A_386 = arith.muli %scan3A_300, %mul3A_385 : i32
        %get3A_387 = arith.constant 7 : i32
        %get3A_388 = arith.index_cast %get3A_387 : i32 to index
        %get3A_389 = arith.index_cast %mul3A_386 : i32 to index
        %get3A_390 = tpu.vector_load %arg4[%get3A_388, %get3A_389] {strides = array<i32>} : memref<16x1536xf32, #tpu.memory_space<vmem>>, vector<16xf32>,
        %mul3A_391 = arith.constant 256 : i32
        %mul3A_392 = arith.muli %scan3A_300, %mul3A_391 : i32
        %add3A_393 = arith.constant 7 : i32
        %add3A_394 = arith.addi %mul3A_392, %add3A_393 : i32
        %add3A_395 = vector.broadcast %add3A_394 : i32 to vector<16xi32>
        %add3A_396 = arith.addi %mul3A_3, %add3A_395 : vector<16xi32>
        tpu.vector_store_idx %arg6[%add3A_396], %get3A_390 : memref<24592xf32, #tpu.memory_space<vmem>>[vector<16xi32>], vector<16xf32>,
        %mul3A_397 = arith.constant 16 : i32
        %mul3A_398 = arith.muli %scan3A_300, %mul3A_397 : i32
        %get3A_399 = arith.constant 8 : i32
        %get3A_400 = arith.index_cast %get3A_399 : i32 to index
        %get3A_401 = arith.index_cast %mul3A_398 : i32 to index
        %get3A_402 = tpu.vector_load %arg4[%get3A_400, %get3A_401] {strides = array<i32>} : memref<16x1536xf32, #tpu.memory_space<vmem>>, vector<16xf32>,
        %mul3A_403 = arith.constant 256 : i32
        %mul3A_404 = arith.muli %scan3A_300, %mul3A_403 : i32
        %add3A_405 = arith.constant 8 : i32
        %add3A_406 = arith.addi %mul3A_404, %add3A_405 : i32
        %add3A_407 = vector.broadcast %add3A_406 : i32 to vector<16xi32>
        %add3A_408 = arith.addi %mul3A_3, %add3A_407 : vector<16xi32>
        tpu.vector_store_idx %arg6[%add3A_408], %get3A_402 : memref<24592xf32, #tpu.memory_space<vmem>>[vector<16xi32>], vector<16xf32>,
        %mul3A_409 = arith.constant 16 : i32
        %mul3A_410 = arith.muli %scan3A_300, %mul3A_409 : i32
        %get3A_411 = arith.constant 9 : i32
        %get3A_412 = arith.index_cast %get3A_411 : i32 to index
        %get3A_413 = arith.index_cast %mul3A_410 : i32 to index
        %get3A_414 = tpu.vector_load %arg4[%get3A_412, %get3A_413] {strides = array<i32>} : memref<16x1536xf32, #tpu.memory_space<vmem>>, vector<16xf32>,
        %mul3A_415 = arith.constant 256 : i32
        %mul3A_416 = arith.muli %scan3A_300, %mul3A_415 : i32
        %add3A_417 = arith.constant 9 : i32
        %add3A_418 = arith.addi %mul3A_416, %add3A_417 : i32
        %add3A_419 = vector.broadcast %add3A_418 : i32 to vector<16xi32>
        %add3A_420 = arith.addi %mul3A_3, %add3A_419 : vector<16xi32>
        tpu.vector_store_idx %arg6[%add3A_420], %get3A_414 : memref<24592xf32, #tpu.memory_space<vmem>>[vector<16xi32>], vector<16xf32>,
        %mul3A_421 = arith.constant 16 : i32
        %mul3A_422 = arith.muli %scan3A_300, %mul3A_421 : i32
        %get3A_423 = arith.constant 10 : i32
        %get3A_424 = arith.index_cast %get3A_423 : i32 to index
        %get3A_425 = arith.index_cast %mul3A_422 : i32 to index
        %get3A_426 = tpu.vector_load %arg4[%get3A_424, %get3A_425] {strides = array<i32>} : memref<16x1536xf32, #tpu.memory_space<vmem>>, vector<16xf32>,
        %mul3A_427 = arith.constant 256 : i32
        %mul3A_428 = arith.muli %scan3A_300, %mul3A_427 : i32
        %add3A_429 = arith.constant 10 : i32
        %add3A_430 = arith.addi %mul3A_428, %add3A_429 : i32
        %add3A_431 = vector.broadcast %add3A_430 : i32 to vector<16xi32>
        %add3A_432 = arith.addi %mul3A_3, %add3A_431 : vector<16xi32>
        tpu.vector_store_idx %arg6[%add3A_432], %get3A_426 : memref<24592xf32, #tpu.memory_space<vmem>>[vector<16xi32>], vector<16xf32>,
        %mul3A_433 = arith.constant 16 : i32
        %mul3A_434 = arith.muli %scan3A_300, %mul3A_433 : i32
        %get3A_435 = arith.constant 11 : i32
        %get3A_436 = arith.index_cast %get3A_435 : i32 to index
        %get3A_437 = arith.index_cast %mul3A_434 : i32 to index
        %get3A_438 = tpu.vector_load %arg4[%get3A_436, %get3A_437] {strides = array<i32>} : memref<16x1536xf32, #tpu.memory_space<vmem>>, vector<16xf32>,
        %mul3A_439 = arith.constant 256 : i32
        %mul3A_440 = arith.muli %scan3A_300, %mul3A_439 : i32
        %add3A_441 = arith.constant 11 : i32
        %add3A_442 = arith.addi %mul3A_440, %add3A_441 : i32
        %add3A_443 = vector.broadcast %add3A_442 : i32 to vector<16xi32>
        %add3A_444 = arith.addi %mul3A_3, %add3A_443 : vector<16xi32>
        tpu.vector_store_idx %arg6[%add3A_444], %get3A_438 : memref<24592xf32, #tpu.memory_space<vmem>>[vector<16xi32>], vector<16xf32>,
        %mul3A_445 = arith.constant 16 : i32
        %mul3A_446 = arith.muli %scan3A_300, %mul3A_445 : i32
        %get3A_447 = arith.constant 12 : i32
        %get3A_448 = arith.index_cast %get3A_447 : i32 to index
        %get3A_449 = arith.index_cast %mul3A_446 : i32 to index
        %get3A_450 = tpu.vector_load %arg4[%get3A_448, %get3A_449] {strides = array<i32>} : memref<16x1536xf32, #tpu.memory_space<vmem>>, vector<16xf32>,
        %mul3A_451 = arith.constant 256 : i32
        %mul3A_452 = arith.muli %scan3A_300, %mul3A_451 : i32
        %add3A_453 = arith.constant 12 : i32
        %add3A_454 = arith.addi %mul3A_452, %add3A_453 : i32
        %add3A_455 = vector.broadcast %add3A_454 : i32 to vector<16xi32>
        %add3A_456 = arith.addi %mul3A_3, %add3A_455 : vector<16xi32>
        tpu.vector_store_idx %arg6[%add3A_456], %get3A_450 : memref<24592xf32, #tpu.memory_space<vmem>>[vector<16xi32>], vector<16xf32>,
        %mul3A_457 = arith.constant 16 : i32
        %mul3A_458 = arith.muli %scan3A_300, %mul3A_457 : i32
        %get3A_459 = arith.constant 13 : i32
        %get3A_460 = arith.index_cast %get3A_459 : i32 to index
        %get3A_461 = arith.index_cast %mul3A_458 : i32 to index
        %get3A_462 = tpu.vector_load %arg4[%get3A_460, %get3A_461] {strides = array<i32>} : memref<16x1536xf32, #tpu.memory_space<vmem>>, vector<16xf32>,
        %mul3A_463 = arith.constant 256 : i32
        %mul3A_464 = arith.muli %scan3A_300, %mul3A_463 : i32
        %add3A_465 = arith.constant 13 : i32
        %add3A_466 = arith.addi %mul3A_464, %add3A_465 : i32
        %add3A_467 = vector.broadcast %add3A_466 : i32 to vector<16xi32>
        %add3A_468 = arith.addi %mul3A_3, %add3A_467 : vector<16xi32>
        tpu.vector_store_idx %arg6[%add3A_468], %get3A_462 : memref<24592xf32, #tpu.memory_space<vmem>>[vector<16xi32>], vector<16xf32>,
        %mul3A_469 = arith.constant 16 : i32
        %mul3A_470 = arith.muli %scan3A_300, %mul3A_469 : i32
        %get3A_471 = arith.constant 14 : i32
        %get3A_472 = arith.index_cast %get3A_471 : i32 to index
        %get3A_473 = arith.index_cast %mul3A_470 : i32 to index
        %get3A_474 = tpu.vector_load %arg4[%get3A_472, %get3A_473] {strides = array<i32>} : memref<16x1536xf32, #tpu.memory_space<vmem>>, vector<16xf32>,
        %mul3A_475 = arith.constant 256 : i32
        %mul3A_476 = arith.muli %scan3A_300, %mul3A_475 : i32
        %add3A_477 = arith.constant 14 : i32
        %add3A_478 = arith.addi %mul3A_476, %add3A_477 : i32
        %add3A_479 = vector.broadcast %add3A_478 : i32 to vector<16xi32>
        %add3A_480 = arith.addi %mul3A_3, %add3A_479 : vector<16xi32>
        tpu.vector_store_idx %arg6[%add3A_480], %get3A_474 : memref<24592xf32, #tpu.memory_space<vmem>>[vector<16xi32>], vector<16xf32>,
        %mul3A_481 = arith.constant 16 : i32
        %mul3A_482 = arith.muli %scan3A_300, %mul3A_481 : i32
        %get3A_483 = arith.constant 15 : i32
        %get3A_484 = arith.index_cast %get3A_483 : i32 to index
        %get3A_485 = arith.index_cast %mul3A_482 : i32 to index
        %get3A_486 = tpu.vector_load %arg4[%get3A_484, %get3A_485] {strides = array<i32>} : memref<16x1536xf32, #tpu.memory_space<vmem>>, vector<16xf32>,
        %mul3A_487 = arith.constant 256 : i32
        %mul3A_488 = arith.muli %scan3A_300, %mul3A_487 : i32
        %add3A_489 = arith.constant 15 : i32
        %add3A_490 = arith.addi %mul3A_488, %add3A_489 : i32
        %add3A_491 = vector.broadcast %add3A_490 : i32 to vector<16xi32>
        %add3A_492 = arith.addi %mul3A_3, %add3A_491 : vector<16xi32>
        tpu.vector_store_idx %arg6[%add3A_492], %get3A_486 : memref<24592xf32, #tpu.memory_space<vmem>>[vector<16xi32>], vector<16xf32>,
        %scan3A_493 = arith.constant 2 : i32
        %scan3A_494 = arith.addi %scan3A_107, %scan3A_493 : i32
        %mul3A_495 = arith.constant 16 : i32
        %mul3A_496 = arith.muli %scan3A_494, %mul3A_495 : i32
        %get3A_497 = arith.constant 0 : i32
        %get3A_498 = arith.index_cast %get3A_497 : i32 to index
        %get3A_499 = arith.index_cast %mul3A_496 : i32 to index
        %get3A_500 = tpu.vector_load %arg4[%get3A_498, %get3A_499] {strides = array<i32>} : memref<16x1536xf32, #tpu.memory_space<vmem>>, vector<16xf32>,
        %mul3A_501 = arith.constant 256 : i32
        %mul3A_502 = arith.muli %scan3A_494, %mul3A_501 : i32
        %add3A_503 = arith.constant 0 : i32
        %add3A_504 = arith.addi %mul3A_502, %add3A_503 : i32
        %add3A_505 = vector.broadcast %add3A_504 : i32 to vector<16xi32>
        %add3A_506 = arith.addi %mul3A_3, %add3A_505 : vector<16xi32>
        tpu.vector_store_idx %arg6[%add3A_506], %get3A_500 : memref<24592xf32, #tpu.memory_space<vmem>>[vector<16xi32>], vector<16xf32>,
        %mul3A_507 = arith.constant 16 : i32
        %mul3A_508 = arith.muli %scan3A_494, %mul3A_507 : i32
        %get3A_509 = arith.constant 1 : i32
        %get3A_510 = arith.index_cast %get3A_509 : i32 to index
        %get3A_511 = arith.index_cast %mul3A_508 : i32 to index
        %get3A_512 = tpu.vector_load %arg4[%get3A_510, %get3A_511] {strides = array<i32>} : memref<16x1536xf32, #tpu.memory_space<vmem>>, vector<16xf32>,
        %mul3A_513 = arith.constant 256 : i32
        %mul3A_514 = arith.muli %scan3A_494, %mul3A_513 : i32
        %add3A_515 = arith.constant 1 : i32
        %add3A_516 = arith.addi %mul3A_514, %add3A_515 : i32
        %add3A_517 = vector.broadcast %add3A_516 : i32 to vector<16xi32>
        %add3A_518 = arith.addi %mul3A_3, %add3A_517 : vector<16xi32>
        tpu.vector_store_idx %arg6[%add3A_518], %get3A_512 : memref<24592xf32, #tpu.memory_space<vmem>>[vector<16xi32>], vector<16xf32>,
        %mul3A_519 = arith.constant 16 : i32
        %mul3A_520 = arith.muli %scan3A_494, %mul3A_519 : i32
        %get3A_521 = arith.constant 2 : i32
        %get3A_522 = arith.index_cast %get3A_521 : i32 to index
        %get3A_523 = arith.index_cast %mul3A_520 : i32 to index
        %get3A_524 = tpu.vector_load %arg4[%get3A_522, %get3A_523] {strides = array<i32>} : memref<16x1536xf32, #tpu.memory_space<vmem>>, vector<16xf32>,
        %mul3A_525 = arith.constant 256 : i32
        %mul3A_526 = arith.muli %scan3A_494, %mul3A_525 : i32
        %add3A_527 = arith.constant 2 : i32
        %add3A_528 = arith.addi %mul3A_526, %add3A_527 : i32
        %add3A_529 = vector.broadcast %add3A_528 : i32 to vector<16xi32>
        %add3A_530 = arith.addi %mul3A_3, %add3A_529 : vector<16xi32>
        tpu.vector_store_idx %arg6[%add3A_530], %get3A_524 : memref<24592xf32, #tpu.memory_space<vmem>>[vector<16xi32>], vector<16xf32>,
        %mul3A_531 = arith.constant 16 : i32
        %mul3A_532 = arith.muli %scan3A_494, %mul3A_531 : i32
        %get3A_533 = arith.constant 3 : i32
        %get3A_534 = arith.index_cast %get3A_533 : i32 to index
        %get3A_535 = arith.index_cast %mul3A_532 : i32 to index
        %get3A_536 = tpu.vector_load %arg4[%get3A_534, %get3A_535] {strides = array<i32>} : memref<16x1536xf32, #tpu.memory_space<vmem>>, vector<16xf32>,
        %mul3A_537 = arith.constant 256 : i32
        %mul3A_538 = arith.muli %scan3A_494, %mul3A_537 : i32
        %add3A_539 = arith.constant 3 : i32
        %add3A_540 = arith.addi %mul3A_538, %add3A_539 : i32
        %add3A_541 = vector.broadcast %add3A_540 : i32 to vector<16xi32>
        %add3A_542 = arith.addi %mul3A_3, %add3A_541 : vector<16xi32>
        tpu.vector_store_idx %arg6[%add3A_542], %get3A_536 : memref<24592xf32, #tpu.memory_space<vmem>>[vector<16xi32>], vector<16xf32>,
        %mul3A_543 = arith.constant 16 : i32
        %mul3A_544 = arith.muli %scan3A_494, %mul3A_543 : i32
        %get3A_545 = arith.constant 4 : i32
        %get3A_546 = arith.index_cast %get3A_545 : i32 to index
        %get3A_547 = arith.index_cast %mul3A_544 : i32 to index
        %get3A_548 = tpu.vector_load %arg4[%get3A_546, %get3A_547] {strides = array<i32>} : memref<16x1536xf32, #tpu.memory_space<vmem>>, vector<16xf32>,
        %mul3A_549 = arith.constant 256 : i32
        %mul3A_550 = arith.muli %scan3A_494, %mul3A_549 : i32
        %add3A_551 = arith.constant 4 : i32
        %add3A_552 = arith.addi %mul3A_550, %add3A_551 : i32
        %add3A_553 = vector.broadcast %add3A_552 : i32 to vector<16xi32>
        %add3A_554 = arith.addi %mul3A_3, %add3A_553 : vector<16xi32>
        tpu.vector_store_idx %arg6[%add3A_554], %get3A_548 : memref<24592xf32, #tpu.memory_space<vmem>>[vector<16xi32>], vector<16xf32>,
        %mul3A_555 = arith.constant 16 : i32
        %mul3A_556 = arith.muli %scan3A_494, %mul3A_555 : i32
        %get3A_557 = arith.constant 5 : i32
        %get3A_558 = arith.index_cast %get3A_557 : i32 to index
        %get3A_559 = arith.index_cast %mul3A_556 : i32 to index
        %get3A_560 = tpu.vector_load %arg4[%get3A_558, %get3A_559] {strides = array<i32>} : memref<16x1536xf32, #tpu.memory_space<vmem>>, vector<16xf32>,
        %mul3A_561 = arith.constant 256 : i32
        %mul3A_562 = arith.muli %scan3A_494, %mul3A_561 : i32
        %add3A_563 = arith.constant 5 : i32
        %add3A_564 = arith.addi %mul3A_562, %add3A_563 : i32
        %add3A_565 = vector.broadcast %add3A_564 : i32 to vector<16xi32>
        %add3A_566 = arith.addi %mul3A_3, %add3A_565 : vector<16xi32>
        tpu.vector_store_idx %arg6[%add3A_566], %get3A_560 : memref<24592xf32, #tpu.memory_space<vmem>>[vector<16xi32>], vector<16xf32>,
        %mul3A_567 = arith.constant 16 : i32
        %mul3A_568 = arith.muli %scan3A_494, %mul3A_567 : i32
        %get3A_569 = arith.constant 6 : i32
        %get3A_570 = arith.index_cast %get3A_569 : i32 to index
        %get3A_571 = arith.index_cast %mul3A_568 : i32 to index
        %get3A_572 = tpu.vector_load %arg4[%get3A_570, %get3A_571] {strides = array<i32>} : memref<16x1536xf32, #tpu.memory_space<vmem>>, vector<16xf32>,
        %mul3A_573 = arith.constant 256 : i32
        %mul3A_574 = arith.muli %scan3A_494, %mul3A_573 : i32
        %add3A_575 = arith.constant 6 : i32
        %add3A_576 = arith.addi %mul3A_574, %add3A_575 : i32
        %add3A_577 = vector.broadcast %add3A_576 : i32 to vector<16xi32>
        %add3A_578 = arith.addi %mul3A_3, %add3A_577 : vector<16xi32>
        tpu.vector_store_idx %arg6[%add3A_578], %get3A_572 : memref<24592xf32, #tpu.memory_space<vmem>>[vector<16xi32>], vector<16xf32>,
        %mul3A_579 = arith.constant 16 : i32
        %mul3A_580 = arith.muli %scan3A_494, %mul3A_579 : i32
        %get3A_581 = arith.constant 7 : i32
        %get3A_582 = arith.index_cast %get3A_581 : i32 to index
        %get3A_583 = arith.index_cast %mul3A_580 : i32 to index
        %get3A_584 = tpu.vector_load %arg4[%get3A_582, %get3A_583] {strides = array<i32>} : memref<16x1536xf32, #tpu.memory_space<vmem>>, vector<16xf32>,
        %mul3A_585 = arith.constant 256 : i32
        %mul3A_586 = arith.muli %scan3A_494, %mul3A_585 : i32
        %add3A_587 = arith.constant 7 : i32
        %add3A_588 = arith.addi %mul3A_586, %add3A_587 : i32
        %add3A_589 = vector.broadcast %add3A_588 : i32 to vector<16xi32>
        %add3A_590 = arith.addi %mul3A_3, %add3A_589 : vector<16xi32>
        tpu.vector_store_idx %arg6[%add3A_590], %get3A_584 : memref<24592xf32, #tpu.memory_space<vmem>>[vector<16xi32>], vector<16xf32>,
        %mul3A_591 = arith.constant 16 : i32
        %mul3A_592 = arith.muli %scan3A_494, %mul3A_591 : i32
        %get3A_593 = arith.constant 8 : i32
        %get3A_594 = arith.index_cast %get3A_593 : i32 to index
        %get3A_595 = arith.index_cast %mul3A_592 : i32 to index
        %get3A_596 = tpu.vector_load %arg4[%get3A_594, %get3A_595] {strides = array<i32>} : memref<16x1536xf32, #tpu.memory_space<vmem>>, vector<16xf32>,
        %mul3A_597 = arith.constant 256 : i32
        %mul3A_598 = arith.muli %scan3A_494, %mul3A_597 : i32
        %add3A_599 = arith.constant 8 : i32
        %add3A_600 = arith.addi %mul3A_598, %add3A_599 : i32
        %add3A_601 = vector.broadcast %add3A_600 : i32 to vector<16xi32>
        %add3A_602 = arith.addi %mul3A_3, %add3A_601 : vector<16xi32>
        tpu.vector_store_idx %arg6[%add3A_602], %get3A_596 : memref<24592xf32, #tpu.memory_space<vmem>>[vector<16xi32>], vector<16xf32>,
        %mul3A_603 = arith.constant 16 : i32
        %mul3A_604 = arith.muli %scan3A_494, %mul3A_603 : i32
        %get3A_605 = arith.constant 9 : i32
        %get3A_606 = arith.index_cast %get3A_605 : i32 to index
        %get3A_607 = arith.index_cast %mul3A_604 : i32 to index
        %get3A_608 = tpu.vector_load %arg4[%get3A_606, %get3A_607] {strides = array<i32>} : memref<16x1536xf32, #tpu.memory_space<vmem>>, vector<16xf32>,
        %mul3A_609 = arith.constant 256 : i32
        %mul3A_610 = arith.muli %scan3A_494, %mul3A_609 : i32
        %add3A_611 = arith.constant 9 : i32
        %add3A_612 = arith.addi %mul3A_610, %add3A_611 : i32
        %add3A_613 = vector.broadcast %add3A_612 : i32 to vector<16xi32>
        %add3A_614 = arith.addi %mul3A_3, %add3A_613 : vector<16xi32>
        tpu.vector_store_idx %arg6[%add3A_614], %get3A_608 : memref<24592xf32, #tpu.memory_space<vmem>>[vector<16xi32>], vector<16xf32>,
        %mul3A_615 = arith.constant 16 : i32
        %mul3A_616 = arith.muli %scan3A_494, %mul3A_615 : i32
        %get3A_617 = arith.constant 10 : i32
        %get3A_618 = arith.index_cast %get3A_617 : i32 to index
        %get3A_619 = arith.index_cast %mul3A_616 : i32 to index
        %get3A_620 = tpu.vector_load %arg4[%get3A_618, %get3A_619] {strides = array<i32>} : memref<16x1536xf32, #tpu.memory_space<vmem>>, vector<16xf32>,
        %mul3A_621 = arith.constant 256 : i32
        %mul3A_622 = arith.muli %scan3A_494, %mul3A_621 : i32
        %add3A_623 = arith.constant 10 : i32
        %add3A_624 = arith.addi %mul3A_622, %add3A_623 : i32
        %add3A_625 = vector.broadcast %add3A_624 : i32 to vector<16xi32>
        %add3A_626 = arith.addi %mul3A_3, %add3A_625 : vector<16xi32>
        tpu.vector_store_idx %arg6[%add3A_626], %get3A_620 : memref<24592xf32, #tpu.memory_space<vmem>>[vector<16xi32>], vector<16xf32>,
        %mul3A_627 = arith.constant 16 : i32
        %mul3A_628 = arith.muli %scan3A_494, %mul3A_627 : i32
        %get3A_629 = arith.constant 11 : i32
        %get3A_630 = arith.index_cast %get3A_629 : i32 to index
        %get3A_631 = arith.index_cast %mul3A_628 : i32 to index
        %get3A_632 = tpu.vector_load %arg4[%get3A_630, %get3A_631] {strides = array<i32>} : memref<16x1536xf32, #tpu.memory_space<vmem>>, vector<16xf32>,
        %mul3A_633 = arith.constant 256 : i32
        %mul3A_634 = arith.muli %scan3A_494, %mul3A_633 : i32
        %add3A_635 = arith.constant 11 : i32
        %add3A_636 = arith.addi %mul3A_634, %add3A_635 : i32
        %add3A_637 = vector.broadcast %add3A_636 : i32 to vector<16xi32>
        %add3A_638 = arith.addi %mul3A_3, %add3A_637 : vector<16xi32>
        tpu.vector_store_idx %arg6[%add3A_638], %get3A_632 : memref<24592xf32, #tpu.memory_space<vmem>>[vector<16xi32>], vector<16xf32>,
        %mul3A_639 = arith.constant 16 : i32
        %mul3A_640 = arith.muli %scan3A_494, %mul3A_639 : i32
        %get3A_641 = arith.constant 12 : i32
        %get3A_642 = arith.index_cast %get3A_641 : i32 to index
        %get3A_643 = arith.index_cast %mul3A_640 : i32 to index
        %get3A_644 = tpu.vector_load %arg4[%get3A_642, %get3A_643] {strides = array<i32>} : memref<16x1536xf32, #tpu.memory_space<vmem>>, vector<16xf32>,
        %mul3A_645 = arith.constant 256 : i32
        %mul3A_646 = arith.muli %scan3A_494, %mul3A_645 : i32
        %add3A_647 = arith.constant 12 : i32
        %add3A_648 = arith.addi %mul3A_646, %add3A_647 : i32
        %add3A_649 = vector.broadcast %add3A_648 : i32 to vector<16xi32>
        %add3A_650 = arith.addi %mul3A_3, %add3A_649 : vector<16xi32>
        tpu.vector_store_idx %arg6[%add3A_650], %get3A_644 : memref<24592xf32, #tpu.memory_space<vmem>>[vector<16xi32>], vector<16xf32>,
        %mul3A_651 = arith.constant 16 : i32
        %mul3A_652 = arith.muli %scan3A_494, %mul3A_651 : i32
        %get3A_653 = arith.constant 13 : i32
        %get3A_654 = arith.index_cast %get3A_653 : i32 to index
        %get3A_655 = arith.index_cast %mul3A_652 : i32 to index
        %get3A_656 = tpu.vector_load %arg4[%get3A_654, %get3A_655] {strides = array<i32>} : memref<16x1536xf32, #tpu.memory_space<vmem>>, vector<16xf32>,
        %mul3A_657 = arith.constant 256 : i32
        %mul3A_658 = arith.muli %scan3A_494, %mul3A_657 : i32
        %add3A_659 = arith.constant 13 : i32
        %add3A_660 = arith.addi %mul3A_658, %add3A_659 : i32
        %add3A_661 = vector.broadcast %add3A_660 : i32 to vector<16xi32>
        %add3A_662 = arith.addi %mul3A_3, %add3A_661 : vector<16xi32>
        tpu.vector_store_idx %arg6[%add3A_662], %get3A_656 : memref<24592xf32, #tpu.memory_space<vmem>>[vector<16xi32>], vector<16xf32>,
        %mul3A_663 = arith.constant 16 : i32
        %mul3A_664 = arith.muli %scan3A_494, %mul3A_663 : i32
        %get3A_665 = arith.constant 14 : i32
        %get3A_666 = arith.index_cast %get3A_665 : i32 to index
        %get3A_667 = arith.index_cast %mul3A_664 : i32 to index
        %get3A_668 = tpu.vector_load %arg4[%get3A_666, %get3A_667] {strides = array<i32>} : memref<16x1536xf32, #tpu.memory_space<vmem>>, vector<16xf32>,
        %mul3A_669 = arith.constant 256 : i32
        %mul3A_670 = arith.muli %scan3A_494, %mul3A_669 : i32
        %add3A_671 = arith.constant 14 : i32
        %add3A_672 = arith.addi %mul3A_670, %add3A_671 : i32
        %add3A_673 = vector.broadcast %add3A_672 : i32 to vector<16xi32>
        %add3A_674 = arith.addi %mul3A_3, %add3A_673 : vector<16xi32>
        tpu.vector_store_idx %arg6[%add3A_674], %get3A_668 : memref<24592xf32, #tpu.memory_space<vmem>>[vector<16xi32>], vector<16xf32>,
        %mul3A_675 = arith.constant 16 : i32
        %mul3A_676 = arith.muli %scan3A_494, %mul3A_675 : i32
        %get3A_677 = arith.constant 15 : i32
        %get3A_678 = arith.index_cast %get3A_677 : i32 to index
        %get3A_679 = arith.index_cast %mul3A_676 : i32 to index
        %get3A_680 = tpu.vector_load %arg4[%get3A_678, %get3A_679] {strides = array<i32>} : memref<16x1536xf32, #tpu.memory_space<vmem>>, vector<16xf32>,
        %mul3A_681 = arith.constant 256 : i32
        %mul3A_682 = arith.muli %scan3A_494, %mul3A_681 : i32
        %add3A_683 = arith.constant 15 : i32
        %add3A_684 = arith.addi %mul3A_682, %add3A_683 : i32
        %add3A_685 = vector.broadcast %add3A_684 : i32 to vector<16xi32>
        %add3A_686 = arith.addi %mul3A_3, %add3A_685 : vector<16xi32>
        tpu.vector_store_idx %arg6[%add3A_686], %get3A_680 : memref<24592xf32, #tpu.memory_space<vmem>>[vector<16xi32>], vector<16xf32>,
        %scan3A_687 = arith.constant 3 : i32
        %scan3A_688 = arith.addi %scan3A_107, %scan3A_687 : i32
        %mul3A_689 = arith.constant 16 : i32
        %mul3A_690 = arith.muli %scan3A_688, %mul3A_689 : i32
        %get3A_691 = arith.constant 0 : i32
        %get3A_692 = arith.index_cast %get3A_691 : i32 to index
        %get3A_693 = arith.index_cast %mul3A_690 : i32 to index
        %get3A_694 = tpu.vector_load %arg4[%get3A_692, %get3A_693] {strides = array<i32>} : memref<16x1536xf32, #tpu.memory_space<vmem>>, vector<16xf32>,
        %mul3A_695 = arith.constant 256 : i32
        %mul3A_696 = arith.muli %scan3A_688, %mul3A_695 : i32
        %add3A_697 = arith.constant 0 : i32
        %add3A_698 = arith.addi %mul3A_696, %add3A_697 : i32
        %add3A_699 = vector.broadcast %add3A_698 : i32 to vector<16xi32>
        %add3A_700 = arith.addi %mul3A_3, %add3A_699 : vector<16xi32>
        tpu.vector_store_idx %arg6[%add3A_700], %get3A_694 : memref<24592xf32, #tpu.memory_space<vmem>>[vector<16xi32>], vector<16xf32>,
        %mul3A_701 = arith.constant 16 : i32
        %mul3A_702 = arith.muli %scan3A_688, %mul3A_701 : i32
        %get3A_703 = arith.constant 1 : i32
        %get3A_704 = arith.index_cast %get3A_703 : i32 to index
        %get3A_705 = arith.index_cast %mul3A_702 : i32 to index
        %get3A_706 = tpu.vector_load %arg4[%get3A_704, %get3A_705] {strides = array<i32>} : memref<16x1536xf32, #tpu.memory_space<vmem>>, vector<16xf32>,
        %mul3A_707 = arith.constant 256 : i32
        %mul3A_708 = arith.muli %scan3A_688, %mul3A_707 : i32
        %add3A_709 = arith.constant 1 : i32
        %add3A_710 = arith.addi %mul3A_708, %add3A_709 : i32
        %add3A_711 = vector.broadcast %add3A_710 : i32 to vector<16xi32>
        %add3A_712 = arith.addi %mul3A_3, %add3A_711 : vector<16xi32>
        tpu.vector_store_idx %arg6[%add3A_712], %get3A_706 : memref<24592xf32, #tpu.memory_space<vmem>>[vector<16xi32>], vector<16xf32>,
        %mul3A_713 = arith.constant 16 : i32
        %mul3A_714 = arith.muli %scan3A_688, %mul3A_713 : i32
        %get3A_715 = arith.constant 2 : i32
        %get3A_716 = arith.index_cast %get3A_715 : i32 to index
        %get3A_717 = arith.index_cast %mul3A_714 : i32 to index
        %get3A_718 = tpu.vector_load %arg4[%get3A_716, %get3A_717] {strides = array<i32>} : memref<16x1536xf32, #tpu.memory_space<vmem>>, vector<16xf32>,
        %mul3A_719 = arith.constant 256 : i32
        %mul3A_720 = arith.muli %scan3A_688, %mul3A_719 : i32
        %add3A_721 = arith.constant 2 : i32
        %add3A_722 = arith.addi %mul3A_720, %add3A_721 : i32
        %add3A_723 = vector.broadcast %add3A_722 : i32 to vector<16xi32>
        %add3A_724 = arith.addi %mul3A_3, %add3A_723 : vector<16xi32>
        tpu.vector_store_idx %arg6[%add3A_724], %get3A_718 : memref<24592xf32, #tpu.memory_space<vmem>>[vector<16xi32>], vector<16xf32>,
        %mul3A_725 = arith.constant 16 : i32
        %mul3A_726 = arith.muli %scan3A_688, %mul3A_725 : i32
        %get3A_727 = arith.constant 3 : i32
        %get3A_728 = arith.index_cast %get3A_727 : i32 to index
        %get3A_729 = arith.index_cast %mul3A_726 : i32 to index
        %get3A_730 = tpu.vector_load %arg4[%get3A_728, %get3A_729] {strides = array<i32>} : memref<16x1536xf32, #tpu.memory_space<vmem>>, vector<16xf32>,
        %mul3A_731 = arith.constant 256 : i32
        %mul3A_732 = arith.muli %scan3A_688, %mul3A_731 : i32
        %add3A_733 = arith.constant 3 : i32
        %add3A_734 = arith.addi %mul3A_732, %add3A_733 : i32
        %add3A_735 = vector.broadcast %add3A_734 : i32 to vector<16xi32>
        %add3A_736 = arith.addi %mul3A_3, %add3A_735 : vector<16xi32>
        tpu.vector_store_idx %arg6[%add3A_736], %get3A_730 : memref<24592xf32, #tpu.memory_space<vmem>>[vector<16xi32>], vector<16xf32>,
        %mul3A_737 = arith.constant 16 : i32
        %mul3A_738 = arith.muli %scan3A_688, %mul3A_737 : i32
        %get3A_739 = arith.constant 4 : i32
        %get3A_740 = arith.index_cast %get3A_739 : i32 to index
        %get3A_741 = arith.index_cast %mul3A_738 : i32 to index
        %get3A_742 = tpu.vector_load %arg4[%get3A_740, %get3A_741] {strides = array<i32>} : memref<16x1536xf32, #tpu.memory_space<vmem>>, vector<16xf32>,
        %mul3A_743 = arith.constant 256 : i32
        %mul3A_744 = arith.muli %scan3A_688, %mul3A_743 : i32
        %add3A_745 = arith.constant 4 : i32
        %add3A_746 = arith.addi %mul3A_744, %add3A_745 : i32
        %add3A_747 = vector.broadcast %add3A_746 : i32 to vector<16xi32>
        %add3A_748 = arith.addi %mul3A_3, %add3A_747 : vector<16xi32>
        tpu.vector_store_idx %arg6[%add3A_748], %get3A_742 : memref<24592xf32, #tpu.memory_space<vmem>>[vector<16xi32>], vector<16xf32>,
        %mul3A_749 = arith.constant 16 : i32
        %mul3A_750 = arith.muli %scan3A_688, %mul3A_749 : i32
        %get3A_751 = arith.constant 5 : i32
        %get3A_752 = arith.index_cast %get3A_751 : i32 to index
        %get3A_753 = arith.index_cast %mul3A_750 : i32 to index
        %get3A_754 = tpu.vector_load %arg4[%get3A_752, %get3A_753] {strides = array<i32>} : memref<16x1536xf32, #tpu.memory_space<vmem>>, vector<16xf32>,
        %mul3A_755 = arith.constant 256 : i32
        %mul3A_756 = arith.muli %scan3A_688, %mul3A_755 : i32
        %add3A_757 = arith.constant 5 : i32
        %add3A_758 = arith.addi %mul3A_756, %add3A_757 : i32
        %add3A_759 = vector.broadcast %add3A_758 : i32 to vector<16xi32>
        %add3A_760 = arith.addi %mul3A_3, %add3A_759 : vector<16xi32>
        tpu.vector_store_idx %arg6[%add3A_760], %get3A_754 : memref<24592xf32, #tpu.memory_space<vmem>>[vector<16xi32>], vector<16xf32>,
        %mul3A_761 = arith.constant 16 : i32
        %mul3A_762 = arith.muli %scan3A_688, %mul3A_761 : i32
        %get3A_763 = arith.constant 6 : i32
        %get3A_764 = arith.index_cast %get3A_763 : i32 to index
        %get3A_765 = arith.index_cast %mul3A_762 : i32 to index
        %get3A_766 = tpu.vector_load %arg4[%get3A_764, %get3A_765] {strides = array<i32>} : memref<16x1536xf32, #tpu.memory_space<vmem>>, vector<16xf32>,
        %mul3A_767 = arith.constant 256 : i32
        %mul3A_768 = arith.muli %scan3A_688, %mul3A_767 : i32
        %add3A_769 = arith.constant 6 : i32
        %add3A_770 = arith.addi %mul3A_768, %add3A_769 : i32
        %add3A_771 = vector.broadcast %add3A_770 : i32 to vector<16xi32>
        %add3A_772 = arith.addi %mul3A_3, %add3A_771 : vector<16xi32>
        tpu.vector_store_idx %arg6[%add3A_772], %get3A_766 : memref<24592xf32, #tpu.memory_space<vmem>>[vector<16xi32>], vector<16xf32>,
        %mul3A_773 = arith.constant 16 : i32
        %mul3A_774 = arith.muli %scan3A_688, %mul3A_773 : i32
        %get3A_775 = arith.constant 7 : i32
        %get3A_776 = arith.index_cast %get3A_775 : i32 to index
        %get3A_777 = arith.index_cast %mul3A_774 : i32 to index
        %get3A_778 = tpu.vector_load %arg4[%get3A_776, %get3A_777] {strides = array<i32>} : memref<16x1536xf32, #tpu.memory_space<vmem>>, vector<16xf32>,
        %mul3A_779 = arith.constant 256 : i32
        %mul3A_780 = arith.muli %scan3A_688, %mul3A_779 : i32
        %add3A_781 = arith.constant 7 : i32
        %add3A_782 = arith.addi %mul3A_780, %add3A_781 : i32
        %add3A_783 = vector.broadcast %add3A_782 : i32 to vector<16xi32>
        %add3A_784 = arith.addi %mul3A_3, %add3A_783 : vector<16xi32>
        tpu.vector_store_idx %arg6[%add3A_784], %get3A_778 : memref<24592xf32, #tpu.memory_space<vmem>>[vector<16xi32>], vector<16xf32>,
        %mul3A_785 = arith.constant 16 : i32
        %mul3A_786 = arith.muli %scan3A_688, %mul3A_785 : i32
        %get3A_787 = arith.constant 8 : i32
        %get3A_788 = arith.index_cast %get3A_787 : i32 to index
        %get3A_789 = arith.index_cast %mul3A_786 : i32 to index
        %get3A_790 = tpu.vector_load %arg4[%get3A_788, %get3A_789] {strides = array<i32>} : memref<16x1536xf32, #tpu.memory_space<vmem>>, vector<16xf32>,
        %mul3A_791 = arith.constant 256 : i32
        %mul3A_792 = arith.muli %scan3A_688, %mul3A_791 : i32
        %add3A_793 = arith.constant 8 : i32
        %add3A_794 = arith.addi %mul3A_792, %add3A_793 : i32
        %add3A_795 = vector.broadcast %add3A_794 : i32 to vector<16xi32>
        %add3A_796 = arith.addi %mul3A_3, %add3A_795 : vector<16xi32>
        tpu.vector_store_idx %arg6[%add3A_796], %get3A_790 : memref<24592xf32, #tpu.memory_space<vmem>>[vector<16xi32>], vector<16xf32>,
        %mul3A_797 = arith.constant 16 : i32
        %mul3A_798 = arith.muli %scan3A_688, %mul3A_797 : i32
        %get3A_799 = arith.constant 9 : i32
        %get3A_800 = arith.index_cast %get3A_799 : i32 to index
        %get3A_801 = arith.index_cast %mul3A_798 : i32 to index
        %get3A_802 = tpu.vector_load %arg4[%get3A_800, %get3A_801] {strides = array<i32>} : memref<16x1536xf32, #tpu.memory_space<vmem>>, vector<16xf32>,
        %mul3A_803 = arith.constant 256 : i32
        %mul3A_804 = arith.muli %scan3A_688, %mul3A_803 : i32
        %add3A_805 = arith.constant 9 : i32
        %add3A_806 = arith.addi %mul3A_804, %add3A_805 : i32
        %add3A_807 = vector.broadcast %add3A_806 : i32 to vector<16xi32>
        %add3A_808 = arith.addi %mul3A_3, %add3A_807 : vector<16xi32>
        tpu.vector_store_idx %arg6[%add3A_808], %get3A_802 : memref<24592xf32, #tpu.memory_space<vmem>>[vector<16xi32>], vector<16xf32>,
        %mul3A_809 = arith.constant 16 : i32
        %mul3A_810 = arith.muli %scan3A_688, %mul3A_809 : i32
        %get3A_811 = arith.constant 10 : i32
        %get3A_812 = arith.index_cast %get3A_811 : i32 to index
        %get3A_813 = arith.index_cast %mul3A_810 : i32 to index
        %get3A_814 = tpu.vector_load %arg4[%get3A_812, %get3A_813] {strides = array<i32>} : memref<16x1536xf32, #tpu.memory_space<vmem>>, vector<16xf32>,
        %mul3A_815 = arith.constant 256 : i32
        %mul3A_816 = arith.muli %scan3A_688, %mul3A_815 : i32
        %add3A_817 = arith.constant 10 : i32
        %add3A_818 = arith.addi %mul3A_816, %add3A_817 : i32
        %add3A_819 = vector.broadcast %add3A_818 : i32 to vector<16xi32>
        %add3A_820 = arith.addi %mul3A_3, %add3A_819 : vector<16xi32>
        tpu.vector_store_idx %arg6[%add3A_820], %get3A_814 : memref<24592xf32, #tpu.memory_space<vmem>>[vector<16xi32>], vector<16xf32>,
        %mul3A_821 = arith.constant 16 : i32
        %mul3A_822 = arith.muli %scan3A_688, %mul3A_821 : i32
        %get3A_823 = arith.constant 11 : i32
        %get3A_824 = arith.index_cast %get3A_823 : i32 to index
        %get3A_825 = arith.index_cast %mul3A_822 : i32 to index
        %get3A_826 = tpu.vector_load %arg4[%get3A_824, %get3A_825] {strides = array<i32>} : memref<16x1536xf32, #tpu.memory_space<vmem>>, vector<16xf32>,
        %mul3A_827 = arith.constant 256 : i32
        %mul3A_828 = arith.muli %scan3A_688, %mul3A_827 : i32
        %add3A_829 = arith.constant 11 : i32
        %add3A_830 = arith.addi %mul3A_828, %add3A_829 : i32
        %add3A_831 = vector.broadcast %add3A_830 : i32 to vector<16xi32>
        %add3A_832 = arith.addi %mul3A_3, %add3A_831 : vector<16xi32>
        tpu.vector_store_idx %arg6[%add3A_832], %get3A_826 : memref<24592xf32, #tpu.memory_space<vmem>>[vector<16xi32>], vector<16xf32>,
        %mul3A_833 = arith.constant 16 : i32
        %mul3A_834 = arith.muli %scan3A_688, %mul3A_833 : i32
        %get3A_835 = arith.constant 12 : i32
        %get3A_836 = arith.index_cast %get3A_835 : i32 to index
        %get3A_837 = arith.index_cast %mul3A_834 : i32 to index
        %get3A_838 = tpu.vector_load %arg4[%get3A_836, %get3A_837] {strides = array<i32>} : memref<16x1536xf32, #tpu.memory_space<vmem>>, vector<16xf32>,
        %mul3A_839 = arith.constant 256 : i32
        %mul3A_840 = arith.muli %scan3A_688, %mul3A_839 : i32
        %add3A_841 = arith.constant 12 : i32
        %add3A_842 = arith.addi %mul3A_840, %add3A_841 : i32
        %add3A_843 = vector.broadcast %add3A_842 : i32 to vector<16xi32>
        %add3A_844 = arith.addi %mul3A_3, %add3A_843 : vector<16xi32>
        tpu.vector_store_idx %arg6[%add3A_844], %get3A_838 : memref<24592xf32, #tpu.memory_space<vmem>>[vector<16xi32>], vector<16xf32>,
        %mul3A_845 = arith.constant 16 : i32
        %mul3A_846 = arith.muli %scan3A_688, %mul3A_845 : i32
        %get3A_847 = arith.constant 13 : i32
        %get3A_848 = arith.index_cast %get3A_847 : i32 to index
        %get3A_849 = arith.index_cast %mul3A_846 : i32 to index
        %get3A_850 = tpu.vector_load %arg4[%get3A_848, %get3A_849] {strides = array<i32>} : memref<16x1536xf32, #tpu.memory_space<vmem>>, vector<16xf32>,
        %mul3A_851 = arith.constant 256 : i32
        %mul3A_852 = arith.muli %scan3A_688, %mul3A_851 : i32
        %add3A_853 = arith.constant 13 : i32
        %add3A_854 = arith.addi %mul3A_852, %add3A_853 : i32
        %add3A_855 = vector.broadcast %add3A_854 : i32 to vector<16xi32>
        %add3A_856 = arith.addi %mul3A_3, %add3A_855 : vector<16xi32>
        tpu.vector_store_idx %arg6[%add3A_856], %get3A_850 : memref<24592xf32, #tpu.memory_space<vmem>>[vector<16xi32>], vector<16xf32>,
        %mul3A_857 = arith.constant 16 : i32
        %mul3A_858 = arith.muli %scan3A_688, %mul3A_857 : i32
        %get3A_859 = arith.constant 14 : i32
        %get3A_860 = arith.index_cast %get3A_859 : i32 to index
        %get3A_861 = arith.index_cast %mul3A_858 : i32 to index
        %get3A_862 = tpu.vector_load %arg4[%get3A_860, %get3A_861] {strides = array<i32>} : memref<16x1536xf32, #tpu.memory_space<vmem>>, vector<16xf32>,
        %mul3A_863 = arith.constant 256 : i32
        %mul3A_864 = arith.muli %scan3A_688, %mul3A_863 : i32
        %add3A_865 = arith.constant 14 : i32
        %add3A_866 = arith.addi %mul3A_864, %add3A_865 : i32
        %add3A_867 = vector.broadcast %add3A_866 : i32 to vector<16xi32>
        %add3A_868 = arith.addi %mul3A_3, %add3A_867 : vector<16xi32>
        tpu.vector_store_idx %arg6[%add3A_868], %get3A_862 : memref<24592xf32, #tpu.memory_space<vmem>>[vector<16xi32>], vector<16xf32>,
        %mul3A_869 = arith.constant 16 : i32
        %mul3A_870 = arith.muli %scan3A_688, %mul3A_869 : i32
        %get3A_871 = arith.constant 15 : i32
        %get3A_872 = arith.index_cast %get3A_871 : i32 to index
        %get3A_873 = arith.index_cast %mul3A_870 : i32 to index
        %get3A_874 = tpu.vector_load %arg4[%get3A_872, %get3A_873] {strides = array<i32>} : memref<16x1536xf32, #tpu.memory_space<vmem>>, vector<16xf32>,
        %mul3A_875 = arith.constant 256 : i32
        %mul3A_876 = arith.muli %scan3A_688, %mul3A_875 : i32
        %add3A_877 = arith.constant 15 : i32
        %add3A_878 = arith.addi %mul3A_876, %add3A_877 : i32
        %add3A_879 = vector.broadcast %add3A_878 : i32 to vector<16xi32>
        %add3A_880 = arith.addi %mul3A_3, %add3A_879 : vector<16xi32>
        tpu.vector_store_idx %arg6[%add3A_880], %get3A_874 : memref<24592xf32, #tpu.memory_space<vmem>>[vector<16xi32>], vector<16xf32>,
      }
      %scan3A_91 = arith.constant 72 : i32
      %mul3A_92 = arith.constant 2598912 : i32
      %mul3A_93 = arith.constant 16 : i32
      %mul3A_94 = arith.muli %mul3A_92, %mul3A_93 : i32
      %dma_start3A_95 = arith.constant 0 : i32
      %dma_start3A_96 = tpu.memref_slice %arg6[%dma_start3A_95] : memref<24592xf32, #tpu.memory_space<vmem>> -> memref<18432xf32, #tpu.memory_space<vmem>>
      %dma_start3A_97 = tpu.memref_slice %arg3[%mul3A_94] : memref<41601024xf32, #tpu.memory_space<hbm>> -> memref<18432xf32, #tpu.memory_space<hbm>>
      %dma_start3A_98 = tpu.memref_slice %arg3[%mul3A_94] : memref<41601024xf32, #tpu.memory_space<hbm>> -> memref<18432xf32, #tpu.memory_space<hbm>>
      %dma_start3A_99 = arith.constant 0 : i32
      %dma_start3A_100 = tpu.memref_slice %arg6[%dma_start3A_99] : memref<24592xf32, #tpu.memory_space<vmem>> -> memref<18432xf32, #tpu.memory_space<vmem>>
      tpu.enqueue_dma source(%dma_start3A_100 : memref<18432xf32, #tpu.memory_space<vmem>>) target(%dma_start3A_98 : memref<18432xf32, #tpu.memory_space<hbm>>) target_semaphore(%arg10 : memref<!tpu.dma_semaphore, #tpu.memory_space<semaphore_mem>>)
      %dma_wait3A_101 = arith.constant 0 : i32
      %dma_wait3A_102 = tpu.memref_slice %arg6[%dma_wait3A_101] : memref<24592xf32, #tpu.memory_space<vmem>> -> memref<18432xf32, #tpu.memory_space<vmem>>
      %dma_wait3A_103 = tpu.memref_slice %arg3[%mul3A_94] : memref<41601024xf32, #tpu.memory_space<hbm>> -> memref<18432xf32, #tpu.memory_space<hbm>>
      %dma_wait3A_104 = tpu.memref_slice %arg3[%mul3A_94] : memref<41601024xf32, #tpu.memory_space<hbm>> -> memref<18432xf32, #tpu.memory_space<hbm>>
      %dma_wait3A_105 = arith.constant 0 : i32
      %dma_wait3A_106 = tpu.memref_slice %arg6[%dma_wait3A_105] : memref<24592xf32, #tpu.memory_space<vmem>> -> memref<18432xf32, #tpu.memory_space<vmem>>
      tpu.wait_dma2 semaphore(%arg10 : memref<!tpu.dma_semaphore, #tpu.memory_space<semaphore_mem>>) src(%dma_wait3A_106 : memref<18432xf32, #tpu.memory_space<vmem>>) dst(%dma_wait3A_104 : memref<18432xf32, #tpu.memory_space<hbm>>)
    } else {
    }
    return
  }
}

#map = affine_map<(d0, d1) -> (0)>
#map1 = affine_map<(d0, d1) -> (0, 0)>
module attributes {stable_mosaic.version = 14 : i64} {
  func.func @gather_kernel(%arg0: i32, %arg1: i32, %arg2: memref<425984xi32, #tpu.memory_space<hbm>>, %arg3: memref<2600064x16xf32, #tpu.memory_space<hbm>>, %arg4: memref<425984x16xf32, #tpu.memory_space<hbm>>, %arg5: memref<13312xi32, #tpu.memory_space<vmem>>, %arg6: memref<2x3328x16xf32, #tpu.memory_space<vmem>>, %arg7: memref<!tpu.dma_semaphore, #tpu.memory_space<semaphore_mem>>, %arg8: memref<!tpu.dma_semaphore, #tpu.memory_space<semaphore_mem>>) attributes {dimension_semantics = [#tpu.dimension_semantics<core_parallel>, #tpu.dimension_semantics<subcore_parallel>], iteration_bounds = array<i64: 2, 16>, scalar_prefetch = 0 : i64, scratch_operands = 4 : i64, tpu.core_type = #tpu.core_type<sc_vector_subcore>, window_params = [{transform_indices = #map}, {transform_indices = #map1}, {transform_indices = #map1}]} {
    %mul3A = arith.constant 2 : i32
    %mul3A_0 = arith.muli %arg1, %mul3A : i32
    %add3A = arith.addi %mul3A_0, %arg0 : i32
    %mul3A_1 = arith.constant 13312 : i32
    %mul3A_2 = arith.muli %add3A, %mul3A_1 : i32
    "tpu.region"() ({
      %run_scoped3A_115 = tpu.sem_alloc : memref<!tpu.dma_semaphore, #tpu.memory_space<semaphore_mem>>
      %dma_start3A_116 = tpu.memref_slice %arg2[%mul3A_2] : memref<425984xi32, #tpu.memory_space<hbm>> -> memref<13312xi32, #tpu.memory_space<hbm>>
      %dma_start3A_117 = tpu.memref_slice %arg2[%mul3A_2] : memref<425984xi32, #tpu.memory_space<hbm>> -> memref<13312xi32, #tpu.memory_space<hbm>>
      tpu.enqueue_dma source(%dma_start3A_117 : memref<13312xi32, #tpu.memory_space<hbm>>) target(%arg5 : memref<13312xi32, #tpu.memory_space<vmem>>) target_semaphore(%run_scoped3A_115 : memref<!tpu.dma_semaphore, #tpu.memory_space<semaphore_mem>>)
      %dma_wait3A_118 = tpu.memref_slice %arg2[%mul3A_2] : memref<425984xi32, #tpu.memory_space<hbm>> -> memref<13312xi32, #tpu.memory_space<hbm>>
      %dma_wait3A_119 = tpu.memref_slice %arg2[%mul3A_2] : memref<425984xi32, #tpu.memory_space<hbm>> -> memref<13312xi32, #tpu.memory_space<hbm>>
      tpu.wait_dma2 semaphore(%run_scoped3A_115 : memref<!tpu.dma_semaphore, #tpu.memory_space<semaphore_mem>>) src(%dma_wait3A_119 : memref<13312xi32, #tpu.memory_space<hbm>>) dst(%arg5 : memref<13312xi32, #tpu.memory_space<vmem>>)
      tpu.yield
    }) : () -> ()
    %iota3A = tpu.iota {dimensions = array<i32: 0>} : vector<16xi32>
    %scan3A = arith.constant 0 : i32
    %scan3A_3 = arith.constant 0 : i32
    %scan3A_4 = arith.constant 208 : i32
    %scan3A_5 = arith.addi %scan3A_3, %scan3A_4 : i32
    %scan3A_6 = arith.constant 1 : i32
    scf.for %scan3A_115 = %scan3A_3 to %scan3A_5 step %scan3A_6  : i32 {
      %add3A_116 = arith.constant 0 : i32
      %add3A_117 = arith.addi %add3A_116, %scan3A_115 : i32
      %mul3A_118 = arith.constant 16 : i32
      %mul3A_119 = arith.muli %add3A_117, %mul3A_118 : i32
      %add3A_120 = vector.broadcast %mul3A_119 : i32 to vector<16xi32>
      %add3A_121 = arith.addi %iota3A, %add3A_120 : vector<16xi32>
      %get3A = arith.index_cast %mul3A_119 : i32 to index
      %get3A_122 = tpu.vector_load %arg5[%get3A] {strides = array<i32>} : memref<13312xi32, #tpu.memory_space<vmem>>, vector<16xi32>,
      %get3A_123 = vector.shape_cast %get3A_122 : vector<16xi32> to vector<16xi32>
      %jit3A = arith.constant 26 : i32
      %eq3A = arith.constant 0 : i32
      %eq3A_124 = arith.cmpi eq, %jit3A, %eq3A : i32
      %jit3A_125 = arith.constant 1 : i32
      %select_n3A = arith.select %eq3A_124, %jit3A_125, %jit3A : i32
      %rem3A = vector.broadcast %select_n3A : i32 to vector<16xi32>
      %rem3A_126 = arith.remsi %add3A_121, %rem3A : vector<16xi32>
      %ne3A = arith.constant 0 : i32
      %ne3A_127 = vector.broadcast %ne3A : i32 to vector<16xi32>
      %ne3A_128 = arith.cmpi ne, %rem3A_126, %ne3A_127 : vector<16xi32>
      %lt3A = arith.constant 0 : i32
      %lt3A_129 = vector.broadcast %lt3A : i32 to vector<16xi32>
      %lt3A_130 = arith.cmpi slt, %rem3A_126, %lt3A_129 : vector<16xi32>
      %lt3A_131 = arith.constant 0 : i32
      %lt3A_132 = arith.cmpi slt, %select_n3A, %lt3A_131 : i32
      %ne3A_133 = vector.broadcast %lt3A_132 : i1 to vector<16xi1>
      %ne3A_134 = vector.broadcast %ne3A_133 : vector<16xi1> to vector<16xi1>
      %ne3A_135 = arith.xori %lt3A_130, %ne3A_134 : vector<16xi1>
      %and3A = arith.andi %ne3A_135, %ne3A_128 : vector<16xi1>
      %add3A_136 = vector.broadcast %select_n3A : i32 to vector<16xi32>
      %add3A_137 = arith.addi %rem3A_126, %add3A_136 : vector<16xi32>
      %select_n3A_138 = arith.select %and3A, %add3A_137, %rem3A_126 : vector<16xi1>, vector<16xi32>
      %mul3A_139 = arith.constant 100000 : i32
      %mul3A_140 = vector.broadcast %mul3A_139 : i32 to vector<16xi32>
      %mul3A_141 = arith.muli %select_n3A_138, %mul3A_140 : vector<16xi32>
      %add3A_142 = arith.addi %get3A_123, %mul3A_141 : vector<16xi32>
      %swap3A = arith.index_cast %mul3A_119 : i32 to index
      %swap3A_143 = tpu.vector_load %arg5[%swap3A] {strides = array<i32>} : memref<13312xi32, #tpu.memory_space<vmem>>, vector<16xi32>,
      %swap3A_144 = vector.shape_cast %swap3A_143 : vector<16xi32> to vector<16xi32>
      %swap3A_145 = vector.shape_cast %add3A_142 : vector<16xi32> to vector<16xi32>
      tpu.vector_store %arg5[%swap3A], %swap3A_145 {strides = array<i32>} : memref<13312xi32, #tpu.memory_space<vmem>>, vector<16xi32>,
    }
    %scan3A_7 = arith.constant 208 : i32
    %dma_start3A = arith.constant 0 : i32
    %dma_start3A_8 = arith.constant 0 : i32
    %dma_start3A_9 = arith.constant 0 : i32
    %dma_start3A_10 = tpu.memref_slice %arg6[%dma_start3A, %dma_start3A_8, %dma_start3A_9] : memref<2x3328x16xf32, #tpu.memory_space<vmem>> -> memref<1x3328x16xf32, #tpu.memory_space<vmem>>
    %dma_start3A_11 = tpu.memref_squeeze %dma_start3A_10 : memref<1x3328x16xf32, #tpu.memory_space<vmem>> -> memref<3328x16xf32, #tpu.memory_space<vmem>>
    %dma_start3A_12 = arith.constant 0 : i32
    %dma_start3A_13 = tpu.memref_slice %arg5[%dma_start3A_12] : memref<13312xi32, #tpu.memory_space<vmem>> -> memref<3328xi32, #tpu.memory_space<vmem>>
    %dma_start3A_14 = arith.constant 0 : i32
    %dma_start3A_15 = arith.constant 0 : i32
    %dma_start3A_16 = tpu.memref_slice %arg3[%dma_start3A_14, %dma_start3A_15] : memref<2600064x16xf32, #tpu.memory_space<hbm>> -> memref<2600064x16xf32, #tpu.memory_space<hbm>>
    tpu.enqueue_indirect_dma source(%dma_start3A_16 : memref<2600064x16xf32, #tpu.memory_space<hbm>>) target(%dma_start3A_11 : memref<3328x16xf32, #tpu.memory_space<vmem>>) offsets(%dma_start3A_13 : memref<3328xi32, #tpu.memory_space<vmem>>) semaphore(%arg7 : memref<!tpu.dma_semaphore, #tpu.memory_space<semaphore_mem>>)
    %scan3A_17 = arith.constant 0 : i32
    %scan3A_18 = arith.constant 0 : i32
    %scan3A_19 = arith.constant 208 : i32
    %scan3A_20 = arith.addi %scan3A_18, %scan3A_19 : i32
    %scan3A_21 = arith.constant 1 : i32
    scf.for %scan3A_115 = %scan3A_18 to %scan3A_20 step %scan3A_21  : i32 {
      %add3A_116 = arith.constant 208 : i32
      %add3A_117 = arith.addi %add3A_116, %scan3A_115 : i32
      %mul3A_118 = arith.constant 16 : i32
      %mul3A_119 = arith.muli %add3A_117, %mul3A_118 : i32
      %add3A_120 = vector.broadcast %mul3A_119 : i32 to vector<16xi32>
      %add3A_121 = arith.addi %iota3A, %add3A_120 : vector<16xi32>
      %get3A = arith.index_cast %mul3A_119 : i32 to index
      %get3A_122 = tpu.vector_load %arg5[%get3A] {strides = array<i32>} : memref<13312xi32, #tpu.memory_space<vmem>>, vector<16xi32>,
      %get3A_123 = vector.shape_cast %get3A_122 : vector<16xi32> to vector<16xi32>
      %jit3A = arith.constant 26 : i32
      %eq3A = arith.constant 0 : i32
      %eq3A_124 = arith.cmpi eq, %jit3A, %eq3A : i32
      %jit3A_125 = arith.constant 1 : i32
      %select_n3A = arith.select %eq3A_124, %jit3A_125, %jit3A : i32
      %rem3A = vector.broadcast %select_n3A : i32 to vector<16xi32>
      %rem3A_126 = arith.remsi %add3A_121, %rem3A : vector<16xi32>
      %ne3A = arith.constant 0 : i32
      %ne3A_127 = vector.broadcast %ne3A : i32 to vector<16xi32>
      %ne3A_128 = arith.cmpi ne, %rem3A_126, %ne3A_127 : vector<16xi32>
      %lt3A = arith.constant 0 : i32
      %lt3A_129 = vector.broadcast %lt3A : i32 to vector<16xi32>
      %lt3A_130 = arith.cmpi slt, %rem3A_126, %lt3A_129 : vector<16xi32>
      %lt3A_131 = arith.constant 0 : i32
      %lt3A_132 = arith.cmpi slt, %select_n3A, %lt3A_131 : i32
      %ne3A_133 = vector.broadcast %lt3A_132 : i1 to vector<16xi1>
      %ne3A_134 = vector.broadcast %ne3A_133 : vector<16xi1> to vector<16xi1>
      %ne3A_135 = arith.xori %lt3A_130, %ne3A_134 : vector<16xi1>
      %and3A = arith.andi %ne3A_135, %ne3A_128 : vector<16xi1>
      %add3A_136 = vector.broadcast %select_n3A : i32 to vector<16xi32>
      %add3A_137 = arith.addi %rem3A_126, %add3A_136 : vector<16xi32>
      %select_n3A_138 = arith.select %and3A, %add3A_137, %rem3A_126 : vector<16xi1>, vector<16xi32>
      %mul3A_139 = arith.constant 100000 : i32
      %mul3A_140 = vector.broadcast %mul3A_139 : i32 to vector<16xi32>
      %mul3A_141 = arith.muli %select_n3A_138, %mul3A_140 : vector<16xi32>
      %add3A_142 = arith.addi %get3A_123, %mul3A_141 : vector<16xi32>
      %swap3A = arith.index_cast %mul3A_119 : i32 to index
      %swap3A_143 = tpu.vector_load %arg5[%swap3A] {strides = array<i32>} : memref<13312xi32, #tpu.memory_space<vmem>>, vector<16xi32>,
      %swap3A_144 = vector.shape_cast %swap3A_143 : vector<16xi32> to vector<16xi32>
      %swap3A_145 = vector.shape_cast %add3A_142 : vector<16xi32> to vector<16xi32>
      tpu.vector_store %arg5[%swap3A], %swap3A_145 {strides = array<i32>} : memref<13312xi32, #tpu.memory_space<vmem>>, vector<16xi32>,
    }
    %scan3A_22 = arith.constant 208 : i32
    %dma_start3A_23 = arith.constant 1 : i32
    %dma_start3A_24 = arith.constant 0 : i32
    %dma_start3A_25 = arith.constant 0 : i32
    %dma_start3A_26 = tpu.memref_slice %arg6[%dma_start3A_23, %dma_start3A_24, %dma_start3A_25] : memref<2x3328x16xf32, #tpu.memory_space<vmem>> -> memref<1x3328x16xf32, #tpu.memory_space<vmem>>
    %dma_start3A_27 = tpu.memref_squeeze %dma_start3A_26 : memref<1x3328x16xf32, #tpu.memory_space<vmem>> -> memref<3328x16xf32, #tpu.memory_space<vmem>>
    %dma_start3A_28 = arith.constant 3328 : i32
    %dma_start3A_29 = tpu.memref_slice %arg5[%dma_start3A_28] : memref<13312xi32, #tpu.memory_space<vmem>> -> memref<3328xi32, #tpu.memory_space<vmem>>
    %dma_start3A_30 = arith.constant 0 : i32
    %dma_start3A_31 = arith.constant 0 : i32
    %dma_start3A_32 = tpu.memref_slice %arg3[%dma_start3A_30, %dma_start3A_31] : memref<2600064x16xf32, #tpu.memory_space<hbm>> -> memref<2600064x16xf32, #tpu.memory_space<hbm>>
    tpu.enqueue_indirect_dma source(%dma_start3A_32 : memref<2600064x16xf32, #tpu.memory_space<hbm>>) target(%dma_start3A_27 : memref<3328x16xf32, #tpu.memory_space<vmem>>) offsets(%dma_start3A_29 : memref<3328xi32, #tpu.memory_space<vmem>>) semaphore(%arg8 : memref<!tpu.dma_semaphore, #tpu.memory_space<semaphore_mem>>)
    %dma_wait3A = arith.constant 0 : i32
    %dma_wait3A_33 = arith.constant 0 : i32
    %dma_wait3A_34 = arith.constant 0 : i32
    %dma_wait3A_35 = tpu.memref_slice %arg6[%dma_wait3A, %dma_wait3A_33, %dma_wait3A_34] : memref<2x3328x16xf32, #tpu.memory_space<vmem>> -> memref<1x3328x16xf32, #tpu.memory_space<vmem>>
    %dma_wait3A_36 = tpu.memref_squeeze %dma_wait3A_35 : memref<1x3328x16xf32, #tpu.memory_space<vmem>> -> memref<3328x16xf32, #tpu.memory_space<vmem>>
    %dma_wait3A_37 = arith.constant 0 : i32
    %dma_wait3A_38 = tpu.memref_slice %arg5[%dma_wait3A_37] : memref<13312xi32, #tpu.memory_space<vmem>> -> memref<3328xi32, #tpu.memory_space<vmem>>
    %dma_wait3A_39 = arith.constant 0 : i32
    %dma_wait3A_40 = arith.constant 0 : i32
    %dma_wait3A_41 = tpu.memref_slice %arg3[%dma_wait3A_39, %dma_wait3A_40] : memref<2600064x16xf32, #tpu.memory_space<hbm>> -> memref<2600064x16xf32, #tpu.memory_space<hbm>>
    tpu.wait_indirect_dma semaphore(%arg7 : memref<!tpu.dma_semaphore, #tpu.memory_space<semaphore_mem>>) src(%dma_wait3A_41 : memref<2600064x16xf32, #tpu.memory_space<hbm>>) dst(%dma_wait3A_36 : memref<3328x16xf32, #tpu.memory_space<vmem>>)
    %add3A_42 = arith.constant 0 : i32
    %add3A_43 = arith.addi %mul3A_2, %add3A_42 : i32
    %run_scoped3A = arith.constant 0 : i32
    "tpu.region"() ({
      %run_scoped3A_115 = tpu.sem_alloc : memref<!tpu.dma_semaphore, #tpu.memory_space<semaphore_mem>>
      %dma_start3A_116 = arith.constant 0 : i32
      %dma_start3A_117 = arith.constant 0 : i32
      %dma_start3A_118 = tpu.memref_slice %arg6[%run_scoped3A, %dma_start3A_116, %dma_start3A_117] : memref<2x3328x16xf32, #tpu.memory_space<vmem>> -> memref<1x3328x16xf32, #tpu.memory_space<vmem>>
      %dma_start3A_119 = tpu.memref_squeeze %dma_start3A_118 : memref<1x3328x16xf32, #tpu.memory_space<vmem>> -> memref<3328x16xf32, #tpu.memory_space<vmem>>
      %dma_start3A_120 = arith.constant 0 : i32
      %dma_start3A_121 = tpu.memref_slice %arg4[%add3A_43, %dma_start3A_120] : memref<425984x16xf32, #tpu.memory_space<hbm>> -> memref<3328x16xf32, #tpu.memory_space<hbm>>
      %dma_start3A_122 = arith.constant 0 : i32
      %dma_start3A_123 = tpu.memref_slice %arg4[%add3A_43, %dma_start3A_122] : memref<425984x16xf32, #tpu.memory_space<hbm>> -> memref<3328x16xf32, #tpu.memory_space<hbm>>
      %dma_start3A_124 = arith.constant 0 : i32
      %dma_start3A_125 = arith.constant 0 : i32
      %dma_start3A_126 = tpu.memref_slice %arg6[%run_scoped3A, %dma_start3A_124, %dma_start3A_125] : memref<2x3328x16xf32, #tpu.memory_space<vmem>> -> memref<1x3328x16xf32, #tpu.memory_space<vmem>>
      %dma_start3A_127 = tpu.memref_squeeze %dma_start3A_126 : memref<1x3328x16xf32, #tpu.memory_space<vmem>> -> memref<3328x16xf32, #tpu.memory_space<vmem>>
      tpu.enqueue_dma source(%dma_start3A_127 : memref<3328x16xf32, #tpu.memory_space<vmem>>) target(%dma_start3A_123 : memref<3328x16xf32, #tpu.memory_space<hbm>>) target_semaphore(%run_scoped3A_115 : memref<!tpu.dma_semaphore, #tpu.memory_space<semaphore_mem>>)
      %dma_wait3A_128 = arith.constant 0 : i32
      %dma_wait3A_129 = arith.constant 0 : i32
      %dma_wait3A_130 = tpu.memref_slice %arg6[%run_scoped3A, %dma_wait3A_128, %dma_wait3A_129] : memref<2x3328x16xf32, #tpu.memory_space<vmem>> -> memref<1x3328x16xf32, #tpu.memory_space<vmem>>
      %dma_wait3A_131 = tpu.memref_squeeze %dma_wait3A_130 : memref<1x3328x16xf32, #tpu.memory_space<vmem>> -> memref<3328x16xf32, #tpu.memory_space<vmem>>
      %dma_wait3A_132 = arith.constant 0 : i32
      %dma_wait3A_133 = tpu.memref_slice %arg4[%add3A_43, %dma_wait3A_132] : memref<425984x16xf32, #tpu.memory_space<hbm>> -> memref<3328x16xf32, #tpu.memory_space<hbm>>
      %dma_wait3A_134 = arith.constant 0 : i32
      %dma_wait3A_135 = tpu.memref_slice %arg4[%add3A_43, %dma_wait3A_134] : memref<425984x16xf32, #tpu.memory_space<hbm>> -> memref<3328x16xf32, #tpu.memory_space<hbm>>
      %dma_wait3A_136 = arith.constant 0 : i32
      %dma_wait3A_137 = arith.constant 0 : i32
      %dma_wait3A_138 = tpu.memref_slice %arg6[%run_scoped3A, %dma_wait3A_136, %dma_wait3A_137] : memref<2x3328x16xf32, #tpu.memory_space<vmem>> -> memref<1x3328x16xf32, #tpu.memory_space<vmem>>
      %dma_wait3A_139 = tpu.memref_squeeze %dma_wait3A_138 : memref<1x3328x16xf32, #tpu.memory_space<vmem>> -> memref<3328x16xf32, #tpu.memory_space<vmem>>
      tpu.wait_dma2 semaphore(%run_scoped3A_115 : memref<!tpu.dma_semaphore, #tpu.memory_space<semaphore_mem>>) src(%dma_wait3A_139 : memref<3328x16xf32, #tpu.memory_space<vmem>>) dst(%dma_wait3A_135 : memref<3328x16xf32, #tpu.memory_space<hbm>>)
      tpu.yield
    }) : () -> ()
    %scan3A_44 = arith.constant 0 : i32
    %scan3A_45 = arith.constant 0 : i32
    %scan3A_46 = arith.constant 208 : i32
    %scan3A_47 = arith.addi %scan3A_45, %scan3A_46 : i32
    %scan3A_48 = arith.constant 1 : i32
    scf.for %scan3A_115 = %scan3A_45 to %scan3A_47 step %scan3A_48  : i32 {
      %add3A_116 = arith.constant 416 : i32
      %add3A_117 = arith.addi %add3A_116, %scan3A_115 : i32
      %mul3A_118 = arith.constant 16 : i32
      %mul3A_119 = arith.muli %add3A_117, %mul3A_118 : i32
      %add3A_120 = vector.broadcast %mul3A_119 : i32 to vector<16xi32>
      %add3A_121 = arith.addi %iota3A, %add3A_120 : vector<16xi32>
      %get3A = arith.index_cast %mul3A_119 : i32 to index
      %get3A_122 = tpu.vector_load %arg5[%get3A] {strides = array<i32>} : memref<13312xi32, #tpu.memory_space<vmem>>, vector<16xi32>,
      %get3A_123 = vector.shape_cast %get3A_122 : vector<16xi32> to vector<16xi32>
      %jit3A = arith.constant 26 : i32
      %eq3A = arith.constant 0 : i32
      %eq3A_124 = arith.cmpi eq, %jit3A, %eq3A : i32
      %jit3A_125 = arith.constant 1 : i32
      %select_n3A = arith.select %eq3A_124, %jit3A_125, %jit3A : i32
      %rem3A = vector.broadcast %select_n3A : i32 to vector<16xi32>
      %rem3A_126 = arith.remsi %add3A_121, %rem3A : vector<16xi32>
      %ne3A = arith.constant 0 : i32
      %ne3A_127 = vector.broadcast %ne3A : i32 to vector<16xi32>
      %ne3A_128 = arith.cmpi ne, %rem3A_126, %ne3A_127 : vector<16xi32>
      %lt3A = arith.constant 0 : i32
      %lt3A_129 = vector.broadcast %lt3A : i32 to vector<16xi32>
      %lt3A_130 = arith.cmpi slt, %rem3A_126, %lt3A_129 : vector<16xi32>
      %lt3A_131 = arith.constant 0 : i32
      %lt3A_132 = arith.cmpi slt, %select_n3A, %lt3A_131 : i32
      %ne3A_133 = vector.broadcast %lt3A_132 : i1 to vector<16xi1>
      %ne3A_134 = vector.broadcast %ne3A_133 : vector<16xi1> to vector<16xi1>
      %ne3A_135 = arith.xori %lt3A_130, %ne3A_134 : vector<16xi1>
      %and3A = arith.andi %ne3A_135, %ne3A_128 : vector<16xi1>
      %add3A_136 = vector.broadcast %select_n3A : i32 to vector<16xi32>
      %add3A_137 = arith.addi %rem3A_126, %add3A_136 : vector<16xi32>
      %select_n3A_138 = arith.select %and3A, %add3A_137, %rem3A_126 : vector<16xi1>, vector<16xi32>
      %mul3A_139 = arith.constant 100000 : i32
      %mul3A_140 = vector.broadcast %mul3A_139 : i32 to vector<16xi32>
      %mul3A_141 = arith.muli %select_n3A_138, %mul3A_140 : vector<16xi32>
      %add3A_142 = arith.addi %get3A_123, %mul3A_141 : vector<16xi32>
      %swap3A = arith.index_cast %mul3A_119 : i32 to index
      %swap3A_143 = tpu.vector_load %arg5[%swap3A] {strides = array<i32>} : memref<13312xi32, #tpu.memory_space<vmem>>, vector<16xi32>,
      %swap3A_144 = vector.shape_cast %swap3A_143 : vector<16xi32> to vector<16xi32>
      %swap3A_145 = vector.shape_cast %add3A_142 : vector<16xi32> to vector<16xi32>
      tpu.vector_store %arg5[%swap3A], %swap3A_145 {strides = array<i32>} : memref<13312xi32, #tpu.memory_space<vmem>>, vector<16xi32>,
    }
    %scan3A_49 = arith.constant 208 : i32
    %dma_start3A_50 = arith.constant 0 : i32
    %dma_start3A_51 = arith.constant 0 : i32
    %dma_start3A_52 = arith.constant 0 : i32
    %dma_start3A_53 = tpu.memref_slice %arg6[%dma_start3A_50, %dma_start3A_51, %dma_start3A_52] : memref<2x3328x16xf32, #tpu.memory_space<vmem>> -> memref<1x3328x16xf32, #tpu.memory_space<vmem>>
    %dma_start3A_54 = tpu.memref_squeeze %dma_start3A_53 : memref<1x3328x16xf32, #tpu.memory_space<vmem>> -> memref<3328x16xf32, #tpu.memory_space<vmem>>
    %dma_start3A_55 = arith.constant 6656 : i32
    %dma_start3A_56 = tpu.memref_slice %arg5[%dma_start3A_55] : memref<13312xi32, #tpu.memory_space<vmem>> -> memref<3328xi32, #tpu.memory_space<vmem>>
    %dma_start3A_57 = arith.constant 0 : i32
    %dma_start3A_58 = arith.constant 0 : i32
    %dma_start3A_59 = tpu.memref_slice %arg3[%dma_start3A_57, %dma_start3A_58] : memref<2600064x16xf32, #tpu.memory_space<hbm>> -> memref<2600064x16xf32, #tpu.memory_space<hbm>>
    tpu.enqueue_indirect_dma source(%dma_start3A_59 : memref<2600064x16xf32, #tpu.memory_space<hbm>>) target(%dma_start3A_54 : memref<3328x16xf32, #tpu.memory_space<vmem>>) offsets(%dma_start3A_56 : memref<3328xi32, #tpu.memory_space<vmem>>) semaphore(%arg7 : memref<!tpu.dma_semaphore, #tpu.memory_space<semaphore_mem>>)
    %dma_wait3A_60 = arith.constant 1 : i32
    %dma_wait3A_61 = arith.constant 0 : i32
    %dma_wait3A_62 = arith.constant 0 : i32
    %dma_wait3A_63 = tpu.memref_slice %arg6[%dma_wait3A_60, %dma_wait3A_61, %dma_wait3A_62] : memref<2x3328x16xf32, #tpu.memory_space<vmem>> -> memref<1x3328x16xf32, #tpu.memory_space<vmem>>
    %dma_wait3A_64 = tpu.memref_squeeze %dma_wait3A_63 : memref<1x3328x16xf32, #tpu.memory_space<vmem>> -> memref<3328x16xf32, #tpu.memory_space<vmem>>
    %dma_wait3A_65 = arith.constant 3328 : i32
    %dma_wait3A_66 = tpu.memref_slice %arg5[%dma_wait3A_65] : memref<13312xi32, #tpu.memory_space<vmem>> -> memref<3328xi32, #tpu.memory_space<vmem>>
    %dma_wait3A_67 = arith.constant 0 : i32
    %dma_wait3A_68 = arith.constant 0 : i32
    %dma_wait3A_69 = tpu.memref_slice %arg3[%dma_wait3A_67, %dma_wait3A_68] : memref<2600064x16xf32, #tpu.memory_space<hbm>> -> memref<2600064x16xf32, #tpu.memory_space<hbm>>
    tpu.wait_indirect_dma semaphore(%arg8 : memref<!tpu.dma_semaphore, #tpu.memory_space<semaphore_mem>>) src(%dma_wait3A_69 : memref<2600064x16xf32, #tpu.memory_space<hbm>>) dst(%dma_wait3A_64 : memref<3328x16xf32, #tpu.memory_space<vmem>>)
    %add3A_70 = arith.constant 3328 : i32
    %add3A_71 = arith.addi %mul3A_2, %add3A_70 : i32
    %run_scoped3A_72 = arith.constant 1 : i32
    "tpu.region"() ({
      %run_scoped3A_115 = tpu.sem_alloc : memref<!tpu.dma_semaphore, #tpu.memory_space<semaphore_mem>>
      %dma_start3A_116 = arith.constant 0 : i32
      %dma_start3A_117 = arith.constant 0 : i32
      %dma_start3A_118 = tpu.memref_slice %arg6[%run_scoped3A_72, %dma_start3A_116, %dma_start3A_117] : memref<2x3328x16xf32, #tpu.memory_space<vmem>> -> memref<1x3328x16xf32, #tpu.memory_space<vmem>>
      %dma_start3A_119 = tpu.memref_squeeze %dma_start3A_118 : memref<1x3328x16xf32, #tpu.memory_space<vmem>> -> memref<3328x16xf32, #tpu.memory_space<vmem>>
      %dma_start3A_120 = arith.constant 0 : i32
      %dma_start3A_121 = tpu.memref_slice %arg4[%add3A_71, %dma_start3A_120] : memref<425984x16xf32, #tpu.memory_space<hbm>> -> memref<3328x16xf32, #tpu.memory_space<hbm>>
      %dma_start3A_122 = arith.constant 0 : i32
      %dma_start3A_123 = tpu.memref_slice %arg4[%add3A_71, %dma_start3A_122] : memref<425984x16xf32, #tpu.memory_space<hbm>> -> memref<3328x16xf32, #tpu.memory_space<hbm>>
      %dma_start3A_124 = arith.constant 0 : i32
      %dma_start3A_125 = arith.constant 0 : i32
      %dma_start3A_126 = tpu.memref_slice %arg6[%run_scoped3A_72, %dma_start3A_124, %dma_start3A_125] : memref<2x3328x16xf32, #tpu.memory_space<vmem>> -> memref<1x3328x16xf32, #tpu.memory_space<vmem>>
      %dma_start3A_127 = tpu.memref_squeeze %dma_start3A_126 : memref<1x3328x16xf32, #tpu.memory_space<vmem>> -> memref<3328x16xf32, #tpu.memory_space<vmem>>
      tpu.enqueue_dma source(%dma_start3A_127 : memref<3328x16xf32, #tpu.memory_space<vmem>>) target(%dma_start3A_123 : memref<3328x16xf32, #tpu.memory_space<hbm>>) target_semaphore(%run_scoped3A_115 : memref<!tpu.dma_semaphore, #tpu.memory_space<semaphore_mem>>)
      %dma_wait3A_128 = arith.constant 0 : i32
      %dma_wait3A_129 = arith.constant 0 : i32
      %dma_wait3A_130 = tpu.memref_slice %arg6[%run_scoped3A_72, %dma_wait3A_128, %dma_wait3A_129] : memref<2x3328x16xf32, #tpu.memory_space<vmem>> -> memref<1x3328x16xf32, #tpu.memory_space<vmem>>
      %dma_wait3A_131 = tpu.memref_squeeze %dma_wait3A_130 : memref<1x3328x16xf32, #tpu.memory_space<vmem>> -> memref<3328x16xf32, #tpu.memory_space<vmem>>
      %dma_wait3A_132 = arith.constant 0 : i32
      %dma_wait3A_133 = tpu.memref_slice %arg4[%add3A_71, %dma_wait3A_132] : memref<425984x16xf32, #tpu.memory_space<hbm>> -> memref<3328x16xf32, #tpu.memory_space<hbm>>
      %dma_wait3A_134 = arith.constant 0 : i32
      %dma_wait3A_135 = tpu.memref_slice %arg4[%add3A_71, %dma_wait3A_134] : memref<425984x16xf32, #tpu.memory_space<hbm>> -> memref<3328x16xf32, #tpu.memory_space<hbm>>
      %dma_wait3A_136 = arith.constant 0 : i32
      %dma_wait3A_137 = arith.constant 0 : i32
      %dma_wait3A_138 = tpu.memref_slice %arg6[%run_scoped3A_72, %dma_wait3A_136, %dma_wait3A_137] : memref<2x3328x16xf32, #tpu.memory_space<vmem>> -> memref<1x3328x16xf32, #tpu.memory_space<vmem>>
      %dma_wait3A_139 = tpu.memref_squeeze %dma_wait3A_138 : memref<1x3328x16xf32, #tpu.memory_space<vmem>> -> memref<3328x16xf32, #tpu.memory_space<vmem>>
      tpu.wait_dma2 semaphore(%run_scoped3A_115 : memref<!tpu.dma_semaphore, #tpu.memory_space<semaphore_mem>>) src(%dma_wait3A_139 : memref<3328x16xf32, #tpu.memory_space<vmem>>) dst(%dma_wait3A_135 : memref<3328x16xf32, #tpu.memory_space<hbm>>)
      tpu.yield
    }) : () -> ()
    %scan3A_73 = arith.constant 0 : i32
    %scan3A_74 = arith.constant 0 : i32
    %scan3A_75 = arith.constant 208 : i32
    %scan3A_76 = arith.addi %scan3A_74, %scan3A_75 : i32
    %scan3A_77 = arith.constant 1 : i32
    scf.for %scan3A_115 = %scan3A_74 to %scan3A_76 step %scan3A_77  : i32 {
      %add3A_116 = arith.constant 624 : i32
      %add3A_117 = arith.addi %add3A_116, %scan3A_115 : i32
      %mul3A_118 = arith.constant 16 : i32
      %mul3A_119 = arith.muli %add3A_117, %mul3A_118 : i32
      %add3A_120 = vector.broadcast %mul3A_119 : i32 to vector<16xi32>
      %add3A_121 = arith.addi %iota3A, %add3A_120 : vector<16xi32>
      %get3A = arith.index_cast %mul3A_119 : i32 to index
      %get3A_122 = tpu.vector_load %arg5[%get3A] {strides = array<i32>} : memref<13312xi32, #tpu.memory_space<vmem>>, vector<16xi32>,
      %get3A_123 = vector.shape_cast %get3A_122 : vector<16xi32> to vector<16xi32>
      %jit3A = arith.constant 26 : i32
      %eq3A = arith.constant 0 : i32
      %eq3A_124 = arith.cmpi eq, %jit3A, %eq3A : i32
      %jit3A_125 = arith.constant 1 : i32
      %select_n3A = arith.select %eq3A_124, %jit3A_125, %jit3A : i32
      %rem3A = vector.broadcast %select_n3A : i32 to vector<16xi32>
      %rem3A_126 = arith.remsi %add3A_121, %rem3A : vector<16xi32>
      %ne3A = arith.constant 0 : i32
      %ne3A_127 = vector.broadcast %ne3A : i32 to vector<16xi32>
      %ne3A_128 = arith.cmpi ne, %rem3A_126, %ne3A_127 : vector<16xi32>
      %lt3A = arith.constant 0 : i32
      %lt3A_129 = vector.broadcast %lt3A : i32 to vector<16xi32>
      %lt3A_130 = arith.cmpi slt, %rem3A_126, %lt3A_129 : vector<16xi32>
      %lt3A_131 = arith.constant 0 : i32
      %lt3A_132 = arith.cmpi slt, %select_n3A, %lt3A_131 : i32
      %ne3A_133 = vector.broadcast %lt3A_132 : i1 to vector<16xi1>
      %ne3A_134 = vector.broadcast %ne3A_133 : vector<16xi1> to vector<16xi1>
      %ne3A_135 = arith.xori %lt3A_130, %ne3A_134 : vector<16xi1>
      %and3A = arith.andi %ne3A_135, %ne3A_128 : vector<16xi1>
      %add3A_136 = vector.broadcast %select_n3A : i32 to vector<16xi32>
      %add3A_137 = arith.addi %rem3A_126, %add3A_136 : vector<16xi32>
      %select_n3A_138 = arith.select %and3A, %add3A_137, %rem3A_126 : vector<16xi1>, vector<16xi32>
      %mul3A_139 = arith.constant 100000 : i32
      %mul3A_140 = vector.broadcast %mul3A_139 : i32 to vector<16xi32>
      %mul3A_141 = arith.muli %select_n3A_138, %mul3A_140 : vector<16xi32>
      %add3A_142 = arith.addi %get3A_123, %mul3A_141 : vector<16xi32>
      %swap3A = arith.index_cast %mul3A_119 : i32 to index
      %swap3A_143 = tpu.vector_load %arg5[%swap3A] {strides = array<i32>} : memref<13312xi32, #tpu.memory_space<vmem>>, vector<16xi32>,
      %swap3A_144 = vector.shape_cast %swap3A_143 : vector<16xi32> to vector<16xi32>
      %swap3A_145 = vector.shape_cast %add3A_142 : vector<16xi32> to vector<16xi32>
      tpu.vector_store %arg5[%swap3A], %swap3A_145 {strides = array<i32>} : memref<13312xi32, #tpu.memory_space<vmem>>, vector<16xi32>,
    }
    %scan3A_78 = arith.constant 208 : i32
    %dma_start3A_79 = arith.constant 1 : i32
    %dma_start3A_80 = arith.constant 0 : i32
    %dma_start3A_81 = arith.constant 0 : i32
    %dma_start3A_82 = tpu.memref_slice %arg6[%dma_start3A_79, %dma_start3A_80, %dma_start3A_81] : memref<2x3328x16xf32, #tpu.memory_space<vmem>> -> memref<1x3328x16xf32, #tpu.memory_space<vmem>>
    %dma_start3A_83 = tpu.memref_squeeze %dma_start3A_82 : memref<1x3328x16xf32, #tpu.memory_space<vmem>> -> memref<3328x16xf32, #tpu.memory_space<vmem>>
    %dma_start3A_84 = arith.constant 9984 : i32
    %dma_start3A_85 = tpu.memref_slice %arg5[%dma_start3A_84] : memref<13312xi32, #tpu.memory_space<vmem>> -> memref<3328xi32, #tpu.memory_space<vmem>>
    %dma_start3A_86 = arith.constant 0 : i32
    %dma_start3A_87 = arith.constant 0 : i32
    %dma_start3A_88 = tpu.memref_slice %arg3[%dma_start3A_86, %dma_start3A_87] : memref<2600064x16xf32, #tpu.memory_space<hbm>> -> memref<2600064x16xf32, #tpu.memory_space<hbm>>
    tpu.enqueue_indirect_dma source(%dma_start3A_88 : memref<2600064x16xf32, #tpu.memory_space<hbm>>) target(%dma_start3A_83 : memref<3328x16xf32, #tpu.memory_space<vmem>>) offsets(%dma_start3A_85 : memref<3328xi32, #tpu.memory_space<vmem>>) semaphore(%arg8 : memref<!tpu.dma_semaphore, #tpu.memory_space<semaphore_mem>>)
    %dma_wait3A_89 = arith.constant 0 : i32
    %dma_wait3A_90 = arith.constant 0 : i32
    %dma_wait3A_91 = arith.constant 0 : i32
    %dma_wait3A_92 = tpu.memref_slice %arg6[%dma_wait3A_89, %dma_wait3A_90, %dma_wait3A_91] : memref<2x3328x16xf32, #tpu.memory_space<vmem>> -> memref<1x3328x16xf32, #tpu.memory_space<vmem>>
    %dma_wait3A_93 = tpu.memref_squeeze %dma_wait3A_92 : memref<1x3328x16xf32, #tpu.memory_space<vmem>> -> memref<3328x16xf32, #tpu.memory_space<vmem>>
    %dma_wait3A_94 = arith.constant 6656 : i32
    %dma_wait3A_95 = tpu.memref_slice %arg5[%dma_wait3A_94] : memref<13312xi32, #tpu.memory_space<vmem>> -> memref<3328xi32, #tpu.memory_space<vmem>>
    %dma_wait3A_96 = arith.constant 0 : i32
    %dma_wait3A_97 = arith.constant 0 : i32
    %dma_wait3A_98 = tpu.memref_slice %arg3[%dma_wait3A_96, %dma_wait3A_97] : memref<2600064x16xf32, #tpu.memory_space<hbm>> -> memref<2600064x16xf32, #tpu.memory_space<hbm>>
    tpu.wait_indirect_dma semaphore(%arg7 : memref<!tpu.dma_semaphore, #tpu.memory_space<semaphore_mem>>) src(%dma_wait3A_98 : memref<2600064x16xf32, #tpu.memory_space<hbm>>) dst(%dma_wait3A_93 : memref<3328x16xf32, #tpu.memory_space<vmem>>)
    %add3A_99 = arith.constant 6656 : i32
    %add3A_100 = arith.addi %mul3A_2, %add3A_99 : i32
    %run_scoped3A_101 = arith.constant 0 : i32
    "tpu.region"() ({
      %run_scoped3A_115 = tpu.sem_alloc : memref<!tpu.dma_semaphore, #tpu.memory_space<semaphore_mem>>
      %dma_start3A_116 = arith.constant 0 : i32
      %dma_start3A_117 = arith.constant 0 : i32
      %dma_start3A_118 = tpu.memref_slice %arg6[%run_scoped3A_101, %dma_start3A_116, %dma_start3A_117] : memref<2x3328x16xf32, #tpu.memory_space<vmem>> -> memref<1x3328x16xf32, #tpu.memory_space<vmem>>
      %dma_start3A_119 = tpu.memref_squeeze %dma_start3A_118 : memref<1x3328x16xf32, #tpu.memory_space<vmem>> -> memref<3328x16xf32, #tpu.memory_space<vmem>>
      %dma_start3A_120 = arith.constant 0 : i32
      %dma_start3A_121 = tpu.memref_slice %arg4[%add3A_100, %dma_start3A_120] : memref<425984x16xf32, #tpu.memory_space<hbm>> -> memref<3328x16xf32, #tpu.memory_space<hbm>>
      %dma_start3A_122 = arith.constant 0 : i32
      %dma_start3A_123 = tpu.memref_slice %arg4[%add3A_100, %dma_start3A_122] : memref<425984x16xf32, #tpu.memory_space<hbm>> -> memref<3328x16xf32, #tpu.memory_space<hbm>>
      %dma_start3A_124 = arith.constant 0 : i32
      %dma_start3A_125 = arith.constant 0 : i32
      %dma_start3A_126 = tpu.memref_slice %arg6[%run_scoped3A_101, %dma_start3A_124, %dma_start3A_125] : memref<2x3328x16xf32, #tpu.memory_space<vmem>> -> memref<1x3328x16xf32, #tpu.memory_space<vmem>>
      %dma_start3A_127 = tpu.memref_squeeze %dma_start3A_126 : memref<1x3328x16xf32, #tpu.memory_space<vmem>> -> memref<3328x16xf32, #tpu.memory_space<vmem>>
      tpu.enqueue_dma source(%dma_start3A_127 : memref<3328x16xf32, #tpu.memory_space<vmem>>) target(%dma_start3A_123 : memref<3328x16xf32, #tpu.memory_space<hbm>>) target_semaphore(%run_scoped3A_115 : memref<!tpu.dma_semaphore, #tpu.memory_space<semaphore_mem>>)
      %dma_wait3A_128 = arith.constant 0 : i32
      %dma_wait3A_129 = arith.constant 0 : i32
      %dma_wait3A_130 = tpu.memref_slice %arg6[%run_scoped3A_101, %dma_wait3A_128, %dma_wait3A_129] : memref<2x3328x16xf32, #tpu.memory_space<vmem>> -> memref<1x3328x16xf32, #tpu.memory_space<vmem>>
      %dma_wait3A_131 = tpu.memref_squeeze %dma_wait3A_130 : memref<1x3328x16xf32, #tpu.memory_space<vmem>> -> memref<3328x16xf32, #tpu.memory_space<vmem>>
      %dma_wait3A_132 = arith.constant 0 : i32
      %dma_wait3A_133 = tpu.memref_slice %arg4[%add3A_100, %dma_wait3A_132] : memref<425984x16xf32, #tpu.memory_space<hbm>> -> memref<3328x16xf32, #tpu.memory_space<hbm>>
      %dma_wait3A_134 = arith.constant 0 : i32
      %dma_wait3A_135 = tpu.memref_slice %arg4[%add3A_100, %dma_wait3A_134] : memref<425984x16xf32, #tpu.memory_space<hbm>> -> memref<3328x16xf32, #tpu.memory_space<hbm>>
      %dma_wait3A_136 = arith.constant 0 : i32
      %dma_wait3A_137 = arith.constant 0 : i32
      %dma_wait3A_138 = tpu.memref_slice %arg6[%run_scoped3A_101, %dma_wait3A_136, %dma_wait3A_137] : memref<2x3328x16xf32, #tpu.memory_space<vmem>> -> memref<1x3328x16xf32, #tpu.memory_space<vmem>>
      %dma_wait3A_139 = tpu.memref_squeeze %dma_wait3A_138 : memref<1x3328x16xf32, #tpu.memory_space<vmem>> -> memref<3328x16xf32, #tpu.memory_space<vmem>>
      tpu.wait_dma2 semaphore(%run_scoped3A_115 : memref<!tpu.dma_semaphore, #tpu.memory_space<semaphore_mem>>) src(%dma_wait3A_139 : memref<3328x16xf32, #tpu.memory_space<vmem>>) dst(%dma_wait3A_135 : memref<3328x16xf32, #tpu.memory_space<hbm>>)
      tpu.yield
    }) : () -> ()
    %dma_wait3A_102 = arith.constant 1 : i32
    %dma_wait3A_103 = arith.constant 0 : i32
    %dma_wait3A_104 = arith.constant 0 : i32
    %dma_wait3A_105 = tpu.memref_slice %arg6[%dma_wait3A_102, %dma_wait3A_103, %dma_wait3A_104] : memref<2x3328x16xf32, #tpu.memory_space<vmem>> -> memref<1x3328x16xf32, #tpu.memory_space<vmem>>
    %dma_wait3A_106 = tpu.memref_squeeze %dma_wait3A_105 : memref<1x3328x16xf32, #tpu.memory_space<vmem>> -> memref<3328x16xf32, #tpu.memory_space<vmem>>
    %dma_wait3A_107 = arith.constant 9984 : i32
    %dma_wait3A_108 = tpu.memref_slice %arg5[%dma_wait3A_107] : memref<13312xi32, #tpu.memory_space<vmem>> -> memref<3328xi32, #tpu.memory_space<vmem>>
    %dma_wait3A_109 = arith.constant 0 : i32
    %dma_wait3A_110 = arith.constant 0 : i32
    %dma_wait3A_111 = tpu.memref_slice %arg3[%dma_wait3A_109, %dma_wait3A_110] : memref<2600064x16xf32, #tpu.memory_space<hbm>> -> memref<2600064x16xf32, #tpu.memory_space<hbm>>
    tpu.wait_indirect_dma semaphore(%arg8 : memref<!tpu.dma_semaphore, #tpu.memory_space<semaphore_mem>>) src(%dma_wait3A_111 : memref<2600064x16xf32, #tpu.memory_space<hbm>>) dst(%dma_wait3A_106 : memref<3328x16xf32, #tpu.memory_space<vmem>>)
    %add3A_112 = arith.constant 9984 : i32
    %add3A_113 = arith.addi %mul3A_2, %add3A_112 : i32
    %run_scoped3A_114 = arith.constant 1 : i32
    "tpu.region"() ({
      %run_scoped3A_115 = tpu.sem_alloc : memref<!tpu.dma_semaphore, #tpu.memory_space<semaphore_mem>>
      %dma_start3A_116 = arith.constant 0 : i32
      %dma_start3A_117 = arith.constant 0 : i32
      %dma_start3A_118 = tpu.memref_slice %arg6[%run_scoped3A_114, %dma_start3A_116, %dma_start3A_117] : memref<2x3328x16xf32, #tpu.memory_space<vmem>> -> memref<1x3328x16xf32, #tpu.memory_space<vmem>>
      %dma_start3A_119 = tpu.memref_squeeze %dma_start3A_118 : memref<1x3328x16xf32, #tpu.memory_space<vmem>> -> memref<3328x16xf32, #tpu.memory_space<vmem>>
      %dma_start3A_120 = arith.constant 0 : i32
      %dma_start3A_121 = tpu.memref_slice %arg4[%add3A_113, %dma_start3A_120] : memref<425984x16xf32, #tpu.memory_space<hbm>> -> memref<3328x16xf32, #tpu.memory_space<hbm>>
      %dma_start3A_122 = arith.constant 0 : i32
      %dma_start3A_123 = tpu.memref_slice %arg4[%add3A_113, %dma_start3A_122] : memref<425984x16xf32, #tpu.memory_space<hbm>> -> memref<3328x16xf32, #tpu.memory_space<hbm>>
      %dma_start3A_124 = arith.constant 0 : i32
      %dma_start3A_125 = arith.constant 0 : i32
      %dma_start3A_126 = tpu.memref_slice %arg6[%run_scoped3A_114, %dma_start3A_124, %dma_start3A_125] : memref<2x3328x16xf32, #tpu.memory_space<vmem>> -> memref<1x3328x16xf32, #tpu.memory_space<vmem>>
      %dma_start3A_127 = tpu.memref_squeeze %dma_start3A_126 : memref<1x3328x16xf32, #tpu.memory_space<vmem>> -> memref<3328x16xf32, #tpu.memory_space<vmem>>
      tpu.enqueue_dma source(%dma_start3A_127 : memref<3328x16xf32, #tpu.memory_space<vmem>>) target(%dma_start3A_123 : memref<3328x16xf32, #tpu.memory_space<hbm>>) target_semaphore(%run_scoped3A_115 : memref<!tpu.dma_semaphore, #tpu.memory_space<semaphore_mem>>)
      %dma_wait3A_128 = arith.constant 0 : i32
      %dma_wait3A_129 = arith.constant 0 : i32
      %dma_wait3A_130 = tpu.memref_slice %arg6[%run_scoped3A_114, %dma_wait3A_128, %dma_wait3A_129] : memref<2x3328x16xf32, #tpu.memory_space<vmem>> -> memref<1x3328x16xf32, #tpu.memory_space<vmem>>
      %dma_wait3A_131 = tpu.memref_squeeze %dma_wait3A_130 : memref<1x3328x16xf32, #tpu.memory_space<vmem>> -> memref<3328x16xf32, #tpu.memory_space<vmem>>
      %dma_wait3A_132 = arith.constant 0 : i32
      %dma_wait3A_133 = tpu.memref_slice %arg4[%add3A_113, %dma_wait3A_132] : memref<425984x16xf32, #tpu.memory_space<hbm>> -> memref<3328x16xf32, #tpu.memory_space<hbm>>
      %dma_wait3A_134 = arith.constant 0 : i32
      %dma_wait3A_135 = tpu.memref_slice %arg4[%add3A_113, %dma_wait3A_134] : memref<425984x16xf32, #tpu.memory_space<hbm>> -> memref<3328x16xf32, #tpu.memory_space<hbm>>
      %dma_wait3A_136 = arith.constant 0 : i32
      %dma_wait3A_137 = arith.constant 0 : i32
      %dma_wait3A_138 = tpu.memref_slice %arg6[%run_scoped3A_114, %dma_wait3A_136, %dma_wait3A_137] : memref<2x3328x16xf32, #tpu.memory_space<vmem>> -> memref<1x3328x16xf32, #tpu.memory_space<vmem>>
      %dma_wait3A_139 = tpu.memref_squeeze %dma_wait3A_138 : memref<1x3328x16xf32, #tpu.memory_space<vmem>> -> memref<3328x16xf32, #tpu.memory_space<vmem>>
      tpu.wait_dma2 semaphore(%run_scoped3A_115 : memref<!tpu.dma_semaphore, #tpu.memory_space<semaphore_mem>>) src(%dma_wait3A_139 : memref<3328x16xf32, #tpu.memory_space<vmem>>) dst(%dma_wait3A_135 : memref<3328x16xf32, #tpu.memory_space<hbm>>)
      tpu.yield
    }) : () -> ()
    return
  }
}

</mosaic_0001>

<sc_bundles>
// kernel: kernel.4.cloned.1.call-start
scs
__scs_entry_jumppad:
0x0: {  	(pc) =	sbr.rel $0x88, $3  }
0x1: {  	(tag) =	ssettag $0x0;
	lr =	simm.s32 $0x1  }
0x2: {  	[smem:$0x3F9F] =	sst lr;
	_ =	strace $0xD0000000  }
0x3: {  	_ = 	snop  }
0x4: {  	_ = 	snop  }
0x5: {  	_ = 	snop  }
0x6: {  	_ = 	snop  }
0x7: {  	_ = 	snop  }
__scs_overlays_trampoline_lowered:
0x8: {  	[smem:$0x3FAE] =	sst s0  }
0x9: {  	[smem:$0x3FAF] =	sst s1  }
0xa: {  	[smem:$0x3FB0] =	sst s2  }
0xb: {  	[smem:$0x3FB1] =	sst s3  }
0xc: {  	[smem:$0x3FB2] =	sst s4  }
0xd: {  	[smem:$0x3FB3] =	sst s5  }
0xe: {  	[smem:$0x3FB4] =	sst s6  }
0xf: {  	[smem:$0x3FB5] =	sst s7  }
0x10: {  	[smem:$0x3FB6] =	sst s8  }
0x11: {  	[smem:$0x3FB7] =	sst s9;
	s0 =	simm.s32 @!p0 $0x0  }
0x12: {  	s1 =	sld [smem:$0x3F9D];
	s0 =	simm.s32 @p0 $0x1  }
0x13: {  	[smem:$0x3FB8] =	sst s0;
	s0 =	simm.s32 @!p1 $0x0  }
0x14: {  	s2 =	sld [smem:$0x3F9C];
	s0 =	simm.s32 @p1 $0x1  }
0x15: {  	[smem:$0x3FB9] =	sst s0;
	s0 =	simm.s32 @!p2 $0x0  }
0x16: {  	s3 =	sld [smem:$0x3FDB];
	s0 =	simm.s32 @p2 $0x1  }
0x17: {  	s4 =	simm.s32 $0x1BF5;
	[smem:$0x3FBB] =	sst s0  }
0x18: {  	s0 =	sld [smem:$0x3F9E];
	_ =	swait.ge [sflag:s4], $0x0  }
0x19: {  	s7 =	sld [smem:$0x3F9F]  }
0x1a: {  	s8 =	sadd.s32 $0xFFFFE003, lr  }
0x1b: {  	s9 =	sadd.s32 $0xFFFFFEF7, lr;
	s5 =	simm.s32 $0xFFFFFFFF;
	p2 =	slt.u32 s8, $0xFFFFF086  }
0x1c: {  	p1 =	slt.u32 s9, $0xF7A;
	s5 =	simm.s32 @!p2 $0x0  }
0x1d: {  	s5 =	simm.s32 @p1 $0x1;
	p0 =	seq.s32 s7, s2  }
0x1e: {  	s7 =	smul.u32 @!p0 $0xF7A, s2;
	p2 =	seq.s32 @!p0 s5, $0x0  }
0x1f: {  	s9 =	smul.u32 $0xF7A, s1;
	s8 =	simm.s32 @!p0 $0x1BF5;
	p2 =	por !p2, p0  }
0x20: {  	[sflag:s8] =	ssyncset.s32 @!p0 $0xFFFFF086;
	s6 =	sadd.s32 @!p0 s3, s7;
	s7 =	simm.s32 @!p0 $0x108  }
0x21: {  	s3 =	sadd.s32 s3, s9;
	s6 =	sadd.s32 @!p0 $0x88, s6;
	s7 =	simm.s32 @p2 $0x1082  }
0x22: {  	[simem:s7], [sflag:s8] =	dma.local @!p0 [hbm:s6], $0xF7A  }
0x23: {  	s9 =	sor.u32 $0xD0000000, s2;
	s6 =	simm.s32 $0x108;
	_ =	swait.ge @!p0 [sflag:s8], $0x0  }
0x24: {  	s3 =	sadd.s32 $0x88, s3;
	s6 =	simm.s32 @!p1 $0x1082;
	[sflag:s4] =	ssyncset.s32 $0xFFFFF086  }
0x25: {  	[simem:s6], [sflag:s4] =	dma.local [hbm:s3], $0xF7A  }
0x26: {  	[smem:$0x3F9F] =	sst s1;
	(tag) =	ssettag s2;
	_ =	strace s9  }
0x27: {  	s1 =	sld [smem:$0x3FAF]  }
0x28: {  	s2 =	sld [smem:$0x3FB0]  }
0x29: {  	s4 =	sld [smem:$0x3FB2]  }
0x2a: {  	p0 =	seq.s32 s5, $0x0;
	s5 =	sld [smem:$0x3FB3]  }
0x2b: {  	s6 =	sld [smem:$0x3FB4]  }
0x2c: {  	s7 =	sld [smem:$0x3FB5]  }
0x2d: {  	s3 =	simm.s32 $0x108;
	s8 =	sld [smem:$0x3FB6]  }
0x2e: {  	s3 =	simm.s32 @!p0 $0x1082;
	s9 =	sld [smem:$0x3FB7]  }
0x2f: {  	lr =	sadd.s32 s0, s3;
	s0 =	sld [smem:$0x3FAE]  }
0x30: {  	s3 =	sld [smem:$0x3FB1]  }
0x31: {  	[smem:$0x3FBA] =	sst s10  }
0x32: {  	s10 =	sld [smem:$0x3FB8];
	_ =	sdelay $0x3  }
0x33: {  	p0 =	seq.s32 s10, $0x1;
	s10 =	sld [smem:$0x3FBA];
	_ =	sdelay $0x3  }
0x34: {  	[smem:$0x3FBA] =	sst s10  }
0x35: {  	s10 =	sld [smem:$0x3FB9];
	_ =	sdelay $0x3  }
0x36: {  	p1 =	seq.s32 s10, $0x1;
	s10 =	sld [smem:$0x3FBA];
	_ =	sdelay $0x3  }
0x37: {  	[smem:$0x3FBA] =	sst s10  }
0x38: {  	s10 =	sld [smem:$0x3FBB]  }
0x39: {  	_ = 	snop;
	(pc) =	sbr.ind lr, $3  }
0x3a: {  	_ = 	snop  }
0x3b: {  	_ = 	snop  }
0x3c: {  	p2 =	seq.s32 s10, $0x1;
	s10 =	sld [smem:$0x3FBA]  }
0x3d: {  	_ =	shalt  }
0x3e: {  	_ =	shalt  }
0x3f: {  	_ =	shalt  }
0x40: {  	_ =	shalt  }
0x41: {  	_ =	shalt  }
0x42: {  	_ =	shalt  }
0x43: {  	_ =	shalt  }
0x44: {  	_ =	shalt  }
0x45: {  	_ =	shalt  }
0x46: {  	_ =	shalt  }
0x47: {  	_ =	shalt  }
0x48: {  	_ =	shalt  }
0x49: {  	_ =	shalt  }
0x4a: {  	_ =	shalt  }
0x4b: {  	_ =	shalt  }
0x4c: {  	_ =	shalt  }
0x4d: {  	_ =	shalt  }
0x4e: {  	_ =	shalt  }
0x4f: {  	_ =	shalt  }
0x50: {  	_ =	shalt  }
0x51: {  	_ =	shalt  }
0x52: {  	_ =	shalt  }
0x53: {  	_ =	shalt  }
0x54: {  	_ =	shalt  }
0x55: {  	_ =	shalt  }
0x56: {  	_ =	shalt  }
0x57: {  	_ =	shalt  }
0x58: {  	_ =	shalt  }
0x59: {  	_ =	shalt  }
0x5a: {  	_ =	shalt  }
0x5b: {  	_ =	shalt  }
0x5c: {  	_ =	shalt  }
0x5d: {  	_ =	shalt  }
0x5e: {  	_ =	shalt  }
0x5f: {  	_ =	shalt  }
0x60: {  	_ =	shalt  }
0x61: {  	_ =	shalt  }
0x62: {  	_ =	shalt  }
0x63: {  	_ =	shalt  }
0x64: {  	_ =	shalt  }
0x65: {  	_ =	shalt  }
0x66: {  	_ =	shalt  }
0x67: {  	_ =	shalt  }
0x68: {  	_ =	shalt  }
0x69: {  	_ =	shalt  }
0x6a: {  	_ =	shalt  }
0x6b: {  	_ =	shalt  }
0x6c: {  	_ =	shalt  }
0x6d: {  	_ =	shalt  }
0x6e: {  	_ =	shalt  }
0x6f: {  	_ =	shalt  }
0x70: {  	_ =	shalt  }
0x71: {  	_ =	shalt  }
0x72: {  	_ =	shalt  }
0x73: {  	_ =	shalt  }
0x74: {  	_ =	shalt  }
0x75: {  	_ =	shalt  }
0x76: {  	_ =	shalt  }
0x77: {  	_ =	shalt  }
0x78: {  	_ =	shalt  }
0x79: {  	_ =	shalt  }
0x7a: {  	_ =	shalt  }
0x7b: {  	_ =	shalt  }
0x7c: {  	_ =	shalt  }
0x7d: {  	_ =	shalt  }
0x7e: {  	_ =	shalt  }
0x7f: {  	_ =	shalt  }
0x80: {  	_ =	shalt  }
0x81: {  	_ =	shalt  }
0x82: {  	_ =	shalt  }
0x83: {  	_ =	shalt  }
0x84: {  	_ =	shalt  }
0x85: {  	_ =	shalt  }
0x86: {  	_ =	shalt  }
0x87: {  	_ =	shalt  }
.Lfunc_end0:
.L_simem_size_0:
called_computation_lowered:
.L_overlay_start_0:
0x88: {  	s2 =	sld [smem:$0x3FD9]  }
0x89: {  	s3 =	sld [smem:$0x3FFE];
	_ =	sdelay $0x1  }
0x8a: {  	s1 =	srdreg.scid  }
0x8b: {  	s0 =	sand.u32 $0x1, s1  }
0x8c: {  	s17 =	sshll.u32 s0, $0xA;
	s2 =	sadd.s32 s3, s2  }
0x8d: {  	s2 =	sadd.s32 s2, s17  }
0x8e: {  	[smem:$0x3FC6] =	sst s2  }
0x8f: {  	_ = 	snop  }
0x90: {  	s2 =	sld [smem:$0x3FC8];
	(tm) =	ssettm $0x1  }
0x91: {  	s18 =	sld [smem:$0x3FFB];
	_ =	sdelay $0x3  }
0x92: {  	_ =	strace s18  }
0x93: {  	s3 =	sld [smem:$0x3FFC];
	_ =	sdelay $0x3  }
0x94: {  	_ =	strace s3  }
0x95: {  	s3 =	sld [smem:$0x3FFD];
	_ =	sdelay $0x3  }
0x96: {  	_ =	strace s3  }
0x97: {  	_ =	strace $0x8FFFFFFF  }
0x98: {  	s19 =	sld [smem:$0x3FDB];
	_ =	sdelay $0x1  }
0x99: {  	s4 =	simm.s32 $_scs_section_size  }
0x9a: {  	s5 =	simm.s32 $_size__tile_overlayer_lowered;
	s6 =	simm.s32 $_tile_overlayer_lowered  }
0x9b: {  	s22 =	simm.s32 $0x1BFF;
	s21 =	sshll.u32 s6, $0x1;
	s3 =	sadd.s32 s4, s19  }
0x9c: {  	s7 =	simm.s32 $0x0;
	s20 =	sshll.u32 s5, $0x1;
	s5 =	sadd.s32 s21, s3  }
0x9d: {  	[timem:s7], [sflag:s22] =	dma.local [hbm:s5], s20  }
0x9e: {  	_ =	swait.ge [sflag:s22], s20  }
0x9f: {  	s4 =	ssub.s32 $0x0, s20;
	[sflag:s22] =	ssyncset.done $0x0  }
0xa0: {  	[sflag:s22] =	ssyncadd.s32 s4;
	_ =	sdelay $0x1  }
0xa1: {  	s23 =	simm.s32 $0x1B8B  }
0xa2: {  	_ =	swait.ge [sflag:s23], $0x1  }
0xa3: {  	[sflag:s23] =	ssyncset.done $0x0  }
0xa4: {  	s25 =	simm.s32 $0x1B8E;
	s24 =	sld [smem:$0x3FFE];
	[sflag:s23] =	ssyncadd.s32 $0xFFFFFFFF  }
0xa5: {  	s26 =	simm.s32 $execute0_lowered;
	[smem:$0x3FD2] =	sst s25  }
0xa6: {  	s5 =	sshll.u32 s26, $0x1;
	_ =	strace $0x80000046;
	[dreg:$0x1] =	wrdreg $0xFFFFFFFF  }
0xa7: {  	s28 =	simm.s32 $_size_execute0_lowered;
	s3 =	sadd.s32 s3, s5;
	[dreg:$0x0] =	wrdreg $0x0  }
0xa8: {  	s5 =	sshll.u32 s28, $0x1;
	[dreg:$0x2] =	wrdreg s3  }
0xa9: {  	[dreg:$0x3] =	wrdreg s5  }
0xaa: {  	[dreg:$0x4] =	wrdreg $0xC0  }
0xab: {  	_ =	task [dreg:s7], $0x5FFFF  }
0xac: {  	[dreg:$0x1] =	wrdreg $0xFFFFFFFF  }
0xad: {  	[dreg:$0x0] =	wrdreg $0x60  }
0xae: {  	[dreg:$0x2] =	wrdreg s2  }
0xaf: {  	[dreg:$0x3] =	wrdreg s24  }
0xb0: {  	[dreg:$0x4] =	wrdreg $0x9  }
0xb1: {  	_ =	task.clear_ibuf [dreg:s7], $0x5FFFF;
	_ =	strace $0x90000046  }
0xb2: {  	s29 =	simm.s32 $0x9;
	_ =	strace $0x80000048  }
0xb3: {  	_ =	swait.ge [sflag:s29], $0x1  }
0xb4: {  	[sflag:s29] =	ssyncadd.s32 $0xFFFFFFFF  }
0xb5: {  	_ =	strace $0x90000048  }
0xb6: {  	_ =	sfence  }
0xb7: {  	s30 =	sld [smem:$0x0];
	_ =	sdelay $0x2  }
0xb8: {  	s31 =	sshll.u32 s1, $0xD;
	s1 =	sshrl.u32 s1, $0x2  }
0xb9: {  	s3 =	sand.u32 $0x4000, s31;
	s1 =	sadd.s32 s1, s30  }
0xba: {  	s0 =	sor.u32 s3, s0;
	s1 =	sshll.u32 s1, $0x11  }
0xbb: {  	s0 =	sor.u32 s1, s0  }
0xbc: {  	s0 =	sadd.s32 $0x8F2B, s0  }
0xbd: {  	[sflag:s0] =	ssyncadd.remote.s32 $0x1  }
0xbe: {  	_ =	sfence.sel $0xFFFF  }
0xbf: {  	[dreg:$0x0] =	wrdreg $0xFFFFFFFF;
	(pc) =	sbr.abs _section_cstart, $3  }
0xc0: {  	[dreg:$0x1] =	wrdreg $0xFFFFFFFF  }
0xc1: {  	_ =	task.clear_ibuf [dreg:s7], $0x2FFFF;
	_ =	strace $0x9FFFFFFF  }
0xc2: {  	(tm) =	ssettm $0x7FFFFFFF  }
0xc3: {  	_ =	shalt  }
tec
execute0_lowered:
.L_overlay_start_1:
0x0: {  	(tag) =	ssettag $0x1  }
0x1: {  	s3 =	rddreg [dreg:$0x0];
	s0 =	srdreg.scid  }
0x2: {  	s2 =	stileid.u32;
	s1 =	rddreg [dreg:$0x1];
	s22 =	simm.s32 $0x0  }
0x3: {  	s0 =	sand.u32 $0x1, s0;
	s4 =	sshll.u32 s2, $0x1;
	[smem:$0x7FF] =	sst s22  }
0x4: {  	s28 =	sadd.s32 $0xA00, s1;
	p0 =	slt.u32 s2, $0xE;
	s2 =	simm.s32 $0x35  }
0x5: {  	s30 =	sadd.s32 $0x27A800, s3;
	_ =	strace $0x80000047;
	[dreg:$0x3] =	wrdreg s28  }
0x6: {  	s1 =	sadd.s32 $0x4F5A00, s1;
	s8 =	sor.u32 s0, s4;
	[dreg:$0x8] =	wrdreg s30  }
0x7: {  	v0 =	vlaneseq.u32;
	s0 =	ssub.s32 $0x2, s0;
	s2 =	simm.s32 @!p0 $0x34;
	[dreg:$0x9] =	wrdreg s1  }
0x8: {  	v0 =	vmul.u32 $0x10, v0;
	s5 =	smul.u32 $0x34, s8;
	s6 =	smin.u32 s8, $0x1C;
	s7 =	sshrl.u32 s0, $0x1  }
0x9: {  	[dreg:$0x5] =	wrdreg s2;
	s2 =	simm.s32 $0x1B;
	s0 =	ssub.s32 s0, s7  }
.Ltmp0:
0xa: {  	v1 =	vor.u32 $0x1, v0;
	v2 =	vor.u32 $0x2, v0;
	v3 =	vor.u32 $0x3, v0;
	s2 =	simm.s32 @!p0 $0x1A;
	s31 =	sadd.s32 s6, s5;
	(pc) =	sbr.rel .LBB2_1-.Ltmp0, $4  }
0xb: {  	v4 =	vor.u32 $0x4, v0;
	v5 =	vor.u32 $0x5, v0;
	v6 =	vor.u32 $0x6, v0;
	[dreg:$0x6] =	wrdreg s2;
	s0 =	smax.u32 s0, $0x1;
	s9 =	smul.u32 $0x600, s31  }
0xc: {  	v7 =	vor.u32 $0x7, v0;
	v8 =	vor.u32 $0x8, v0;
	v9 =	vor.u32 $0x9, v0;
	[dreg:$0xa] =	wrdreg s0  }
0xd: {  	s15 =	simm.s32 $0xC000;
	v10 =	vor.u32 $0xA, v0;
	v11 =	vor.u32 $0xB, v0;
	v12 =	vor.u32 $0xC, v0;
	[dreg:$0x4] =	wrdreg s31;
	s29 =	sadd.s32 s3, s9  }
0xe: {  	s1 =	simm.s32 $0x0;
	v13 =	vor.u32 $0xD, v0;
	v14 =	vor.u32 $0xE, v0;
	v15 =	vor.u32 $0xF, v0;
	p0 =	sne.s32 s8, $0x1F;
	[dreg:$0x7] =	wrdreg s29  }
.LBB2_15:
0xf: {  	s1 =	sadd.s32 $0x1, s1;
	s0 =	rddreg [dreg:$0xa]  }
0x10: {  	p1 =	sne.s32 s1, s0  }
.Ltmp1:
0x11: {  	_ = 	snop;
	(pc) =	sbr.rel @!p1 .LBB2_16-.Ltmp1, $1  }
0x12: {  	_ =	sdelay $0x3  }
.LBB2_1:
.Ltmp2:
0x13: {  	(pc) =	sbr.rel .LBB2_2-.Ltmp2, $4  }
0x14: {  	_ = 	snop  }
0x15: {  	s0 =	rddreg [dreg:$0x7];
	s30 =	simm.s32 $0x3000;
	s2 =	simm.s32 $0x13D6400  }
0x16: {  	[tilespmem:s22], [sflag:$0x1] =	stream.strided.gather [hbm4b:s0+s30], $0x6000, s2, s30, $0x38;
	[tilespmem:$0x18100] =	vst v63  }
0x17: {  	[dreg:$0xb] =	wrdreg s1;
	s2 =	simm.s32 $0x0  }
.LBB2_10:
0x18: {  	s2 =	sadd.s32 $0x1, s2;
	s0 =	rddreg [dreg:$0x6]  }
0x19: {  	p1 =	sne.s32 s2, s0  }
.Ltmp3:
0x1a: {  	_ = 	snop;
	(pc) =	sbr.rel @!p1 .LBB2_11-.Ltmp3, $1  }
0x1b: {  	_ =	sdelay $0x3  }
.LBB2_2:
0x1c: {  	s3 =	sshll.u32 s2, $0x1;
	s0 =	rddreg [dreg:$0x5]  }
0x1d: {  	p2 =	sge.u32 s3, s0  }
.Ltmp4:
0x1e: {  	_ = 	snop;
	(pc) =	sbr.rel @p2 .LBB2_6-.Ltmp4, $3  }
0x1f: {  	_ =	sdelay $0x1  }
0x20: {  	s1 =	sshllo.u32 s2, $0x1;
	[dreg:$0xc] =	wrdreg s2  }
0x21: {  	[dreg:$0xd] =	wrdreg s1;
	p1 =	sge.u32 s1, s0  }
0x22: {  	s0 =	rddreg [dreg:$0xd]  }
0x23: {  	[dreg:$0xe] =	wrdreg s3;
	s8 =	simm.s32 @!p1 $0x3000;
	s1 =	sadd.s32 @!p1 s31, s0  }
0x24: {  	s9 =	simm.s32 @!p1 $0x13D6400;
	s10 =	simm.s32 @!p1 $0x6000;
	s1 =	smul.u32 @!p1 $0x600, s1  }
0x25: {  	s2 =	simm.s32 $0x0;
	s4 =	simm.s32 $0x0;
	s0 =	rddreg [dreg:$0x0]  }
0x26: {  	s31 =	simm.s32 $0x1;
	s3 =	sand.u32 $0x3, s2;
	s1 =	sadd.s32 @!p1 s0, s1  }
0x27: {  	[tilespmem:s10], [sflag:$0x2] =	stream.strided.gather @!p1 [hbm4b:s1+s8], $0x6000, s9, s8, $0x38;
	[tilespmem:$0x18100] =	vst v63  }
0x28: {  	s11 =	sand.u32 $0x3C00, s2;
	s12 =	sand.u32 $0x60, s4;
	_ =	swait.ge [sflag:s31], $0x6000  }
0x29: {  	s17 =	sadd.s32 $0x3380, s11;
	s1 =	sshll.u32 s3, $0x5;
	[sflag:s31] =	ssyncset.done $0x0  }
0x2a: {  	s5 =	sor.u32 s12, s17;
	s1 =	sadd.s32 $0x0, s1;
	[sflag:s31] =	ssyncadd.s32 $0xFFFFA000  }
0x2b: {  	s8 =	sadd.s32 $0x3000, s11;
	s13 =	sor.u32 $0x380, s1;
	v16 =	vld [tilespmem:s5+$0x0]  }
0x2c: {  	s6 =	sor.u32 s12, s8;
	v17 =	vld [tilespmem:s13+$0x0]  }
0x2d: {  	s7 =	sor.u32 s12, s11;
	v18 =	vld [tilespmem:s6+$0x0]  }
0x2e: {  	v19 =	vld [tilespmem:s7+$0x280]  }
0x2f: {  	s18 =	sadd.s32 $0x3100, s11;
	v20 =	vld [tilespmem:s7+$0x200]  }
0x30: {  	s20 =	sadd.s32 $0x3280, s11;
	s14 =	sor.u32 s12, s18;
	v21 =	vld [tilespmem:s7+$0x100]  }
0x31: {  	s19 =	sor.u32 s12, s20;
	v22 =	vld [tilespmem:s14+$0x0]  }
0x32: {  	s23 =	sadd.s32 $0x3300, s11;
	v23 =	vld [tilespmem:s19+$0x0]  }
0x33: {  	s16 =	sor.u32 s12, s23;
	v24 =	vld [tilespmem:s7+$0x180]  }
0x34: {  	v25 =	vld [tilespmem:s16+$0x0]  }
0x35: {  	v27 =	vld [tilespmem:s7+$0x0]  }
0x36: {  	s24 =	sadd.s32 $0x3200, s11;
	s1 =	sor.u32 $0x300, s1;
	v26 =	vld [tilespmem:s7+$0x80]  }
0x37: {  	s25 =	sadd.s32 $0x3180, s11;
	s21 =	sor.u32 s12, s24;
	v29 =	vld [tilespmem:s1+$0x0]  }
0x38: {  	s9 =	sadd.s32 $0x3080, s11;
	s19 =	sor.u32 s12, s25;
	v30 =	vld [tilespmem:s21+$0x0]  }
0x39: {  	s12 =	sor.u32 s12, s9;
	s1 =	simm.s32 $0xC100;
	v28 =	vld [tilespmem:s19+$0x0]  }
0x3a: {  	v31 =	vld [tilespmem:s12+$0x0];
	[tilespmem:v0+s1+$0xFFFFFF00] =	vst.idx.msk $0xffff, v27  }
0x3b: {  	[tilespmem:v1+s1+$0xFFFFFF00] =	vst.idx.msk $0xffff, v26  }
0x3c: {  	[tilespmem:v2+s1+$0xFFFFFF00] =	vst.idx.msk $0xffff, v21  }
0x3d: {  	[tilespmem:v3+s1+$0xFFFFFF00] =	vst.idx.msk $0xffff, v24  }
0x3e: {  	[tilespmem:v4+s1+$0xFFFFFF00] =	vst.idx.msk $0xffff, v20  }
0x3f: {  	[tilespmem:v5+s1+$0xFFFFFF00] =	vst.idx.msk $0xffff, v19  }
0x40: {  	[tilespmem:v6+s1+$0xFFFFFF00] =	vst.idx.msk $0xffff, v29  }
0x41: {  	[tilespmem:v7+s1+$0xFFFFFF00] =	vst.idx.msk $0xffff, v17  }
0x42: {  	[tilespmem:v8+s1+$0xFFFFFF00] =	vst.idx.msk $0xffff, v18  }
0x43: {  	[tilespmem:v9+s1+$0xFFFFFF00] =	vst.idx.msk $0xffff, v31  }
0x44: {  	[tilespmem:v10+s1+$0xFFFFFF00] =	vst.idx.msk $0xffff, v22  }
0x45: {  	[tilespmem:v11+s1+$0xFFFFFF00] =	vst.idx.msk $0xffff, v28  }
0x46: {  	[tilespmem:v12+s1+$0xFFFFFF00] =	vst.idx.msk $0xffff, v30  }
0x47: {  	s12 =	simm.s32 $0x10;
	[tilespmem:v13+s1+$0xFFFFFF00] =	vst.idx.msk $0xffff, v23  }
0x48: {  	s29 =	sand.u32 $0x70, s12;
	[tilespmem:v14+s1+$0xFFFFFF00] =	vst.idx.msk $0xffff, v25  }
0x49: {  	s19 =	sor.u32 s29, s11;
	[tilespmem:v15+s1+$0xFFFFFF00] =	vst.idx.msk $0xffff, v16  }
0x4a: {  	s28 =	simm.s32 $0x2;
	s22 =	sor.u32 s29, s17;
	v20 =	vld [tilespmem:s19+$0x0]  }
0x4b: {  	s10 =	simm.s32 $0xC100;
	s13 =	simm.s32 $0x0;
	s23 =	sor.u32 s29, s23;
	v16 =	vld [tilespmem:s22+$0x0]  }
0x4c: {  	s30 =	sor.u32 s29, s18;
	s17 =	sand.u32 $0x7, s2;
	s26 =	sor.u32 s29, s20;
	v17 =	vld [tilespmem:s23+$0x0]  }
0x4d: {  	s31 =	sor.u32 s29, s24;
	s24 =	simm.s32 $0x1;
	s11 =	sor.u32 s29, s25;
	v18 =	vld [tilespmem:s26+$0x0]  }
0x4e: {  	s25 =	simm.s32 $0x110;
	s23 =	simm.s32 $0x100;
	v19 =	vld [tilespmem:s31+$0x0];
	s26 =	simm.s32 $0x10  }
.LBB2_4:
0x4f: {  	s13 =	sadd.s32 $0x2, s13;
	v21 =	vld [tilespmem:s11+$0x0];
	s1 =	sadd.s32 $0x200, s1;
	s12 =	sadd.s32 $0x20, s12  }
0x50: {  	s11 =	sshll.u32 s17, $0x4;
	s9 =	sor.u32 s29, s9;
	p2 =	slt.u32 s13, $0x5E;
	v22 =	vld [tilespmem:s30+$0x0]  }
0x51: {  	s8 =	sor.u32 s29, s8;
	s11 =	sadd.s32 s11, s26;
	s26 =	smov.u32 s25;
	v23 =	vld [tilespmem:s9+$0x0]  }
0x52: {  	s9 =	sor.u32 $0x380, s11;
	v24 =	vld [tilespmem:s8+$0x0]  }
0x53: {  	s8 =	sor.u32 $0x300, s11;
	v25 =	vld [tilespmem:s9+$0x0]  }
0x54: {  	v26 =	vld [tilespmem:s8+$0x0]  }
0x55: {  	v27 =	vld [tilespmem:s19+$0x280]  }
0x56: {  	v28 =	vld [tilespmem:s19+$0x80]  }
0x57: {  	v29 =	vld [tilespmem:s19+$0x100]  }
0x58: {  	v30 =	vld [tilespmem:s19+$0x180]  }
0x59: {  	v31 =	vld [tilespmem:s19+$0x200]  }
0x5a: {  	[tilespmem:v0+s10+$0x0] =	vst.idx.msk $0xffff, v20  }
0x5b: {  	[tilespmem:v1+s10+$0x0] =	vst.idx.msk $0xffff, v28  }
0x5c: {  	[tilespmem:v2+s10+$0x0] =	vst.idx.msk $0xffff, v29  }
0x5d: {  	[tilespmem:v3+s10+$0x0] =	vst.idx.msk $0xffff, v30  }
0x5e: {  	[tilespmem:v4+s10+$0x0] =	vst.idx.msk $0xffff, v31  }
0x5f: {  	[tilespmem:v5+s10+$0x0] =	vst.idx.msk $0xffff, v27  }
0x60: {  	[tilespmem:v6+s10+$0x0] =	vst.idx.msk $0xffff, v26  }
0x61: {  	[tilespmem:v7+s10+$0x0] =	vst.idx.msk $0xffff, v25  }
0x62: {  	s29 =	sand.u32 $0x70, s12;
	[tilespmem:v8+s10+$0x0] =	vst.idx.msk $0xffff, v24  }
0x63: {  	s9 =	sand.u32 $0x3, s24;
	s8 =	sadd.s32 $0xFFFFFFF0, s12;
	s19 =	sand.u32 $0x3C00, s23;
	[tilespmem:v9+s10+$0x0] =	vst.idx.msk $0xffff, v23  }
0x64: {  	s30 =	sand.u32 $0x60, s8;
	s8 =	sadd.s32 $0x3000, s19;
	s11 =	sadd.s32 $0x3280, s19;
	[tilespmem:v10+s10+$0x0] =	vst.idx.msk $0xffff, v22  }
0x65: {  	s2 =	sshll.u32 s9, $0x5;
	s3 =	sor.u32 s30, s19;
	s16 =	sor.u32 s30, s8;
	[tilespmem:v11+s10+$0x0] =	vst.idx.msk $0xffff, v21  }
0x66: {  	s31 =	sadd.s32 $0x3180, s19;
	s18 =	sadd.s32 $0x3200, s19;
	s20 =	sadd.s32 $0x3380, s19;
	[tilespmem:v12+s10+$0x0] =	vst.idx.msk $0xffff, v19  }
0x67: {  	s9 =	sadd.s32 $0x3080, s19;
	s17 =	sadd.s32 $0x3300, s19;
	s14 =	sor.u32 s30, s20;
	[tilespmem:v13+s10+$0x0] =	vst.idx.msk $0xffff, v18  }
0x68: {  	s4 =	sor.u32 s30, s9;
	s7 =	sor.u32 s30, s31;
	s5 =	sor.u32 s30, s11;
	[tilespmem:v14+s10+$0x0] =	vst.idx.msk $0xffff, v17  }
0x69: {  	s2 =	sadd.s32 s2, s23;
	s6 =	sadd.s32 $0x3100, s19;
	s22 =	sor.u32 s30, s18;
	[tilespmem:v15+s10+$0x0] =	vst.idx.msk $0xffff, v16  }
0x6a: {  	s0 =	sor.u32 s30, s6;
	s21 =	sor.u32 s30, s17;
	s10 =	sor.u32 $0x380, s2;
	v16 =	vld [tilespmem:s14+$0x0]  }
0x6b: {  	s30 =	sor.u32 s29, s6;
	v17 =	vld [tilespmem:s10+$0x0];
	s10 =	smov.u32 s1  }
0x6c: {  	v18 =	vld [tilespmem:s16+$0x0]  }
0x6d: {  	v19 =	vld [tilespmem:s3+$0x280]  }
0x6e: {  	v20 =	vld [tilespmem:s3+$0x200]  }
0x6f: {  	v21 =	vld [tilespmem:s3+$0x100]  }
0x70: {  	v22 =	vld [tilespmem:s0+$0x0]  }
0x71: {  	v23 =	vld [tilespmem:s5+$0x0]  }
0x72: {  	v24 =	vld [tilespmem:s3+$0x180]  }
0x73: {  	v25 =	vld [tilespmem:s21+$0x0]  }
0x74: {  	v26 =	vld [tilespmem:s3+$0x80]  }
0x75: {  	v27 =	vld [tilespmem:s3+$0x0]  }
0x76: {  	s0 =	sor.u32 $0x300, s2;
	v28 =	vld [tilespmem:s7+$0x0]  }
0x77: {  	v29 =	vld [tilespmem:s0+$0x0]  }
0x78: {  	v30 =	vld [tilespmem:s22+$0x0]  }
0x79: {  	v31 =	vld [tilespmem:s4+$0x0]  }
0x7a: {  	[tilespmem:v0+s1+$0xFFFFFF00] =	vst.idx.msk $0xffff, v27  }
0x7b: {  	[tilespmem:v1+s1+$0xFFFFFF00] =	vst.idx.msk $0xffff, v26  }
0x7c: {  	[tilespmem:v2+s1+$0xFFFFFF00] =	vst.idx.msk $0xffff, v21  }
0x7d: {  	[tilespmem:v3+s1+$0xFFFFFF00] =	vst.idx.msk $0xffff, v24  }
0x7e: {  	[tilespmem:v4+s1+$0xFFFFFF00] =	vst.idx.msk $0xffff, v20  }
0x7f: {  	[tilespmem:v5+s1+$0xFFFFFF00] =	vst.idx.msk $0xffff, v19  }
0x80: {  	[tilespmem:v6+s1+$0xFFFFFF00] =	vst.idx.msk $0xffff, v29  }
0x81: {  	[tilespmem:v7+s1+$0xFFFFFF00] =	vst.idx.msk $0xffff, v17  }
0x82: {  	[tilespmem:v8+s1+$0xFFFFFF00] =	vst.idx.msk $0xffff, v18  }
0x83: {  	[tilespmem:v9+s1+$0xFFFFFF00] =	vst.idx.msk $0xffff, v31  }
0x84: {  	[tilespmem:v10+s1+$0xFFFFFF00] =	vst.idx.msk $0xffff, v22  }
0x85: {  	[tilespmem:v11+s1+$0xFFFFFF00] =	vst.idx.msk $0xffff, v28  }
0x86: {  	[tilespmem:v12+s1+$0xFFFFFF00] =	vst.idx.msk $0xffff, v30  }
0x87: {  	[tilespmem:v13+s1+$0xFFFFFF00] =	vst.idx.msk $0xffff, v23  }
0x88: {  	[tilespmem:v14+s1+$0xFFFFFF00] =	vst.idx.msk $0xffff, v25  }
0x89: {  	s19 =	sor.u32 s29, s19;
	[tilespmem:v15+s1+$0xFFFFFF00] =	vst.idx.msk $0xffff, v16  }
.Ltmp5:
0x8a: {  	s0 =	sor.u32 s29, s20;
	v20 =	vld [tilespmem:s19+$0x0];
	(pc) =	sbr.rel @p2 .LBB2_4-.Ltmp5, $4  }
0x8b: {  	s2 =	sor.u32 s29, s17;
	v16 =	vld [tilespmem:s0+$0x0]  }
0x8c: {  	s17 =	sand.u32 $0x7, s28;
	s0 =	sor.u32 s29, s11;
	v17 =	vld [tilespmem:s2+$0x0]  }
0x8d: {  	s24 =	sadd.s32 $0x1, s24;
	s23 =	sadd.s32 $0x100, s23;
	s2 =	sor.u32 s29, s18;
	v18 =	vld [tilespmem:s0+$0x0]  }
0x8e: {  	s25 =	sadd.s32 $0x100, s25;
	s28 =	sadd.s32 $0x2, s28;
	s11 =	sor.u32 s29, s31;
	v19 =	vld [tilespmem:s2+$0x0]  }
0x8f: {  	v21 =	vld [tilespmem:s11+$0x0]  }
0x90: {  	v22 =	vld [tilespmem:s30+$0x0]  }
0x91: {  	v27 =	vld [tilespmem:s19+$0x280]  }
0x92: {  	v28 =	vld [tilespmem:s19+$0x80]  }
0x93: {  	v29 =	vld [tilespmem:s19+$0x100]  }
0x94: {  	v30 =	vld [tilespmem:s19+$0x180]  }
0x95: {  	s0 =	sshll.u32 s17, $0x4;
	s1 =	sor.u32 s29, s9;
	v31 =	vld [tilespmem:s19+$0x200]  }
0x96: {  	s2 =	sor.u32 s29, s8;
	s0 =	sadd.s32 s0, s26;
	v23 =	vld [tilespmem:s1+$0x0]  }
0x97: {  	v24 =	vld [tilespmem:s2+$0x0];
	s28 =	sor.u32 $0x380, s0  }
0x98: {  	s0 =	sor.u32 $0x300, s0;
	v25 =	vld [tilespmem:s28+$0x0]  }
0x99: {  	v26 =	vld [tilespmem:s0+$0x0];
	[tilespmem:v0+s10+$0x0] =	vst.idx.msk $0xffff, v20  }
0x9a: {  	[tilespmem:v1+s10+$0x0] =	vst.idx.msk $0xffff, v28  }
0x9b: {  	[tilespmem:v2+s10+$0x0] =	vst.idx.msk $0xffff, v29  }
0x9c: {  	[tilespmem:v3+s10+$0x0] =	vst.idx.msk $0xffff, v30  }
0x9d: {  	[tilespmem:v4+s10+$0x0] =	vst.idx.msk $0xffff, v31  }
0x9e: {  	[tilespmem:v5+s10+$0x0] =	vst.idx.msk $0xffff, v27  }
0x9f: {  	[tilespmem:v6+s10+$0x0] =	vst.idx.msk $0xffff, v26  }
0xa0: {  	[tilespmem:v7+s10+$0x0] =	vst.idx.msk $0xffff, v25  }
0xa1: {  	[tilespmem:v8+s10+$0x0] =	vst.idx.msk $0xffff, v24  }
0xa2: {  	[tilespmem:v9+s10+$0x0] =	vst.idx.msk $0xffff, v23  }
0xa3: {  	[tilespmem:v10+s10+$0x0] =	vst.idx.msk $0xffff, v22  }
0xa4: {  	[tilespmem:v11+s10+$0x0] =	vst.idx.msk $0xffff, v21  }
0xa5: {  	s31 =	rddreg [dreg:$0x4];
	[tilespmem:v12+s10+$0x0] =	vst.idx.msk $0xffff, v19  }
0xa6: {  	s2 =	rddreg [dreg:$0xc];
	[tilespmem:v13+s10+$0x0] =	vst.idx.msk $0xffff, v18  }
0xa7: {  	s3 =	rddreg [dreg:$0xe];
	p2 =	seq.s32 s2, $0x0;
	[tilespmem:v14+s10+$0x0] =	vst.idx.msk $0xffff, v17  }
0xa8: {  	s29 =	sadd.s32 s31, s3;
	s0 =	simm.s32 @!p2 $0x3;
	[tilespmem:v15+s10+$0x0] =	vst.idx.msk $0xffff, v16  }
0xa9: {  	s1 =	smul.u32 $0xC00, s29;
	_ =	swait.ge @!p2 [sflag:s0], $0x6000  }
0xaa: {  	[sflag:s0] =	ssyncset.done @!p2 $0x0;
	s30 =	rddreg [dreg:$0x3]  }
0xab: {  	s22 =	simm.s32 $0x0;
	[sflag:s0] =	ssyncadd.s32 @!p2 $0xFFFFA000;
	s0 =	sadd.s32 s30, s1  }
0xac: {  	[hbm4b:s0+s22] =	stream.linear.scatter [tilespmem:s15], [sflag:$0x3], $0x6000, $0x38;
	[tilespmem:$0x18100] =	vst v63  }
.LBB2_6:
.Ltmp6:
0xad: {  	(pc) =	sbr.rel @p1 .LBB2_10-.Ltmp6, $1  }
0xae: {  	_ =	sdelay $0x3  }
0xaf: {  	s0 =	sadd.s32 $0x2, s3;
	s1 =	rddreg [dreg:$0x5]  }
0xb0: {  	p1 =	sge.u32 s0, s1  }
0xb1: {  	s0 =	sadd.s32 @!p1 s31, s0  }
0xb2: {  	s11 =	simm.s32 $0x0;
	s7 =	simm.s32 $0x2;
	s0 =	smul.u32 @!p1 $0x600, s0  }
0xb3: {  	s1 =	rddreg [dreg:$0x0];
	s8 =	sand.u32 $0x3, s11;
	s2 =	simm.s32 @!p1 $0x13D6400  }
0xb4: {  	s3 =	simm.s32 @!p1 $0x0;
	s0 =	sadd.s32 @!p1 s1, s0;
	s1 =	simm.s32 @!p1 $0x3000  }
0xb5: {  	[tilespmem:s3], [sflag:$0x1] =	stream.strided.gather @!p1 [hbm4b:s0+s1], $0x6000, s2, s1, $0x38;
	[tilespmem:$0x18100] =	vst v63  }
0xb6: {  	s0 =	sshll.u32 s8, $0x5;
	_ =	swait.ge [sflag:s7], $0x6000  }
0xb7: {  	s9 =	simm.s32 $0x0;
	s0 =	sadd.s32 $0x0, s0;
	[sflag:s7] =	ssyncset.done $0x0  }
0xb8: {  	s10 =	sand.u32 $0x3C00, s11;
	s14 =	sor.u32 $0x380, s0;
	[sflag:s7] =	ssyncadd.s32 $0xFFFFA000  }
0xb9: {  	s4 =	sadd.s32 $0x6000, s10;
	s1 =	sand.u32 $0x60, s9;
	s0 =	sor.u32 $0x300, s0;
	v16 =	vld [tilespmem:s14+$0x6000]  }
0xba: {  	s16 =	sor.u32 s1, s4;
	v17 =	vld [tilespmem:s0+$0x6000]  }
0xbb: {  	s8 =	sadd.s32 $0x9000, s10;
	v18 =	vld [tilespmem:s16+$0x280]  }
0xbc: {  	s17 =	sor.u32 s1, s8;
	v19 =	vld [tilespmem:s16+$0x180]  }
0xbd: {  	s5 =	sadd.s32 $0x9380, s10;
	v20 =	vld [tilespmem:s17+$0x0]  }
0xbe: {  	s6 =	sadd.s32 $0x9080, s10;
	s18 =	sor.u32 s1, s5;
	v21 =	vld [tilespmem:s16+$0x100]  }
0xbf: {  	s12 =	sadd.s32 $0x9200, s10;
	s9 =	sor.u32 s1, s6;
	v22 =	vld [tilespmem:s18+$0x0]  }
0xc0: {  	s20 =	sor.u32 s1, s12;
	v23 =	vld [tilespmem:s9+$0x0]  }
0xc1: {  	v25 =	vld [tilespmem:s20+$0x0]  }
0xc2: {  	v26 =	vld [tilespmem:s16+$0x80]  }
0xc3: {  	s13 =	sadd.s32 $0x9280, s10;
	v27 =	vld [tilespmem:s16+$0x0]  }
0xc4: {  	s21 =	sor.u32 s1, s13;
	s7 =	sadd.s32 $0x9300, s10;
	v28 =	vld [tilespmem:s16+$0x200]  }
0xc5: {  	s19 =	sor.u32 s1, s7;
	s14 =	sadd.s32 $0x9100, s10;
	v29 =	vld [tilespmem:s21+$0x0]  }
0xc6: {  	s2 =	sadd.s32 $0x9180, s10;
	v24 =	vld [tilespmem:s19+$0x0];
	s23 =	sor.u32 s1, s14  }
0xc7: {  	s0 =	simm.s32 $0x12180;
	s1 =	sor.u32 s1, s2;
	v30 =	vld [tilespmem:s23+$0x0]  }
0xc8: {  	v31 =	vld [tilespmem:s1+$0x0];
	[tilespmem:v0+s0+$0xFFFFFF00] =	vst.idx.msk $0xffff, v27  }
0xc9: {  	[tilespmem:v1+s0+$0xFFFFFF00] =	vst.idx.msk $0xffff, v26  }
0xca: {  	[tilespmem:v2+s0+$0xFFFFFF00] =	vst.idx.msk $0xffff, v21  }
0xcb: {  	[tilespmem:v3+s0+$0xFFFFFF00] =	vst.idx.msk $0xffff, v19  }
0xcc: {  	[tilespmem:v4+s0+$0xFFFFFF00] =	vst.idx.msk $0xffff, v28  }
0xcd: {  	[tilespmem:v5+s0+$0xFFFFFF00] =	vst.idx.msk $0xffff, v18  }
0xce: {  	[tilespmem:v6+s0+$0xFFFFFF00] =	vst.idx.msk $0xffff, v17  }
0xcf: {  	[tilespmem:v7+s0+$0xFFFFFF00] =	vst.idx.msk $0xffff, v16  }
0xd0: {  	[tilespmem:v8+s0+$0xFFFFFF00] =	vst.idx.msk $0xffff, v20  }
0xd1: {  	[tilespmem:v9+s0+$0xFFFFFF00] =	vst.idx.msk $0xffff, v23  }
0xd2: {  	[tilespmem:v10+s0+$0xFFFFFF00] =	vst.idx.msk $0xffff, v30  }
0xd3: {  	[tilespmem:v11+s0+$0xFFFFFF00] =	vst.idx.msk $0xffff, v31  }
0xd4: {  	[tilespmem:v12+s0+$0xFFFFFF00] =	vst.idx.msk $0xffff, v25  }
0xd5: {  	s1 =	simm.s32 $0x10;
	[tilespmem:v13+s0+$0xFFFFFF00] =	vst.idx.msk $0xffff, v29  }
0xd6: {  	s28 =	sand.u32 $0x70, s1;
	[tilespmem:v14+s0+$0xFFFFFF00] =	vst.idx.msk $0xffff, v24  }
0xd7: {  	s24 =	sor.u32 s28, s5;
	[tilespmem:v15+s0+$0xFFFFFF00] =	vst.idx.msk $0xffff, v22  }
0xd8: {  	s29 =	sor.u32 s28, s4;
	v16 =	vld [tilespmem:s24+$0x0]  }
0xd9: {  	v20 =	vld [tilespmem:s29+$0x80]  }
0xda: {  	v21 =	vld [tilespmem:s29+$0x100]  }
0xdb: {  	v22 =	vld [tilespmem:s29+$0x180]  }
0xdc: {  	s10 =	simm.s32 $0x0;
	s25 =	sor.u32 s28, s7;
	v23 =	vld [tilespmem:s29+$0x200]  }
0xdd: {  	s17 =	sand.u32 $0x7, s11;
	s23 =	simm.s32 $0x2;
	s26 =	sor.u32 s28, s13;
	v17 =	vld [tilespmem:s25+$0x0]  }
0xde: {  	s9 =	sor.u32 s28, s6;
	s30 =	sor.u32 s28, s12;
	s12 =	simm.s32 $0x100;
	v18 =	vld [tilespmem:s26+$0x0]  }
0xdf: {  	s2 =	sor.u32 s28, s2;
	s13 =	simm.s32 $0x110;
	s11 =	sor.u32 s28, s14;
	v19 =	vld [tilespmem:s30+$0x0]  }
0xe0: {  	v24 =	vld [tilespmem:s2+$0x0];
	s25 =	simm.s32 $0x30;
	s26 =	simm.s32 $0x1;
	s24 =	simm.s32 $0x12180  }
.LBB2_8:
0xe1: {  	s2 =	sand.u32 $0x3, s26;
	s10 =	sadd.s32 $0x2, s10;
	v25 =	vld [tilespmem:s11+$0x0];
	s0 =	sadd.s32 $0x200, s0  }
0xe2: {  	s3 =	sshll.u32 s17, $0x4;
	s2 =	sshll.u32 s2, $0x5;
	p1 =	slt.u32 s10, $0x5E;
	v26 =	vld [tilespmem:s9+$0x0]  }
0xe3: {  	s4 =	sor.u32 s28, s8;
	s3 =	sadd.s32 s3, s1;
	s1 =	smov.u32 s13;
	v27 =	vld [tilespmem:s29+$0x0]  }
0xe4: {  	s5 =	sor.u32 $0x380, s3;
	v28 =	vld [tilespmem:s4+$0x0]  }
0xe5: {  	s3 =	sor.u32 $0x300, s3;
	v29 =	vld [tilespmem:s5+$0x6000]  }
0xe6: {  	v30 =	vld [tilespmem:s3+$0x6000]  }
0xe7: {  	v31 =	vld [tilespmem:s29+$0x280]  }
0xe8: {  	[tilespmem:v0+s24+$0x0] =	vst.idx.msk $0xffff, v27  }
0xe9: {  	[tilespmem:v1+s24+$0x0] =	vst.idx.msk $0xffff, v20  }
0xea: {  	[tilespmem:v2+s24+$0x0] =	vst.idx.msk $0xffff, v21  }
0xeb: {  	[tilespmem:v3+s24+$0x0] =	vst.idx.msk $0xffff, v22  }
0xec: {  	[tilespmem:v4+s24+$0x0] =	vst.idx.msk $0xffff, v23  }
0xed: {  	[tilespmem:v5+s24+$0x0] =	vst.idx.msk $0xffff, v31  }
0xee: {  	[tilespmem:v6+s24+$0x0] =	vst.idx.msk $0xffff, v30  }
0xef: {  	[tilespmem:v7+s24+$0x0] =	vst.idx.msk $0xffff, v29  }
0xf0: {  	[tilespmem:v8+s24+$0x0] =	vst.idx.msk $0xffff, v28  }
0xf1: {  	[tilespmem:v9+s24+$0x0] =	vst.idx.msk $0xffff, v26  }
0xf2: {  	[tilespmem:v10+s24+$0x0] =	vst.idx.msk $0xffff, v25  }
0xf3: {  	s2 =	sadd.s32 s2, s12;
	[tilespmem:v11+s24+$0x0] =	vst.idx.msk $0xffff, v24  }
0xf4: {  	s28 =	sand.u32 $0x70, s25;
	s3 =	sor.u32 $0x300, s2;
	[tilespmem:v12+s24+$0x0] =	vst.idx.msk $0xffff, v19  }
0xf5: {  	s4 =	sadd.s32 $0xFFFFFFF0, s25;
	s5 =	sand.u32 $0x3C00, s12;
	s2 =	sor.u32 $0x380, s2;
	[tilespmem:v13+s24+$0x0] =	vst.idx.msk $0xffff, v18  }
0xf6: {  	s4 =	sand.u32 $0x60, s4;
	s20 =	sadd.s32 $0x6000, s5;
	s18 =	sadd.s32 $0x9280, s5;
	[tilespmem:v14+s24+$0x0] =	vst.idx.msk $0xffff, v17  }
0xf7: {  	s8 =	sadd.s32 $0x9000, s5;
	s6 =	sadd.s32 $0x9080, s5;
	s29 =	sadd.s32 $0x9380, s5;
	[tilespmem:v15+s24+$0x0] =	vst.idx.msk $0xffff, v16  }
0xf8: {  	s11 =	sadd.s32 $0x9100, s5;
	s19 =	sadd.s32 $0x9180, s5;
	s17 =	sadd.s32 $0x9300, s5;
	v16 =	vld [tilespmem:s2+$0x6000]  }
0xf9: {  	s7 =	sor.u32 s4, s17;
	s2 =	sor.u32 s4, s20;
	v17 =	vld [tilespmem:s3+$0x6000];
	s3 =	sor.u32 s4, s18  }
0xfa: {  	s30 =	sadd.s32 $0x9200, s5;
	s14 =	sor.u32 s4, s11;
	s5 =	sor.u32 s4, s29;
	v18 =	vld [tilespmem:s2+$0x280]  }
0xfb: {  	s9 =	sor.u32 s4, s8;
	s16 =	sor.u32 s4, s19;
	s21 =	sor.u32 s4, s30;
	v19 =	vld [tilespmem:s2+$0x180]  }
0xfc: {  	s24 =	smov.u32 s0;
	s4 =	sor.u32 s4, s6;
	v20 =	vld [tilespmem:s9+$0x0];
	s9 =	sor.u32 s28, s6  }
0xfd: {  	v21 =	vld [tilespmem:s2+$0x100]  }
0xfe: {  	v22 =	vld [tilespmem:s5+$0x0]  }
0xff: {  	v23 =	vld [tilespmem:s4+$0x0]  }
0x100: {  	v24 =	vld [tilespmem:s7+$0x0]  }
0x101: {  	v25 =	vld [tilespmem:s21+$0x0]  }
0x102: {  	v26 =	vld [tilespmem:s2+$0x80]  }
0x103: {  	v27 =	vld [tilespmem:s2+$0x0]  }
0x104: {  	v28 =	vld [tilespmem:s2+$0x200]  }
0x105: {  	v29 =	vld [tilespmem:s3+$0x0]  }
0x106: {  	v30 =	vld [tilespmem:s14+$0x0]  }
0x107: {  	v31 =	vld [tilespmem:s16+$0x0]  }
0x108: {  	[tilespmem:v0+s0+$0xFFFFFF00] =	vst.idx.msk $0xffff, v27  }
0x109: {  	[tilespmem:v1+s0+$0xFFFFFF00] =	vst.idx.msk $0xffff, v26  }
0x10a: {  	[tilespmem:v2+s0+$0xFFFFFF00] =	vst.idx.msk $0xffff, v21  }
0x10b: {  	[tilespmem:v3+s0+$0xFFFFFF00] =	vst.idx.msk $0xffff, v19  }
0x10c: {  	[tilespmem:v4+s0+$0xFFFFFF00] =	vst.idx.msk $0xffff, v28  }
0x10d: {  	[tilespmem:v5+s0+$0xFFFFFF00] =	vst.idx.msk $0xffff, v18  }
0x10e: {  	[tilespmem:v6+s0+$0xFFFFFF00] =	vst.idx.msk $0xffff, v17  }
0x10f: {  	[tilespmem:v7+s0+$0xFFFFFF00] =	vst.idx.msk $0xffff, v16  }
0x110: {  	[tilespmem:v8+s0+$0xFFFFFF00] =	vst.idx.msk $0xffff, v20  }
0x111: {  	[tilespmem:v9+s0+$0xFFFFFF00] =	vst.idx.msk $0xffff, v23  }
0x112: {  	[tilespmem:v10+s0+$0xFFFFFF00] =	vst.idx.msk $0xffff, v30  }
0x113: {  	[tilespmem:v11+s0+$0xFFFFFF00] =	vst.idx.msk $0xffff, v31  }
0x114: {  	[tilespmem:v12+s0+$0xFFFFFF00] =	vst.idx.msk $0xffff, v25  }
0x115: {  	[tilespmem:v13+s0+$0xFFFFFF00] =	vst.idx.msk $0xffff, v29  }
0x116: {  	[tilespmem:v14+s0+$0xFFFFFF00] =	vst.idx.msk $0xffff, v24  }
0x117: {  	s2 =	sor.u32 s28, s29;
	[tilespmem:v15+s0+$0xFFFFFF00] =	vst.idx.msk $0xffff, v22  }
0x118: {  	s29 =	sor.u32 s28, s20;
	v16 =	vld [tilespmem:s2+$0x0]  }
0x119: {  	v20 =	vld [tilespmem:s29+$0x80]  }
0x11a: {  	v21 =	vld [tilespmem:s29+$0x100]  }
0x11b: {  	v22 =	vld [tilespmem:s29+$0x180]  }
.Ltmp7:
0x11c: {  	s2 =	sor.u32 s28, s17;
	v23 =	vld [tilespmem:s29+$0x200];
	(pc) =	sbr.rel @p1 .LBB2_8-.Ltmp7, $4  }
0x11d: {  	s3 =	sor.u32 s28, s18;
	v17 =	vld [tilespmem:s2+$0x0]  }
0x11e: {  	s12 =	sadd.s32 $0x100, s12;
	s17 =	sand.u32 $0x7, s23;
	s2 =	sor.u32 s28, s30;
	v18 =	vld [tilespmem:s3+$0x0]  }
0x11f: {  	s13 =	sadd.s32 $0x100, s13;
	s23 =	sadd.s32 $0x2, s23;
	s3 =	sor.u32 s28, s19;
	v19 =	vld [tilespmem:s2+$0x0]  }
0x120: {  	s26 =	sadd.s32 $0x1, s26;
	s25 =	sadd.s32 $0x20, s25;
	s11 =	sor.u32 s28, s11;
	v24 =	vld [tilespmem:s3+$0x0]  }
0x121: {  	v25 =	vld [tilespmem:s11+$0x0]  }
0x122: {  	v27 =	vld [tilespmem:s29+$0x0]  }
0x123: {  	s0 =	sshll.u32 s17, $0x4;
	v26 =	vld [tilespmem:s9+$0x0]  }
0x124: {  	s26 =	sor.u32 s28, s8;
	v31 =	vld [tilespmem:s29+$0x280];
	s0 =	sadd.s32 s0, s1  }
0x125: {  	v28 =	vld [tilespmem:s26+$0x0];
	s2 =	sor.u32 $0x380, s0  }
0x126: {  	s0 =	sor.u32 $0x300, s0;
	v29 =	vld [tilespmem:s2+$0x6000]  }
0x127: {  	v30 =	vld [tilespmem:s0+$0x6000];
	[tilespmem:v0+s24+$0x0] =	vst.idx.msk $0xffff, v27  }
0x128: {  	[tilespmem:v1+s24+$0x0] =	vst.idx.msk $0xffff, v20  }
0x129: {  	[tilespmem:v2+s24+$0x0] =	vst.idx.msk $0xffff, v21  }
0x12a: {  	[tilespmem:v3+s24+$0x0] =	vst.idx.msk $0xffff, v22  }
0x12b: {  	[tilespmem:v4+s24+$0x0] =	vst.idx.msk $0xffff, v23  }
0x12c: {  	[tilespmem:v5+s24+$0x0] =	vst.idx.msk $0xffff, v31  }
0x12d: {  	[tilespmem:v6+s24+$0x0] =	vst.idx.msk $0xffff, v30  }
0x12e: {  	[tilespmem:v7+s24+$0x0] =	vst.idx.msk $0xffff, v29  }
0x12f: {  	[tilespmem:v8+s24+$0x0] =	vst.idx.msk $0xffff, v28  }
0x130: {  	[tilespmem:v9+s24+$0x0] =	vst.idx.msk $0xffff, v26  }
0x131: {  	[tilespmem:v10+s24+$0x0] =	vst.idx.msk $0xffff, v25  }
0x132: {  	[tilespmem:v11+s24+$0x0] =	vst.idx.msk $0xffff, v24  }
0x133: {  	[tilespmem:v12+s24+$0x0] =	vst.idx.msk $0xffff, v19  }
0x134: {  	s2 =	rddreg [dreg:$0xc];
	[tilespmem:v13+s24+$0x0] =	vst.idx.msk $0xffff, v18  }
0x135: {  	s28 =	rddreg [dreg:$0xd];
	p1 =	seq.s32 s2, $0x0;
	[tilespmem:v14+s24+$0x0] =	vst.idx.msk $0xffff, v17  }
.Ltmp8:
0x136: {  	s1 =	sadd.s32 s31, s28;
	s0 =	simm.s32 @!p1 $0x4;
	[tilespmem:v15+s24+$0x0] =	vst.idx.msk $0xffff, v16;
	(pc) =	sbr.rel .LBB2_10-.Ltmp8, $4  }
0x137: {  	s1 =	smul.u32 $0xC00, s1;
	_ =	swait.ge @!p1 [sflag:s0], $0x6000  }
0x138: {  	[sflag:s0] =	ssyncset.done @!p1 $0x0;
	s29 =	rddreg [dreg:$0x3]  }
0x139: {  	s30 =	simm.s32 $0x12080;
	[sflag:s0] =	ssyncadd.s32 @!p1 $0xFFFFA000;
	s0 =	sadd.s32 s29, s1  }
0x13a: {  	[hbm4b:s0+s22] =	stream.linear.scatter [tilespmem:s30], [sflag:$0x4], $0x6000, $0x38;
	[tilespmem:$0x18100] =	vst v63  }
.LBB2_11:
0x13b: {  	s0 =	simm.s32 $0x3  }
0x13c: {  	_ =	swait.ge [sflag:s0], $0x6000  }
.Ltmp9:
0x13d: {  	[sflag:s0] =	ssyncset.done $0x0;
	(pc) =	sbr.rel @p0 .LBB2_15-.Ltmp9, $4  }
0x13e: {  	s30 =	simm.s32 $0x4;
	[sflag:s0] =	ssyncadd.s32 $0xFFFFA000  }
0x13f: {  	_ =	swait.ge [sflag:s30], $0x6000  }
0x140: {  	[sflag:s30] =	ssyncset.done $0x0  }
0x141: {  	s1 =	rddreg [dreg:$0xb];
	[sflag:s30] =	ssyncadd.s32 $0xFFFFA000  }
0x142: {  	s21 =	simm.s32 $0x0;
	s0 =	rddreg [dreg:$0x8]  }
0x143: {  	[tilespmem:s21], [sflag:$0x1] =	stream.linear.gather [hbm4b:s0+s21], $0x2400, $0x38;
	[tilespmem:$0x18100] =	vst v63  }
0x144: {  	s1 =	simm.s32 $0x3000;
	s19 =	simm.s32 $0x1;
	s0 =	sadd.s32 $0x27AC80, s0  }
0x145: {  	[tilespmem:s1], [sflag:$0x1] =	stream.linear.gather [hbm4b:s0+s21], $0x2400, $0x38;
	[tilespmem:$0x18100] =	vst v63  }
0x146: {  	s20 =	simm.s32 $0x0;
	_ =	swait.ge [sflag:s19], $0x4800  }
0x147: {  	s9 =	sand.u32 $0x40, s20;
	s0 =	sand.u32 $0x3C00, s21;
	[sflag:s19] =	ssyncset.done $0x0  }
0x148: {  	s2 =	simm.s32 $0x0;
	s22 =	sor.u32 s9, s0;
	[sflag:s19] =	ssyncadd.s32 $0xFFFFB800  }
0x149: {  	v17 =	vor.u32 s2, v0;
	v16 =	vld [tilespmem:s22+$0x0];
	_ =	sdelay $0x4  }
0x14a: {  	s23 =	simm.s32 $0x1;
	[tilespmem:v17+s15+$0x0] =	vst.idx.msk $0xffff, v16  }
0x14b: {  	v17 =	vor.u32 s23, v0;
	v16 =	vld [tilespmem:s22+$0x80];
	_ =	sdelay $0x4  }
0x14c: {  	s24 =	simm.s32 $0x2;
	[tilespmem:v17+s15+$0x0] =	vst.idx.msk $0xffff, v16  }
0x14d: {  	v17 =	vor.u32 s24, v0;
	v16 =	vld [tilespmem:s22+$0x100];
	_ =	sdelay $0x4  }
0x14e: {  	s25 =	simm.s32 $0x3;
	[tilespmem:v17+s15+$0x0] =	vst.idx.msk $0xffff, v16  }
0x14f: {  	v17 =	vor.u32 s25, v0;
	v16 =	vld [tilespmem:s22+$0x180]  }
0x150: {  	p1 =	por $0x0, $0x0;
	s1 =	simm.s32 $0x1  }
0x151: {  	s1 =	simm.s32 @!p1 $0x0  }
0x152: {  	s1 =	sshll.u32 s1, $0x6  }
0x153: {  	s1 =	sadd.s32 $0x0, s1  }
0x154: {  	s3 =	simm.s32 $0x4;
	s26 =	sor.u32 $0x200, s1;
	[tilespmem:v17+s15+$0x0] =	vst.idx.msk $0xffff, v16  }
0x155: {  	v17 =	vor.u32 s3, v0;
	v16 =	vld [tilespmem:s26+$0x0];
	_ =	sdelay $0x4  }
0x156: {  	s29 =	simm.s32 $0x5;
	s28 =	sor.u32 $0x280, s1;
	[tilespmem:v17+s15+$0x0] =	vst.idx.msk $0xffff, v16  }
0x157: {  	v17 =	vor.u32 s29, v0;
	v16 =	vld [tilespmem:s28+$0x0];
	_ =	sdelay $0x4  }
0x158: {  	s31 =	simm.s32 $0x6;
	s30 =	sor.u32 $0x300, s1;
	[tilespmem:v17+s15+$0x0] =	vst.idx.msk $0xffff, v16  }
0x159: {  	v17 =	vor.u32 s31, v0;
	v16 =	vld [tilespmem:s30+$0x0];
	_ =	sdelay $0x4  }
0x15a: {  	s4 =	simm.s32 $0x7;
	s1 =	sor.u32 $0x380, s1;
	[tilespmem:v17+s15+$0x0] =	vst.idx.msk $0xffff, v16  }
0x15b: {  	v17 =	vor.u32 s4, v0;
	v16 =	vld [tilespmem:s1+$0x0];
	_ =	sdelay $0x3  }
0x15c: {  	s1 =	sadd.s32 $0x3000, s0  }
0x15d: {  	s6 =	simm.s32 $0x8;
	s5 =	sor.u32 s9, s1;
	[tilespmem:v17+s15+$0x0] =	vst.idx.msk $0xffff, v16  }
0x15e: {  	v17 =	vor.u32 s6, v0;
	v16 =	vld [tilespmem:s5+$0x0];
	_ =	sdelay $0x3  }
0x15f: {  	s8 =	sadd.s32 $0x3080, s0  }
0x160: {  	s10 =	simm.s32 $0x9;
	s7 =	sor.u32 s9, s8;
	[tilespmem:v17+s15+$0x0] =	vst.idx.msk $0xffff, v16  }
0x161: {  	v17 =	vor.u32 s10, v0;
	v16 =	vld [tilespmem:s7+$0x0];
	_ =	sdelay $0x3  }
0x162: {  	s10 =	sadd.s32 $0x3100, s0  }
0x163: {  	s12 =	simm.s32 $0xA;
	s11 =	sor.u32 s9, s10;
	[tilespmem:v17+s15+$0x0] =	vst.idx.msk $0xffff, v16  }
0x164: {  	v17 =	vor.u32 s12, v0;
	v16 =	vld [tilespmem:s11+$0x0];
	_ =	sdelay $0x3  }
0x165: {  	s12 =	sadd.s32 $0x3180, s0  }
0x166: {  	s14 =	simm.s32 $0xB;
	s13 =	sor.u32 s9, s12;
	[tilespmem:v17+s15+$0x0] =	vst.idx.msk $0xffff, v16  }
0x167: {  	v17 =	vor.u32 s14, v0;
	v16 =	vld [tilespmem:s13+$0x0];
	_ =	sdelay $0x3  }
0x168: {  	s13 =	sadd.s32 $0x3200, s0  }
0x169: {  	s17 =	simm.s32 $0xC;
	s16 =	sor.u32 s9, s13;
	[tilespmem:v17+s15+$0x0] =	vst.idx.msk $0xffff, v16  }
0x16a: {  	v17 =	vor.u32 s17, v0;
	v16 =	vld [tilespmem:s16+$0x0];
	_ =	sdelay $0x3  }
0x16b: {  	s22 =	sadd.s32 $0x3280, s0  }
0x16c: {  	s19 =	simm.s32 $0xD;
	s18 =	sor.u32 s9, s22;
	[tilespmem:v17+s15+$0x0] =	vst.idx.msk $0xffff, v16  }
0x16d: {  	v17 =	vor.u32 s19, v0;
	v16 =	vld [tilespmem:s18+$0x0];
	_ =	sdelay $0x3  }
0x16e: {  	s23 =	sadd.s32 $0x3300, s0  }
0x16f: {  	s20 =	sor.u32 s9, s23;
	s24 =	simm.s32 $0xE;
	[tilespmem:v17+s15+$0x0] =	vst.idx.msk $0xffff, v16  }
0x170: {  	v17 =	vor.u32 s24, v0;
	v16 =	vld [tilespmem:s20+$0x0];
	_ =	sdelay $0x3  }
0x171: {  	s24 =	sadd.s32 $0x3380, s0  }
0x172: {  	s26 =	simm.s32 $0xF;
	s25 =	sor.u32 s9, s24;
	[tilespmem:v17+s15+$0x0] =	vst.idx.msk $0xffff, v16  }
0x173: {  	v17 =	vor.u32 s26, v0;
	v16 =	vld [tilespmem:s25+$0x0];
	_ =	sdelay $0x2  }
0x174: {  	s28 =	simm.s32 $0x10  }
0x175: {  	s11 =	sand.u32 $0x50, s28  }
0x176: {  	s29 =	simm.s32 $0x100;
	s2 =	sor.u32 s11, s0;
	[tilespmem:v17+s15+$0x0] =	vst.idx.msk $0xffff, v16  }
0x177: {  	v17 =	vor.u32 s29, v0;
	v16 =	vld [tilespmem:s2+$0x0];
	_ =	sdelay $0x4  }
0x178: {  	s30 =	simm.s32 $0x101;
	[tilespmem:v17+s15+$0x0] =	vst.idx.msk $0xffff, v16  }
0x179: {  	v17 =	vor.u32 s30, v0;
	v16 =	vld [tilespmem:s2+$0x80];
	_ =	sdelay $0x4  }
0x17a: {  	s31 =	simm.s32 $0x102;
	[tilespmem:v17+s15+$0x0] =	vst.idx.msk $0xffff, v16  }
0x17b: {  	v17 =	vor.u32 s31, v0;
	v16 =	vld [tilespmem:s2+$0x100];
	_ =	sdelay $0x4  }
0x17c: {  	s4 =	simm.s32 $0x103;
	[tilespmem:v17+s15+$0x0] =	vst.idx.msk $0xffff, v16  }
0x17d: {  	v17 =	vor.u32 s4, v0;
	v16 =	vld [tilespmem:s2+$0x180]  }
0x17e: {  	s5 =	sand.u32 $0x7, s21  }
0x17f: {  	s2 =	sshll.u32 s5, $0x4  }
0x180: {  	s9 =	sadd.s32 $0x0, s2  }
0x181: {  	s2 =	sadd.s32 $0x10, s9  }
0x182: {  	s4 =	simm.s32 $0x104;
	s6 =	sor.u32 $0x200, s2;
	[tilespmem:v17+s15+$0x0] =	vst.idx.msk $0xffff, v16  }
0x183: {  	v17 =	vor.u32 s4, v0;
	v16 =	vld [tilespmem:s6+$0x0];
	_ =	sdelay $0x4  }
0x184: {  	s14 =	simm.s32 $0x105;
	s7 =	sor.u32 $0x280, s2;
	[tilespmem:v17+s15+$0x0] =	vst.idx.msk $0xffff, v16  }
0x185: {  	v17 =	vor.u32 s14, v0;
	v16 =	vld [tilespmem:s7+$0x0];
	_ =	sdelay $0x4  }
0x186: {  	s17 =	simm.s32 $0x106;
	s16 =	sor.u32 $0x300, s2;
	[tilespmem:v17+s15+$0x0] =	vst.idx.msk $0xffff, v16  }
0x187: {  	v17 =	vor.u32 s17, v0;
	v16 =	vld [tilespmem:s16+$0x0];
	_ =	sdelay $0x4  }
0x188: {  	s18 =	simm.s32 $0x107;
	s2 =	sor.u32 $0x380, s2;
	[tilespmem:v17+s15+$0x0] =	vst.idx.msk $0xffff, v16  }
0x189: {  	v17 =	vor.u32 s18, v0;
	v16 =	vld [tilespmem:s2+$0x0];
	_ =	sdelay $0x4  }
0x18a: {  	s19 =	sor.u32 s11, s1;
	s20 =	simm.s32 $0x108;
	[tilespmem:v17+s15+$0x0] =	vst.idx.msk $0xffff, v16  }
0x18b: {  	v17 =	vor.u32 s20, v0;
	v16 =	vld [tilespmem:s19+$0x0];
	_ =	sdelay $0x4  }
0x18c: {  	s26 =	simm.s32 $0x109;
	s25 =	sor.u32 s11, s8;
	[tilespmem:v17+s15+$0x0] =	vst.idx.msk $0xffff, v16  }
0x18d: {  	v17 =	vor.u32 s26, v0;
	v16 =	vld [tilespmem:s25+$0x0];
	_ =	sdelay $0x4  }
0x18e: {  	s28 =	sor.u32 s11, s10;
	s29 =	simm.s32 $0x10A;
	[tilespmem:v17+s15+$0x0] =	vst.idx.msk $0xffff, v16  }
0x18f: {  	v17 =	vor.u32 s29, v0;
	v16 =	vld [tilespmem:s28+$0x0];
	_ =	sdelay $0x4  }
0x190: {  	s30 =	sor.u32 s11, s12;
	s31 =	simm.s32 $0x10B;
	[tilespmem:v17+s15+$0x0] =	vst.idx.msk $0xffff, v16  }
0x191: {  	v17 =	vor.u32 s31, v0;
	v16 =	vld [tilespmem:s30+$0x0];
	_ =	sdelay $0x4  }
0x192: {  	s5 =	simm.s32 $0x10C;
	s4 =	sor.u32 s11, s13;
	[tilespmem:v17+s15+$0x0] =	vst.idx.msk $0xffff, v16  }
0x193: {  	v17 =	vor.u32 s5, v0;
	v16 =	vld [tilespmem:s4+$0x0];
	_ =	sdelay $0x4  }
0x194: {  	s6 =	sor.u32 s11, s22;
	s7 =	simm.s32 $0x10D;
	[tilespmem:v17+s15+$0x0] =	vst.idx.msk $0xffff, v16  }
0x195: {  	v17 =	vor.u32 s7, v0;
	v16 =	vld [tilespmem:s6+$0x0];
	_ =	sdelay $0x4  }
0x196: {  	s14 =	sor.u32 s11, s23;
	s16 =	simm.s32 $0x10E;
	[tilespmem:v17+s15+$0x0] =	vst.idx.msk $0xffff, v16  }
0x197: {  	v17 =	vor.u32 s16, v0;
	v16 =	vld [tilespmem:s14+$0x0];
	_ =	sdelay $0x4  }
0x198: {  	s17 =	sor.u32 s11, s24;
	s18 =	simm.s32 $0x10F;
	[tilespmem:v17+s15+$0x0] =	vst.idx.msk $0xffff, v16  }
0x199: {  	v17 =	vor.u32 s18, v0;
	v16 =	vld [tilespmem:s17+$0x0];
	_ =	sdelay $0x2  }
0x19a: {  	s19 =	simm.s32 $0x20  }
0x19b: {  	s11 =	sand.u32 $0x60, s19  }
0x19c: {  	s20 =	simm.s32 $0x200;
	s2 =	sor.u32 s11, s0;
	[tilespmem:v17+s15+$0x0] =	vst.idx.msk $0xffff, v16  }
0x19d: {  	v17 =	vor.u32 s20, v0;
	v16 =	vld [tilespmem:s2+$0x0];
	_ =	sdelay $0x4  }
0x19e: {  	s25 =	simm.s32 $0x201;
	[tilespmem:v17+s15+$0x0] =	vst.idx.msk $0xffff, v16  }
0x19f: {  	v17 =	vor.u32 s25, v0;
	v16 =	vld [tilespmem:s2+$0x80];
	_ =	sdelay $0x4  }
0x1a0: {  	s26 =	simm.s32 $0x202;
	[tilespmem:v17+s15+$0x0] =	vst.idx.msk $0xffff, v16  }
0x1a1: {  	v17 =	vor.u32 s26, v0;
	v16 =	vld [tilespmem:s2+$0x100];
	_ =	sdelay $0x4  }
0x1a2: {  	s28 =	simm.s32 $0x203;
	[tilespmem:v17+s15+$0x0] =	vst.idx.msk $0xffff, v16  }
0x1a3: {  	v17 =	vor.u32 s28, v0;
	v16 =	vld [tilespmem:s2+$0x180]  }
0x1a4: {  	s29 =	sand.u32 $0x3, s21  }
0x1a5: {  	s2 =	sshll.u32 s29, $0x5  }
0x1a6: {  	s2 =	sadd.s32 $0x0, s2  }
0x1a7: {  	s2 =	sadd.s32 $0x20, s2  }
0x1a8: {  	s31 =	simm.s32 $0x204;
	s30 =	sor.u32 $0x200, s2;
	[tilespmem:v17+s15+$0x0] =	vst.idx.msk $0xffff, v16  }
0x1a9: {  	v17 =	vor.u32 s31, v0;
	v16 =	vld [tilespmem:s30+$0x0];
	_ =	sdelay $0x4  }
0x1aa: {  	s6 =	simm.s32 $0x205;
	s5 =	sor.u32 $0x280, s2;
	[tilespmem:v17+s15+$0x0] =	vst.idx.msk $0xffff, v16  }
0x1ab: {  	v17 =	vor.u32 s6, v0;
	v16 =	vld [tilespmem:s5+$0x0];
	_ =	sdelay $0x4  }
0x1ac: {  	s14 =	simm.s32 $0x206;
	s7 =	sor.u32 $0x300, s2;
	[tilespmem:v17+s15+$0x0] =	vst.idx.msk $0xffff, v16  }
0x1ad: {  	v17 =	vor.u32 s14, v0;
	v16 =	vld [tilespmem:s7+$0x0];
	_ =	sdelay $0x4  }
0x1ae: {  	s16 =	simm.s32 $0x207;
	s2 =	sor.u32 $0x380, s2;
	[tilespmem:v17+s15+$0x0] =	vst.idx.msk $0xffff, v16  }
0x1af: {  	v17 =	vor.u32 s16, v0;
	v16 =	vld [tilespmem:s2+$0x0];
	_ =	sdelay $0x4  }
0x1b0: {  	s18 =	simm.s32 $0x208;
	s17 =	sor.u32 s11, s1;
	[tilespmem:v17+s15+$0x0] =	vst.idx.msk $0xffff, v16  }
0x1b1: {  	v17 =	vor.u32 s18, v0;
	v16 =	vld [tilespmem:s17+$0x0];
	_ =	sdelay $0x4  }
0x1b2: {  	s19 =	sor.u32 s11, s8;
	s20 =	simm.s32 $0x209;
	[tilespmem:v17+s15+$0x0] =	vst.idx.msk $0xffff, v16  }
0x1b3: {  	v17 =	vor.u32 s20, v0;
	v16 =	vld [tilespmem:s19+$0x0];
	_ =	sdelay $0x4  }
0x1b4: {  	s25 =	sor.u32 s11, s10;
	s26 =	simm.s32 $0x20A;
	[tilespmem:v17+s15+$0x0] =	vst.idx.msk $0xffff, v16  }
0x1b5: {  	v17 =	vor.u32 s26, v0;
	v16 =	vld [tilespmem:s25+$0x0];
	_ =	sdelay $0x4  }
0x1b6: {  	s28 =	sor.u32 s11, s12;
	s29 =	simm.s32 $0x20B;
	[tilespmem:v17+s15+$0x0] =	vst.idx.msk $0xffff, v16  }
0x1b7: {  	v17 =	vor.u32 s29, v0;
	v16 =	vld [tilespmem:s28+$0x0];
	_ =	sdelay $0x4  }
0x1b8: {  	s31 =	simm.s32 $0x20C;
	s30 =	sor.u32 s11, s13;
	[tilespmem:v17+s15+$0x0] =	vst.idx.msk $0xffff, v16  }
0x1b9: {  	v17 =	vor.u32 s31, v0;
	v16 =	vld [tilespmem:s30+$0x0];
	_ =	sdelay $0x4  }
0x1ba: {  	s4 =	sor.u32 s11, s22;
	s5 =	simm.s32 $0x20D;
	[tilespmem:v17+s15+$0x0] =	vst.idx.msk $0xffff, v16  }
0x1bb: {  	v17 =	vor.u32 s5, v0;
	v16 =	vld [tilespmem:s4+$0x0];
	_ =	sdelay $0x4  }
0x1bc: {  	s6 =	sor.u32 s11, s23;
	s7 =	simm.s32 $0x20E;
	[tilespmem:v17+s15+$0x0] =	vst.idx.msk $0xffff, v16  }
0x1bd: {  	v17 =	vor.u32 s7, v0;
	v16 =	vld [tilespmem:s6+$0x0];
	_ =	sdelay $0x4  }
0x1be: {  	s14 =	sor.u32 s11, s24;
	s16 =	simm.s32 $0x20F;
	[tilespmem:v17+s15+$0x0] =	vst.idx.msk $0xffff, v16  }
0x1bf: {  	v17 =	vor.u32 s16, v0;
	v16 =	vld [tilespmem:s14+$0x0];
	_ =	sdelay $0x2  }
0x1c0: {  	s17 =	simm.s32 $0x30  }
0x1c1: {  	s11 =	sand.u32 $0x70, s17  }
0x1c2: {  	s18 =	simm.s32 $0x300;
	s0 =	sor.u32 s11, s0;
	[tilespmem:v17+s15+$0x0] =	vst.idx.msk $0xffff, v16  }
0x1c3: {  	v17 =	vor.u32 s18, v0;
	v16 =	vld [tilespmem:s0+$0x0];
	_ =	sdelay $0x4  }
0x1c4: {  	s19 =	simm.s32 $0x301;
	[tilespmem:v17+s15+$0x0] =	vst.idx.msk $0xffff, v16  }
0x1c5: {  	v17 =	vor.u32 s19, v0;
	v16 =	vld [tilespmem:s0+$0x80];
	_ =	sdelay $0x4  }
0x1c6: {  	s20 =	simm.s32 $0x302;
	[tilespmem:v17+s15+$0x0] =	vst.idx.msk $0xffff, v16  }
0x1c7: {  	v17 =	vor.u32 s20, v0;
	v16 =	vld [tilespmem:s0+$0x100];
	_ =	sdelay $0x4  }
0x1c8: {  	s25 =	simm.s32 $0x303;
	[tilespmem:v17+s15+$0x0] =	vst.idx.msk $0xffff, v16  }
0x1c9: {  	v17 =	vor.u32 s25, v0;
	v16 =	vld [tilespmem:s0+$0x180];
	_ =	sdelay $0x3  }
0x1ca: {  	s26 =	sadd.s32 $0x30, s9  }
0x1cb: {  	s29 =	simm.s32 $0x304;
	s28 =	sor.u32 $0x200, s26;
	[tilespmem:v17+s15+$0x0] =	vst.idx.msk $0xffff, v16  }
0x1cc: {  	v17 =	vor.u32 s29, v0;
	v16 =	vld [tilespmem:s28+$0x0];
	_ =	sdelay $0x4  }
0x1cd: {  	s31 =	simm.s32 $0x305;
	s30 =	sor.u32 $0x280, s26;
	[tilespmem:v17+s15+$0x0] =	vst.idx.msk $0xffff, v16  }
0x1ce: {  	v17 =	vor.u32 s31, v0;
	v16 =	vld [tilespmem:s30+$0x0];
	_ =	sdelay $0x4  }
0x1cf: {  	s3 =	sor.u32 $0x300, s26;
	s4 =	simm.s32 $0x306;
	[tilespmem:v17+s15+$0x0] =	vst.idx.msk $0xffff, v16  }
0x1d0: {  	v17 =	vor.u32 s4, v0;
	v16 =	vld [tilespmem:s3+$0x0];
	_ =	sdelay $0x4  }
0x1d1: {  	s5 =	simm.s32 $0x307;
	s0 =	sor.u32 $0x380, s26;
	[tilespmem:v17+s15+$0x0] =	vst.idx.msk $0xffff, v16  }
0x1d2: {  	v17 =	vor.u32 s5, v0;
	v16 =	vld [tilespmem:s0+$0x0];
	_ =	sdelay $0x4  }
0x1d3: {  	s7 =	simm.s32 $0x308;
	s6 =	sor.u32 s11, s1;
	[tilespmem:v17+s15+$0x0] =	vst.idx.msk $0xffff, v16  }
0x1d4: {  	v17 =	vor.u32 s7, v0;
	v16 =	vld [tilespmem:s6+$0x0];
	_ =	sdelay $0x4  }
0x1d5: {  	s9 =	sor.u32 s11, s8;
	s14 =	simm.s32 $0x309;
	[tilespmem:v17+s15+$0x0] =	vst.idx.msk $0xffff, v16  }
0x1d6: {  	v17 =	vor.u32 s14, v0;
	v16 =	vld [tilespmem:s9+$0x0];
	_ =	sdelay $0x4  }
0x1d7: {  	s17 =	simm.s32 $0x30A;
	s16 =	sor.u32 s11, s10;
	[tilespmem:v17+s15+$0x0] =	vst.idx.msk $0xffff, v16  }
0x1d8: {  	v17 =	vor.u32 s17, v0;
	v16 =	vld [tilespmem:s16+$0x0];
	_ =	sdelay $0x4  }
0x1d9: {  	s18 =	sor.u32 s11, s12;
	s19 =	simm.s32 $0x30B;
	[tilespmem:v17+s15+$0x0] =	vst.idx.msk $0xffff, v16  }
0x1da: {  	v17 =	vor.u32 s19, v0;
	v16 =	vld [tilespmem:s18+$0x0];
	_ =	sdelay $0x4  }
0x1db: {  	s20 =	sor.u32 s11, s13;
	s25 =	simm.s32 $0x30C;
	[tilespmem:v17+s15+$0x0] =	vst.idx.msk $0xffff, v16  }
0x1dc: {  	v17 =	vor.u32 s25, v0;
	v16 =	vld [tilespmem:s20+$0x0];
	_ =	sdelay $0x4  }
0x1dd: {  	s26 =	sor.u32 s11, s22;
	s28 =	simm.s32 $0x30D;
	[tilespmem:v17+s15+$0x0] =	vst.idx.msk $0xffff, v16  }
0x1de: {  	v17 =	vor.u32 s28, v0;
	v16 =	vld [tilespmem:s26+$0x0];
	_ =	sdelay $0x4  }
0x1df: {  	s29 =	sor.u32 s11, s23;
	s30 =	simm.s32 $0x30E;
	[tilespmem:v17+s15+$0x0] =	vst.idx.msk $0xffff, v16  }
0x1e0: {  	v17 =	vor.u32 s30, v0;
	v16 =	vld [tilespmem:s29+$0x0];
	_ =	sdelay $0x4  }
0x1e1: {  	s22 =	simm.s32 $0x30F;
	s31 =	sor.u32 s11, s24;
	[tilespmem:v17+s15+$0x0] =	vst.idx.msk $0xffff, v16  }
0x1e2: {  	v17 =	vor.u32 s22, v0;
	v16 =	vld [tilespmem:s31+$0x0]  }
0x1e3: {  	s23 =	simm.s32 $0x0  }
0x1e4: {  	s24 =	simm.s32 $0x70;
	s25 =	simm.s32 $0x200;
	s26 =	simm.s32 $0x0  }
.LBB2_13:
0x1e5: {  	s0 =	sadd.s32 $0xFFFFFFD0, s24;
	s23 =	sadd.s32 $0x4, s23;
	s22 =	sadd.s32 $0x400, s22  }
0x1e6: {  	s28 =	sand.u32 $0x3C00, s25;
	s8 =	sand.u32 $0x40, s0;
	p2 =	slt.u32 s23, $0x44  }
0x1e7: {  	s1 =	sadd.s32 $0xFFFFFCF1, s22;
	s0 =	sor.u32 s8, s28;
	[tilespmem:v17+s15+$0x0] =	vst.idx.msk $0xffff, v16  }
0x1e8: {  	v17 =	vor.u32 s1, v0;
	v16 =	vld [tilespmem:s0+$0x0];
	_ =	sdelay $0x4  }
0x1e9: {  	s1 =	sadd.s32 $0xFFFFFCF2, s22;
	[tilespmem:v17+s15+$0x0] =	vst.idx.msk $0xffff, v16  }
0x1ea: {  	v17 =	vor.u32 s1, v0;
	v16 =	vld [tilespmem:s0+$0x80];
	_ =	sdelay $0x4  }
0x1eb: {  	s1 =	sadd.s32 $0xFFFFFCF3, s22;
	[tilespmem:v17+s15+$0x0] =	vst.idx.msk $0xffff, v16  }
0x1ec: {  	v17 =	vor.u32 s1, v0;
	v16 =	vld [tilespmem:s0+$0x100];
	_ =	sdelay $0x4  }
0x1ed: {  	s1 =	sadd.s32 $0xFFFFFCF4, s22;
	[tilespmem:v17+s15+$0x0] =	vst.idx.msk $0xffff, v16  }
0x1ee: {  	v17 =	vor.u32 s1, v0;
	v16 =	vld [tilespmem:s0+$0x180]  }
0x1ef: {  	p1 =	por !p1, !p1;
	s0 =	simm.s32 $0x1  }
0x1f0: {  	s0 =	simm.s32 @!p1 $0x0  }
0x1f1: {  	s0 =	sshll.u32 s0, $0x6  }
0x1f2: {  	s0 =	sadd.s32 s0, s25  }
0x1f3: {  	s2 =	sadd.s32 $0xFFFFFCF5, s22;
	s1 =	sor.u32 $0x200, s0;
	[tilespmem:v17+s15+$0x0] =	vst.idx.msk $0xffff, v16  }
0x1f4: {  	v17 =	vor.u32 s2, v0;
	v16 =	vld [tilespmem:s1+$0x0];
	_ =	sdelay $0x4  }
0x1f5: {  	s2 =	sadd.s32 $0xFFFFFCF6, s22;
	s1 =	sor.u32 $0x280, s0;
	[tilespmem:v17+s15+$0x0] =	vst.idx.msk $0xffff, v16  }
0x1f6: {  	v17 =	vor.u32 s2, v0;
	v16 =	vld [tilespmem:s1+$0x0];
	_ =	sdelay $0x4  }
0x1f7: {  	s2 =	sadd.s32 $0xFFFFFCF7, s22;
	s1 =	sor.u32 $0x300, s0;
	[tilespmem:v17+s15+$0x0] =	vst.idx.msk $0xffff, v16  }
0x1f8: {  	v17 =	vor.u32 s2, v0;
	v16 =	vld [tilespmem:s1+$0x0];
	_ =	sdelay $0x4  }
0x1f9: {  	s0 =	sor.u32 $0x380, s0;
	s1 =	sadd.s32 $0xFFFFFCF8, s22;
	[tilespmem:v17+s15+$0x0] =	vst.idx.msk $0xffff, v16  }
0x1fa: {  	v17 =	vor.u32 s1, v0;
	v16 =	vld [tilespmem:s0+$0x0];
	_ =	sdelay $0x3  }
0x1fb: {  	s29 =	sadd.s32 $0x3000, s28  }
0x1fc: {  	s1 =	sadd.s32 $0xFFFFFCF9, s22;
	s0 =	sor.u32 s8, s29;
	[tilespmem:v17+s15+$0x0] =	vst.idx.msk $0xffff, v16  }
0x1fd: {  	v17 =	vor.u32 s1, v0;
	v16 =	vld [tilespmem:s0+$0x0];
	_ =	sdelay $0x3  }
0x1fe: {  	s30 =	sadd.s32 $0x3080, s28  }
0x1ff: {  	s1 =	sadd.s32 $0xFFFFFCFA, s22;
	s0 =	sor.u32 s8, s30;
	[tilespmem:v17+s15+$0x0] =	vst.idx.msk $0xffff, v16  }
0x200: {  	v17 =	vor.u32 s1, v0;
	v16 =	vld [tilespmem:s0+$0x0];
	_ =	sdelay $0x3  }
0x201: {  	s31 =	sadd.s32 $0x3100, s28  }
0x202: {  	s1 =	sadd.s32 $0xFFFFFCFB, s22;
	s0 =	sor.u32 s8, s31;
	[tilespmem:v17+s15+$0x0] =	vst.idx.msk $0xffff, v16  }
0x203: {  	v17 =	vor.u32 s1, v0;
	v16 =	vld [tilespmem:s0+$0x0];
	_ =	sdelay $0x3  }
0x204: {  	s1 =	sadd.s32 $0x3180, s28  }
0x205: {  	s2 =	sadd.s32 $0xFFFFFCFC, s22;
	s0 =	sor.u32 s8, s1;
	[tilespmem:v17+s15+$0x0] =	vst.idx.msk $0xffff, v16  }
0x206: {  	v17 =	vor.u32 s2, v0;
	v16 =	vld [tilespmem:s0+$0x0];
	_ =	sdelay $0x3  }
0x207: {  	s0 =	sadd.s32 $0x3200, s28  }
0x208: {  	s3 =	sadd.s32 $0xFFFFFCFD, s22;
	s2 =	sor.u32 s8, s0;
	[tilespmem:v17+s15+$0x0] =	vst.idx.msk $0xffff, v16  }
0x209: {  	v17 =	vor.u32 s3, v0;
	v16 =	vld [tilespmem:s2+$0x0];
	_ =	sdelay $0x3  }
0x20a: {  	s13 =	sadd.s32 $0x3280, s28  }
0x20b: {  	s3 =	sadd.s32 $0xFFFFFCFE, s22;
	s2 =	sor.u32 s8, s13;
	[tilespmem:v17+s15+$0x0] =	vst.idx.msk $0xffff, v16  }
0x20c: {  	v17 =	vor.u32 s3, v0;
	v16 =	vld [tilespmem:s2+$0x0];
	_ =	sdelay $0x3  }
0x20d: {  	s10 =	sadd.s32 $0x3300, s28  }
0x20e: {  	s3 =	sadd.s32 $0xFFFFFCFF, s22;
	s2 =	sor.u32 s8, s10;
	[tilespmem:v17+s15+$0x0] =	vst.idx.msk $0xffff, v16  }
0x20f: {  	v17 =	vor.u32 s3, v0;
	v16 =	vld [tilespmem:s2+$0x0];
	_ =	sdelay $0x3  }
0x210: {  	s12 =	sadd.s32 $0x3380, s28  }
0x211: {  	s3 =	sadd.s32 $0xFFFFFD00, s22;
	s2 =	sor.u32 s8, s12;
	[tilespmem:v17+s15+$0x0] =	vst.idx.msk $0xffff, v16  }
0x212: {  	v17 =	vor.u32 s3, v0;
	v16 =	vld [tilespmem:s2+$0x0];
	_ =	sdelay $0x2  }
0x213: {  	s2 =	sadd.s32 $0xFFFFFFE0, s24  }
0x214: {  	s9 =	sand.u32 $0x50, s2  }
0x215: {  	s3 =	sadd.s32 $0xFFFFFDF1, s22;
	s2 =	sor.u32 s9, s28;
	[tilespmem:v17+s15+$0x0] =	vst.idx.msk $0xffff, v16  }
0x216: {  	v17 =	vor.u32 s3, v0;
	v16 =	vld [tilespmem:s2+$0x0];
	_ =	sdelay $0x4  }
0x217: {  	s3 =	sadd.s32 $0xFFFFFDF2, s22;
	[tilespmem:v17+s15+$0x0] =	vst.idx.msk $0xffff, v16  }
0x218: {  	v17 =	vor.u32 s3, v0;
	v16 =	vld [tilespmem:s2+$0x80];
	_ =	sdelay $0x4  }
0x219: {  	s3 =	sadd.s32 $0xFFFFFDF3, s22;
	[tilespmem:v17+s15+$0x0] =	vst.idx.msk $0xffff, v16  }
0x21a: {  	v17 =	vor.u32 s3, v0;
	v16 =	vld [tilespmem:s2+$0x100];
	_ =	sdelay $0x4  }
0x21b: {  	s3 =	sadd.s32 $0xFFFFFDF4, s22;
	[tilespmem:v17+s15+$0x0] =	vst.idx.msk $0xffff, v16  }
0x21c: {  	s21 =	sadd.s32 $0x4, s21;
	v17 =	vor.u32 s3, v0;
	v16 =	vld [tilespmem:s2+$0x180]  }
0x21d: {  	s2 =	sand.u32 $0x7, s21  }
0x21e: {  	s2 =	sshll.u32 s2, $0x4  }
0x21f: {  	s8 =	sadd.s32 s25, s2  }
0x220: {  	s2 =	sadd.s32 $0x10, s8  }
0x221: {  	s4 =	sadd.s32 $0xFFFFFDF5, s22;
	s3 =	sor.u32 $0x200, s2;
	[tilespmem:v17+s15+$0x0] =	vst.idx.msk $0xffff, v16  }
0x222: {  	v17 =	vor.u32 s4, v0;
	v16 =	vld [tilespmem:s3+$0x0];
	_ =	sdelay $0x4  }
0x223: {  	s4 =	sadd.s32 $0xFFFFFDF6, s22;
	s3 =	sor.u32 $0x280, s2;
	[tilespmem:v17+s15+$0x0] =	vst.idx.msk $0xffff, v16  }
0x224: {  	v17 =	vor.u32 s4, v0;
	v16 =	vld [tilespmem:s3+$0x0];
	_ =	sdelay $0x4  }
0x225: {  	s4 =	sadd.s32 $0xFFFFFDF7, s22;
	s3 =	sor.u32 $0x300, s2;
	[tilespmem:v17+s15+$0x0] =	vst.idx.msk $0xffff, v16  }
0x226: {  	v17 =	vor.u32 s4, v0;
	v16 =	vld [tilespmem:s3+$0x0];
	_ =	sdelay $0x4  }
0x227: {  	s2 =	sor.u32 $0x380, s2;
	s3 =	sadd.s32 $0xFFFFFDF8, s22;
	[tilespmem:v17+s15+$0x0] =	vst.idx.msk $0xffff, v16  }
0x228: {  	v17 =	vor.u32 s3, v0;
	v16 =	vld [tilespmem:s2+$0x0];
	_ =	sdelay $0x4  }
0x229: {  	s3 =	sadd.s32 $0xFFFFFDF9, s22;
	s2 =	sor.u32 s9, s29;
	[tilespmem:v17+s15+$0x0] =	vst.idx.msk $0xffff, v16  }
0x22a: {  	v17 =	vor.u32 s3, v0;
	v16 =	vld [tilespmem:s2+$0x0];
	_ =	sdelay $0x4  }
0x22b: {  	s3 =	sadd.s32 $0xFFFFFDFA, s22;
	s2 =	sor.u32 s9, s30;
	[tilespmem:v17+s15+$0x0] =	vst.idx.msk $0xffff, v16  }
0x22c: {  	v17 =	vor.u32 s3, v0;
	v16 =	vld [tilespmem:s2+$0x0];
	_ =	sdelay $0x4  }
0x22d: {  	s3 =	sadd.s32 $0xFFFFFDFB, s22;
	s2 =	sor.u32 s9, s31;
	[tilespmem:v17+s15+$0x0] =	vst.idx.msk $0xffff, v16  }
0x22e: {  	v17 =	vor.u32 s3, v0;
	v16 =	vld [tilespmem:s2+$0x0];
	_ =	sdelay $0x4  }
0x22f: {  	s3 =	sadd.s32 $0xFFFFFDFC, s22;
	s2 =	sor.u32 s9, s1;
	[tilespmem:v17+s15+$0x0] =	vst.idx.msk $0xffff, v16  }
0x230: {  	v17 =	vor.u32 s3, v0;
	v16 =	vld [tilespmem:s2+$0x0];
	_ =	sdelay $0x4  }
0x231: {  	s3 =	sadd.s32 $0xFFFFFDFD, s22;
	s2 =	sor.u32 s9, s0;
	[tilespmem:v17+s15+$0x0] =	vst.idx.msk $0xffff, v16  }
0x232: {  	v17 =	vor.u32 s3, v0;
	v16 =	vld [tilespmem:s2+$0x0];
	_ =	sdelay $0x4  }
0x233: {  	s3 =	sadd.s32 $0xFFFFFDFE, s22;
	s2 =	sor.u32 s9, s13;
	[tilespmem:v17+s15+$0x0] =	vst.idx.msk $0xffff, v16  }
0x234: {  	v17 =	vor.u32 s3, v0;
	v16 =	vld [tilespmem:s2+$0x0];
	_ =	sdelay $0x4  }
0x235: {  	s3 =	sadd.s32 $0xFFFFFDFF, s22;
	s2 =	sor.u32 s9, s10;
	[tilespmem:v17+s15+$0x0] =	vst.idx.msk $0xffff, v16  }
0x236: {  	v17 =	vor.u32 s3, v0;
	v16 =	vld [tilespmem:s2+$0x0];
	_ =	sdelay $0x4  }
0x237: {  	s3 =	sadd.s32 $0xFFFFFE00, s22;
	s2 =	sor.u32 s9, s12;
	[tilespmem:v17+s15+$0x0] =	vst.idx.msk $0xffff, v16  }
0x238: {  	v17 =	vor.u32 s3, v0;
	v16 =	vld [tilespmem:s2+$0x0];
	_ =	sdelay $0x2  }
0x239: {  	s2 =	sadd.s32 $0xFFFFFFF0, s24  }
0x23a: {  	s9 =	sand.u32 $0x60, s2  }
0x23b: {  	s3 =	sadd.s32 $0xFFFFFEF1, s22;
	s2 =	sor.u32 s9, s28;
	[tilespmem:v17+s15+$0x0] =	vst.idx.msk $0xffff, v16  }
0x23c: {  	v17 =	vor.u32 s3, v0;
	v16 =	vld [tilespmem:s2+$0x0];
	_ =	sdelay $0x4  }
0x23d: {  	s3 =	sadd.s32 $0xFFFFFEF2, s22;
	[tilespmem:v17+s15+$0x0] =	vst.idx.msk $0xffff, v16  }
0x23e: {  	v17 =	vor.u32 s3, v0;
	v16 =	vld [tilespmem:s2+$0x80];
	_ =	sdelay $0x4  }
0x23f: {  	s3 =	sadd.s32 $0xFFFFFEF3, s22;
	[tilespmem:v17+s15+$0x0] =	vst.idx.msk $0xffff, v16  }
0x240: {  	v17 =	vor.u32 s3, v0;
	v16 =	vld [tilespmem:s2+$0x100];
	_ =	sdelay $0x4  }
0x241: {  	s3 =	sadd.s32 $0xFFFFFEF4, s22;
	[tilespmem:v17+s15+$0x0] =	vst.idx.msk $0xffff, v16  }
0x242: {  	s26 =	sadd.s32 $0x2, s26;
	v17 =	vor.u32 s3, v0;
	v16 =	vld [tilespmem:s2+$0x180]  }
0x243: {  	s2 =	sand.u32 $0x3, s26  }
0x244: {  	s2 =	sshll.u32 s2, $0x5  }
0x245: {  	s2 =	sadd.s32 s25, s2  }
0x246: {  	s2 =	sadd.s32 $0x20, s2  }
0x247: {  	s4 =	sadd.s32 $0xFFFFFEF5, s22;
	s3 =	sor.u32 $0x200, s2;
	[tilespmem:v17+s15+$0x0] =	vst.idx.msk $0xffff, v16  }
0x248: {  	v17 =	vor.u32 s4, v0;
	v16 =	vld [tilespmem:s3+$0x0];
	_ =	sdelay $0x4  }
0x249: {  	s4 =	sadd.s32 $0xFFFFFEF6, s22;
	s3 =	sor.u32 $0x280, s2;
	[tilespmem:v17+s15+$0x0] =	vst.idx.msk $0xffff, v16  }
0x24a: {  	v17 =	vor.u32 s4, v0;
	v16 =	vld [tilespmem:s3+$0x0];
	_ =	sdelay $0x4  }
0x24b: {  	s4 =	sadd.s32 $0xFFFFFEF7, s22;
	s3 =	sor.u32 $0x300, s2;
	[tilespmem:v17+s15+$0x0] =	vst.idx.msk $0xffff, v16  }
0x24c: {  	v17 =	vor.u32 s4, v0;
	v16 =	vld [tilespmem:s3+$0x0];
	_ =	sdelay $0x4  }
0x24d: {  	s2 =	sor.u32 $0x380, s2;
	s3 =	sadd.s32 $0xFFFFFEF8, s22;
	[tilespmem:v17+s15+$0x0] =	vst.idx.msk $0xffff, v16  }
0x24e: {  	v17 =	vor.u32 s3, v0;
	v16 =	vld [tilespmem:s2+$0x0];
	_ =	sdelay $0x4  }
0x24f: {  	s3 =	sadd.s32 $0xFFFFFEF9, s22;
	s2 =	sor.u32 s9, s29;
	[tilespmem:v17+s15+$0x0] =	vst.idx.msk $0xffff, v16  }
0x250: {  	v17 =	vor.u32 s3, v0;
	v16 =	vld [tilespmem:s2+$0x0];
	_ =	sdelay $0x4  }
0x251: {  	s3 =	sadd.s32 $0xFFFFFEFA, s22;
	s2 =	sor.u32 s9, s30;
	[tilespmem:v17+s15+$0x0] =	vst.idx.msk $0xffff, v16  }
0x252: {  	v17 =	vor.u32 s3, v0;
	v16 =	vld [tilespmem:s2+$0x0];
	_ =	sdelay $0x4  }
0x253: {  	s3 =	sadd.s32 $0xFFFFFEFB, s22;
	s2 =	sor.u32 s9, s31;
	[tilespmem:v17+s15+$0x0] =	vst.idx.msk $0xffff, v16  }
0x254: {  	v17 =	vor.u32 s3, v0;
	v16 =	vld [tilespmem:s2+$0x0];
	_ =	sdelay $0x4  }
0x255: {  	s3 =	sadd.s32 $0xFFFFFEFC, s22;
	s2 =	sor.u32 s9, s1;
	[tilespmem:v17+s15+$0x0] =	vst.idx.msk $0xffff, v16  }
0x256: {  	v17 =	vor.u32 s3, v0;
	v16 =	vld [tilespmem:s2+$0x0];
	_ =	sdelay $0x4  }
0x257: {  	s3 =	sadd.s32 $0xFFFFFEFD, s22;
	s2 =	sor.u32 s9, s0;
	[tilespmem:v17+s15+$0x0] =	vst.idx.msk $0xffff, v16  }
0x258: {  	v17 =	vor.u32 s3, v0;
	v16 =	vld [tilespmem:s2+$0x0];
	_ =	sdelay $0x4  }
0x259: {  	s3 =	sadd.s32 $0xFFFFFEFE, s22;
	s2 =	sor.u32 s9, s13;
	[tilespmem:v17+s15+$0x0] =	vst.idx.msk $0xffff, v16  }
0x25a: {  	v17 =	vor.u32 s3, v0;
	v16 =	vld [tilespmem:s2+$0x0];
	_ =	sdelay $0x4  }
0x25b: {  	s3 =	sadd.s32 $0xFFFFFEFF, s22;
	s2 =	sor.u32 s9, s10;
	[tilespmem:v17+s15+$0x0] =	vst.idx.msk $0xffff, v16  }
0x25c: {  	v17 =	vor.u32 s3, v0;
	v16 =	vld [tilespmem:s2+$0x0];
	_ =	sdelay $0x4  }
0x25d: {  	s3 =	sadd.s32 $0xFFFFFF00, s22;
	s2 =	sor.u32 s9, s12;
	[tilespmem:v17+s15+$0x0] =	vst.idx.msk $0xffff, v16  }
0x25e: {  	v17 =	vor.u32 s3, v0;
	v16 =	vld [tilespmem:s2+$0x0];
	_ =	sdelay $0x3  }
0x25f: {  	s9 =	sand.u32 $0x70, s24  }
0x260: {  	s3 =	sadd.s32 $0xFFFFFFF1, s22;
	s2 =	sor.u32 s9, s28;
	[tilespmem:v17+s15+$0x0] =	vst.idx.msk $0xffff, v16  }
0x261: {  	v17 =	vor.u32 s3, v0;
	v16 =	vld [tilespmem:s2+$0x0];
	_ =	sdelay $0x4  }
0x262: {  	s3 =	sadd.s32 $0xFFFFFFF2, s22;
	[tilespmem:v17+s15+$0x0] =	vst.idx.msk $0xffff, v16  }
0x263: {  	v17 =	vor.u32 s3, v0;
	v16 =	vld [tilespmem:s2+$0x80];
	_ =	sdelay $0x4  }
0x264: {  	s3 =	sadd.s32 $0xFFFFFFF3, s22;
	[tilespmem:v17+s15+$0x0] =	vst.idx.msk $0xffff, v16  }
0x265: {  	v17 =	vor.u32 s3, v0;
	v16 =	vld [tilespmem:s2+$0x100];
	_ =	sdelay $0x4  }
0x266: {  	s3 =	sadd.s32 $0xFFFFFFF4, s22;
	[tilespmem:v17+s15+$0x0] =	vst.idx.msk $0xffff, v16  }
0x267: {  	v17 =	vor.u32 s3, v0;
	v16 =	vld [tilespmem:s2+$0x180];
	_ =	sdelay $0x3  }
0x268: {  	s2 =	sadd.s32 $0x30, s8  }
0x269: {  	s4 =	sadd.s32 $0xFFFFFFF5, s22;
	s3 =	sor.u32 $0x200, s2;
	[tilespmem:v17+s15+$0x0] =	vst.idx.msk $0xffff, v16  }
0x26a: {  	v17 =	vor.u32 s4, v0;
	v16 =	vld [tilespmem:s3+$0x0];
	_ =	sdelay $0x4  }
0x26b: {  	s4 =	sadd.s32 $0xFFFFFFF6, s22;
	s3 =	sor.u32 $0x280, s2;
	[tilespmem:v17+s15+$0x0] =	vst.idx.msk $0xffff, v16  }
0x26c: {  	v17 =	vor.u32 s4, v0;
	v16 =	vld [tilespmem:s3+$0x0];
	_ =	sdelay $0x4  }
0x26d: {  	s4 =	sadd.s32 $0xFFFFFFF7, s22;
	s3 =	sor.u32 $0x300, s2;
	[tilespmem:v17+s15+$0x0] =	vst.idx.msk $0xffff, v16  }
0x26e: {  	v17 =	vor.u32 s4, v0;
	v16 =	vld [tilespmem:s3+$0x0];
	_ =	sdelay $0x4  }
0x26f: {  	s2 =	sor.u32 $0x380, s2;
	s3 =	sadd.s32 $0xFFFFFFF8, s22;
	[tilespmem:v17+s15+$0x0] =	vst.idx.msk $0xffff, v16  }
0x270: {  	v17 =	vor.u32 s3, v0;
	v16 =	vld [tilespmem:s2+$0x0];
	_ =	sdelay $0x4  }
0x271: {  	s3 =	sadd.s32 $0xFFFFFFF9, s22;
	s2 =	sor.u32 s9, s29;
	[tilespmem:v17+s15+$0x0] =	vst.idx.msk $0xffff, v16  }
0x272: {  	v17 =	vor.u32 s3, v0;
	v16 =	vld [tilespmem:s2+$0x0];
	_ =	sdelay $0x4  }
0x273: {  	s3 =	sadd.s32 $0xFFFFFFFA, s22;
	s2 =	sor.u32 s9, s30;
	[tilespmem:v17+s15+$0x0] =	vst.idx.msk $0xffff, v16  }
0x274: {  	v17 =	vor.u32 s3, v0;
	v16 =	vld [tilespmem:s2+$0x0];
	_ =	sdelay $0x4  }
0x275: {  	s3 =	sadd.s32 $0xFFFFFFFB, s22;
	s2 =	sor.u32 s9, s31;
	[tilespmem:v17+s15+$0x0] =	vst.idx.msk $0xffff, v16  }
0x276: {  	v17 =	vor.u32 s3, v0;
	v16 =	vld [tilespmem:s2+$0x0];
	_ =	sdelay $0x4  }
0x277: {  	s1 =	sor.u32 s9, s1;
	s2 =	sadd.s32 $0xFFFFFFFC, s22;
	[tilespmem:v17+s15+$0x0] =	vst.idx.msk $0xffff, v16  }
0x278: {  	v17 =	vor.u32 s2, v0;
	v16 =	vld [tilespmem:s1+$0x0];
	_ =	sdelay $0x4  }
0x279: {  	s0 =	sor.u32 s9, s0;
	s1 =	sadd.s32 $0xFFFFFFFD, s22;
	[tilespmem:v17+s15+$0x0] =	vst.idx.msk $0xffff, v16  }
0x27a: {  	v17 =	vor.u32 s1, v0;
	v16 =	vld [tilespmem:s0+$0x0];
	_ =	sdelay $0x4  }
0x27b: {  	s1 =	sadd.s32 $0xFFFFFFFE, s22;
	s0 =	sor.u32 s9, s13;
	[tilespmem:v17+s15+$0x0] =	vst.idx.msk $0xffff, v16  }
0x27c: {  	v17 =	vor.u32 s1, v0;
	v16 =	vld [tilespmem:s0+$0x0];
	_ =	sdelay $0x4  }
0x27d: {  	s1 =	sadd.s32 $0xFFFFFFFF, s22;
	s0 =	sor.u32 s9, s10;
	[tilespmem:v17+s15+$0x0] =	vst.idx.msk $0xffff, v16  }
0x27e: {  	v17 =	vor.u32 s1, v0;
	v16 =	vld [tilespmem:s0+$0x0];
	_ =	sdelay $0x3  }
.Ltmp10:
0x27f: {  	(pc) =	sbr.rel @p2 .LBB2_13-.Ltmp10, $3  }
0x280: {  	s0 =	sor.u32 s9, s12;
	[tilespmem:v17+s15+$0x0] =	vst.idx.msk $0xffff, v16  }
0x281: {  	v17 =	vor.u32 s22, v0;
	v16 =	vld [tilespmem:s0+$0x0];
	_ =	sdelay $0x1  }
0x282: {  	s25 =	sadd.s32 $0x200, s25;
	s24 =	sadd.s32 $0x40, s24  }
0x283: {  	_ =	sdelay $0x2  }
0x284: {  	s22 =	simm.s32 $0x0  }
.Ltmp11:
0x285: {  	s0 =	rddreg [dreg:$0x9];
	s30 =	simm.s32 $0x3;
	[tilespmem:v17+s15+$0x0] =	vst.idx.msk $0xffff, v16;
	(pc) =	sbr.rel .LBB2_15-.Ltmp11, $4  }
0x286: {  	[hbm4b:s0+s22] =	stream.linear.scatter [tilespmem:s15], [sflag:$0x3], $0x4800, $0x38;
	[tilespmem:$0x18100] =	vst v63  }
0x287: {  	_ =	swait.ge [sflag:s30], $0x4800  }
0x288: {  	[sflag:s30] =	ssyncset.done $0x0;
	s31 =	rddreg [dreg:$0x4]  }
0x289: {  	s1 =	rddreg [dreg:$0xb];
	[sflag:s30] =	ssyncadd.s32 $0xFFFFB800  }
.LBB2_16:
0x28a: {  	_ =	sfence.sel $0x180000  }
0x28b: {  	[bflag:$0x0] =	sbarrier.arrive $0xFFFF  }
0x28c: {  	_ =	strace $0x90000047  }
0x28d: {  	s0 =	stileid.u32;
	[bflag:$0x2] =	sbarrier.arrive $0xFFFF  }
0x28e: {  	p0 =	sne.s32 s0, $0x0;
	s0 =	rddreg [dreg:$0x2]  }
0x28f: {  	s0 =	sadd.s32 @!p0 $0x100000, s0  }
0x290: {  	[sflag:s0] =	ssyncadd.tile.s32 @!p0 $0x1;
	_ =	shalt  }
.Lfunc_end2:
_tile_overlayer_lowered:
.L_overlay_start_2:
0x291: {  	(tag) =	ssettag $0x2  }
0x292: {  	s0 =	rddreg [dreg:$0x0];
	s2 =	stileid.u32  }
0x293: {  	s1 =	rddreg [dreg:$0x1];
	p0 =	sne.s32 s2, $0x0  }
0x294: {  	s3 =	rddreg [dreg:$0x2];
	[bflag:$0x3] =	sbarrier.arrive $0xFFFF;
	s2 =	simm.s32 @!p0 $0x1C05  }
0x295: {  	[timem:s3], [sflag:s2] =	dma.local @!p0 [hbm:s0], s1  }
0x296: {  	s0 =	simm.s32 @!p0 $0x5  }
0x297: {  	_ =	swait.ge @!p0 [sflag:s0], s1  }
0x298: {  	s1 =	ssub.s32 @!p0 $0x0, s1;
	[sflag:s0] =	ssyncset.done @!p0 $0x0  }
0x299: {  	[sflag:s0] =	ssyncadd.s32 @!p0 s1  }
0x29a: {  	[bflag:$0x3] =	sbarrier.arrive $0xFFFF  }
0x29b: {  	_ =	shalt  }

// kernel: kernel.7.cloned.1.call-start
scs
__scs_entry_jumppad:
0x0: {  	(pc) =	sbr.rel $0x88, $3  }
0x1: {  	(tag) =	ssettag $0x0;
	lr =	simm.s32 $0x1  }
0x2: {  	[smem:$0x3F9F] =	sst lr;
	_ =	strace $0xD0000000  }
0x3: {  	_ = 	snop  }
0x4: {  	_ = 	snop  }
0x5: {  	_ = 	snop  }
0x6: {  	_ = 	snop  }
0x7: {  	_ = 	snop  }
__scs_overlays_trampoline_lowered:
0x8: {  	[smem:$0x3FAE] =	sst s0  }
0x9: {  	[smem:$0x3FAF] =	sst s1  }
0xa: {  	[smem:$0x3FB0] =	sst s2  }
0xb: {  	[smem:$0x3FB1] =	sst s3  }
0xc: {  	[smem:$0x3FB2] =	sst s4  }
0xd: {  	[smem:$0x3FB3] =	sst s5  }
0xe: {  	[smem:$0x3FB4] =	sst s6  }
0xf: {  	[smem:$0x3FB5] =	sst s7  }
0x10: {  	[smem:$0x3FB6] =	sst s8  }
0x11: {  	[smem:$0x3FB7] =	sst s9;
	s0 =	simm.s32 @!p0 $0x0  }
0x12: {  	s1 =	sld [smem:$0x3F9D];
	s0 =	simm.s32 @p0 $0x1  }
0x13: {  	[smem:$0x3FB8] =	sst s0;
	s0 =	simm.s32 @!p1 $0x0  }
0x14: {  	s2 =	sld [smem:$0x3F9C];
	s0 =	simm.s32 @p1 $0x1  }
0x15: {  	[smem:$0x3FB9] =	sst s0;
	s0 =	simm.s32 @!p2 $0x0  }
0x16: {  	s3 =	sld [smem:$0x3FDB];
	s0 =	simm.s32 @p2 $0x1  }
0x17: {  	s4 =	simm.s32 $0x1BF5;
	[smem:$0x3FBB] =	sst s0  }
0x18: {  	s0 =	sld [smem:$0x3F9E];
	_ =	swait.ge [sflag:s4], $0x0  }
0x19: {  	s7 =	sld [smem:$0x3F9F]  }
0x1a: {  	s8 =	sadd.s32 $0xFFFFE003, lr  }
0x1b: {  	s9 =	sadd.s32 $0xFFFFFEF7, lr;
	s5 =	simm.s32 $0xFFFFFFFF;
	p2 =	slt.u32 s8, $0xFFFFF086  }
0x1c: {  	p1 =	slt.u32 s9, $0xF7A;
	s5 =	simm.s32 @!p2 $0x0  }
0x1d: {  	s5 =	simm.s32 @p1 $0x1;
	p0 =	seq.s32 s7, s2  }
0x1e: {  	s7 =	smul.u32 @!p0 $0xF7A, s2;
	p2 =	seq.s32 @!p0 s5, $0x0  }
0x1f: {  	s9 =	smul.u32 $0xF7A, s1;
	s8 =	simm.s32 @!p0 $0x1BF5;
	p2 =	por !p2, p0  }
0x20: {  	[sflag:s8] =	ssyncset.s32 @!p0 $0xFFFFF086;
	s6 =	sadd.s32 @!p0 s3, s7;
	s7 =	simm.s32 @!p0 $0x108  }
0x21: {  	s3 =	sadd.s32 s3, s9;
	s6 =	sadd.s32 @!p0 $0x88, s6;
	s7 =	simm.s32 @p2 $0x1082  }
0x22: {  	[simem:s7], [sflag:s8] =	dma.local @!p0 [hbm:s6], $0xF7A  }
0x23: {  	s9 =	sor.u32 $0xD0000000, s2;
	s6 =	simm.s32 $0x108;
	_ =	swait.ge @!p0 [sflag:s8], $0x0  }
0x24: {  	s3 =	sadd.s32 $0x88, s3;
	s6 =	simm.s32 @!p1 $0x1082;
	[sflag:s4] =	ssyncset.s32 $0xFFFFF086  }
0x25: {  	[simem:s6], [sflag:s4] =	dma.local [hbm:s3], $0xF7A  }
0x26: {  	[smem:$0x3F9F] =	sst s1;
	(tag) =	ssettag s2;
	_ =	strace s9  }
0x27: {  	s1 =	sld [smem:$0x3FAF]  }
0x28: {  	s2 =	sld [smem:$0x3FB0]  }
0x29: {  	s4 =	sld [smem:$0x3FB2]  }
0x2a: {  	p0 =	seq.s32 s5, $0x0;
	s5 =	sld [smem:$0x3FB3]  }
0x2b: {  	s6 =	sld [smem:$0x3FB4]  }
0x2c: {  	s7 =	sld [smem:$0x3FB5]  }
0x2d: {  	s3 =	simm.s32 $0x108;
	s8 =	sld [smem:$0x3FB6]  }
0x2e: {  	s3 =	simm.s32 @!p0 $0x1082;
	s9 =	sld [smem:$0x3FB7]  }
0x2f: {  	lr =	sadd.s32 s0, s3;
	s0 =	sld [smem:$0x3FAE]  }
0x30: {  	s3 =	sld [smem:$0x3FB1]  }
0x31: {  	[smem:$0x3FBA] =	sst s10  }
0x32: {  	s10 =	sld [smem:$0x3FB8];
	_ =	sdelay $0x3  }
0x33: {  	p0 =	seq.s32 s10, $0x1;
	s10 =	sld [smem:$0x3FBA];
	_ =	sdelay $0x3  }
0x34: {  	[smem:$0x3FBA] =	sst s10  }
0x35: {  	s10 =	sld [smem:$0x3FB9];
	_ =	sdelay $0x3  }
0x36: {  	p1 =	seq.s32 s10, $0x1;
	s10 =	sld [smem:$0x3FBA];
	_ =	sdelay $0x3  }
0x37: {  	[smem:$0x3FBA] =	sst s10  }
0x38: {  	s10 =	sld [smem:$0x3FBB]  }
0x39: {  	_ = 	snop;
	(pc) =	sbr.ind lr, $3  }
0x3a: {  	_ = 	snop  }
0x3b: {  	_ = 	snop  }
0x3c: {  	p2 =	seq.s32 s10, $0x1;
	s10 =	sld [smem:$0x3FBA]  }
0x3d: {  	_ =	shalt  }
0x3e: {  	_ =	shalt  }
0x3f: {  	_ =	shalt  }
0x40: {  	_ =	shalt  }
0x41: {  	_ =	shalt  }
0x42: {  	_ =	shalt  }
0x43: {  	_ =	shalt  }
0x44: {  	_ =	shalt  }
0x45: {  	_ =	shalt  }
0x46: {  	_ =	shalt  }
0x47: {  	_ =	shalt  }
0x48: {  	_ =	shalt  }
0x49: {  	_ =	shalt  }
0x4a: {  	_ =	shalt  }
0x4b: {  	_ =	shalt  }
0x4c: {  	_ =	shalt  }
0x4d: {  	_ =	shalt  }
0x4e: {  	_ =	shalt  }
0x4f: {  	_ =	shalt  }
0x50: {  	_ =	shalt  }
0x51: {  	_ =	shalt  }
0x52: {  	_ =	shalt  }
0x53: {  	_ =	shalt  }
0x54: {  	_ =	shalt  }
0x55: {  	_ =	shalt  }
0x56: {  	_ =	shalt  }
0x57: {  	_ =	shalt  }
0x58: {  	_ =	shalt  }
0x59: {  	_ =	shalt  }
0x5a: {  	_ =	shalt  }
0x5b: {  	_ =	shalt  }
0x5c: {  	_ =	shalt  }
0x5d: {  	_ =	shalt  }
0x5e: {  	_ =	shalt  }
0x5f: {  	_ =	shalt  }
0x60: {  	_ =	shalt  }
0x61: {  	_ =	shalt  }
0x62: {  	_ =	shalt  }
0x63: {  	_ =	shalt  }
0x64: {  	_ =	shalt  }
0x65: {  	_ =	shalt  }
0x66: {  	_ =	shalt  }
0x67: {  	_ =	shalt  }
0x68: {  	_ =	shalt  }
0x69: {  	_ =	shalt  }
0x6a: {  	_ =	shalt  }
0x6b: {  	_ =	shalt  }
0x6c: {  	_ =	shalt  }
0x6d: {  	_ =	shalt  }
0x6e: {  	_ =	shalt  }
0x6f: {  	_ =	shalt  }
0x70: {  	_ =	shalt  }
0x71: {  	_ =	shalt  }
0x72: {  	_ =	shalt  }
0x73: {  	_ =	shalt  }
0x74: {  	_ =	shalt  }
0x75: {  	_ =	shalt  }
0x76: {  	_ =	shalt  }
0x77: {  	_ =	shalt  }
0x78: {  	_ =	shalt  }
0x79: {  	_ =	shalt  }
0x7a: {  	_ =	shalt  }
0x7b: {  	_ =	shalt  }
0x7c: {  	_ =	shalt  }
0x7d: {  	_ =	shalt  }
0x7e: {  	_ =	shalt  }
0x7f: {  	_ =	shalt  }
0x80: {  	_ =	shalt  }
0x81: {  	_ =	shalt  }
0x82: {  	_ =	shalt  }
0x83: {  	_ =	shalt  }
0x84: {  	_ =	shalt  }
0x85: {  	_ =	shalt  }
0x86: {  	_ =	shalt  }
0x87: {  	_ =	shalt  }
.Lfunc_end0:
.L_simem_size_0:
called_computation.1_lowered:
.L_overlay_start_0:
0x88: {  	s2 =	sld [smem:$0x3FD9]  }
0x89: {  	s3 =	sld [smem:$0x3FFE];
	_ =	sdelay $0x1  }
0x8a: {  	s1 =	srdreg.scid  }
0x8b: {  	s0 =	sand.u32 $0x1, s1  }
0x8c: {  	s17 =	sshll.u32 s0, $0xA;
	s2 =	sadd.s32 s3, s2  }
0x8d: {  	s2 =	sadd.s32 s2, s17  }
0x8e: {  	[smem:$0x3FC6] =	sst s2  }
0x8f: {  	_ = 	snop  }
0x90: {  	s2 =	sld [smem:$0x3FD0];
	(tm) =	ssettm $0x1  }
0x91: {  	s18 =	sld [smem:$0x3FFB];
	_ =	sdelay $0x3  }
0x92: {  	_ =	strace s18  }
0x93: {  	s3 =	sld [smem:$0x3FFC];
	_ =	sdelay $0x3  }
0x94: {  	_ =	strace s3  }
0x95: {  	s3 =	sld [smem:$0x3FFD];
	_ =	sdelay $0x3  }
0x96: {  	_ =	strace s3  }
0x97: {  	_ =	strace $0x8FFFFFFF  }
0x98: {  	s19 =	sld [smem:$0x3FDB];
	_ =	sdelay $0x1  }
0x99: {  	s4 =	simm.s32 $_scs_section_size  }
0x9a: {  	s5 =	simm.s32 $_size__tile_overlayer_lowered;
	s6 =	simm.s32 $_tile_overlayer_lowered  }
0x9b: {  	s22 =	simm.s32 $0x1BFF;
	s21 =	sshll.u32 s6, $0x1;
	s3 =	sadd.s32 s4, s19  }
0x9c: {  	s7 =	simm.s32 $0x0;
	s20 =	sshll.u32 s5, $0x1;
	s5 =	sadd.s32 s21, s3  }
0x9d: {  	[timem:s7], [sflag:s22] =	dma.local [hbm:s5], s20  }
0x9e: {  	_ =	swait.ge [sflag:s22], s20  }
0x9f: {  	s4 =	ssub.s32 $0x0, s20;
	[sflag:s22] =	ssyncset.done $0x0  }
0xa0: {  	[sflag:s22] =	ssyncadd.s32 s4;
	_ =	sdelay $0x1  }
0xa1: {  	s23 =	simm.s32 $0x1B8B  }
0xa2: {  	_ =	swait.ge [sflag:s23], $0x1  }
0xa3: {  	[sflag:s23] =	ssyncset.done $0x0  }
0xa4: {  	s25 =	simm.s32 $0x1B8E;
	s24 =	sld [smem:$0x3FFE];
	[sflag:s23] =	ssyncadd.s32 $0xFFFFFFFF  }
0xa5: {  	s26 =	simm.s32 $execute0_lowered;
	[smem:$0x3FD2] =	sst s25  }
0xa6: {  	s5 =	sshll.u32 s26, $0x1;
	_ =	strace $0x80000049;
	[dreg:$0x1] =	wrdreg $0xFFFFFFFF  }
0xa7: {  	s28 =	simm.s32 $_size_execute0_lowered;
	s3 =	sadd.s32 s3, s5;
	[dreg:$0x0] =	wrdreg $0x0  }
0xa8: {  	s5 =	sshll.u32 s28, $0x1;
	[dreg:$0x2] =	wrdreg s3  }
0xa9: {  	[dreg:$0x3] =	wrdreg s5  }
0xaa: {  	[dreg:$0x4] =	wrdreg $0xC0  }
0xab: {  	_ =	task [dreg:s7], $0x5FFFF  }
0xac: {  	[dreg:$0x1] =	wrdreg $0xFFFFFFFF  }
0xad: {  	[dreg:$0x0] =	wrdreg $0x60  }
0xae: {  	[dreg:$0x2] =	wrdreg s24  }
0xaf: {  	[dreg:$0x3] =	wrdreg s2  }
0xb0: {  	[dreg:$0x4] =	wrdreg $0x9  }
0xb1: {  	_ =	task.clear_ibuf [dreg:s7], $0x5FFFF;
	_ =	strace $0x90000049  }
0xb2: {  	s29 =	simm.s32 $0x9;
	_ =	strace $0x8000004B  }
0xb3: {  	_ =	swait.ge [sflag:s29], $0x1  }
0xb4: {  	[sflag:s29] =	ssyncadd.s32 $0xFFFFFFFF  }
0xb5: {  	_ =	strace $0x9000004B  }
0xb6: {  	_ =	sfence  }
0xb7: {  	s30 =	sld [smem:$0x0];
	_ =	sdelay $0x2  }
0xb8: {  	s31 =	sshll.u32 s1, $0xD;
	s1 =	sshrl.u32 s1, $0x2  }
0xb9: {  	s3 =	sand.u32 $0x4000, s31;
	s1 =	sadd.s32 s1, s30  }
0xba: {  	s0 =	sor.u32 s3, s0;
	s1 =	sshll.u32 s1, $0x11  }
0xbb: {  	s0 =	sor.u32 s1, s0  }
0xbc: {  	s0 =	sadd.s32 $0x8F2B, s0  }
0xbd: {  	[sflag:s0] =	ssyncadd.remote.s32 $0x1  }
0xbe: {  	_ =	sfence.sel $0xFFFF  }
0xbf: {  	[dreg:$0x0] =	wrdreg $0xFFFFFFFF;
	(pc) =	sbr.abs _section_cstart, $3  }
0xc0: {  	[dreg:$0x1] =	wrdreg $0xFFFFFFFF  }
0xc1: {  	_ =	task.clear_ibuf [dreg:s7], $0x2FFFF;
	_ =	strace $0x9FFFFFFF  }
0xc2: {  	(tm) =	ssettm $0x7FFFFFFF  }
0xc3: {  	_ =	shalt  }
tec
execute0_lowered:
.L_overlay_start_1:
0x0: {  	(tag) =	ssettag $0x1  }
0x1: {  	s1 =	srdreg.scid  }
0x2: {  	s0 =	stileid.u32;
	s3 =	rddreg [dreg:$0x0]  }
0x3: {  	s5 =	rddreg [dreg:$0x1];
	s2 =	simm.s32 $0x0;
	s10 =	simm.s32 $0x3  }
0x4: {  	s11 =	simm.s32 $0x3400;
	s12 =	simm.s32 $0xD00;
	s13 =	simm.s32 $0x10400  }
0x5: {  	s14 =	simm.s32 $0x1;
	s15 =	simm.s32 $0x1A00;
	s16 =	simm.s32 $0x2  }
0x6: {  	s17 =	simm.s32 $0x2700;
	s4 =	sand.u32 $0x1, s1;
	s31 =	sshll.u32 s0, $0x1  }
0x7: {  	s18 =	simm.s32 $0x0;
	s1 =	rddreg [dreg:$0x2];
	s6 =	sor.u32 s4, s31  }
0x8: {  	[smem:$0x7FF] =	sst s2;
	s4 =	ssub.s32 $0x2, s4;
	s7 =	smul.u32 $0x680, s6  }
0x9: {  	_ =	strace $0x8000004A;
	s8 =	smul.u32 $0x34000, s6;
	s9 =	sshrl.u32 s4, $0x1  }
0xa: {  	s6 =	smul.u32 $0x6800, s6;
	s9 =	ssub.s32 s4, s9;
	s7 =	sadd.s32 s7, s3  }
0xb: {  	s8 =	sshrl.u32 s8, $0x3;
	s3 =	sadd.s32 $0xA00, s3;
	s9 =	smax.u32 s9, $0x1  }
0xc: {  	s8 =	sadd.s32 s5, s8;
	s4 =	sadd.s32 $0x4F6400, s7;
	s5 =	sadd.s32 s5, s6  }
0xd: {  	v0 =	vlaneseq.u32;
	s6 =	sadd.s32 $0x1A00, s8;
	s7 =	sadd.s32 $0x3400, s8;
	s8 =	sadd.s32 $0x4E00, s8  }
.LBB2_1:
0xe: {  	v1 =	vor.u32 s2, v0  }
0xf: {  	v2 =	vmulhi.u32 $0x4EC4EC4F, v1  }
0x10: {  	[tilespmem:s2], [sflag:$0x3] =	stream.linear.gather [hbm4b:s4+s2], $0x3400, $0x38;
	[tilespmem:$0x1D400] =	vst v63  }
0x11: {  	_ =	swait.ge [sflag:s10], $0x3400;
	v2 =	vshrl.u32 v2, $0x3  }
0x12: {  	[sflag:s10] =	ssyncset.done $0x0;
	v2 =	vmul.u32 $0x1A, v2  }
0x13: {  	[sflag:s10] =	ssyncadd.s32 $0xFFFFCC00  }
0x14: {  	v3 =	vsub.s32 v1, v2;
	v2 =	vld [tilespmem:s2+$0x0];
	_ =	sdelay $0x1  }
0x15: {  	s19 =	simm.s32 $0x10  }
0x16: {  	s20 =	simm.s32 $0x20;
	v1 =	vor.u32 s19, v0;
	s19 =	simm.s32 $0x0;
	v3 =	vmul.u32 $0x186A0, v3  }
.LBB2_2:
0x17: {  	p0 =	sne.s32 s20, $0xCF0;
	v4 =	vmulhi.u32 $0x4EC4EC4F, v1  }
0x18: {  	v2 =	vadd.s32 v3, v2  }
.Ltmp0:
0x19: {  	v3 =	vshrl.u32 v4, $0x3;
	[tilespmem:s19+$0x0] =	vst v2;
	s19 =	sadd.s32 $0x10, s19;
	(pc) =	sbr.rel @p0 .LBB2_2-.Ltmp0, $3  }
0x1a: {  	v2 =	vld [tilespmem:s19+$0x0];
	v3 =	vmul.u32 $0x1A, v3;
	_ =	sdelay $0x1  }
0x1b: {  	v3 =	vsub.s32 v1, v3  }
0x1c: {  	v1 =	vor.u32 s20, v0;
	s20 =	sadd.s32 $0x10, s20;
	v3 =	vmul.u32 $0x186A0, v3  }
0x1d: {  	v4 =	vmulhi.u32 $0x4EC4EC4F, v1  }
0x1e: {  	v2 =	vadd.s32 v3, v2  }
0x1f: {  	s20 =	sadd.s32 $0x10, s19;
	v3 =	vshrl.u32 v4, $0x3;
	[tilespmem:s19+$0x0] =	vst v2  }
0x20: {  	v2 =	vld [tilespmem:s20+$0x0];
	v3 =	vmul.u32 $0x1A, v3;
	_ =	sdelay $0x1  }
0x21: {  	v1 =	vsub.s32 v1, v3  }
0x22: {  	s19 =	simm.s32 $0xD00;
	v1 =	vmul.u32 $0x186A0, v1  }
0x23: {  	v3 =	vor.u32 s19, v0  }
0x24: {  	v4 =	vmulhi.u32 $0x4EC4EC4F, v3;
	v1 =	vadd.s32 v1, v2  }
0x25: {  	[tilespmem:s20+$0x0] =	vst v1  }
0x26: {  	v2 =	vshrl.u32 v4, $0x3;
	[tilespmem:s11], [sflag:$0x1] =	stream.indirect.gather [hbm4b:s3+s19], $0x10, s2, s19, $0xb8;
	[tilespmem:$0x1D400] =	vst v63  }
0x27: {  	v1 =	vmul.u32 $0x1A, v2;
	v2 =	vld [tilespmem:s19+$0x0];
	_ =	sdelay $0x1  }
0x28: {  	s31 =	simm.s32 $0xD10;
	v3 =	vsub.s32 v3, v1  }
0x29: {  	s20 =	simm.s32 $0xD20;
	v1 =	vor.u32 s31, v0;
	v3 =	vmul.u32 $0x186A0, v3  }
.LBB2_4:
0x2a: {  	p0 =	sne.s32 s20, $0x19F0;
	v4 =	vmulhi.u32 $0x4EC4EC4F, v1  }
0x2b: {  	v2 =	vadd.s32 v3, v2  }
.Ltmp1:
0x2c: {  	v3 =	vshrl.u32 v4, $0x3;
	[tilespmem:s19+$0x0] =	vst v2;
	s19 =	sadd.s32 $0x10, s19;
	(pc) =	sbr.rel @p0 .LBB2_4-.Ltmp1, $3  }
0x2d: {  	v2 =	vld [tilespmem:s19+$0x0];
	v3 =	vmul.u32 $0x1A, v3;
	_ =	sdelay $0x1  }
0x2e: {  	v3 =	vsub.s32 v1, v3  }
0x2f: {  	v1 =	vor.u32 s20, v0;
	s20 =	sadd.s32 $0x10, s20;
	v3 =	vmul.u32 $0x186A0, v3  }
0x30: {  	v4 =	vmulhi.u32 $0x4EC4EC4F, v1  }
0x31: {  	v2 =	vadd.s32 v3, v2  }
0x32: {  	s31 =	sadd.s32 $0x10, s19;
	v3 =	vshrl.u32 v4, $0x3;
	[tilespmem:s19+$0x0] =	vst v2  }
0x33: {  	v2 =	vld [tilespmem:s31+$0x0];
	v3 =	vmul.u32 $0x1A, v3;
	_ =	sdelay $0x1  }
0x34: {  	v1 =	vsub.s32 v1, v3  }
0x35: {  	v1 =	vmul.u32 $0x186A0, v1;
	_ =	sdelay $0x1  }
0x36: {  	v1 =	vadd.s32 v1, v2  }
0x37: {  	[tilespmem:s31+$0x0] =	vst v1  }
0x38: {  	[tilespmem:s13], [sflag:$0x2] =	stream.indirect.gather [hbm4b:s3+s12], $0x10, s12, s12, $0xb8;
	[tilespmem:$0x1D400] =	vst v63  }
0x39: {  	s19 =	simm.s32 $0x1A00;
	_ =	swait.ge [sflag:s14], $0xD000  }
0x3a: {  	v1 =	vor.u32 s19, v0;
	[sflag:s14] =	ssyncset.done $0x0  }
0x3b: {  	v2 =	vmulhi.u32 $0x4EC4EC4F, v1;
	[sflag:s14] =	ssyncadd.s32 $0xFFFF3000  }
0x3c: {  	[hbm4b:s5+s2] =	stream.linear.scatter [tilespmem:s11], [sflag:$0x3], $0xD000, $0x38;
	[tilespmem:$0x1D400] =	vst v63  }
0x3d: {  	v2 =	vshrl.u32 v2, $0x3;
	_ =	swait.ge [sflag:s10], $0xD000  }
0x3e: {  	v2 =	vmul.u32 $0x1A, v2;
	[sflag:s10] =	ssyncset.done $0x0  }
0x3f: {  	[sflag:s10] =	ssyncadd.s32 $0xFFFF3000  }
0x40: {  	v3 =	vsub.s32 v1, v2;
	v2 =	vld [tilespmem:s19+$0x0];
	_ =	sdelay $0x1  }
0x41: {  	s20 =	simm.s32 $0x1A10  }
0x42: {  	v1 =	vor.u32 s20, v0;
	s20 =	simm.s32 $0x1A20;
	v3 =	vmul.u32 $0x186A0, v3  }
.LBB2_6:
0x43: {  	p0 =	sne.s32 s20, $0x26F0;
	v4 =	vmulhi.u32 $0x4EC4EC4F, v1  }
0x44: {  	v2 =	vadd.s32 v3, v2  }
.Ltmp2:
0x45: {  	v3 =	vshrl.u32 v4, $0x3;
	[tilespmem:s19+$0x0] =	vst v2;
	s19 =	sadd.s32 $0x10, s19;
	(pc) =	sbr.rel @p0 .LBB2_6-.Ltmp2, $3  }
0x46: {  	v2 =	vld [tilespmem:s19+$0x0];
	v3 =	vmul.u32 $0x1A, v3;
	_ =	sdelay $0x1  }
0x47: {  	v3 =	vsub.s32 v1, v3  }
0x48: {  	v1 =	vor.u32 s20, v0;
	s20 =	sadd.s32 $0x10, s20;
	v3 =	vmul.u32 $0x186A0, v3  }
0x49: {  	v4 =	vmulhi.u32 $0x4EC4EC4F, v1  }
0x4a: {  	v2 =	vadd.s32 v3, v2  }
0x4b: {  	s31 =	sadd.s32 $0x10, s19;
	v3 =	vshrl.u32 v4, $0x3;
	[tilespmem:s19+$0x0] =	vst v2  }
0x4c: {  	v2 =	vld [tilespmem:s31+$0x0];
	v3 =	vmul.u32 $0x1A, v3;
	_ =	sdelay $0x1  }
0x4d: {  	v1 =	vsub.s32 v1, v3  }
0x4e: {  	v1 =	vmul.u32 $0x186A0, v1;
	_ =	sdelay $0x1  }
0x4f: {  	v1 =	vadd.s32 v1, v2  }
0x50: {  	[tilespmem:s31+$0x0] =	vst v1  }
0x51: {  	[tilespmem:s11], [sflag:$0x1] =	stream.indirect.gather [hbm4b:s3+s12], $0x10, s15, s12, $0xb8;
	[tilespmem:$0x1D400] =	vst v63  }
0x52: {  	s19 =	simm.s32 $0x2700;
	_ =	swait.ge [sflag:s16], $0xD000  }
0x53: {  	v1 =	vor.u32 s19, v0;
	[sflag:s16] =	ssyncset.done $0x0  }
0x54: {  	v2 =	vmulhi.u32 $0x4EC4EC4F, v1;
	[sflag:s16] =	ssyncadd.s32 $0xFFFF3000  }
0x55: {  	[hbm4b:s6+s2] =	stream.linear.scatter [tilespmem:s13], [sflag:$0x3], $0xD000, $0x38;
	[tilespmem:$0x1D400] =	vst v63  }
0x56: {  	v2 =	vshrl.u32 v2, $0x3;
	_ =	swait.ge [sflag:s10], $0xD000  }
0x57: {  	v2 =	vmul.u32 $0x1A, v2;
	[sflag:s10] =	ssyncset.done $0x0  }
0x58: {  	[sflag:s10] =	ssyncadd.s32 $0xFFFF3000  }
0x59: {  	v3 =	vsub.s32 v1, v2;
	v2 =	vld [tilespmem:s19+$0x0];
	_ =	sdelay $0x1  }
0x5a: {  	s20 =	simm.s32 $0x2710  }
0x5b: {  	v1 =	vor.u32 s20, v0;
	s20 =	simm.s32 $0x2720;
	v3 =	vmul.u32 $0x186A0, v3  }
.LBB2_8:
0x5c: {  	p0 =	sne.s32 s20, $0x33F0;
	v4 =	vmulhi.u32 $0x4EC4EC4F, v1  }
0x5d: {  	v2 =	vadd.s32 v3, v2  }
.Ltmp3:
0x5e: {  	v3 =	vshrl.u32 v4, $0x3;
	[tilespmem:s19+$0x0] =	vst v2;
	s19 =	sadd.s32 $0x10, s19;
	(pc) =	sbr.rel @p0 .LBB2_8-.Ltmp3, $3  }
0x5f: {  	v2 =	vld [tilespmem:s19+$0x0];
	v3 =	vmul.u32 $0x1A, v3;
	_ =	sdelay $0x1  }
0x60: {  	v3 =	vsub.s32 v1, v3  }
0x61: {  	v1 =	vor.u32 s20, v0;
	s20 =	sadd.s32 $0x10, s20;
	v3 =	vmul.u32 $0x186A0, v3  }
0x62: {  	v4 =	vmulhi.u32 $0x4EC4EC4F, v1  }
0x63: {  	v2 =	vadd.s32 v3, v2  }
0x64: {  	s31 =	sadd.s32 $0x10, s19;
	v3 =	vshrl.u32 v4, $0x3;
	[tilespmem:s19+$0x0] =	vst v2  }
0x65: {  	v2 =	vld [tilespmem:s31+$0x0];
	v3 =	vmul.u32 $0x1A, v3;
	_ =	sdelay $0x1  }
0x66: {  	v1 =	vsub.s32 v1, v3  }
0x67: {  	v1 =	vmul.u32 $0x186A0, v1;
	_ =	sdelay $0x1  }
0x68: {  	v1 =	vadd.s32 v1, v2  }
0x69: {  	[tilespmem:s31+$0x0] =	vst v1  }
0x6a: {  	[tilespmem:s13], [sflag:$0x2] =	stream.indirect.gather [hbm4b:s3+s12], $0x10, s17, s12, $0xb8;
	[tilespmem:$0x1D400] =	vst v63  }
0x6b: {  	_ =	swait.ge [sflag:s14], $0xD000  }
0x6c: {  	[sflag:s14] =	ssyncset.done $0x0  }
0x6d: {  	[sflag:s14] =	ssyncadd.s32 $0xFFFF3000  }
0x6e: {  	[hbm4b:s7+s2] =	stream.linear.scatter [tilespmem:s11], [sflag:$0x3], $0xD000, $0x38;
	[tilespmem:$0x1D400] =	vst v63  }
0x6f: {  	_ =	swait.ge [sflag:s10], $0xD000  }
0x70: {  	[sflag:s10] =	ssyncset.done $0x0  }
0x71: {  	[sflag:s10] =	ssyncadd.s32 $0xFFFF3000  }
0x72: {  	s18 =	sadd.s32 $0x1, s18;
	_ =	swait.ge [sflag:s16], $0xD000  }
0x73: {  	p0 =	sne.s32 s18, s9;
	[sflag:s16] =	ssyncset.done $0x0  }
.Ltmp4:
0x74: {  	[sflag:s16] =	ssyncadd.s32 $0xFFFF3000;
	(pc) =	sbr.rel @p0 .LBB2_1-.Ltmp4, $4  }
0x75: {  	[hbm4b:s8+s2] =	stream.linear.scatter [tilespmem:s13], [sflag:$0x3], $0xD000, $0x38;
	[tilespmem:$0x1D400] =	vst v63  }
0x76: {  	_ =	swait.ge [sflag:s10], $0xD000  }
0x77: {  	[sflag:s10] =	ssyncset.done $0x0  }
0x78: {  	[sflag:s10] =	ssyncadd.s32 $0xFFFF3000  }
0x79: {  	_ =	sfence.sel $0x180000  }
0x7a: {  	[bflag:$0x0] =	sbarrier.arrive $0xFFFF  }
0x7b: {  	p0 =	sne.s32 s0, $0x0;
	_ =	strace $0x9000004A  }
0x7c: {  	s0 =	sadd.s32 @!p0 $0x100000, s1;
	[bflag:$0x2] =	sbarrier.arrive $0xFFFF  }
0x7d: {  	[sflag:s0] =	ssyncadd.tile.s32 @!p0 $0x1;
	_ =	shalt  }
.Lfunc_end2:
_tile_overlayer_lowered:
.L_overlay_start_2:
0x7e: {  	(tag) =	ssettag $0x2  }
0x7f: {  	s0 =	rddreg [dreg:$0x0];
	s2 =	stileid.u32  }
0x80: {  	s1 =	rddreg [dreg:$0x1];
	p0 =	sne.s32 s2, $0x0  }
0x81: {  	s3 =	rddreg [dreg:$0x2];
	[bflag:$0x3] =	sbarrier.arrive $0xFFFF;
	s2 =	simm.s32 @!p0 $0x1C03  }
0x82: {  	[timem:s3], [sflag:s2] =	dma.local @!p0 [hbm:s0], s1  }
0x83: {  	s0 =	simm.s32 @!p0 $0x3  }
0x84: {  	_ =	swait.ge @!p0 [sflag:s0], s1  }
0x85: {  	s1 =	ssub.s32 @!p0 $0x0, s1;
	[sflag:s0] =	ssyncset.done @!p0 $0x0  }
0x86: {  	[sflag:s0] =	ssyncadd.s32 @!p0 s1  }
0x87: {  	[bflag:$0x3] =	sbarrier.arrive $0xFFFF  }
0x88: {  	_ =	shalt  }

</sc_bundles>
